<compile_context>
chip_gen: v7x
topology: tpu7x:2x2x1
jax: 0.10.2.dev20260603
libtpu: 0.0.44.dev20260713+nightly
codegen_flags: <defaults>
</compile_context>

<pallas_src>
import functools

import jax
import jax.numpy as jnp
from jax import lax
from jax.experimental import pallas as pl
from jax.experimental.pallas import tpu as pltpu
from jax.experimental.pallas import tpu_sc as plsc

_N_STATES = 1000 * 1000
_N_ACTIONS = 16
_BATCH = 16384

_NC = 2
_NS = 16
_NW = _NC * _NS
_L = 16

_NB = _N_STATES // 128
_W = 1792
_WT = 256
_TAILB = _N_STATES - _WT
_NSUB = 18
_NVEC = _BATCH // _L

_sc_mesh = plsc.VectorSubcoreMesh(core_axis_name="c", subcore_axis_name="s")


@functools.partial(
    pl.kernel,
    mesh=_sc_mesh,
    out_type=(jax.ShapeDtypeStruct((_N_ACTIONS, _N_STATES), jnp.float32),
              jax.ShapeDtypeStruct((_N_ACTIONS, _WT), jnp.float32)),
    compiler_params=pltpu.CompilerParams(needs_layout_passes=False),
    scratch_types=[
        pltpu.VMEM((_BATCH,), jnp.int32),
        pltpu.VMEM((_BATCH,), jnp.int32),
        pltpu.VMEM((_BATCH,), jnp.float32),
        pltpu.VMEM((_BATCH + _L,), jnp.int32),
        pltpu.VMEM((_N_ACTIONS, _W), jnp.float32),
        pltpu.VMEM((_N_ACTIONS, _W), jnp.float32),
        pltpu.VMEM((_N_ACTIONS, _WT), jnp.float32),
        pltpu.VMEM((_L,), jnp.float32),
        pltpu.SemaphoreType.DMA,
        pltpu.SemaphoreType.DMA,
        pltpu.SemaphoreType.DMA,
        pltpu.SemaphoreType.DMA,
        pltpu.SemaphoreType.DMA,
    ],
)
def _sc_copy_update(qT_hbm, tail_hbm, pos_hbm, act_hbm, tgt_hbm, lr_hbm,
                    outT_hbm, otail_hbm,
                    pos_v, act_v, tgt_v, cid_v, buf_a, buf_b, buf_t, lr_v,
                    sem_ia, sem_ib, sem_oa, sem_ob, sem_x):
    wid = lax.axis_index("s") * _NC + lax.axis_index("c")
    is_last = wid == _NW - 1
    b_lane = (wid * _NB) // _NW * 128
    e_lane = ((wid + 1) * _NB) // _NW * 128

    def _start_in(j):
        s_j = jnp.minimum(b_lane + j * _W, e_lane - _W)
        buf = buf_a if j % 2 == 0 else buf_b
        sem = sem_ia if j % 2 == 0 else sem_ib
        cp = pltpu.async_copy(qT_hbm.at[:, pl.ds(s_j, _W)], buf, sem)
        return s_j, buf, cp

    pltpu.sync_copy(pos_hbm, pos_v)
    ins = [_start_in(0), _start_in(1)]
    cp_act = pltpu.async_copy(act_hbm, act_v, sem_x)
    cp_tgt = pltpu.async_copy(tgt_hbm, tgt_v, sem_x)
    cp_lr = pltpu.async_copy(lr_hbm, lr_v, sem_x)
    iota = lax.iota(jnp.int32, _L)

    e_scan = jnp.where(is_last, _N_STATES, e_lane)

    @pl.loop(0, _NVEC, init_carry=jnp.int32(0), unroll=4)
    def _scan(i, cnt):
        p = pos_v[pl.ds(i * _L, _L)]
        m = (p >= b_lane) & (p < e_scan)
        plsc.store_compressed(cid_v.at[pl.ds(cnt, _L)], iota + i * _L, mask=m)
        return cnt + jnp.max(plsc.all_reduce_population_count(m))

    n_upd = _scan
    cp_act.wait()
    cp_tgt.wait()
    cp_lr.wait()
    lr_b = lr_v[...]

    def _apply(buf, s_lane, width):
        nv = (n_upd + _L - 1) // _L

        @pl.loop(0, nv)
        def _inner(v):
            lanes = iota + v * _L
            lane_ok = lanes < n_upd
            e = cid_v[pl.ds(v * _L, _L)]
            e = jnp.where(lane_ok, e, 0)
            p = plsc.load_gather(pos_v, [e])
            win = lane_ok & (p >= s_lane) & (p < s_lane + width)
            a = plsc.load_gather(act_v, [e])
            t = plsc.load_gather(tgt_v, [e])
            sloc = jnp.where(win, p - s_lane, 0)
            a = jnp.where(win, a, 0)
            cur = plsc.load_gather(buf, [a, sloc], mask=win)
            new = cur + lr_b * (t - cur)
            plsc.store_scatter(buf, [a, sloc], new, mask=win)

    outs = [None, None]
    for j in range(_NSUB):
        s_j, buf, cp_in = ins[j % 2]
        cp_in.wait()
        _apply(buf, s_j, _W)
        sem_o = sem_oa if j % 2 == 0 else sem_ob
        outs[j % 2] = pltpu.async_copy(buf, outT_hbm.at[:, pl.ds(s_j, _W)],
                                       sem_o)
        if j + 2 < _NSUB:
            outs[j % 2].wait()
            outs[j % 2] = None
            ins[j % 2] = _start_in(j + 2)

    @pl.when(is_last)
    def _tail():
        pltpu.async_copy(tail_hbm, buf_t, sem_x).wait()
        _apply(buf_t, _TAILB, _WT)
        pltpu.async_copy(buf_t, otail_hbm, sem_x).wait()

    for o in outs:
        if o is not None:
            o.wait()


def kernel(q_tables, pos, target_val, lr, act):
    lr16 = jnp.broadcast_to(lr, (_L,))
    tail_in = lax.slice(q_tables.T, (0, _TAILB), (_N_ACTIONS, _N_STATES))
    outT, otail = _sc_copy_update(q_tables.T, tail_in, pos, act, target_val,
                                  lr16)
    outT = lax.dynamic_update_slice(outT, otail, (0, _TAILB))
    return outT.T

# --- scband reference (transcript-rebuilt; emitter-appended) ---
"""Pipeline reference for scband-sarsa-27865747817215 (READ-ONLY COPY).

The authoritative reference and input builder live on the scoring server;
editing this copy changes nothing except your own understanding.
"""

import jax, jax.numpy as jnp
import numpy as np

N_STATES = 1000 * 1000
N_ACTIONS = 16
BATCH = 16384


def setup_inputs(seed: int = 0) -> dict:
    key = jax.random.key(seed)
    k1, k2, k3, k4, k5 = jax.random.split(key, 5)
    q_tables = jax.random.uniform(k1, (N_STATES, N_ACTIONS), dtype=jnp.float32)
    pos = jax.random.randint(k2, (BATCH,), 0, N_STATES, dtype=jnp.int64 if jax.config.jax_enable_x64 else jnp.int32)
    target_val = jax.random.normal(k3, (BATCH,), dtype=jnp.float32)
    lr = jax.random.uniform(k4, (1,), dtype=jnp.float32)
    act = jax.random.randint(k5, (BATCH,), 0, N_ACTIONS, dtype=jnp.int64 if jax.config.jax_enable_x64 else jnp.int32)
    return {"q_tables": q_tables, "pos": pos, "target_val": target_val, "lr": lr, "act": act}


def reference(q_tables, pos, target_val, lr, act):
    # SARSA tabular update:
    # q[pos, act] = q[pos, act] + lr * (target_val - q[pos, act])
    cur = q_tables[pos, act]                      # gather
    new = cur + lr * (target_val - cur)
    q_updated = q_tables.at[pos, act].set(new)    # scatter-overwrite
    return q_updated

if __name__ == "__main__":
    import jax
    _d = setup_inputs()
    print(jax.jit(kernel)(*tuple(_d.values())))

</pallas_src>

<mosaic_0001>
#map = affine_map<(d0, d1) -> (0, 0)>
#map1 = affine_map<(d0, d1) -> (0)>
module attributes {stable_mosaic.version = 14 : i64} {
  func.func @_sc_copy_update(%arg0: i32, %arg1: i32, %arg2: memref<16x1000000xf32, #tpu.memory_space<hbm>>, %arg3: memref<16x256xf32, #tpu.memory_space<hbm>>, %arg4: memref<16384xi32, #tpu.memory_space<hbm>>, %arg5: memref<16384xi32, #tpu.memory_space<hbm>>, %arg6: memref<16384xf32, #tpu.memory_space<hbm>>, %arg7: memref<16xf32, #tpu.memory_space<hbm>>, %arg8: memref<16x1000000xf32, #tpu.memory_space<hbm>>, %arg9: memref<16x256xf32, #tpu.memory_space<hbm>>, %arg10: memref<16384xi32, #tpu.memory_space<vmem>>, %arg11: memref<16384xi32, #tpu.memory_space<vmem>>, %arg12: memref<16384xf32, #tpu.memory_space<vmem>>, %arg13: memref<16400xi32, #tpu.memory_space<vmem>>, %arg14: memref<16x1792xf32, #tpu.memory_space<vmem>>, %arg15: memref<16x1792xf32, #tpu.memory_space<vmem>>, %arg16: memref<16x256xf32, #tpu.memory_space<vmem>>, %arg17: memref<16xf32, #tpu.memory_space<vmem>>, %arg18: memref<!tpu.dma_semaphore, #tpu.memory_space<semaphore_mem>>, %arg19: memref<!tpu.dma_semaphore, #tpu.memory_space<semaphore_mem>>, %arg20: memref<!tpu.dma_semaphore, #tpu.memory_space<semaphore_mem>>, %arg21: memref<!tpu.dma_semaphore, #tpu.memory_space<semaphore_mem>>, %arg22: memref<!tpu.dma_semaphore, #tpu.memory_space<semaphore_mem>>) attributes {dimension_semantics = [#tpu.dimension_semantics<core_parallel>, #tpu.dimension_semantics<subcore_parallel>], iteration_bounds = array<i64: 2, 16>, scalar_prefetch = 0 : i64, scratch_operands = 13 : i64, tpu.core_type = #tpu.core_type<sc_vector_subcore>, window_params = [{transform_indices = #map}, {transform_indices = #map}, {transform_indices = #map1}, {transform_indices = #map1}, {transform_indices = #map1}, {transform_indices = #map1}, {transform_indices = #map}, {transform_indices = #map}]} {
    %mul3A = arith.constant 2 : i32
    %mul3A_0 = arith.muli %arg1, %mul3A : i32
    %add3A = arith.addi %mul3A_0, %arg0 : i32
    %eq3A = arith.constant 31 : i32
    %eq3A_1 = arith.cmpi eq, %add3A, %eq3A : i32
    %mul3A_2 = arith.constant 7812 : i32
    %mul3A_3 = arith.muli %add3A, %mul3A_2 : i32
    %jit3A = arith.constant 32 : i32
    %div3A = arith.divsi %mul3A_3, %jit3A : i32
    %sign3A = arith.constant 0 : i32
    %sign3A_4 = arith.cmpi sgt, %mul3A_3, %sign3A : i32
    %sign3A_5 = arith.extui %sign3A_4 : i1 to i32
    %sign3A_6 = arith.constant 0 : i32
    %sign3A_7 = arith.cmpi slt, %mul3A_3, %sign3A_6 : i32
    %sign3A_8 = arith.extui %sign3A_7 : i1 to i32
    %sign3A_9 = arith.subi %sign3A_5, %sign3A_8 : i32
    %sign3A_10 = arith.constant 0 : i32
    %sign3A_11 = arith.cmpi sgt, %jit3A, %sign3A_10 : i32
    %sign3A_12 = arith.extui %sign3A_11 : i1 to i32
    %sign3A_13 = arith.constant 0 : i32
    %sign3A_14 = arith.cmpi slt, %jit3A, %sign3A_13 : i32
    %sign3A_15 = arith.extui %sign3A_14 : i1 to i32
    %sign3A_16 = arith.subi %sign3A_12, %sign3A_15 : i32
    %ne3A = arith.cmpi ne, %sign3A_9, %sign3A_16 : i32
    %rem3A = arith.remsi %mul3A_3, %jit3A : i32
    %ne3A_17 = arith.constant 0 : i32
    %ne3A_18 = arith.cmpi ne, %rem3A, %ne3A_17 : i32
    %and3A = arith.andi %ne3A, %ne3A_18 : i1
    %sub3A = arith.constant 1 : i32
    %sub3A_19 = arith.subi %div3A, %sub3A : i32
    %select_n3A = arith.select %and3A, %sub3A_19, %div3A : i32
    %mul3A_20 = arith.constant 128 : i32
    %mul3A_21 = arith.muli %select_n3A, %mul3A_20 : i32
    %add3A_22 = arith.constant 1 : i32
    %add3A_23 = arith.addi %add3A, %add3A_22 : i32
    %mul3A_24 = arith.constant 7812 : i32
    %mul3A_25 = arith.muli %add3A_23, %mul3A_24 : i32
    %jit3A_26 = arith.constant 32 : i32
    %div3A_27 = arith.divsi %mul3A_25, %jit3A_26 : i32
    %sign3A_28 = arith.constant 0 : i32
    %sign3A_29 = arith.cmpi sgt, %mul3A_25, %sign3A_28 : i32
    %sign3A_30 = arith.extui %sign3A_29 : i1 to i32
    %sign3A_31 = arith.constant 0 : i32
    %sign3A_32 = arith.cmpi slt, %mul3A_25, %sign3A_31 : i32
    %sign3A_33 = arith.extui %sign3A_32 : i1 to i32
    %sign3A_34 = arith.subi %sign3A_30, %sign3A_33 : i32
    %sign3A_35 = arith.constant 0 : i32
    %sign3A_36 = arith.cmpi sgt, %jit3A_26, %sign3A_35 : i32
    %sign3A_37 = arith.extui %sign3A_36 : i1 to i32
    %sign3A_38 = arith.constant 0 : i32
    %sign3A_39 = arith.cmpi slt, %jit3A_26, %sign3A_38 : i32
    %sign3A_40 = arith.extui %sign3A_39 : i1 to i32
    %sign3A_41 = arith.subi %sign3A_37, %sign3A_40 : i32
    %ne3A_42 = arith.cmpi ne, %sign3A_34, %sign3A_41 : i32
    %rem3A_43 = arith.remsi %mul3A_25, %jit3A_26 : i32
    %ne3A_44 = arith.constant 0 : i32
    %ne3A_45 = arith.cmpi ne, %rem3A_43, %ne3A_44 : i32
    %and3A_46 = arith.andi %ne3A_42, %ne3A_45 : i1
    %sub3A_47 = arith.constant 1 : i32
    %sub3A_48 = arith.subi %div3A_27, %sub3A_47 : i32
    %select_n3A_49 = arith.select %and3A_46, %sub3A_48, %div3A_27 : i32
    %mul3A_50 = arith.constant 128 : i32
    %mul3A_51 = arith.muli %select_n3A_49, %mul3A_50 : i32
    "tpu.region"() ({
      %run_scoped3A = tpu.sem_alloc : memref<!tpu.dma_semaphore, #tpu.memory_space<semaphore_mem>>
      tpu.enqueue_dma source(%arg4 : memref<16384xi32, #tpu.memory_space<hbm>>) target(%arg10 : memref<16384xi32, #tpu.memory_space<vmem>>) target_semaphore(%run_scoped3A : memref<!tpu.dma_semaphore, #tpu.memory_space<semaphore_mem>>)
      tpu.wait_dma2 semaphore(%run_scoped3A : memref<!tpu.dma_semaphore, #tpu.memory_space<semaphore_mem>>) src(%arg4 : memref<16384xi32, #tpu.memory_space<hbm>>) dst(%arg10 : memref<16384xi32, #tpu.memory_space<vmem>>)
      tpu.yield
    }) : () -> ()
    %add3A_52 = arith.constant 0 : i32
    %add3A_53 = arith.addi %mul3A_21, %add3A_52 : i32
    %sub3A_54 = arith.constant 1792 : i32
    %sub3A_55 = arith.subi %mul3A_51, %sub3A_54 : i32
    %min3A = arith.minsi %add3A_53, %sub3A_55 : i32
    %dma_start3A = arith.constant 0 : i32
    %dma_start3A_56 = tpu.memref_slice %arg2[%dma_start3A, %min3A] : memref<16x1000000xf32, #tpu.memory_space<hbm>> -> memref<16x1792xf32, #tpu.memory_space<hbm>>
    %dma_start3A_57 = arith.constant 0 : i32
    %dma_start3A_58 = tpu.memref_slice %arg2[%dma_start3A_57, %min3A] : memref<16x1000000xf32, #tpu.memory_space<hbm>> -> memref<16x1792xf32, #tpu.memory_space<hbm>>
    tpu.enqueue_dma source(%dma_start3A_58 : memref<16x1792xf32, #tpu.memory_space<hbm>>) target(%arg14 : memref<16x1792xf32, #tpu.memory_space<vmem>>) target_semaphore(%arg18 : memref<!tpu.dma_semaphore, #tpu.memory_space<semaphore_mem>>)
    %add3A_59 = arith.constant 1792 : i32
    %add3A_60 = arith.addi %mul3A_21, %add3A_59 : i32
    %sub3A_61 = arith.constant 1792 : i32
    %sub3A_62 = arith.subi %mul3A_51, %sub3A_61 : i32
    %min3A_63 = arith.minsi %add3A_60, %sub3A_62 : i32
    %dma_start3A_64 = arith.constant 0 : i32
    %dma_start3A_65 = tpu.memref_slice %arg2[%dma_start3A_64, %min3A_63] : memref<16x1000000xf32, #tpu.memory_space<hbm>> -> memref<16x1792xf32, #tpu.memory_space<hbm>>
    %dma_start3A_66 = arith.constant 0 : i32
    %dma_start3A_67 = tpu.memref_slice %arg2[%dma_start3A_66, %min3A_63] : memref<16x1000000xf32, #tpu.memory_space<hbm>> -> memref<16x1792xf32, #tpu.memory_space<hbm>>
    tpu.enqueue_dma source(%dma_start3A_67 : memref<16x1792xf32, #tpu.memory_space<hbm>>) target(%arg15 : memref<16x1792xf32, #tpu.memory_space<vmem>>) target_semaphore(%arg19 : memref<!tpu.dma_semaphore, #tpu.memory_space<semaphore_mem>>)
    tpu.enqueue_dma source(%arg5 : memref<16384xi32, #tpu.memory_space<hbm>>) target(%arg11 : memref<16384xi32, #tpu.memory_space<vmem>>) target_semaphore(%arg22 : memref<!tpu.dma_semaphore, #tpu.memory_space<semaphore_mem>>)
    tpu.enqueue_dma source(%arg6 : memref<16384xf32, #tpu.memory_space<hbm>>) target(%arg12 : memref<16384xf32, #tpu.memory_space<vmem>>) target_semaphore(%arg22 : memref<!tpu.dma_semaphore, #tpu.memory_space<semaphore_mem>>)
    tpu.enqueue_dma source(%arg7 : memref<16xf32, #tpu.memory_space<hbm>>) target(%arg17 : memref<16xf32, #tpu.memory_space<vmem>>) target_semaphore(%arg22 : memref<!tpu.dma_semaphore, #tpu.memory_space<semaphore_mem>>)
    %iota3A = tpu.iota {dimensions = array<i32: 0>} : vector<16xi32>
    %jit3A_68 = arith.constant 1000000 : i32
    %select_n3A_69 = arith.select %eq3A_1, %jit3A_68, %mul3A_51 : i32
    %scan3A = arith.constant 0 : i32
    %scan3A_70 = arith.constant 0 : i32
    %scan3A_71 = arith.constant 1024 : i32
    %scan3A_72 = arith.addi %scan3A_70, %scan3A_71 : i32
    %scan3A_73 = arith.constant 4 : i32
    %scan3A_74 = scf.for %scan3A_1282 = %scan3A_70 to %scan3A_72 step %scan3A_73 iter_args(%scan3A_1283 = %scan3A) -> (i32)  : i32 {
      %mul3A_1284 = arith.constant 1 : i32
      %mul3A_1285 = arith.muli %scan3A_1282, %mul3A_1284 : i32
      %add3A_1286 = arith.constant 0 : i32
      %add3A_1287 = arith.addi %add3A_1286, %mul3A_1285 : i32
      %mul3A_1288 = arith.constant 16 : i32
      %mul3A_1289 = arith.muli %add3A_1287, %mul3A_1288 : i32
      %get3A_1290 = arith.index_cast %mul3A_1289 : i32 to index
      %get3A_1291 = tpu.vector_load %arg10[%get3A_1290] {strides = array<i32>} : memref<16384xi32, #tpu.memory_space<vmem>>, vector<16xi32>,
      %ge3A = vector.broadcast %mul3A_21 : i32 to vector<16xi32>
      %ge3A_1292 = arith.cmpi sge, %get3A_1291, %ge3A : vector<16xi32>
      %lt3A = vector.broadcast %select_n3A_69 : i32 to vector<16xi32>
      %lt3A_1293 = arith.cmpi slt, %get3A_1291, %lt3A : vector<16xi32>
      %and3A_1294 = arith.andi %ge3A_1292, %lt3A_1293 : vector<16xi1>
      %mul3A_1295 = arith.constant 16 : i32
      %mul3A_1296 = arith.muli %add3A_1287, %mul3A_1295 : i32
      %add3A_1297 = vector.broadcast %mul3A_1296 : i32 to vector<16xi32>
      %add3A_1298 = arith.addi %iota3A, %add3A_1297 : vector<16xi32>
      %swap3A = arith.index_cast %scan3A_1283 : i32 to index
      %swap3A_1299 = tpu.vector_load %arg13[%swap3A] masked %and3A_1294 {strides = array<i32>} : memref<16400xi32, #tpu.memory_space<vmem>>, vector<16xi32>, vector<16xi1>
      tpu.vector_store %arg13[%swap3A], %add3A_1298 masked %and3A_1294 {strides = array<i32>} : memref<16400xi32, #tpu.memory_space<vmem>>, vector<16xi32>, vector<16xi1>
      %all_reduce_population_count3A = tpu.all_reduce %and3A_1294 {dim = 0 : i64, kind = #tpu.reduction_kind<sum>} : vector<16xi1> -> vector<16xi32>
      %reduce_max3A = arith.constant true
      %reduce_max3A_1300 = vector.broadcast %reduce_max3A : i1 to vector<16xi1>
      %reduce_max3A_1301 = arith.constant -2147483648 : i32
      %reduce_max3A_1302 = vector.broadcast %reduce_max3A_1301 : i32 to vector<16xi32>
      %reduce_max3A_1303 = arith.xori %all_reduce_population_count3A, %reduce_max3A_1302 : vector<16xi32>
      %reduce_max3A_1304 = tpu.scan <max>, %reduce_max3A_1303 masked %reduce_max3A_1300 : vector<16xi32>, vector<16xi1> -> vector<16xi32>
      %reduce_max3A_1305 = arith.xori %reduce_max3A_1304, %reduce_max3A_1302 : vector<16xi32>
      %reduce_max3A_1306 = vector.extract %reduce_max3A_1305[15] : i32 from vector<16xi32>
      %add3A_1307 = arith.addi %scan3A_1283, %reduce_max3A_1306 : i32
      %scan3A_1308 = arith.constant 1 : i32
      %scan3A_1309 = arith.addi %scan3A_1282, %scan3A_1308 : i32
      %mul3A_1310 = arith.constant 1 : i32
      %mul3A_1311 = arith.muli %scan3A_1309, %mul3A_1310 : i32
      %add3A_1312 = arith.constant 0 : i32
      %add3A_1313 = arith.addi %add3A_1312, %mul3A_1311 : i32
      %mul3A_1314 = arith.constant 16 : i32
      %mul3A_1315 = arith.muli %add3A_1313, %mul3A_1314 : i32
      %get3A_1316 = arith.index_cast %mul3A_1315 : i32 to index
      %get3A_1317 = tpu.vector_load %arg10[%get3A_1316] {strides = array<i32>} : memref<16384xi32, #tpu.memory_space<vmem>>, vector<16xi32>,
      %ge3A_1318 = vector.broadcast %mul3A_21 : i32 to vector<16xi32>
      %ge3A_1319 = arith.cmpi sge, %get3A_1317, %ge3A_1318 : vector<16xi32>
      %lt3A_1320 = vector.broadcast %select_n3A_69 : i32 to vector<16xi32>
      %lt3A_1321 = arith.cmpi slt, %get3A_1317, %lt3A_1320 : vector<16xi32>
      %and3A_1322 = arith.andi %ge3A_1319, %lt3A_1321 : vector<16xi1>
      %mul3A_1323 = arith.constant 16 : i32
      %mul3A_1324 = arith.muli %add3A_1313, %mul3A_1323 : i32
      %add3A_1325 = vector.broadcast %mul3A_1324 : i32 to vector<16xi32>
      %add3A_1326 = arith.addi %iota3A, %add3A_1325 : vector<16xi32>
      %swap3A_1327 = arith.index_cast %add3A_1307 : i32 to index
      %swap3A_1328 = tpu.vector_load %arg13[%swap3A_1327] masked %and3A_1322 {strides = array<i32>} : memref<16400xi32, #tpu.memory_space<vmem>>, vector<16xi32>, vector<16xi1>
      tpu.vector_store %arg13[%swap3A_1327], %add3A_1326 masked %and3A_1322 {strides = array<i32>} : memref<16400xi32, #tpu.memory_space<vmem>>, vector<16xi32>, vector<16xi1>
      %all_reduce_population_count3A_1329 = tpu.all_reduce %and3A_1322 {dim = 0 : i64, kind = #tpu.reduction_kind<sum>} : vector<16xi1> -> vector<16xi32>
      %reduce_max3A_1330 = arith.constant true
      %reduce_max3A_1331 = vector.broadcast %reduce_max3A_1330 : i1 to vector<16xi1>
      %reduce_max3A_1332 = arith.constant -2147483648 : i32
      %reduce_max3A_1333 = vector.broadcast %reduce_max3A_1332 : i32 to vector<16xi32>
      %reduce_max3A_1334 = arith.xori %all_reduce_population_count3A_1329, %reduce_max3A_1333 : vector<16xi32>
      %reduce_max3A_1335 = tpu.scan <max>, %reduce_max3A_1334 masked %reduce_max3A_1331 : vector<16xi32>, vector<16xi1> -> vector<16xi32>
      %reduce_max3A_1336 = arith.xori %reduce_max3A_1335, %reduce_max3A_1333 : vector<16xi32>
      %reduce_max3A_1337 = vector.extract %reduce_max3A_1336[15] : i32 from vector<16xi32>
      %add3A_1338 = arith.addi %add3A_1307, %reduce_max3A_1337 : i32
      %scan3A_1339 = arith.constant 2 : i32
      %scan3A_1340 = arith.addi %scan3A_1282, %scan3A_1339 : i32
      %mul3A_1341 = arith.constant 1 : i32
      %mul3A_1342 = arith.muli %scan3A_1340, %mul3A_1341 : i32
      %add3A_1343 = arith.constant 0 : i32
      %add3A_1344 = arith.addi %add3A_1343, %mul3A_1342 : i32
      %mul3A_1345 = arith.constant 16 : i32
      %mul3A_1346 = arith.muli %add3A_1344, %mul3A_1345 : i32
      %get3A_1347 = arith.index_cast %mul3A_1346 : i32 to index
      %get3A_1348 = tpu.vector_load %arg10[%get3A_1347] {strides = array<i32>} : memref<16384xi32, #tpu.memory_space<vmem>>, vector<16xi32>,
      %ge3A_1349 = vector.broadcast %mul3A_21 : i32 to vector<16xi32>
      %ge3A_1350 = arith.cmpi sge, %get3A_1348, %ge3A_1349 : vector<16xi32>
      %lt3A_1351 = vector.broadcast %select_n3A_69 : i32 to vector<16xi32>
      %lt3A_1352 = arith.cmpi slt, %get3A_1348, %lt3A_1351 : vector<16xi32>
      %and3A_1353 = arith.andi %ge3A_1350, %lt3A_1352 : vector<16xi1>
      %mul3A_1354 = arith.constant 16 : i32
      %mul3A_1355 = arith.muli %add3A_1344, %mul3A_1354 : i32
      %add3A_1356 = vector.broadcast %mul3A_1355 : i32 to vector<16xi32>
      %add3A_1357 = arith.addi %iota3A, %add3A_1356 : vector<16xi32>
      %swap3A_1358 = arith.index_cast %add3A_1338 : i32 to index
      %swap3A_1359 = tpu.vector_load %arg13[%swap3A_1358] masked %and3A_1353 {strides = array<i32>} : memref<16400xi32, #tpu.memory_space<vmem>>, vector<16xi32>, vector<16xi1>
      tpu.vector_store %arg13[%swap3A_1358], %add3A_1357 masked %and3A_1353 {strides = array<i32>} : memref<16400xi32, #tpu.memory_space<vmem>>, vector<16xi32>, vector<16xi1>
      %all_reduce_population_count3A_1360 = tpu.all_reduce %and3A_1353 {dim = 0 : i64, kind = #tpu.reduction_kind<sum>} : vector<16xi1> -> vector<16xi32>
      %reduce_max3A_1361 = arith.constant true
      %reduce_max3A_1362 = vector.broadcast %reduce_max3A_1361 : i1 to vector<16xi1>
      %reduce_max3A_1363 = arith.constant -2147483648 : i32
      %reduce_max3A_1364 = vector.broadcast %reduce_max3A_1363 : i32 to vector<16xi32>
      %reduce_max3A_1365 = arith.xori %all_reduce_population_count3A_1360, %reduce_max3A_1364 : vector<16xi32>
      %reduce_max3A_1366 = tpu.scan <max>, %reduce_max3A_1365 masked %reduce_max3A_1362 : vector<16xi32>, vector<16xi1> -> vector<16xi32>
      %reduce_max3A_1367 = arith.xori %reduce_max3A_1366, %reduce_max3A_1364 : vector<16xi32>
      %reduce_max3A_1368 = vector.extract %reduce_max3A_1367[15] : i32 from vector<16xi32>
      %add3A_1369 = arith.addi %add3A_1338, %reduce_max3A_1368 : i32
      %scan3A_1370 = arith.constant 3 : i32
      %scan3A_1371 = arith.addi %scan3A_1282, %scan3A_1370 : i32
      %mul3A_1372 = arith.constant 1 : i32
      %mul3A_1373 = arith.muli %scan3A_1371, %mul3A_1372 : i32
      %add3A_1374 = arith.constant 0 : i32
      %add3A_1375 = arith.addi %add3A_1374, %mul3A_1373 : i32
      %mul3A_1376 = arith.constant 16 : i32
      %mul3A_1377 = arith.muli %add3A_1375, %mul3A_1376 : i32
      %get3A_1378 = arith.index_cast %mul3A_1377 : i32 to index
      %get3A_1379 = tpu.vector_load %arg10[%get3A_1378] {strides = array<i32>} : memref<16384xi32, #tpu.memory_space<vmem>>, vector<16xi32>,
      %ge3A_1380 = vector.broadcast %mul3A_21 : i32 to vector<16xi32>
      %ge3A_1381 = arith.cmpi sge, %get3A_1379, %ge3A_1380 : vector<16xi32>
      %lt3A_1382 = vector.broadcast %select_n3A_69 : i32 to vector<16xi32>
      %lt3A_1383 = arith.cmpi slt, %get3A_1379, %lt3A_1382 : vector<16xi32>
      %and3A_1384 = arith.andi %ge3A_1381, %lt3A_1383 : vector<16xi1>
      %mul3A_1385 = arith.constant 16 : i32
      %mul3A_1386 = arith.muli %add3A_1375, %mul3A_1385 : i32
      %add3A_1387 = vector.broadcast %mul3A_1386 : i32 to vector<16xi32>
      %add3A_1388 = arith.addi %iota3A, %add3A_1387 : vector<16xi32>
      %swap3A_1389 = arith.index_cast %add3A_1369 : i32 to index
      %swap3A_1390 = tpu.vector_load %arg13[%swap3A_1389] masked %and3A_1384 {strides = array<i32>} : memref<16400xi32, #tpu.memory_space<vmem>>, vector<16xi32>, vector<16xi1>
      tpu.vector_store %arg13[%swap3A_1389], %add3A_1388 masked %and3A_1384 {strides = array<i32>} : memref<16400xi32, #tpu.memory_space<vmem>>, vector<16xi32>, vector<16xi1>
      %all_reduce_population_count3A_1391 = tpu.all_reduce %and3A_1384 {dim = 0 : i64, kind = #tpu.reduction_kind<sum>} : vector<16xi1> -> vector<16xi32>
      %reduce_max3A_1392 = arith.constant true
      %reduce_max3A_1393 = vector.broadcast %reduce_max3A_1392 : i1 to vector<16xi1>
      %reduce_max3A_1394 = arith.constant -2147483648 : i32
      %reduce_max3A_1395 = vector.broadcast %reduce_max3A_1394 : i32 to vector<16xi32>
      %reduce_max3A_1396 = arith.xori %all_reduce_population_count3A_1391, %reduce_max3A_1395 : vector<16xi32>
      %reduce_max3A_1397 = tpu.scan <max>, %reduce_max3A_1396 masked %reduce_max3A_1393 : vector<16xi32>, vector<16xi1> -> vector<16xi32>
      %reduce_max3A_1398 = arith.xori %reduce_max3A_1397, %reduce_max3A_1395 : vector<16xi32>
      %reduce_max3A_1399 = vector.extract %reduce_max3A_1398[15] : i32 from vector<16xi32>
      %add3A_1400 = arith.addi %add3A_1369, %reduce_max3A_1399 : i32
      scf.yield %add3A_1400 : i32
    }
    %scan3A_75 = arith.constant 1024 : i32
    tpu.wait_dma2 semaphore(%arg22 : memref<!tpu.dma_semaphore, #tpu.memory_space<semaphore_mem>>) src(%arg5 : memref<16384xi32, #tpu.memory_space<hbm>>) dst(%arg11 : memref<16384xi32, #tpu.memory_space<vmem>>)
    tpu.wait_dma2 semaphore(%arg22 : memref<!tpu.dma_semaphore, #tpu.memory_space<semaphore_mem>>) src(%arg6 : memref<16384xf32, #tpu.memory_space<hbm>>) dst(%arg12 : memref<16384xf32, #tpu.memory_space<vmem>>)
    tpu.wait_dma2 semaphore(%arg22 : memref<!tpu.dma_semaphore, #tpu.memory_space<semaphore_mem>>) src(%arg7 : memref<16xf32, #tpu.memory_space<hbm>>) dst(%arg17 : memref<16xf32, #tpu.memory_space<vmem>>)
    %get3A = arith.constant 0 : index
    %get3A_76 = tpu.vector_load %arg17[%get3A] {strides = array<i32>} : memref<16xf32, #tpu.memory_space<vmem>>, vector<16xf32>,
    %dma_wait3A = arith.constant 0 : i32
    %dma_wait3A_77 = tpu.memref_slice %arg2[%dma_wait3A, %min3A] : memref<16x1000000xf32, #tpu.memory_space<hbm>> -> memref<16x1792xf32, #tpu.memory_space<hbm>>
    %dma_wait3A_78 = arith.constant 0 : i32
    %dma_wait3A_79 = tpu.memref_slice %arg2[%dma_wait3A_78, %min3A] : memref<16x1000000xf32, #tpu.memory_space<hbm>> -> memref<16x1792xf32, #tpu.memory_space<hbm>>
    tpu.wait_dma2 semaphore(%arg18 : memref<!tpu.dma_semaphore, #tpu.memory_space<semaphore_mem>>) src(%dma_wait3A_79 : memref<16x1792xf32, #tpu.memory_space<hbm>>) dst(%arg14 : memref<16x1792xf32, #tpu.memory_space<vmem>>)
    %add3A_80 = arith.constant 16 : i32
    %add3A_81 = arith.addi %scan3A_74, %add3A_80 : i32
    %sub3A_82 = arith.constant 1 : i32
    %sub3A_83 = arith.subi %add3A_81, %sub3A_82 : i32
    %jit3A_84 = arith.constant 16 : i32
    %div3A_85 = arith.divsi %sub3A_83, %jit3A_84 : i32
    %sign3A_86 = arith.constant 0 : i32
    %sign3A_87 = arith.cmpi sgt, %sub3A_83, %sign3A_86 : i32
    %sign3A_88 = arith.extui %sign3A_87 : i1 to i32
    %sign3A_89 = arith.constant 0 : i32
    %sign3A_90 = arith.cmpi slt, %sub3A_83, %sign3A_89 : i32
    %sign3A_91 = arith.extui %sign3A_90 : i1 to i32
    %sign3A_92 = arith.subi %sign3A_88, %sign3A_91 : i32
    %sign3A_93 = arith.constant 0 : i32
    %sign3A_94 = arith.cmpi sgt, %jit3A_84, %sign3A_93 : i32
    %sign3A_95 = arith.extui %sign3A_94 : i1 to i32
    %sign3A_96 = arith.constant 0 : i32
    %sign3A_97 = arith.cmpi slt, %jit3A_84, %sign3A_96 : i32
    %sign3A_98 = arith.extui %sign3A_97 : i1 to i32
    %sign3A_99 = arith.subi %sign3A_95, %sign3A_98 : i32
    %ne3A_100 = arith.cmpi ne, %sign3A_92, %sign3A_99 : i32
    %rem3A_101 = arith.remsi %sub3A_83, %jit3A_84 : i32
    %ne3A_102 = arith.constant 0 : i32
    %ne3A_103 = arith.cmpi ne, %rem3A_101, %ne3A_102 : i32
    %and3A_104 = arith.andi %ne3A_100, %ne3A_103 : i1
    %sub3A_105 = arith.constant 1 : i32
    %sub3A_106 = arith.subi %div3A_85, %sub3A_105 : i32
    %select_n3A_107 = arith.select %and3A_104, %sub3A_106, %div3A_85 : i32
    %sub3A_108 = arith.constant 0 : i32
    %sub3A_109 = arith.subi %select_n3A_107, %sub3A_108 : i32
    %sub3A_110 = arith.constant 1 : i32
    %sub3A_111 = arith.constant 1 : i32
    %sub3A_112 = arith.subi %sub3A_110, %sub3A_111 : i32
    %add3A_113 = arith.addi %sub3A_109, %sub3A_112 : i32
    %div3A_114 = arith.constant 1 : i32
    %div3A_115 = arith.divsi %add3A_113, %div3A_114 : i32
    %while3A = arith.constant 1 : i32
    %while3A_116 = arith.constant 0 : i32
    %while3A_117 = arith.constant 0 : i32
    %while3A_118 = arith.subi %div3A_115, %while3A_117 : i32
    %while3A_119 = arith.addi %while3A_117, %while3A_118 : i32
    %while3A_120 = arith.constant 1 : i32
    %while3A_121 = arith.divsi %while3A_118, %while3A_120 : i32
    %while3A_122 = arith.muli %while3A_121, %while3A_120 : i32
    %while3A_123 = arith.addi %while3A_117, %while3A_122 : i32
    %while3A_124 = arith.constant 1 : i32
    scf.for %while3A_1282 = %while3A_117 to %while3A_123 step %while3A_124  : i32 {
      %mul3A_1283 = arith.muli %while3A_1282, %while3A : i32
      %add3A_1284 = arith.addi %while3A_116, %mul3A_1283 : i32
      %mul3A_1285 = arith.constant 16 : i32
      %mul3A_1286 = arith.muli %add3A_1284, %mul3A_1285 : i32
      %add3A_1287 = vector.broadcast %mul3A_1286 : i32 to vector<16xi32>
      %add3A_1288 = arith.addi %iota3A, %add3A_1287 : vector<16xi32>
      %lt3A = vector.broadcast %scan3A_74 : i32 to vector<16xi32>
      %lt3A_1289 = arith.cmpi slt, %add3A_1288, %lt3A : vector<16xi32>
      %mul3A_1290 = arith.constant 16 : i32
      %mul3A_1291 = arith.muli %add3A_1284, %mul3A_1290 : i32
      %get3A_1292 = arith.index_cast %mul3A_1291 : i32 to index
      %get3A_1293 = tpu.vector_load %arg13[%get3A_1292] {strides = array<i32>} : memref<16400xi32, #tpu.memory_space<vmem>>, vector<16xi32>,
      %jit3A_1294 = arith.constant 0 : i32
      %broadcast_in_dim3A = vector.broadcast %jit3A_1294 : i32 to vector<16xi32>
      %select_n3A_1295 = arith.select %lt3A_1289, %get3A_1293, %broadcast_in_dim3A : vector<16xi1>, vector<16xi32>
      %gather3A = tpu.vector_load_idx %arg10[%select_n3A_1295] : memref<16384xi32, #tpu.memory_space<vmem>>[vector<16xi32>], vector<16xi32>,
      %ge3A = vector.broadcast %min3A : i32 to vector<16xi32>
      %ge3A_1296 = arith.cmpi sge, %gather3A, %ge3A : vector<16xi32>
      %and3A_1297 = arith.andi %lt3A_1289, %ge3A_1296 : vector<16xi1>
      %add3A_1298 = arith.constant 1792 : i32
      %add3A_1299 = arith.addi %min3A, %add3A_1298 : i32
      %lt3A_1300 = vector.broadcast %add3A_1299 : i32 to vector<16xi32>
      %lt3A_1301 = arith.cmpi slt, %gather3A, %lt3A_1300 : vector<16xi32>
      %and3A_1302 = arith.andi %and3A_1297, %lt3A_1301 : vector<16xi1>
      %gather3A_1303 = tpu.vector_load_idx %arg11[%select_n3A_1295] : memref<16384xi32, #tpu.memory_space<vmem>>[vector<16xi32>], vector<16xi32>,
      %gather3A_1304 = tpu.vector_load_idx %arg12[%select_n3A_1295] : memref<16384xf32, #tpu.memory_space<vmem>>[vector<16xi32>], vector<16xf32>,
      %sub3A_1305 = vector.broadcast %min3A : i32 to vector<16xi32>
      %sub3A_1306 = arith.subi %gather3A, %sub3A_1305 : vector<16xi32>
      %jit3A_1307 = arith.constant 0 : i32
      %broadcast_in_dim3A_1308 = vector.broadcast %jit3A_1307 : i32 to vector<16xi32>
      %select_n3A_1309 = arith.select %and3A_1302, %sub3A_1306, %broadcast_in_dim3A_1308 : vector<16xi1>, vector<16xi32>
      %jit3A_1310 = arith.constant 0 : i32
      %broadcast_in_dim3A_1311 = vector.broadcast %jit3A_1310 : i32 to vector<16xi32>
      %select_n3A_1312 = arith.select %and3A_1302, %gather3A_1303, %broadcast_in_dim3A_1311 : vector<16xi1>, vector<16xi32>
      %gather3A_1313 = tpu.vector_load_idx %arg14[%select_n3A_1312, %select_n3A_1309] masked %and3A_1302 : memref<16x1792xf32, #tpu.memory_space<vmem>>[vector<16xi32>, vector<16xi32>], vector<16xf32>, vector<16xi1>
      %sub3A_1314 = arith.subf %gather3A_1304, %gather3A_1313 : vector<16xf32>
      %mul3A_1315 = arith.mulf %get3A_76, %sub3A_1314 : vector<16xf32>
      %add3A_1316 = arith.addf %gather3A_1313, %mul3A_1315 : vector<16xf32>
      tpu.vector_store_idx %arg14[%select_n3A_1312, %select_n3A_1309], %add3A_1316 masked %and3A_1302 : memref<16x1792xf32, #tpu.memory_space<vmem>>[vector<16xi32>, vector<16xi32>], vector<16xf32>, vector<16xi1>
    }
    %while3A_125 = arith.constant 1 : i32
    scf.for %while3A_1282 = %while3A_123 to %while3A_119 step %while3A_125  : i32 {
      %mul3A_1283 = arith.muli %while3A_1282, %while3A : i32
      %add3A_1284 = arith.addi %while3A_116, %mul3A_1283 : i32
      %mul3A_1285 = arith.constant 16 : i32
      %mul3A_1286 = arith.muli %add3A_1284, %mul3A_1285 : i32
      %add3A_1287 = vector.broadcast %mul3A_1286 : i32 to vector<16xi32>
      %add3A_1288 = arith.addi %iota3A, %add3A_1287 : vector<16xi32>
      %lt3A = vector.broadcast %scan3A_74 : i32 to vector<16xi32>
      %lt3A_1289 = arith.cmpi slt, %add3A_1288, %lt3A : vector<16xi32>
      %mul3A_1290 = arith.constant 16 : i32
      %mul3A_1291 = arith.muli %add3A_1284, %mul3A_1290 : i32
      %get3A_1292 = arith.index_cast %mul3A_1291 : i32 to index
      %get3A_1293 = tpu.vector_load %arg13[%get3A_1292] {strides = array<i32>} : memref<16400xi32, #tpu.memory_space<vmem>>, vector<16xi32>,
      %jit3A_1294 = arith.constant 0 : i32
      %broadcast_in_dim3A = vector.broadcast %jit3A_1294 : i32 to vector<16xi32>
      %select_n3A_1295 = arith.select %lt3A_1289, %get3A_1293, %broadcast_in_dim3A : vector<16xi1>, vector<16xi32>
      %gather3A = tpu.vector_load_idx %arg10[%select_n3A_1295] : memref<16384xi32, #tpu.memory_space<vmem>>[vector<16xi32>], vector<16xi32>,
      %ge3A = vector.broadcast %min3A : i32 to vector<16xi32>
      %ge3A_1296 = arith.cmpi sge, %gather3A, %ge3A : vector<16xi32>
      %and3A_1297 = arith.andi %lt3A_1289, %ge3A_1296 : vector<16xi1>
      %add3A_1298 = arith.constant 1792 : i32
      %add3A_1299 = arith.addi %min3A, %add3A_1298 : i32
      %lt3A_1300 = vector.broadcast %add3A_1299 : i32 to vector<16xi32>
      %lt3A_1301 = arith.cmpi slt, %gather3A, %lt3A_1300 : vector<16xi32>
      %and3A_1302 = arith.andi %and3A_1297, %lt3A_1301 : vector<16xi1>
      %gather3A_1303 = tpu.vector_load_idx %arg11[%select_n3A_1295] : memref<16384xi32, #tpu.memory_space<vmem>>[vector<16xi32>], vector<16xi32>,
      %gather3A_1304 = tpu.vector_load_idx %arg12[%select_n3A_1295] : memref<16384xf32, #tpu.memory_space<vmem>>[vector<16xi32>], vector<16xf32>,
      %sub3A_1305 = vector.broadcast %min3A : i32 to vector<16xi32>
      %sub3A_1306 = arith.subi %gather3A, %sub3A_1305 : vector<16xi32>
      %jit3A_1307 = arith.constant 0 : i32
      %broadcast_in_dim3A_1308 = vector.broadcast %jit3A_1307 : i32 to vector<16xi32>
      %select_n3A_1309 = arith.select %and3A_1302, %sub3A_1306, %broadcast_in_dim3A_1308 : vector<16xi1>, vector<16xi32>
      %jit3A_1310 = arith.constant 0 : i32
      %broadcast_in_dim3A_1311 = vector.broadcast %jit3A_1310 : i32 to vector<16xi32>
      %select_n3A_1312 = arith.select %and3A_1302, %gather3A_1303, %broadcast_in_dim3A_1311 : vector<16xi1>, vector<16xi32>
      %gather3A_1313 = tpu.vector_load_idx %arg14[%select_n3A_1312, %select_n3A_1309] masked %and3A_1302 : memref<16x1792xf32, #tpu.memory_space<vmem>>[vector<16xi32>, vector<16xi32>], vector<16xf32>, vector<16xi1>
      %sub3A_1314 = arith.subf %gather3A_1304, %gather3A_1313 : vector<16xf32>
      %mul3A_1315 = arith.mulf %get3A_76, %sub3A_1314 : vector<16xf32>
      %add3A_1316 = arith.addf %gather3A_1313, %mul3A_1315 : vector<16xf32>
      tpu.vector_store_idx %arg14[%select_n3A_1312, %select_n3A_1309], %add3A_1316 masked %and3A_1302 : memref<16x1792xf32, #tpu.memory_space<vmem>>[vector<16xi32>, vector<16xi32>], vector<16xf32>, vector<16xi1>
    }
    %dma_start3A_126 = arith.constant 0 : i32
    %dma_start3A_127 = tpu.memref_slice %arg8[%dma_start3A_126, %min3A] : memref<16x1000000xf32, #tpu.memory_space<hbm>> -> memref<16x1792xf32, #tpu.memory_space<hbm>>
    %dma_start3A_128 = arith.constant 0 : i32
    %dma_start3A_129 = tpu.memref_slice %arg8[%dma_start3A_128, %min3A] : memref<16x1000000xf32, #tpu.memory_space<hbm>> -> memref<16x1792xf32, #tpu.memory_space<hbm>>
    tpu.enqueue_dma source(%arg14 : memref<16x1792xf32, #tpu.memory_space<vmem>>) target(%dma_start3A_129 : memref<16x1792xf32, #tpu.memory_space<hbm>>) target_semaphore(%arg20 : memref<!tpu.dma_semaphore, #tpu.memory_space<semaphore_mem>>)
    %dma_wait3A_130 = arith.constant 0 : i32
    %dma_wait3A_131 = tpu.memref_slice %arg8[%dma_wait3A_130, %min3A] : memref<16x1000000xf32, #tpu.memory_space<hbm>> -> memref<16x1792xf32, #tpu.memory_space<hbm>>
    %dma_wait3A_132 = arith.constant 0 : i32
    %dma_wait3A_133 = tpu.memref_slice %arg8[%dma_wait3A_132, %min3A] : memref<16x1000000xf32, #tpu.memory_space<hbm>> -> memref<16x1792xf32, #tpu.memory_space<hbm>>
    tpu.wait_dma2 semaphore(%arg20 : memref<!tpu.dma_semaphore, #tpu.memory_space<semaphore_mem>>) src(%arg14 : memref<16x1792xf32, #tpu.memory_space<vmem>>) dst(%dma_wait3A_133 : memref<16x1792xf32, #tpu.memory_space<hbm>>)
    %add3A_134 = arith.constant 3584 : i32
    %add3A_135 = arith.addi %mul3A_21, %add3A_134 : i32
    %sub3A_136 = arith.constant 1792 : i32
    %sub3A_137 = arith.subi %mul3A_51, %sub3A_136 : i32
    %min3A_138 = arith.minsi %add3A_135, %sub3A_137 : i32
    %dma_start3A_139 = arith.constant 0 : i32
    %dma_start3A_140 = tpu.memref_slice %arg2[%dma_start3A_139, %min3A_138] : memref<16x1000000xf32, #tpu.memory_space<hbm>> -> memref<16x1792xf32, #tpu.memory_space<hbm>>
    %dma_start3A_141 = arith.constant 0 : i32
    %dma_start3A_142 = tpu.memref_slice %arg2[%dma_start3A_141, %min3A_138] : memref<16x1000000xf32, #tpu.memory_space<hbm>> -> memref<16x1792xf32, #tpu.memory_space<hbm>>
    tpu.enqueue_dma source(%dma_start3A_142 : memref<16x1792xf32, #tpu.memory_space<hbm>>) target(%arg14 : memref<16x1792xf32, #tpu.memory_space<vmem>>) target_semaphore(%arg18 : memref<!tpu.dma_semaphore, #tpu.memory_space<semaphore_mem>>)
    %dma_wait3A_143 = arith.constant 0 : i32
    %dma_wait3A_144 = tpu.memref_slice %arg2[%dma_wait3A_143, %min3A_63] : memref<16x1000000xf32, #tpu.memory_space<hbm>> -> memref<16x1792xf32, #tpu.memory_space<hbm>>
    %dma_wait3A_145 = arith.constant 0 : i32
    %dma_wait3A_146 = tpu.memref_slice %arg2[%dma_wait3A_145, %min3A_63] : memref<16x1000000xf32, #tpu.memory_space<hbm>> -> memref<16x1792xf32, #tpu.memory_space<hbm>>
    tpu.wait_dma2 semaphore(%arg19 : memref<!tpu.dma_semaphore, #tpu.memory_space<semaphore_mem>>) src(%dma_wait3A_146 : memref<16x1792xf32, #tpu.memory_space<hbm>>) dst(%arg15 : memref<16x1792xf32, #tpu.memory_space<vmem>>)
    %add3A_147 = arith.constant 16 : i32
    %add3A_148 = arith.addi %scan3A_74, %add3A_147 : i32
    %sub3A_149 = arith.constant 1 : i32
    %sub3A_150 = arith.subi %add3A_148, %sub3A_149 : i32
    %jit3A_151 = arith.constant 16 : i32
    %div3A_152 = arith.divsi %sub3A_150, %jit3A_151 : i32
    %sign3A_153 = arith.constant 0 : i32
    %sign3A_154 = arith.cmpi sgt, %sub3A_150, %sign3A_153 : i32
    %sign3A_155 = arith.extui %sign3A_154 : i1 to i32
    %sign3A_156 = arith.constant 0 : i32
    %sign3A_157 = arith.cmpi slt, %sub3A_150, %sign3A_156 : i32
    %sign3A_158 = arith.extui %sign3A_157 : i1 to i32
    %sign3A_159 = arith.subi %sign3A_155, %sign3A_158 : i32
    %sign3A_160 = arith.constant 0 : i32
    %sign3A_161 = arith.cmpi sgt, %jit3A_151, %sign3A_160 : i32
    %sign3A_162 = arith.extui %sign3A_161 : i1 to i32
    %sign3A_163 = arith.constant 0 : i32
    %sign3A_164 = arith.cmpi slt, %jit3A_151, %sign3A_163 : i32
    %sign3A_165 = arith.extui %sign3A_164 : i1 to i32
    %sign3A_166 = arith.subi %sign3A_162, %sign3A_165 : i32
    %ne3A_167 = arith.cmpi ne, %sign3A_159, %sign3A_166 : i32
    %rem3A_168 = arith.remsi %sub3A_150, %jit3A_151 : i32
    %ne3A_169 = arith.constant 0 : i32
    %ne3A_170 = arith.cmpi ne, %rem3A_168, %ne3A_169 : i32
    %and3A_171 = arith.andi %ne3A_167, %ne3A_170 : i1
    %sub3A_172 = arith.constant 1 : i32
    %sub3A_173 = arith.subi %div3A_152, %sub3A_172 : i32
    %select_n3A_174 = arith.select %and3A_171, %sub3A_173, %div3A_152 : i32
    %sub3A_175 = arith.constant 0 : i32
    %sub3A_176 = arith.subi %select_n3A_174, %sub3A_175 : i32
    %sub3A_177 = arith.constant 1 : i32
    %sub3A_178 = arith.constant 1 : i32
    %sub3A_179 = arith.subi %sub3A_177, %sub3A_178 : i32
    %add3A_180 = arith.addi %sub3A_176, %sub3A_179 : i32
    %div3A_181 = arith.constant 1 : i32
    %div3A_182 = arith.divsi %add3A_180, %div3A_181 : i32
    %while3A_183 = arith.constant 1 : i32
    %while3A_184 = arith.constant 0 : i32
    %while3A_185 = arith.constant 0 : i32
    %while3A_186 = arith.subi %div3A_182, %while3A_185 : i32
    %while3A_187 = arith.addi %while3A_185, %while3A_186 : i32
    %while3A_188 = arith.constant 1 : i32
    %while3A_189 = arith.divsi %while3A_186, %while3A_188 : i32
    %while3A_190 = arith.muli %while3A_189, %while3A_188 : i32
    %while3A_191 = arith.addi %while3A_185, %while3A_190 : i32
    %while3A_192 = arith.constant 1 : i32
    scf.for %while3A_1282 = %while3A_185 to %while3A_191 step %while3A_192  : i32 {
      %mul3A_1283 = arith.muli %while3A_1282, %while3A_183 : i32
      %add3A_1284 = arith.addi %while3A_184, %mul3A_1283 : i32
      %mul3A_1285 = arith.constant 16 : i32
      %mul3A_1286 = arith.muli %add3A_1284, %mul3A_1285 : i32
      %add3A_1287 = vector.broadcast %mul3A_1286 : i32 to vector<16xi32>
      %add3A_1288 = arith.addi %iota3A, %add3A_1287 : vector<16xi32>
      %lt3A = vector.broadcast %scan3A_74 : i32 to vector<16xi32>
      %lt3A_1289 = arith.cmpi slt, %add3A_1288, %lt3A : vector<16xi32>
      %mul3A_1290 = arith.constant 16 : i32
      %mul3A_1291 = arith.muli %add3A_1284, %mul3A_1290 : i32
      %get3A_1292 = arith.index_cast %mul3A_1291 : i32 to index
      %get3A_1293 = tpu.vector_load %arg13[%get3A_1292] {strides = array<i32>} : memref<16400xi32, #tpu.memory_space<vmem>>, vector<16xi32>,
      %jit3A_1294 = arith.constant 0 : i32
      %broadcast_in_dim3A = vector.broadcast %jit3A_1294 : i32 to vector<16xi32>
      %select_n3A_1295 = arith.select %lt3A_1289, %get3A_1293, %broadcast_in_dim3A : vector<16xi1>, vector<16xi32>
      %gather3A = tpu.vector_load_idx %arg10[%select_n3A_1295] : memref<16384xi32, #tpu.memory_space<vmem>>[vector<16xi32>], vector<16xi32>,
      %ge3A = vector.broadcast %min3A_63 : i32 to vector<16xi32>
      %ge3A_1296 = arith.cmpi sge, %gather3A, %ge3A : vector<16xi32>
      %and3A_1297 = arith.andi %lt3A_1289, %ge3A_1296 : vector<16xi1>
      %add3A_1298 = arith.constant 1792 : i32
      %add3A_1299 = arith.addi %min3A_63, %add3A_1298 : i32
      %lt3A_1300 = vector.broadcast %add3A_1299 : i32 to vector<16xi32>
      %lt3A_1301 = arith.cmpi slt, %gather3A, %lt3A_1300 : vector<16xi32>
      %and3A_1302 = arith.andi %and3A_1297, %lt3A_1301 : vector<16xi1>
      %gather3A_1303 = tpu.vector_load_idx %arg11[%select_n3A_1295] : memref<16384xi32, #tpu.memory_space<vmem>>[vector<16xi32>], vector<16xi32>,
      %gather3A_1304 = tpu.vector_load_idx %arg12[%select_n3A_1295] : memref<16384xf32, #tpu.memory_space<vmem>>[vector<16xi32>], vector<16xf32>,
      %sub3A_1305 = vector.broadcast %min3A_63 : i32 to vector<16xi32>
      %sub3A_1306 = arith.subi %gather3A, %sub3A_1305 : vector<16xi32>
      %jit3A_1307 = arith.constant 0 : i32
      %broadcast_in_dim3A_1308 = vector.broadcast %jit3A_1307 : i32 to vector<16xi32>
      %select_n3A_1309 = arith.select %and3A_1302, %sub3A_1306, %broadcast_in_dim3A_1308 : vector<16xi1>, vector<16xi32>
      %jit3A_1310 = arith.constant 0 : i32
      %broadcast_in_dim3A_1311 = vector.broadcast %jit3A_1310 : i32 to vector<16xi32>
      %select_n3A_1312 = arith.select %and3A_1302, %gather3A_1303, %broadcast_in_dim3A_1311 : vector<16xi1>, vector<16xi32>
      %gather3A_1313 = tpu.vector_load_idx %arg15[%select_n3A_1312, %select_n3A_1309] masked %and3A_1302 : memref<16x1792xf32, #tpu.memory_space<vmem>>[vector<16xi32>, vector<16xi32>], vector<16xf32>, vector<16xi1>
      %sub3A_1314 = arith.subf %gather3A_1304, %gather3A_1313 : vector<16xf32>
      %mul3A_1315 = arith.mulf %get3A_76, %sub3A_1314 : vector<16xf32>
      %add3A_1316 = arith.addf %gather3A_1313, %mul3A_1315 : vector<16xf32>
      tpu.vector_store_idx %arg15[%select_n3A_1312, %select_n3A_1309], %add3A_1316 masked %and3A_1302 : memref<16x1792xf32, #tpu.memory_space<vmem>>[vector<16xi32>, vector<16xi32>], vector<16xf32>, vector<16xi1>
    }
    %while3A_193 = arith.constant 1 : i32
    scf.for %while3A_1282 = %while3A_191 to %while3A_187 step %while3A_193  : i32 {
      %mul3A_1283 = arith.muli %while3A_1282, %while3A_183 : i32
      %add3A_1284 = arith.addi %while3A_184, %mul3A_1283 : i32
      %mul3A_1285 = arith.constant 16 : i32
      %mul3A_1286 = arith.muli %add3A_1284, %mul3A_1285 : i32
      %add3A_1287 = vector.broadcast %mul3A_1286 : i32 to vector<16xi32>
      %add3A_1288 = arith.addi %iota3A, %add3A_1287 : vector<16xi32>
      %lt3A = vector.broadcast %scan3A_74 : i32 to vector<16xi32>
      %lt3A_1289 = arith.cmpi slt, %add3A_1288, %lt3A : vector<16xi32>
      %mul3A_1290 = arith.constant 16 : i32
      %mul3A_1291 = arith.muli %add3A_1284, %mul3A_1290 : i32
      %get3A_1292 = arith.index_cast %mul3A_1291 : i32 to index
      %get3A_1293 = tpu.vector_load %arg13[%get3A_1292] {strides = array<i32>} : memref<16400xi32, #tpu.memory_space<vmem>>, vector<16xi32>,
      %jit3A_1294 = arith.constant 0 : i32
      %broadcast_in_dim3A = vector.broadcast %jit3A_1294 : i32 to vector<16xi32>
      %select_n3A_1295 = arith.select %lt3A_1289, %get3A_1293, %broadcast_in_dim3A : vector<16xi1>, vector<16xi32>
      %gather3A = tpu.vector_load_idx %arg10[%select_n3A_1295] : memref<16384xi32, #tpu.memory_space<vmem>>[vector<16xi32>], vector<16xi32>,
      %ge3A = vector.broadcast %min3A_63 : i32 to vector<16xi32>
      %ge3A_1296 = arith.cmpi sge, %gather3A, %ge3A : vector<16xi32>
      %and3A_1297 = arith.andi %lt3A_1289, %ge3A_1296 : vector<16xi1>
      %add3A_1298 = arith.constant 1792 : i32
      %add3A_1299 = arith.addi %min3A_63, %add3A_1298 : i32
      %lt3A_1300 = vector.broadcast %add3A_1299 : i32 to vector<16xi32>
      %lt3A_1301 = arith.cmpi slt, %gather3A, %lt3A_1300 : vector<16xi32>
      %and3A_1302 = arith.andi %and3A_1297, %lt3A_1301 : vector<16xi1>
      %gather3A_1303 = tpu.vector_load_idx %arg11[%select_n3A_1295] : memref<16384xi32, #tpu.memory_space<vmem>>[vector<16xi32>], vector<16xi32>,
      %gather3A_1304 = tpu.vector_load_idx %arg12[%select_n3A_1295] : memref<16384xf32, #tpu.memory_space<vmem>>[vector<16xi32>], vector<16xf32>,
      %sub3A_1305 = vector.broadcast %min3A_63 : i32 to vector<16xi32>
      %sub3A_1306 = arith.subi %gather3A, %sub3A_1305 : vector<16xi32>
      %jit3A_1307 = arith.constant 0 : i32
      %broadcast_in_dim3A_1308 = vector.broadcast %jit3A_1307 : i32 to vector<16xi32>
      %select_n3A_1309 = arith.select %and3A_1302, %sub3A_1306, %broadcast_in_dim3A_1308 : vector<16xi1>, vector<16xi32>
      %jit3A_1310 = arith.constant 0 : i32
      %broadcast_in_dim3A_1311 = vector.broadcast %jit3A_1310 : i32 to vector<16xi32>
      %select_n3A_1312 = arith.select %and3A_1302, %gather3A_1303, %broadcast_in_dim3A_1311 : vector<16xi1>, vector<16xi32>
      %gather3A_1313 = tpu.vector_load_idx %arg15[%select_n3A_1312, %select_n3A_1309] masked %and3A_1302 : memref<16x1792xf32, #tpu.memory_space<vmem>>[vector<16xi32>, vector<16xi32>], vector<16xf32>, vector<16xi1>
      %sub3A_1314 = arith.subf %gather3A_1304, %gather3A_1313 : vector<16xf32>
      %mul3A_1315 = arith.mulf %get3A_76, %sub3A_1314 : vector<16xf32>
      %add3A_1316 = arith.addf %gather3A_1313, %mul3A_1315 : vector<16xf32>
      tpu.vector_store_idx %arg15[%select_n3A_1312, %select_n3A_1309], %add3A_1316 masked %and3A_1302 : memref<16x1792xf32, #tpu.memory_space<vmem>>[vector<16xi32>, vector<16xi32>], vector<16xf32>, vector<16xi1>
    }
    %dma_start3A_194 = arith.constant 0 : i32
    %dma_start3A_195 = tpu.memref_slice %arg8[%dma_start3A_194, %min3A_63] : memref<16x1000000xf32, #tpu.memory_space<hbm>> -> memref<16x1792xf32, #tpu.memory_space<hbm>>
    %dma_start3A_196 = arith.constant 0 : i32
    %dma_start3A_197 = tpu.memref_slice %arg8[%dma_start3A_196, %min3A_63] : memref<16x1000000xf32, #tpu.memory_space<hbm>> -> memref<16x1792xf32, #tpu.memory_space<hbm>>
    tpu.enqueue_dma source(%arg15 : memref<16x1792xf32, #tpu.memory_space<vmem>>) target(%dma_start3A_197 : memref<16x1792xf32, #tpu.memory_space<hbm>>) target_semaphore(%arg21 : memref<!tpu.dma_semaphore, #tpu.memory_space<semaphore_mem>>)
    %dma_wait3A_198 = arith.constant 0 : i32
    %dma_wait3A_199 = tpu.memref_slice %arg8[%dma_wait3A_198, %min3A_63] : memref<16x1000000xf32, #tpu.memory_space<hbm>> -> memref<16x1792xf32, #tpu.memory_space<hbm>>
    %dma_wait3A_200 = arith.constant 0 : i32
    %dma_wait3A_201 = tpu.memref_slice %arg8[%dma_wait3A_200, %min3A_63] : memref<16x1000000xf32, #tpu.memory_space<hbm>> -> memref<16x1792xf32, #tpu.memory_space<hbm>>
    tpu.wait_dma2 semaphore(%arg21 : memref<!tpu.dma_semaphore, #tpu.memory_space<semaphore_mem>>) src(%arg15 : memref<16x1792xf32, #tpu.memory_space<vmem>>) dst(%dma_wait3A_201 : memref<16x1792xf32, #tpu.memory_space<hbm>>)
    %add3A_202 = arith.constant 5376 : i32
    %add3A_203 = arith.addi %mul3A_21, %add3A_202 : i32
    %sub3A_204 = arith.constant 1792 : i32
    %sub3A_205 = arith.subi %mul3A_51, %sub3A_204 : i32
    %min3A_206 = arith.minsi %add3A_203, %sub3A_205 : i32
    %dma_start3A_207 = arith.constant 0 : i32
    %dma_start3A_208 = tpu.memref_slice %arg2[%dma_start3A_207, %min3A_206] : memref<16x1000000xf32, #tpu.memory_space<hbm>> -> memref<16x1792xf32, #tpu.memory_space<hbm>>
    %dma_start3A_209 = arith.constant 0 : i32
    %dma_start3A_210 = tpu.memref_slice %arg2[%dma_start3A_209, %min3A_206] : memref<16x1000000xf32, #tpu.memory_space<hbm>> -> memref<16x1792xf32, #tpu.memory_space<hbm>>
    tpu.enqueue_dma source(%dma_start3A_210 : memref<16x1792xf32, #tpu.memory_space<hbm>>) target(%arg15 : memref<16x1792xf32, #tpu.memory_space<vmem>>) target_semaphore(%arg19 : memref<!tpu.dma_semaphore, #tpu.memory_space<semaphore_mem>>)
    %dma_wait3A_211 = arith.constant 0 : i32
    %dma_wait3A_212 = tpu.memref_slice %arg2[%dma_wait3A_211, %min3A_138] : memref<16x1000000xf32, #tpu.memory_space<hbm>> -> memref<16x1792xf32, #tpu.memory_space<hbm>>
    %dma_wait3A_213 = arith.constant 0 : i32
    %dma_wait3A_214 = tpu.memref_slice %arg2[%dma_wait3A_213, %min3A_138] : memref<16x1000000xf32, #tpu.memory_space<hbm>> -> memref<16x1792xf32, #tpu.memory_space<hbm>>
    tpu.wait_dma2 semaphore(%arg18 : memref<!tpu.dma_semaphore, #tpu.memory_space<semaphore_mem>>) src(%dma_wait3A_214 : memref<16x1792xf32, #tpu.memory_space<hbm>>) dst(%arg14 : memref<16x1792xf32, #tpu.memory_space<vmem>>)
    %add3A_215 = arith.constant 16 : i32
    %add3A_216 = arith.addi %scan3A_74, %add3A_215 : i32
    %sub3A_217 = arith.constant 1 : i32
    %sub3A_218 = arith.subi %add3A_216, %sub3A_217 : i32
    %jit3A_219 = arith.constant 16 : i32
    %div3A_220 = arith.divsi %sub3A_218, %jit3A_219 : i32
    %sign3A_221 = arith.constant 0 : i32
    %sign3A_222 = arith.cmpi sgt, %sub3A_218, %sign3A_221 : i32
    %sign3A_223 = arith.extui %sign3A_222 : i1 to i32
    %sign3A_224 = arith.constant 0 : i32
    %sign3A_225 = arith.cmpi slt, %sub3A_218, %sign3A_224 : i32
    %sign3A_226 = arith.extui %sign3A_225 : i1 to i32
    %sign3A_227 = arith.subi %sign3A_223, %sign3A_226 : i32
    %sign3A_228 = arith.constant 0 : i32
    %sign3A_229 = arith.cmpi sgt, %jit3A_219, %sign3A_228 : i32
    %sign3A_230 = arith.extui %sign3A_229 : i1 to i32
    %sign3A_231 = arith.constant 0 : i32
    %sign3A_232 = arith.cmpi slt, %jit3A_219, %sign3A_231 : i32
    %sign3A_233 = arith.extui %sign3A_232 : i1 to i32
    %sign3A_234 = arith.subi %sign3A_230, %sign3A_233 : i32
    %ne3A_235 = arith.cmpi ne, %sign3A_227, %sign3A_234 : i32
    %rem3A_236 = arith.remsi %sub3A_218, %jit3A_219 : i32
    %ne3A_237 = arith.constant 0 : i32
    %ne3A_238 = arith.cmpi ne, %rem3A_236, %ne3A_237 : i32
    %and3A_239 = arith.andi %ne3A_235, %ne3A_238 : i1
    %sub3A_240 = arith.constant 1 : i32
    %sub3A_241 = arith.subi %div3A_220, %sub3A_240 : i32
    %select_n3A_242 = arith.select %and3A_239, %sub3A_241, %div3A_220 : i32
    %sub3A_243 = arith.constant 0 : i32
    %sub3A_244 = arith.subi %select_n3A_242, %sub3A_243 : i32
    %sub3A_245 = arith.constant 1 : i32
    %sub3A_246 = arith.constant 1 : i32
    %sub3A_247 = arith.subi %sub3A_245, %sub3A_246 : i32
    %add3A_248 = arith.addi %sub3A_244, %sub3A_247 : i32
    %div3A_249 = arith.constant 1 : i32
    %div3A_250 = arith.divsi %add3A_248, %div3A_249 : i32
    %while3A_251 = arith.constant 1 : i32
    %while3A_252 = arith.constant 0 : i32
    %while3A_253 = arith.constant 0 : i32
    %while3A_254 = arith.subi %div3A_250, %while3A_253 : i32
    %while3A_255 = arith.addi %while3A_253, %while3A_254 : i32
    %while3A_256 = arith.constant 1 : i32
    %while3A_257 = arith.divsi %while3A_254, %while3A_256 : i32
    %while3A_258 = arith.muli %while3A_257, %while3A_256 : i32
    %while3A_259 = arith.addi %while3A_253, %while3A_258 : i32
    %while3A_260 = arith.constant 1 : i32
    scf.for %while3A_1282 = %while3A_253 to %while3A_259 step %while3A_260  : i32 {
      %mul3A_1283 = arith.muli %while3A_1282, %while3A_251 : i32
      %add3A_1284 = arith.addi %while3A_252, %mul3A_1283 : i32
      %mul3A_1285 = arith.constant 16 : i32
      %mul3A_1286 = arith.muli %add3A_1284, %mul3A_1285 : i32
      %add3A_1287 = vector.broadcast %mul3A_1286 : i32 to vector<16xi32>
      %add3A_1288 = arith.addi %iota3A, %add3A_1287 : vector<16xi32>
      %lt3A = vector.broadcast %scan3A_74 : i32 to vector<16xi32>
      %lt3A_1289 = arith.cmpi slt, %add3A_1288, %lt3A : vector<16xi32>
      %mul3A_1290 = arith.constant 16 : i32
      %mul3A_1291 = arith.muli %add3A_1284, %mul3A_1290 : i32
      %get3A_1292 = arith.index_cast %mul3A_1291 : i32 to index
      %get3A_1293 = tpu.vector_load %arg13[%get3A_1292] {strides = array<i32>} : memref<16400xi32, #tpu.memory_space<vmem>>, vector<16xi32>,
      %jit3A_1294 = arith.constant 0 : i32
      %broadcast_in_dim3A = vector.broadcast %jit3A_1294 : i32 to vector<16xi32>
      %select_n3A_1295 = arith.select %lt3A_1289, %get3A_1293, %broadcast_in_dim3A : vector<16xi1>, vector<16xi32>
      %gather3A = tpu.vector_load_idx %arg10[%select_n3A_1295] : memref<16384xi32, #tpu.memory_space<vmem>>[vector<16xi32>], vector<16xi32>,
      %ge3A = vector.broadcast %min3A_138 : i32 to vector<16xi32>
      %ge3A_1296 = arith.cmpi sge, %gather3A, %ge3A : vector<16xi32>
      %and3A_1297 = arith.andi %lt3A_1289, %ge3A_1296 : vector<16xi1>
      %add3A_1298 = arith.constant 1792 : i32
      %add3A_1299 = arith.addi %min3A_138, %add3A_1298 : i32
      %lt3A_1300 = vector.broadcast %add3A_1299 : i32 to vector<16xi32>
      %lt3A_1301 = arith.cmpi slt, %gather3A, %lt3A_1300 : vector<16xi32>
      %and3A_1302 = arith.andi %and3A_1297, %lt3A_1301 : vector<16xi1>
      %gather3A_1303 = tpu.vector_load_idx %arg11[%select_n3A_1295] : memref<16384xi32, #tpu.memory_space<vmem>>[vector<16xi32>], vector<16xi32>,
      %gather3A_1304 = tpu.vector_load_idx %arg12[%select_n3A_1295] : memref<16384xf32, #tpu.memory_space<vmem>>[vector<16xi32>], vector<16xf32>,
      %sub3A_1305 = vector.broadcast %min3A_138 : i32 to vector<16xi32>
      %sub3A_1306 = arith.subi %gather3A, %sub3A_1305 : vector<16xi32>
      %jit3A_1307 = arith.constant 0 : i32
      %broadcast_in_dim3A_1308 = vector.broadcast %jit3A_1307 : i32 to vector<16xi32>
      %select_n3A_1309 = arith.select %and3A_1302, %sub3A_1306, %broadcast_in_dim3A_1308 : vector<16xi1>, vector<16xi32>
      %jit3A_1310 = arith.constant 0 : i32
      %broadcast_in_dim3A_1311 = vector.broadcast %jit3A_1310 : i32 to vector<16xi32>
      %select_n3A_1312 = arith.select %and3A_1302, %gather3A_1303, %broadcast_in_dim3A_1311 : vector<16xi1>, vector<16xi32>
      %gather3A_1313 = tpu.vector_load_idx %arg14[%select_n3A_1312, %select_n3A_1309] masked %and3A_1302 : memref<16x1792xf32, #tpu.memory_space<vmem>>[vector<16xi32>, vector<16xi32>], vector<16xf32>, vector<16xi1>
      %sub3A_1314 = arith.subf %gather3A_1304, %gather3A_1313 : vector<16xf32>
      %mul3A_1315 = arith.mulf %get3A_76, %sub3A_1314 : vector<16xf32>
      %add3A_1316 = arith.addf %gather3A_1313, %mul3A_1315 : vector<16xf32>
      tpu.vector_store_idx %arg14[%select_n3A_1312, %select_n3A_1309], %add3A_1316 masked %and3A_1302 : memref<16x1792xf32, #tpu.memory_space<vmem>>[vector<16xi32>, vector<16xi32>], vector<16xf32>, vector<16xi1>
    }
    %while3A_261 = arith.constant 1 : i32
    scf.for %while3A_1282 = %while3A_259 to %while3A_255 step %while3A_261  : i32 {
      %mul3A_1283 = arith.muli %while3A_1282, %while3A_251 : i32
      %add3A_1284 = arith.addi %while3A_252, %mul3A_1283 : i32
      %mul3A_1285 = arith.constant 16 : i32
      %mul3A_1286 = arith.muli %add3A_1284, %mul3A_1285 : i32
      %add3A_1287 = vector.broadcast %mul3A_1286 : i32 to vector<16xi32>
      %add3A_1288 = arith.addi %iota3A, %add3A_1287 : vector<16xi32>
      %lt3A = vector.broadcast %scan3A_74 : i32 to vector<16xi32>
      %lt3A_1289 = arith.cmpi slt, %add3A_1288, %lt3A : vector<16xi32>
      %mul3A_1290 = arith.constant 16 : i32
      %mul3A_1291 = arith.muli %add3A_1284, %mul3A_1290 : i32
      %get3A_1292 = arith.index_cast %mul3A_1291 : i32 to index
      %get3A_1293 = tpu.vector_load %arg13[%get3A_1292] {strides = array<i32>} : memref<16400xi32, #tpu.memory_space<vmem>>, vector<16xi32>,
      %jit3A_1294 = arith.constant 0 : i32
      %broadcast_in_dim3A = vector.broadcast %jit3A_1294 : i32 to vector<16xi32>
      %select_n3A_1295 = arith.select %lt3A_1289, %get3A_1293, %broadcast_in_dim3A : vector<16xi1>, vector<16xi32>
      %gather3A = tpu.vector_load_idx %arg10[%select_n3A_1295] : memref<16384xi32, #tpu.memory_space<vmem>>[vector<16xi32>], vector<16xi32>,
      %ge3A = vector.broadcast %min3A_138 : i32 to vector<16xi32>
      %ge3A_1296 = arith.cmpi sge, %gather3A, %ge3A : vector<16xi32>
      %and3A_1297 = arith.andi %lt3A_1289, %ge3A_1296 : vector<16xi1>
      %add3A_1298 = arith.constant 1792 : i32
      %add3A_1299 = arith.addi %min3A_138, %add3A_1298 : i32
      %lt3A_1300 = vector.broadcast %add3A_1299 : i32 to vector<16xi32>
      %lt3A_1301 = arith.cmpi slt, %gather3A, %lt3A_1300 : vector<16xi32>
      %and3A_1302 = arith.andi %and3A_1297, %lt3A_1301 : vector<16xi1>
      %gather3A_1303 = tpu.vector_load_idx %arg11[%select_n3A_1295] : memref<16384xi32, #tpu.memory_space<vmem>>[vector<16xi32>], vector<16xi32>,
      %gather3A_1304 = tpu.vector_load_idx %arg12[%select_n3A_1295] : memref<16384xf32, #tpu.memory_space<vmem>>[vector<16xi32>], vector<16xf32>,
      %sub3A_1305 = vector.broadcast %min3A_138 : i32 to vector<16xi32>
      %sub3A_1306 = arith.subi %gather3A, %sub3A_1305 : vector<16xi32>
      %jit3A_1307 = arith.constant 0 : i32
      %broadcast_in_dim3A_1308 = vector.broadcast %jit3A_1307 : i32 to vector<16xi32>
      %select_n3A_1309 = arith.select %and3A_1302, %sub3A_1306, %broadcast_in_dim3A_1308 : vector<16xi1>, vector<16xi32>
      %jit3A_1310 = arith.constant 0 : i32
      %broadcast_in_dim3A_1311 = vector.broadcast %jit3A_1310 : i32 to vector<16xi32>
      %select_n3A_1312 = arith.select %and3A_1302, %gather3A_1303, %broadcast_in_dim3A_1311 : vector<16xi1>, vector<16xi32>
      %gather3A_1313 = tpu.vector_load_idx %arg14[%select_n3A_1312, %select_n3A_1309] masked %and3A_1302 : memref<16x1792xf32, #tpu.memory_space<vmem>>[vector<16xi32>, vector<16xi32>], vector<16xf32>, vector<16xi1>
      %sub3A_1314 = arith.subf %gather3A_1304, %gather3A_1313 : vector<16xf32>
      %mul3A_1315 = arith.mulf %get3A_76, %sub3A_1314 : vector<16xf32>
      %add3A_1316 = arith.addf %gather3A_1313, %mul3A_1315 : vector<16xf32>
      tpu.vector_store_idx %arg14[%select_n3A_1312, %select_n3A_1309], %add3A_1316 masked %and3A_1302 : memref<16x1792xf32, #tpu.memory_space<vmem>>[vector<16xi32>, vector<16xi32>], vector<16xf32>, vector<16xi1>
    }
    %dma_start3A_262 = arith.constant 0 : i32
    %dma_start3A_263 = tpu.memref_slice %arg8[%dma_start3A_262, %min3A_138] : memref<16x1000000xf32, #tpu.memory_space<hbm>> -> memref<16x1792xf32, #tpu.memory_space<hbm>>
    %dma_start3A_264 = arith.constant 0 : i32
    %dma_start3A_265 = tpu.memref_slice %arg8[%dma_start3A_264, %min3A_138] : memref<16x1000000xf32, #tpu.memory_space<hbm>> -> memref<16x1792xf32, #tpu.memory_space<hbm>>
    tpu.enqueue_dma source(%arg14 : memref<16x1792xf32, #tpu.memory_space<vmem>>) target(%dma_start3A_265 : memref<16x1792xf32, #tpu.memory_space<hbm>>) target_semaphore(%arg20 : memref<!tpu.dma_semaphore, #tpu.memory_space<semaphore_mem>>)
    %dma_wait3A_266 = arith.constant 0 : i32
    %dma_wait3A_267 = tpu.memref_slice %arg8[%dma_wait3A_266, %min3A_138] : memref<16x1000000xf32, #tpu.memory_space<hbm>> -> memref<16x1792xf32, #tpu.memory_space<hbm>>
    %dma_wait3A_268 = arith.constant 0 : i32
    %dma_wait3A_269 = tpu.memref_slice %arg8[%dma_wait3A_268, %min3A_138] : memref<16x1000000xf32, #tpu.memory_space<hbm>> -> memref<16x1792xf32, #tpu.memory_space<hbm>>
    tpu.wait_dma2 semaphore(%arg20 : memref<!tpu.dma_semaphore, #tpu.memory_space<semaphore_mem>>) src(%arg14 : memref<16x1792xf32, #tpu.memory_space<vmem>>) dst(%dma_wait3A_269 : memref<16x1792xf32, #tpu.memory_space<hbm>>)
    %add3A_270 = arith.constant 7168 : i32
    %add3A_271 = arith.addi %mul3A_21, %add3A_270 : i32
    %sub3A_272 = arith.constant 1792 : i32
    %sub3A_273 = arith.subi %mul3A_51, %sub3A_272 : i32
    %min3A_274 = arith.minsi %add3A_271, %sub3A_273 : i32
    %dma_start3A_275 = arith.constant 0 : i32
    %dma_start3A_276 = tpu.memref_slice %arg2[%dma_start3A_275, %min3A_274] : memref<16x1000000xf32, #tpu.memory_space<hbm>> -> memref<16x1792xf32, #tpu.memory_space<hbm>>
    %dma_start3A_277 = arith.constant 0 : i32
    %dma_start3A_278 = tpu.memref_slice %arg2[%dma_start3A_277, %min3A_274] : memref<16x1000000xf32, #tpu.memory_space<hbm>> -> memref<16x1792xf32, #tpu.memory_space<hbm>>
    tpu.enqueue_dma source(%dma_start3A_278 : memref<16x1792xf32, #tpu.memory_space<hbm>>) target(%arg14 : memref<16x1792xf32, #tpu.memory_space<vmem>>) target_semaphore(%arg18 : memref<!tpu.dma_semaphore, #tpu.memory_space<semaphore_mem>>)
    %dma_wait3A_279 = arith.constant 0 : i32
    %dma_wait3A_280 = tpu.memref_slice %arg2[%dma_wait3A_279, %min3A_206] : memref<16x1000000xf32, #tpu.memory_space<hbm>> -> memref<16x1792xf32, #tpu.memory_space<hbm>>
    %dma_wait3A_281 = arith.constant 0 : i32
    %dma_wait3A_282 = tpu.memref_slice %arg2[%dma_wait3A_281, %min3A_206] : memref<16x1000000xf32, #tpu.memory_space<hbm>> -> memref<16x1792xf32, #tpu.memory_space<hbm>>
    tpu.wait_dma2 semaphore(%arg19 : memref<!tpu.dma_semaphore, #tpu.memory_space<semaphore_mem>>) src(%dma_wait3A_282 : memref<16x1792xf32, #tpu.memory_space<hbm>>) dst(%arg15 : memref<16x1792xf32, #tpu.memory_space<vmem>>)
    %add3A_283 = arith.constant 16 : i32
    %add3A_284 = arith.addi %scan3A_74, %add3A_283 : i32
    %sub3A_285 = arith.constant 1 : i32
    %sub3A_286 = arith.subi %add3A_284, %sub3A_285 : i32
    %jit3A_287 = arith.constant 16 : i32
    %div3A_288 = arith.divsi %sub3A_286, %jit3A_287 : i32
    %sign3A_289 = arith.constant 0 : i32
    %sign3A_290 = arith.cmpi sgt, %sub3A_286, %sign3A_289 : i32
    %sign3A_291 = arith.extui %sign3A_290 : i1 to i32
    %sign3A_292 = arith.constant 0 : i32
    %sign3A_293 = arith.cmpi slt, %sub3A_286, %sign3A_292 : i32
    %sign3A_294 = arith.extui %sign3A_293 : i1 to i32
    %sign3A_295 = arith.subi %sign3A_291, %sign3A_294 : i32
    %sign3A_296 = arith.constant 0 : i32
    %sign3A_297 = arith.cmpi sgt, %jit3A_287, %sign3A_296 : i32
    %sign3A_298 = arith.extui %sign3A_297 : i1 to i32
    %sign3A_299 = arith.constant 0 : i32
    %sign3A_300 = arith.cmpi slt, %jit3A_287, %sign3A_299 : i32
    %sign3A_301 = arith.extui %sign3A_300 : i1 to i32
    %sign3A_302 = arith.subi %sign3A_298, %sign3A_301 : i32
    %ne3A_303 = arith.cmpi ne, %sign3A_295, %sign3A_302 : i32
    %rem3A_304 = arith.remsi %sub3A_286, %jit3A_287 : i32
    %ne3A_305 = arith.constant 0 : i32
    %ne3A_306 = arith.cmpi ne, %rem3A_304, %ne3A_305 : i32
    %and3A_307 = arith.andi %ne3A_303, %ne3A_306 : i1
    %sub3A_308 = arith.constant 1 : i32
    %sub3A_309 = arith.subi %div3A_288, %sub3A_308 : i32
    %select_n3A_310 = arith.select %and3A_307, %sub3A_309, %div3A_288 : i32
    %sub3A_311 = arith.constant 0 : i32
    %sub3A_312 = arith.subi %select_n3A_310, %sub3A_311 : i32
    %sub3A_313 = arith.constant 1 : i32
    %sub3A_314 = arith.constant 1 : i32
    %sub3A_315 = arith.subi %sub3A_313, %sub3A_314 : i32
    %add3A_316 = arith.addi %sub3A_312, %sub3A_315 : i32
    %div3A_317 = arith.constant 1 : i32
    %div3A_318 = arith.divsi %add3A_316, %div3A_317 : i32
    %while3A_319 = arith.constant 1 : i32
    %while3A_320 = arith.constant 0 : i32
    %while3A_321 = arith.constant 0 : i32
    %while3A_322 = arith.subi %div3A_318, %while3A_321 : i32
    %while3A_323 = arith.addi %while3A_321, %while3A_322 : i32
    %while3A_324 = arith.constant 1 : i32
    %while3A_325 = arith.divsi %while3A_322, %while3A_324 : i32
    %while3A_326 = arith.muli %while3A_325, %while3A_324 : i32
    %while3A_327 = arith.addi %while3A_321, %while3A_326 : i32
    %while3A_328 = arith.constant 1 : i32
    scf.for %while3A_1282 = %while3A_321 to %while3A_327 step %while3A_328  : i32 {
      %mul3A_1283 = arith.muli %while3A_1282, %while3A_319 : i32
      %add3A_1284 = arith.addi %while3A_320, %mul3A_1283 : i32
      %mul3A_1285 = arith.constant 16 : i32
      %mul3A_1286 = arith.muli %add3A_1284, %mul3A_1285 : i32
      %add3A_1287 = vector.broadcast %mul3A_1286 : i32 to vector<16xi32>
      %add3A_1288 = arith.addi %iota3A, %add3A_1287 : vector<16xi32>
      %lt3A = vector.broadcast %scan3A_74 : i32 to vector<16xi32>
      %lt3A_1289 = arith.cmpi slt, %add3A_1288, %lt3A : vector<16xi32>
      %mul3A_1290 = arith.constant 16 : i32
      %mul3A_1291 = arith.muli %add3A_1284, %mul3A_1290 : i32
      %get3A_1292 = arith.index_cast %mul3A_1291 : i32 to index
      %get3A_1293 = tpu.vector_load %arg13[%get3A_1292] {strides = array<i32>} : memref<16400xi32, #tpu.memory_space<vmem>>, vector<16xi32>,
      %jit3A_1294 = arith.constant 0 : i32
      %broadcast_in_dim3A = vector.broadcast %jit3A_1294 : i32 to vector<16xi32>
      %select_n3A_1295 = arith.select %lt3A_1289, %get3A_1293, %broadcast_in_dim3A : vector<16xi1>, vector<16xi32>
      %gather3A = tpu.vector_load_idx %arg10[%select_n3A_1295] : memref<16384xi32, #tpu.memory_space<vmem>>[vector<16xi32>], vector<16xi32>,
      %ge3A = vector.broadcast %min3A_206 : i32 to vector<16xi32>
      %ge3A_1296 = arith.cmpi sge, %gather3A, %ge3A : vector<16xi32>
      %and3A_1297 = arith.andi %lt3A_1289, %ge3A_1296 : vector<16xi1>
      %add3A_1298 = arith.constant 1792 : i32
      %add3A_1299 = arith.addi %min3A_206, %add3A_1298 : i32
      %lt3A_1300 = vector.broadcast %add3A_1299 : i32 to vector<16xi32>
      %lt3A_1301 = arith.cmpi slt, %gather3A, %lt3A_1300 : vector<16xi32>
      %and3A_1302 = arith.andi %and3A_1297, %lt3A_1301 : vector<16xi1>
      %gather3A_1303 = tpu.vector_load_idx %arg11[%select_n3A_1295] : memref<16384xi32, #tpu.memory_space<vmem>>[vector<16xi32>], vector<16xi32>,
      %gather3A_1304 = tpu.vector_load_idx %arg12[%select_n3A_1295] : memref<16384xf32, #tpu.memory_space<vmem>>[vector<16xi32>], vector<16xf32>,
      %sub3A_1305 = vector.broadcast %min3A_206 : i32 to vector<16xi32>
      %sub3A_1306 = arith.subi %gather3A, %sub3A_1305 : vector<16xi32>
      %jit3A_1307 = arith.constant 0 : i32
      %broadcast_in_dim3A_1308 = vector.broadcast %jit3A_1307 : i32 to vector<16xi32>
      %select_n3A_1309 = arith.select %and3A_1302, %sub3A_1306, %broadcast_in_dim3A_1308 : vector<16xi1>, vector<16xi32>
      %jit3A_1310 = arith.constant 0 : i32
      %broadcast_in_dim3A_1311 = vector.broadcast %jit3A_1310 : i32 to vector<16xi32>
      %select_n3A_1312 = arith.select %and3A_1302, %gather3A_1303, %broadcast_in_dim3A_1311 : vector<16xi1>, vector<16xi32>
      %gather3A_1313 = tpu.vector_load_idx %arg15[%select_n3A_1312, %select_n3A_1309] masked %and3A_1302 : memref<16x1792xf32, #tpu.memory_space<vmem>>[vector<16xi32>, vector<16xi32>], vector<16xf32>, vector<16xi1>
      %sub3A_1314 = arith.subf %gather3A_1304, %gather3A_1313 : vector<16xf32>
      %mul3A_1315 = arith.mulf %get3A_76, %sub3A_1314 : vector<16xf32>
      %add3A_1316 = arith.addf %gather3A_1313, %mul3A_1315 : vector<16xf32>
      tpu.vector_store_idx %arg15[%select_n3A_1312, %select_n3A_1309], %add3A_1316 masked %and3A_1302 : memref<16x1792xf32, #tpu.memory_space<vmem>>[vector<16xi32>, vector<16xi32>], vector<16xf32>, vector<16xi1>
    }
    %while3A_329 = arith.constant 1 : i32
    scf.for %while3A_1282 = %while3A_327 to %while3A_323 step %while3A_329  : i32 {
      %mul3A_1283 = arith.muli %while3A_1282, %while3A_319 : i32
      %add3A_1284 = arith.addi %while3A_320, %mul3A_1283 : i32
      %mul3A_1285 = arith.constant 16 : i32
      %mul3A_1286 = arith.muli %add3A_1284, %mul3A_1285 : i32
      %add3A_1287 = vector.broadcast %mul3A_1286 : i32 to vector<16xi32>
      %add3A_1288 = arith.addi %iota3A, %add3A_1287 : vector<16xi32>
      %lt3A = vector.broadcast %scan3A_74 : i32 to vector<16xi32>
      %lt3A_1289 = arith.cmpi slt, %add3A_1288, %lt3A : vector<16xi32>
      %mul3A_1290 = arith.constant 16 : i32
      %mul3A_1291 = arith.muli %add3A_1284, %mul3A_1290 : i32
      %get3A_1292 = arith.index_cast %mul3A_1291 : i32 to index
      %get3A_1293 = tpu.vector_load %arg13[%get3A_1292] {strides = array<i32>} : memref<16400xi32, #tpu.memory_space<vmem>>, vector<16xi32>,
      %jit3A_1294 = arith.constant 0 : i32
      %broadcast_in_dim3A = vector.broadcast %jit3A_1294 : i32 to vector<16xi32>
      %select_n3A_1295 = arith.select %lt3A_1289, %get3A_1293, %broadcast_in_dim3A : vector<16xi1>, vector<16xi32>
      %gather3A = tpu.vector_load_idx %arg10[%select_n3A_1295] : memref<16384xi32, #tpu.memory_space<vmem>>[vector<16xi32>], vector<16xi32>,
      %ge3A = vector.broadcast %min3A_206 : i32 to vector<16xi32>
      %ge3A_1296 = arith.cmpi sge, %gather3A, %ge3A : vector<16xi32>
      %and3A_1297 = arith.andi %lt3A_1289, %ge3A_1296 : vector<16xi1>
      %add3A_1298 = arith.constant 1792 : i32
      %add3A_1299 = arith.addi %min3A_206, %add3A_1298 : i32
      %lt3A_1300 = vector.broadcast %add3A_1299 : i32 to vector<16xi32>
      %lt3A_1301 = arith.cmpi slt, %gather3A, %lt3A_1300 : vector<16xi32>
      %and3A_1302 = arith.andi %and3A_1297, %lt3A_1301 : vector<16xi1>
      %gather3A_1303 = tpu.vector_load_idx %arg11[%select_n3A_1295] : memref<16384xi32, #tpu.memory_space<vmem>>[vector<16xi32>], vector<16xi32>,
      %gather3A_1304 = tpu.vector_load_idx %arg12[%select_n3A_1295] : memref<16384xf32, #tpu.memory_space<vmem>>[vector<16xi32>], vector<16xf32>,
      %sub3A_1305 = vector.broadcast %min3A_206 : i32 to vector<16xi32>
      %sub3A_1306 = arith.subi %gather3A, %sub3A_1305 : vector<16xi32>
      %jit3A_1307 = arith.constant 0 : i32
      %broadcast_in_dim3A_1308 = vector.broadcast %jit3A_1307 : i32 to vector<16xi32>
      %select_n3A_1309 = arith.select %and3A_1302, %sub3A_1306, %broadcast_in_dim3A_1308 : vector<16xi1>, vector<16xi32>
      %jit3A_1310 = arith.constant 0 : i32
      %broadcast_in_dim3A_1311 = vector.broadcast %jit3A_1310 : i32 to vector<16xi32>
      %select_n3A_1312 = arith.select %and3A_1302, %gather3A_1303, %broadcast_in_dim3A_1311 : vector<16xi1>, vector<16xi32>
      %gather3A_1313 = tpu.vector_load_idx %arg15[%select_n3A_1312, %select_n3A_1309] masked %and3A_1302 : memref<16x1792xf32, #tpu.memory_space<vmem>>[vector<16xi32>, vector<16xi32>], vector<16xf32>, vector<16xi1>
      %sub3A_1314 = arith.subf %gather3A_1304, %gather3A_1313 : vector<16xf32>
      %mul3A_1315 = arith.mulf %get3A_76, %sub3A_1314 : vector<16xf32>
      %add3A_1316 = arith.addf %gather3A_1313, %mul3A_1315 : vector<16xf32>
      tpu.vector_store_idx %arg15[%select_n3A_1312, %select_n3A_1309], %add3A_1316 masked %and3A_1302 : memref<16x1792xf32, #tpu.memory_space<vmem>>[vector<16xi32>, vector<16xi32>], vector<16xf32>, vector<16xi1>
    }
    %dma_start3A_330 = arith.constant 0 : i32
    %dma_start3A_331 = tpu.memref_slice %arg8[%dma_start3A_330, %min3A_206] : memref<16x1000000xf32, #tpu.memory_space<hbm>> -> memref<16x1792xf32, #tpu.memory_space<hbm>>
    %dma_start3A_332 = arith.constant 0 : i32
    %dma_start3A_333 = tpu.memref_slice %arg8[%dma_start3A_332, %min3A_206] : memref<16x1000000xf32, #tpu.memory_space<hbm>> -> memref<16x1792xf32, #tpu.memory_space<hbm>>
    tpu.enqueue_dma source(%arg15 : memref<16x1792xf32, #tpu.memory_space<vmem>>) target(%dma_start3A_333 : memref<16x1792xf32, #tpu.memory_space<hbm>>) target_semaphore(%arg21 : memref<!tpu.dma_semaphore, #tpu.memory_space<semaphore_mem>>)
    %dma_wait3A_334 = arith.constant 0 : i32
    %dma_wait3A_335 = tpu.memref_slice %arg8[%dma_wait3A_334, %min3A_206] : memref<16x1000000xf32, #tpu.memory_space<hbm>> -> memref<16x1792xf32, #tpu.memory_space<hbm>>
    %dma_wait3A_336 = arith.constant 0 : i32
    %dma_wait3A_337 = tpu.memref_slice %arg8[%dma_wait3A_336, %min3A_206] : memref<16x1000000xf32, #tpu.memory_space<hbm>> -> memref<16x1792xf32, #tpu.memory_space<hbm>>
    tpu.wait_dma2 semaphore(%arg21 : memref<!tpu.dma_semaphore, #tpu.memory_space<semaphore_mem>>) src(%arg15 : memref<16x1792xf32, #tpu.memory_space<vmem>>) dst(%dma_wait3A_337 : memref<16x1792xf32, #tpu.memory_space<hbm>>)
    %add3A_338 = arith.constant 8960 : i32
    %add3A_339 = arith.addi %mul3A_21, %add3A_338 : i32
    %sub3A_340 = arith.constant 1792 : i32
    %sub3A_341 = arith.subi %mul3A_51, %sub3A_340 : i32
    %min3A_342 = arith.minsi %add3A_339, %sub3A_341 : i32
    %dma_start3A_343 = arith.constant 0 : i32
    %dma_start3A_344 = tpu.memref_slice %arg2[%dma_start3A_343, %min3A_342] : memref<16x1000000xf32, #tpu.memory_space<hbm>> -> memref<16x1792xf32, #tpu.memory_space<hbm>>
    %dma_start3A_345 = arith.constant 0 : i32
    %dma_start3A_346 = tpu.memref_slice %arg2[%dma_start3A_345, %min3A_342] : memref<16x1000000xf32, #tpu.memory_space<hbm>> -> memref<16x1792xf32, #tpu.memory_space<hbm>>
    tpu.enqueue_dma source(%dma_start3A_346 : memref<16x1792xf32, #tpu.memory_space<hbm>>) target(%arg15 : memref<16x1792xf32, #tpu.memory_space<vmem>>) target_semaphore(%arg19 : memref<!tpu.dma_semaphore, #tpu.memory_space<semaphore_mem>>)
    %dma_wait3A_347 = arith.constant 0 : i32
    %dma_wait3A_348 = tpu.memref_slice %arg2[%dma_wait3A_347, %min3A_274] : memref<16x1000000xf32, #tpu.memory_space<hbm>> -> memref<16x1792xf32, #tpu.memory_space<hbm>>
    %dma_wait3A_349 = arith.constant 0 : i32
    %dma_wait3A_350 = tpu.memref_slice %arg2[%dma_wait3A_349, %min3A_274] : memref<16x1000000xf32, #tpu.memory_space<hbm>> -> memref<16x1792xf32, #tpu.memory_space<hbm>>
    tpu.wait_dma2 semaphore(%arg18 : memref<!tpu.dma_semaphore, #tpu.memory_space<semaphore_mem>>) src(%dma_wait3A_350 : memref<16x1792xf32, #tpu.memory_space<hbm>>) dst(%arg14 : memref<16x1792xf32, #tpu.memory_space<vmem>>)
    %add3A_351 = arith.constant 16 : i32
    %add3A_352 = arith.addi %scan3A_74, %add3A_351 : i32
    %sub3A_353 = arith.constant 1 : i32
    %sub3A_354 = arith.subi %add3A_352, %sub3A_353 : i32
    %jit3A_355 = arith.constant 16 : i32
    %div3A_356 = arith.divsi %sub3A_354, %jit3A_355 : i32
    %sign3A_357 = arith.constant 0 : i32
    %sign3A_358 = arith.cmpi sgt, %sub3A_354, %sign3A_357 : i32
    %sign3A_359 = arith.extui %sign3A_358 : i1 to i32
    %sign3A_360 = arith.constant 0 : i32
    %sign3A_361 = arith.cmpi slt, %sub3A_354, %sign3A_360 : i32
    %sign3A_362 = arith.extui %sign3A_361 : i1 to i32
    %sign3A_363 = arith.subi %sign3A_359, %sign3A_362 : i32
    %sign3A_364 = arith.constant 0 : i32
    %sign3A_365 = arith.cmpi sgt, %jit3A_355, %sign3A_364 : i32
    %sign3A_366 = arith.extui %sign3A_365 : i1 to i32
    %sign3A_367 = arith.constant 0 : i32
    %sign3A_368 = arith.cmpi slt, %jit3A_355, %sign3A_367 : i32
    %sign3A_369 = arith.extui %sign3A_368 : i1 to i32
    %sign3A_370 = arith.subi %sign3A_366, %sign3A_369 : i32
    %ne3A_371 = arith.cmpi ne, %sign3A_363, %sign3A_370 : i32
    %rem3A_372 = arith.remsi %sub3A_354, %jit3A_355 : i32
    %ne3A_373 = arith.constant 0 : i32
    %ne3A_374 = arith.cmpi ne, %rem3A_372, %ne3A_373 : i32
    %and3A_375 = arith.andi %ne3A_371, %ne3A_374 : i1
    %sub3A_376 = arith.constant 1 : i32
    %sub3A_377 = arith.subi %div3A_356, %sub3A_376 : i32
    %select_n3A_378 = arith.select %and3A_375, %sub3A_377, %div3A_356 : i32
    %sub3A_379 = arith.constant 0 : i32
    %sub3A_380 = arith.subi %select_n3A_378, %sub3A_379 : i32
    %sub3A_381 = arith.constant 1 : i32
    %sub3A_382 = arith.constant 1 : i32
    %sub3A_383 = arith.subi %sub3A_381, %sub3A_382 : i32
    %add3A_384 = arith.addi %sub3A_380, %sub3A_383 : i32
    %div3A_385 = arith.constant 1 : i32
    %div3A_386 = arith.divsi %add3A_384, %div3A_385 : i32
    %while3A_387 = arith.constant 1 : i32
    %while3A_388 = arith.constant 0 : i32
    %while3A_389 = arith.constant 0 : i32
    %while3A_390 = arith.subi %div3A_386, %while3A_389 : i32
    %while3A_391 = arith.addi %while3A_389, %while3A_390 : i32
    %while3A_392 = arith.constant 1 : i32
    %while3A_393 = arith.divsi %while3A_390, %while3A_392 : i32
    %while3A_394 = arith.muli %while3A_393, %while3A_392 : i32
    %while3A_395 = arith.addi %while3A_389, %while3A_394 : i32
    %while3A_396 = arith.constant 1 : i32
    scf.for %while3A_1282 = %while3A_389 to %while3A_395 step %while3A_396  : i32 {
      %mul3A_1283 = arith.muli %while3A_1282, %while3A_387 : i32
      %add3A_1284 = arith.addi %while3A_388, %mul3A_1283 : i32
      %mul3A_1285 = arith.constant 16 : i32
      %mul3A_1286 = arith.muli %add3A_1284, %mul3A_1285 : i32
      %add3A_1287 = vector.broadcast %mul3A_1286 : i32 to vector<16xi32>
      %add3A_1288 = arith.addi %iota3A, %add3A_1287 : vector<16xi32>
      %lt3A = vector.broadcast %scan3A_74 : i32 to vector<16xi32>
      %lt3A_1289 = arith.cmpi slt, %add3A_1288, %lt3A : vector<16xi32>
      %mul3A_1290 = arith.constant 16 : i32
      %mul3A_1291 = arith.muli %add3A_1284, %mul3A_1290 : i32
      %get3A_1292 = arith.index_cast %mul3A_1291 : i32 to index
      %get3A_1293 = tpu.vector_load %arg13[%get3A_1292] {strides = array<i32>} : memref<16400xi32, #tpu.memory_space<vmem>>, vector<16xi32>,
      %jit3A_1294 = arith.constant 0 : i32
      %broadcast_in_dim3A = vector.broadcast %jit3A_1294 : i32 to vector<16xi32>
      %select_n3A_1295 = arith.select %lt3A_1289, %get3A_1293, %broadcast_in_dim3A : vector<16xi1>, vector<16xi32>
      %gather3A = tpu.vector_load_idx %arg10[%select_n3A_1295] : memref<16384xi32, #tpu.memory_space<vmem>>[vector<16xi32>], vector<16xi32>,
      %ge3A = vector.broadcast %min3A_274 : i32 to vector<16xi32>
      %ge3A_1296 = arith.cmpi sge, %gather3A, %ge3A : vector<16xi32>
      %and3A_1297 = arith.andi %lt3A_1289, %ge3A_1296 : vector<16xi1>
      %add3A_1298 = arith.constant 1792 : i32
      %add3A_1299 = arith.addi %min3A_274, %add3A_1298 : i32
      %lt3A_1300 = vector.broadcast %add3A_1299 : i32 to vector<16xi32>
      %lt3A_1301 = arith.cmpi slt, %gather3A, %lt3A_1300 : vector<16xi32>
      %and3A_1302 = arith.andi %and3A_1297, %lt3A_1301 : vector<16xi1>
      %gather3A_1303 = tpu.vector_load_idx %arg11[%select_n3A_1295] : memref<16384xi32, #tpu.memory_space<vmem>>[vector<16xi32>], vector<16xi32>,
      %gather3A_1304 = tpu.vector_load_idx %arg12[%select_n3A_1295] : memref<16384xf32, #tpu.memory_space<vmem>>[vector<16xi32>], vector<16xf32>,
      %sub3A_1305 = vector.broadcast %min3A_274 : i32 to vector<16xi32>
      %sub3A_1306 = arith.subi %gather3A, %sub3A_1305 : vector<16xi32>
      %jit3A_1307 = arith.constant 0 : i32
      %broadcast_in_dim3A_1308 = vector.broadcast %jit3A_1307 : i32 to vector<16xi32>
      %select_n3A_1309 = arith.select %and3A_1302, %sub3A_1306, %broadcast_in_dim3A_1308 : vector<16xi1>, vector<16xi32>
      %jit3A_1310 = arith.constant 0 : i32
      %broadcast_in_dim3A_1311 = vector.broadcast %jit3A_1310 : i32 to vector<16xi32>
      %select_n3A_1312 = arith.select %and3A_1302, %gather3A_1303, %broadcast_in_dim3A_1311 : vector<16xi1>, vector<16xi32>
      %gather3A_1313 = tpu.vector_load_idx %arg14[%select_n3A_1312, %select_n3A_1309] masked %and3A_1302 : memref<16x1792xf32, #tpu.memory_space<vmem>>[vector<16xi32>, vector<16xi32>], vector<16xf32>, vector<16xi1>
      %sub3A_1314 = arith.subf %gather3A_1304, %gather3A_1313 : vector<16xf32>
      %mul3A_1315 = arith.mulf %get3A_76, %sub3A_1314 : vector<16xf32>
      %add3A_1316 = arith.addf %gather3A_1313, %mul3A_1315 : vector<16xf32>
      tpu.vector_store_idx %arg14[%select_n3A_1312, %select_n3A_1309], %add3A_1316 masked %and3A_1302 : memref<16x1792xf32, #tpu.memory_space<vmem>>[vector<16xi32>, vector<16xi32>], vector<16xf32>, vector<16xi1>
    }
    %while3A_397 = arith.constant 1 : i32
    scf.for %while3A_1282 = %while3A_395 to %while3A_391 step %while3A_397  : i32 {
      %mul3A_1283 = arith.muli %while3A_1282, %while3A_387 : i32
      %add3A_1284 = arith.addi %while3A_388, %mul3A_1283 : i32
      %mul3A_1285 = arith.constant 16 : i32
      %mul3A_1286 = arith.muli %add3A_1284, %mul3A_1285 : i32
      %add3A_1287 = vector.broadcast %mul3A_1286 : i32 to vector<16xi32>
      %add3A_1288 = arith.addi %iota3A, %add3A_1287 : vector<16xi32>
      %lt3A = vector.broadcast %scan3A_74 : i32 to vector<16xi32>
      %lt3A_1289 = arith.cmpi slt, %add3A_1288, %lt3A : vector<16xi32>
      %mul3A_1290 = arith.constant 16 : i32
      %mul3A_1291 = arith.muli %add3A_1284, %mul3A_1290 : i32
      %get3A_1292 = arith.index_cast %mul3A_1291 : i32 to index
      %get3A_1293 = tpu.vector_load %arg13[%get3A_1292] {strides = array<i32>} : memref<16400xi32, #tpu.memory_space<vmem>>, vector<16xi32>,
      %jit3A_1294 = arith.constant 0 : i32
      %broadcast_in_dim3A = vector.broadcast %jit3A_1294 : i32 to vector<16xi32>
      %select_n3A_1295 = arith.select %lt3A_1289, %get3A_1293, %broadcast_in_dim3A : vector<16xi1>, vector<16xi32>
      %gather3A = tpu.vector_load_idx %arg10[%select_n3A_1295] : memref<16384xi32, #tpu.memory_space<vmem>>[vector<16xi32>], vector<16xi32>,
      %ge3A = vector.broadcast %min3A_274 : i32 to vector<16xi32>
      %ge3A_1296 = arith.cmpi sge, %gather3A, %ge3A : vector<16xi32>
      %and3A_1297 = arith.andi %lt3A_1289, %ge3A_1296 : vector<16xi1>
      %add3A_1298 = arith.constant 1792 : i32
      %add3A_1299 = arith.addi %min3A_274, %add3A_1298 : i32
      %lt3A_1300 = vector.broadcast %add3A_1299 : i32 to vector<16xi32>
      %lt3A_1301 = arith.cmpi slt, %gather3A, %lt3A_1300 : vector<16xi32>
      %and3A_1302 = arith.andi %and3A_1297, %lt3A_1301 : vector<16xi1>
      %gather3A_1303 = tpu.vector_load_idx %arg11[%select_n3A_1295] : memref<16384xi32, #tpu.memory_space<vmem>>[vector<16xi32>], vector<16xi32>,
      %gather3A_1304 = tpu.vector_load_idx %arg12[%select_n3A_1295] : memref<16384xf32, #tpu.memory_space<vmem>>[vector<16xi32>], vector<16xf32>,
      %sub3A_1305 = vector.broadcast %min3A_274 : i32 to vector<16xi32>
      %sub3A_1306 = arith.subi %gather3A, %sub3A_1305 : vector<16xi32>
      %jit3A_1307 = arith.constant 0 : i32
      %broadcast_in_dim3A_1308 = vector.broadcast %jit3A_1307 : i32 to vector<16xi32>
      %select_n3A_1309 = arith.select %and3A_1302, %sub3A_1306, %broadcast_in_dim3A_1308 : vector<16xi1>, vector<16xi32>
      %jit3A_1310 = arith.constant 0 : i32
      %broadcast_in_dim3A_1311 = vector.broadcast %jit3A_1310 : i32 to vector<16xi32>
      %select_n3A_1312 = arith.select %and3A_1302, %gather3A_1303, %broadcast_in_dim3A_1311 : vector<16xi1>, vector<16xi32>
      %gather3A_1313 = tpu.vector_load_idx %arg14[%select_n3A_1312, %select_n3A_1309] masked %and3A_1302 : memref<16x1792xf32, #tpu.memory_space<vmem>>[vector<16xi32>, vector<16xi32>], vector<16xf32>, vector<16xi1>
      %sub3A_1314 = arith.subf %gather3A_1304, %gather3A_1313 : vector<16xf32>
      %mul3A_1315 = arith.mulf %get3A_76, %sub3A_1314 : vector<16xf32>
      %add3A_1316 = arith.addf %gather3A_1313, %mul3A_1315 : vector<16xf32>
      tpu.vector_store_idx %arg14[%select_n3A_1312, %select_n3A_1309], %add3A_1316 masked %and3A_1302 : memref<16x1792xf32, #tpu.memory_space<vmem>>[vector<16xi32>, vector<16xi32>], vector<16xf32>, vector<16xi1>
    }
    %dma_start3A_398 = arith.constant 0 : i32
    %dma_start3A_399 = tpu.memref_slice %arg8[%dma_start3A_398, %min3A_274] : memref<16x1000000xf32, #tpu.memory_space<hbm>> -> memref<16x1792xf32, #tpu.memory_space<hbm>>
    %dma_start3A_400 = arith.constant 0 : i32
    %dma_start3A_401 = tpu.memref_slice %arg8[%dma_start3A_400, %min3A_274] : memref<16x1000000xf32, #tpu.memory_space<hbm>> -> memref<16x1792xf32, #tpu.memory_space<hbm>>
    tpu.enqueue_dma source(%arg14 : memref<16x1792xf32, #tpu.memory_space<vmem>>) target(%dma_start3A_401 : memref<16x1792xf32, #tpu.memory_space<hbm>>) target_semaphore(%arg20 : memref<!tpu.dma_semaphore, #tpu.memory_space<semaphore_mem>>)
    %dma_wait3A_402 = arith.constant 0 : i32
    %dma_wait3A_403 = tpu.memref_slice %arg8[%dma_wait3A_402, %min3A_274] : memref<16x1000000xf32, #tpu.memory_space<hbm>> -> memref<16x1792xf32, #tpu.memory_space<hbm>>
    %dma_wait3A_404 = arith.constant 0 : i32
    %dma_wait3A_405 = tpu.memref_slice %arg8[%dma_wait3A_404, %min3A_274] : memref<16x1000000xf32, #tpu.memory_space<hbm>> -> memref<16x1792xf32, #tpu.memory_space<hbm>>
    tpu.wait_dma2 semaphore(%arg20 : memref<!tpu.dma_semaphore, #tpu.memory_space<semaphore_mem>>) src(%arg14 : memref<16x1792xf32, #tpu.memory_space<vmem>>) dst(%dma_wait3A_405 : memref<16x1792xf32, #tpu.memory_space<hbm>>)
    %add3A_406 = arith.constant 10752 : i32
    %add3A_407 = arith.addi %mul3A_21, %add3A_406 : i32
    %sub3A_408 = arith.constant 1792 : i32
    %sub3A_409 = arith.subi %mul3A_51, %sub3A_408 : i32
    %min3A_410 = arith.minsi %add3A_407, %sub3A_409 : i32
    %dma_start3A_411 = arith.constant 0 : i32
    %dma_start3A_412 = tpu.memref_slice %arg2[%dma_start3A_411, %min3A_410] : memref<16x1000000xf32, #tpu.memory_space<hbm>> -> memref<16x1792xf32, #tpu.memory_space<hbm>>
    %dma_start3A_413 = arith.constant 0 : i32
    %dma_start3A_414 = tpu.memref_slice %arg2[%dma_start3A_413, %min3A_410] : memref<16x1000000xf32, #tpu.memory_space<hbm>> -> memref<16x1792xf32, #tpu.memory_space<hbm>>
    tpu.enqueue_dma source(%dma_start3A_414 : memref<16x1792xf32, #tpu.memory_space<hbm>>) target(%arg14 : memref<16x1792xf32, #tpu.memory_space<vmem>>) target_semaphore(%arg18 : memref<!tpu.dma_semaphore, #tpu.memory_space<semaphore_mem>>)
    %dma_wait3A_415 = arith.constant 0 : i32
    %dma_wait3A_416 = tpu.memref_slice %arg2[%dma_wait3A_415, %min3A_342] : memref<16x1000000xf32, #tpu.memory_space<hbm>> -> memref<16x1792xf32, #tpu.memory_space<hbm>>
    %dma_wait3A_417 = arith.constant 0 : i32
    %dma_wait3A_418 = tpu.memref_slice %arg2[%dma_wait3A_417, %min3A_342] : memref<16x1000000xf32, #tpu.memory_space<hbm>> -> memref<16x1792xf32, #tpu.memory_space<hbm>>
    tpu.wait_dma2 semaphore(%arg19 : memref<!tpu.dma_semaphore, #tpu.memory_space<semaphore_mem>>) src(%dma_wait3A_418 : memref<16x1792xf32, #tpu.memory_space<hbm>>) dst(%arg15 : memref<16x1792xf32, #tpu.memory_space<vmem>>)
    %add3A_419 = arith.constant 16 : i32
    %add3A_420 = arith.addi %scan3A_74, %add3A_419 : i32
    %sub3A_421 = arith.constant 1 : i32
    %sub3A_422 = arith.subi %add3A_420, %sub3A_421 : i32
    %jit3A_423 = arith.constant 16 : i32
    %div3A_424 = arith.divsi %sub3A_422, %jit3A_423 : i32
    %sign3A_425 = arith.constant 0 : i32
    %sign3A_426 = arith.cmpi sgt, %sub3A_422, %sign3A_425 : i32
    %sign3A_427 = arith.extui %sign3A_426 : i1 to i32
    %sign3A_428 = arith.constant 0 : i32
    %sign3A_429 = arith.cmpi slt, %sub3A_422, %sign3A_428 : i32
    %sign3A_430 = arith.extui %sign3A_429 : i1 to i32
    %sign3A_431 = arith.subi %sign3A_427, %sign3A_430 : i32
    %sign3A_432 = arith.constant 0 : i32
    %sign3A_433 = arith.cmpi sgt, %jit3A_423, %sign3A_432 : i32
    %sign3A_434 = arith.extui %sign3A_433 : i1 to i32
    %sign3A_435 = arith.constant 0 : i32
    %sign3A_436 = arith.cmpi slt, %jit3A_423, %sign3A_435 : i32
    %sign3A_437 = arith.extui %sign3A_436 : i1 to i32
    %sign3A_438 = arith.subi %sign3A_434, %sign3A_437 : i32
    %ne3A_439 = arith.cmpi ne, %sign3A_431, %sign3A_438 : i32
    %rem3A_440 = arith.remsi %sub3A_422, %jit3A_423 : i32
    %ne3A_441 = arith.constant 0 : i32
    %ne3A_442 = arith.cmpi ne, %rem3A_440, %ne3A_441 : i32
    %and3A_443 = arith.andi %ne3A_439, %ne3A_442 : i1
    %sub3A_444 = arith.constant 1 : i32
    %sub3A_445 = arith.subi %div3A_424, %sub3A_444 : i32
    %select_n3A_446 = arith.select %and3A_443, %sub3A_445, %div3A_424 : i32
    %sub3A_447 = arith.constant 0 : i32
    %sub3A_448 = arith.subi %select_n3A_446, %sub3A_447 : i32
    %sub3A_449 = arith.constant 1 : i32
    %sub3A_450 = arith.constant 1 : i32
    %sub3A_451 = arith.subi %sub3A_449, %sub3A_450 : i32
    %add3A_452 = arith.addi %sub3A_448, %sub3A_451 : i32
    %div3A_453 = arith.constant 1 : i32
    %div3A_454 = arith.divsi %add3A_452, %div3A_453 : i32
    %while3A_455 = arith.constant 1 : i32
    %while3A_456 = arith.constant 0 : i32
    %while3A_457 = arith.constant 0 : i32
    %while3A_458 = arith.subi %div3A_454, %while3A_457 : i32
    %while3A_459 = arith.addi %while3A_457, %while3A_458 : i32
    %while3A_460 = arith.constant 1 : i32
    %while3A_461 = arith.divsi %while3A_458, %while3A_460 : i32
    %while3A_462 = arith.muli %while3A_461, %while3A_460 : i32
    %while3A_463 = arith.addi %while3A_457, %while3A_462 : i32
    %while3A_464 = arith.constant 1 : i32
    scf.for %while3A_1282 = %while3A_457 to %while3A_463 step %while3A_464  : i32 {
      %mul3A_1283 = arith.muli %while3A_1282, %while3A_455 : i32
      %add3A_1284 = arith.addi %while3A_456, %mul3A_1283 : i32
      %mul3A_1285 = arith.constant 16 : i32
      %mul3A_1286 = arith.muli %add3A_1284, %mul3A_1285 : i32
      %add3A_1287 = vector.broadcast %mul3A_1286 : i32 to vector<16xi32>
      %add3A_1288 = arith.addi %iota3A, %add3A_1287 : vector<16xi32>
      %lt3A = vector.broadcast %scan3A_74 : i32 to vector<16xi32>
      %lt3A_1289 = arith.cmpi slt, %add3A_1288, %lt3A : vector<16xi32>
      %mul3A_1290 = arith.constant 16 : i32
      %mul3A_1291 = arith.muli %add3A_1284, %mul3A_1290 : i32
      %get3A_1292 = arith.index_cast %mul3A_1291 : i32 to index
      %get3A_1293 = tpu.vector_load %arg13[%get3A_1292] {strides = array<i32>} : memref<16400xi32, #tpu.memory_space<vmem>>, vector<16xi32>,
      %jit3A_1294 = arith.constant 0 : i32
      %broadcast_in_dim3A = vector.broadcast %jit3A_1294 : i32 to vector<16xi32>
      %select_n3A_1295 = arith.select %lt3A_1289, %get3A_1293, %broadcast_in_dim3A : vector<16xi1>, vector<16xi32>
      %gather3A = tpu.vector_load_idx %arg10[%select_n3A_1295] : memref<16384xi32, #tpu.memory_space<vmem>>[vector<16xi32>], vector<16xi32>,
      %ge3A = vector.broadcast %min3A_342 : i32 to vector<16xi32>
      %ge3A_1296 = arith.cmpi sge, %gather3A, %ge3A : vector<16xi32>
      %and3A_1297 = arith.andi %lt3A_1289, %ge3A_1296 : vector<16xi1>
      %add3A_1298 = arith.constant 1792 : i32
      %add3A_1299 = arith.addi %min3A_342, %add3A_1298 : i32
      %lt3A_1300 = vector.broadcast %add3A_1299 : i32 to vector<16xi32>
      %lt3A_1301 = arith.cmpi slt, %gather3A, %lt3A_1300 : vector<16xi32>
      %and3A_1302 = arith.andi %and3A_1297, %lt3A_1301 : vector<16xi1>
      %gather3A_1303 = tpu.vector_load_idx %arg11[%select_n3A_1295] : memref<16384xi32, #tpu.memory_space<vmem>>[vector<16xi32>], vector<16xi32>,
      %gather3A_1304 = tpu.vector_load_idx %arg12[%select_n3A_1295] : memref<16384xf32, #tpu.memory_space<vmem>>[vector<16xi32>], vector<16xf32>,
      %sub3A_1305 = vector.broadcast %min3A_342 : i32 to vector<16xi32>
      %sub3A_1306 = arith.subi %gather3A, %sub3A_1305 : vector<16xi32>
      %jit3A_1307 = arith.constant 0 : i32
      %broadcast_in_dim3A_1308 = vector.broadcast %jit3A_1307 : i32 to vector<16xi32>
      %select_n3A_1309 = arith.select %and3A_1302, %sub3A_1306, %broadcast_in_dim3A_1308 : vector<16xi1>, vector<16xi32>
      %jit3A_1310 = arith.constant 0 : i32
      %broadcast_in_dim3A_1311 = vector.broadcast %jit3A_1310 : i32 to vector<16xi32>
      %select_n3A_1312 = arith.select %and3A_1302, %gather3A_1303, %broadcast_in_dim3A_1311 : vector<16xi1>, vector<16xi32>
      %gather3A_1313 = tpu.vector_load_idx %arg15[%select_n3A_1312, %select_n3A_1309] masked %and3A_1302 : memref<16x1792xf32, #tpu.memory_space<vmem>>[vector<16xi32>, vector<16xi32>], vector<16xf32>, vector<16xi1>
      %sub3A_1314 = arith.subf %gather3A_1304, %gather3A_1313 : vector<16xf32>
      %mul3A_1315 = arith.mulf %get3A_76, %sub3A_1314 : vector<16xf32>
      %add3A_1316 = arith.addf %gather3A_1313, %mul3A_1315 : vector<16xf32>
      tpu.vector_store_idx %arg15[%select_n3A_1312, %select_n3A_1309], %add3A_1316 masked %and3A_1302 : memref<16x1792xf32, #tpu.memory_space<vmem>>[vector<16xi32>, vector<16xi32>], vector<16xf32>, vector<16xi1>
    }
    %while3A_465 = arith.constant 1 : i32
    scf.for %while3A_1282 = %while3A_463 to %while3A_459 step %while3A_465  : i32 {
      %mul3A_1283 = arith.muli %while3A_1282, %while3A_455 : i32
      %add3A_1284 = arith.addi %while3A_456, %mul3A_1283 : i32
      %mul3A_1285 = arith.constant 16 : i32
      %mul3A_1286 = arith.muli %add3A_1284, %mul3A_1285 : i32
      %add3A_1287 = vector.broadcast %mul3A_1286 : i32 to vector<16xi32>
      %add3A_1288 = arith.addi %iota3A, %add3A_1287 : vector<16xi32>
      %lt3A = vector.broadcast %scan3A_74 : i32 to vector<16xi32>
      %lt3A_1289 = arith.cmpi slt, %add3A_1288, %lt3A : vector<16xi32>
      %mul3A_1290 = arith.constant 16 : i32
      %mul3A_1291 = arith.muli %add3A_1284, %mul3A_1290 : i32
      %get3A_1292 = arith.index_cast %mul3A_1291 : i32 to index
      %get3A_1293 = tpu.vector_load %arg13[%get3A_1292] {strides = array<i32>} : memref<16400xi32, #tpu.memory_space<vmem>>, vector<16xi32>,
      %jit3A_1294 = arith.constant 0 : i32
      %broadcast_in_dim3A = vector.broadcast %jit3A_1294 : i32 to vector<16xi32>
      %select_n3A_1295 = arith.select %lt3A_1289, %get3A_1293, %broadcast_in_dim3A : vector<16xi1>, vector<16xi32>
      %gather3A = tpu.vector_load_idx %arg10[%select_n3A_1295] : memref<16384xi32, #tpu.memory_space<vmem>>[vector<16xi32>], vector<16xi32>,
      %ge3A = vector.broadcast %min3A_342 : i32 to vector<16xi32>
      %ge3A_1296 = arith.cmpi sge, %gather3A, %ge3A : vector<16xi32>
      %and3A_1297 = arith.andi %lt3A_1289, %ge3A_1296 : vector<16xi1>
      %add3A_1298 = arith.constant 1792 : i32
      %add3A_1299 = arith.addi %min3A_342, %add3A_1298 : i32
      %lt3A_1300 = vector.broadcast %add3A_1299 : i32 to vector<16xi32>
      %lt3A_1301 = arith.cmpi slt, %gather3A, %lt3A_1300 : vector<16xi32>
      %and3A_1302 = arith.andi %and3A_1297, %lt3A_1301 : vector<16xi1>
      %gather3A_1303 = tpu.vector_load_idx %arg11[%select_n3A_1295] : memref<16384xi32, #tpu.memory_space<vmem>>[vector<16xi32>], vector<16xi32>,
      %gather3A_1304 = tpu.vector_load_idx %arg12[%select_n3A_1295] : memref<16384xf32, #tpu.memory_space<vmem>>[vector<16xi32>], vector<16xf32>,
      %sub3A_1305 = vector.broadcast %min3A_342 : i32 to vector<16xi32>
      %sub3A_1306 = arith.subi %gather3A, %sub3A_1305 : vector<16xi32>
      %jit3A_1307 = arith.constant 0 : i32
      %broadcast_in_dim3A_1308 = vector.broadcast %jit3A_1307 : i32 to vector<16xi32>
      %select_n3A_1309 = arith.select %and3A_1302, %sub3A_1306, %broadcast_in_dim3A_1308 : vector<16xi1>, vector<16xi32>
      %jit3A_1310 = arith.constant 0 : i32
      %broadcast_in_dim3A_1311 = vector.broadcast %jit3A_1310 : i32 to vector<16xi32>
      %select_n3A_1312 = arith.select %and3A_1302, %gather3A_1303, %broadcast_in_dim3A_1311 : vector<16xi1>, vector<16xi32>
      %gather3A_1313 = tpu.vector_load_idx %arg15[%select_n3A_1312, %select_n3A_1309] masked %and3A_1302 : memref<16x1792xf32, #tpu.memory_space<vmem>>[vector<16xi32>, vector<16xi32>], vector<16xf32>, vector<16xi1>
      %sub3A_1314 = arith.subf %gather3A_1304, %gather3A_1313 : vector<16xf32>
      %mul3A_1315 = arith.mulf %get3A_76, %sub3A_1314 : vector<16xf32>
      %add3A_1316 = arith.addf %gather3A_1313, %mul3A_1315 : vector<16xf32>
      tpu.vector_store_idx %arg15[%select_n3A_1312, %select_n3A_1309], %add3A_1316 masked %and3A_1302 : memref<16x1792xf32, #tpu.memory_space<vmem>>[vector<16xi32>, vector<16xi32>], vector<16xf32>, vector<16xi1>
    }
    %dma_start3A_466 = arith.constant 0 : i32
    %dma_start3A_467 = tpu.memref_slice %arg8[%dma_start3A_466, %min3A_342] : memref<16x1000000xf32, #tpu.memory_space<hbm>> -> memref<16x1792xf32, #tpu.memory_space<hbm>>
    %dma_start3A_468 = arith.constant 0 : i32
    %dma_start3A_469 = tpu.memref_slice %arg8[%dma_start3A_468, %min3A_342] : memref<16x1000000xf32, #tpu.memory_space<hbm>> -> memref<16x1792xf32, #tpu.memory_space<hbm>>
    tpu.enqueue_dma source(%arg15 : memref<16x1792xf32, #tpu.memory_space<vmem>>) target(%dma_start3A_469 : memref<16x1792xf32, #tpu.memory_space<hbm>>) target_semaphore(%arg21 : memref<!tpu.dma_semaphore, #tpu.memory_space<semaphore_mem>>)
    %dma_wait3A_470 = arith.constant 0 : i32
    %dma_wait3A_471 = tpu.memref_slice %arg8[%dma_wait3A_470, %min3A_342] : memref<16x1000000xf32, #tpu.memory_space<hbm>> -> memref<16x1792xf32, #tpu.memory_space<hbm>>
    %dma_wait3A_472 = arith.constant 0 : i32
    %dma_wait3A_473 = tpu.memref_slice %arg8[%dma_wait3A_472, %min3A_342] : memref<16x1000000xf32, #tpu.memory_space<hbm>> -> memref<16x1792xf32, #tpu.memory_space<hbm>>
    tpu.wait_dma2 semaphore(%arg21 : memref<!tpu.dma_semaphore, #tpu.memory_space<semaphore_mem>>) src(%arg15 : memref<16x1792xf32, #tpu.memory_space<vmem>>) dst(%dma_wait3A_473 : memref<16x1792xf32, #tpu.memory_space<hbm>>)
    %add3A_474 = arith.constant 12544 : i32
    %add3A_475 = arith.addi %mul3A_21, %add3A_474 : i32
    %sub3A_476 = arith.constant 1792 : i32
    %sub3A_477 = arith.subi %mul3A_51, %sub3A_476 : i32
    %min3A_478 = arith.minsi %add3A_475, %sub3A_477 : i32
    %dma_start3A_479 = arith.constant 0 : i32
    %dma_start3A_480 = tpu.memref_slice %arg2[%dma_start3A_479, %min3A_478] : memref<16x1000000xf32, #tpu.memory_space<hbm>> -> memref<16x1792xf32, #tpu.memory_space<hbm>>
    %dma_start3A_481 = arith.constant 0 : i32
    %dma_start3A_482 = tpu.memref_slice %arg2[%dma_start3A_481, %min3A_478] : memref<16x1000000xf32, #tpu.memory_space<hbm>> -> memref<16x1792xf32, #tpu.memory_space<hbm>>
    tpu.enqueue_dma source(%dma_start3A_482 : memref<16x1792xf32, #tpu.memory_space<hbm>>) target(%arg15 : memref<16x1792xf32, #tpu.memory_space<vmem>>) target_semaphore(%arg19 : memref<!tpu.dma_semaphore, #tpu.memory_space<semaphore_mem>>)
    %dma_wait3A_483 = arith.constant 0 : i32
    %dma_wait3A_484 = tpu.memref_slice %arg2[%dma_wait3A_483, %min3A_410] : memref<16x1000000xf32, #tpu.memory_space<hbm>> -> memref<16x1792xf32, #tpu.memory_space<hbm>>
    %dma_wait3A_485 = arith.constant 0 : i32
    %dma_wait3A_486 = tpu.memref_slice %arg2[%dma_wait3A_485, %min3A_410] : memref<16x1000000xf32, #tpu.memory_space<hbm>> -> memref<16x1792xf32, #tpu.memory_space<hbm>>
    tpu.wait_dma2 semaphore(%arg18 : memref<!tpu.dma_semaphore, #tpu.memory_space<semaphore_mem>>) src(%dma_wait3A_486 : memref<16x1792xf32, #tpu.memory_space<hbm>>) dst(%arg14 : memref<16x1792xf32, #tpu.memory_space<vmem>>)
    %add3A_487 = arith.constant 16 : i32
    %add3A_488 = arith.addi %scan3A_74, %add3A_487 : i32
    %sub3A_489 = arith.constant 1 : i32
    %sub3A_490 = arith.subi %add3A_488, %sub3A_489 : i32
    %jit3A_491 = arith.constant 16 : i32
    %div3A_492 = arith.divsi %sub3A_490, %jit3A_491 : i32
    %sign3A_493 = arith.constant 0 : i32
    %sign3A_494 = arith.cmpi sgt, %sub3A_490, %sign3A_493 : i32
    %sign3A_495 = arith.extui %sign3A_494 : i1 to i32
    %sign3A_496 = arith.constant 0 : i32
    %sign3A_497 = arith.cmpi slt, %sub3A_490, %sign3A_496 : i32
    %sign3A_498 = arith.extui %sign3A_497 : i1 to i32
    %sign3A_499 = arith.subi %sign3A_495, %sign3A_498 : i32
    %sign3A_500 = arith.constant 0 : i32
    %sign3A_501 = arith.cmpi sgt, %jit3A_491, %sign3A_500 : i32
    %sign3A_502 = arith.extui %sign3A_501 : i1 to i32
    %sign3A_503 = arith.constant 0 : i32
    %sign3A_504 = arith.cmpi slt, %jit3A_491, %sign3A_503 : i32
    %sign3A_505 = arith.extui %sign3A_504 : i1 to i32
    %sign3A_506 = arith.subi %sign3A_502, %sign3A_505 : i32
    %ne3A_507 = arith.cmpi ne, %sign3A_499, %sign3A_506 : i32
    %rem3A_508 = arith.remsi %sub3A_490, %jit3A_491 : i32
    %ne3A_509 = arith.constant 0 : i32
    %ne3A_510 = arith.cmpi ne, %rem3A_508, %ne3A_509 : i32
    %and3A_511 = arith.andi %ne3A_507, %ne3A_510 : i1
    %sub3A_512 = arith.constant 1 : i32
    %sub3A_513 = arith.subi %div3A_492, %sub3A_512 : i32
    %select_n3A_514 = arith.select %and3A_511, %sub3A_513, %div3A_492 : i32
    %sub3A_515 = arith.constant 0 : i32
    %sub3A_516 = arith.subi %select_n3A_514, %sub3A_515 : i32
    %sub3A_517 = arith.constant 1 : i32
    %sub3A_518 = arith.constant 1 : i32
    %sub3A_519 = arith.subi %sub3A_517, %sub3A_518 : i32
    %add3A_520 = arith.addi %sub3A_516, %sub3A_519 : i32
    %div3A_521 = arith.constant 1 : i32
    %div3A_522 = arith.divsi %add3A_520, %div3A_521 : i32
    %while3A_523 = arith.constant 1 : i32
    %while3A_524 = arith.constant 0 : i32
    %while3A_525 = arith.constant 0 : i32
    %while3A_526 = arith.subi %div3A_522, %while3A_525 : i32
    %while3A_527 = arith.addi %while3A_525, %while3A_526 : i32
    %while3A_528 = arith.constant 1 : i32
    %while3A_529 = arith.divsi %while3A_526, %while3A_528 : i32
    %while3A_530 = arith.muli %while3A_529, %while3A_528 : i32
    %while3A_531 = arith.addi %while3A_525, %while3A_530 : i32
    %while3A_532 = arith.constant 1 : i32
    scf.for %while3A_1282 = %while3A_525 to %while3A_531 step %while3A_532  : i32 {
      %mul3A_1283 = arith.muli %while3A_1282, %while3A_523 : i32
      %add3A_1284 = arith.addi %while3A_524, %mul3A_1283 : i32
      %mul3A_1285 = arith.constant 16 : i32
      %mul3A_1286 = arith.muli %add3A_1284, %mul3A_1285 : i32
      %add3A_1287 = vector.broadcast %mul3A_1286 : i32 to vector<16xi32>
      %add3A_1288 = arith.addi %iota3A, %add3A_1287 : vector<16xi32>
      %lt3A = vector.broadcast %scan3A_74 : i32 to vector<16xi32>
      %lt3A_1289 = arith.cmpi slt, %add3A_1288, %lt3A : vector<16xi32>
      %mul3A_1290 = arith.constant 16 : i32
      %mul3A_1291 = arith.muli %add3A_1284, %mul3A_1290 : i32
      %get3A_1292 = arith.index_cast %mul3A_1291 : i32 to index
      %get3A_1293 = tpu.vector_load %arg13[%get3A_1292] {strides = array<i32>} : memref<16400xi32, #tpu.memory_space<vmem>>, vector<16xi32>,
      %jit3A_1294 = arith.constant 0 : i32
      %broadcast_in_dim3A = vector.broadcast %jit3A_1294 : i32 to vector<16xi32>
      %select_n3A_1295 = arith.select %lt3A_1289, %get3A_1293, %broadcast_in_dim3A : vector<16xi1>, vector<16xi32>
      %gather3A = tpu.vector_load_idx %arg10[%select_n3A_1295] : memref<16384xi32, #tpu.memory_space<vmem>>[vector<16xi32>], vector<16xi32>,
      %ge3A = vector.broadcast %min3A_410 : i32 to vector<16xi32>
      %ge3A_1296 = arith.cmpi sge, %gather3A, %ge3A : vector<16xi32>
      %and3A_1297 = arith.andi %lt3A_1289, %ge3A_1296 : vector<16xi1>
      %add3A_1298 = arith.constant 1792 : i32
      %add3A_1299 = arith.addi %min3A_410, %add3A_1298 : i32
      %lt3A_1300 = vector.broadcast %add3A_1299 : i32 to vector<16xi32>
      %lt3A_1301 = arith.cmpi slt, %gather3A, %lt3A_1300 : vector<16xi32>
      %and3A_1302 = arith.andi %and3A_1297, %lt3A_1301 : vector<16xi1>
      %gather3A_1303 = tpu.vector_load_idx %arg11[%select_n3A_1295] : memref<16384xi32, #tpu.memory_space<vmem>>[vector<16xi32>], vector<16xi32>,
      %gather3A_1304 = tpu.vector_load_idx %arg12[%select_n3A_1295] : memref<16384xf32, #tpu.memory_space<vmem>>[vector<16xi32>], vector<16xf32>,
      %sub3A_1305 = vector.broadcast %min3A_410 : i32 to vector<16xi32>
      %sub3A_1306 = arith.subi %gather3A, %sub3A_1305 : vector<16xi32>
      %jit3A_1307 = arith.constant 0 : i32
      %broadcast_in_dim3A_1308 = vector.broadcast %jit3A_1307 : i32 to vector<16xi32>
      %select_n3A_1309 = arith.select %and3A_1302, %sub3A_1306, %broadcast_in_dim3A_1308 : vector<16xi1>, vector<16xi32>
      %jit3A_1310 = arith.constant 0 : i32
      %broadcast_in_dim3A_1311 = vector.broadcast %jit3A_1310 : i32 to vector<16xi32>
      %select_n3A_1312 = arith.select %and3A_1302, %gather3A_1303, %broadcast_in_dim3A_1311 : vector<16xi1>, vector<16xi32>
      %gather3A_1313 = tpu.vector_load_idx %arg14[%select_n3A_1312, %select_n3A_1309] masked %and3A_1302 : memref<16x1792xf32, #tpu.memory_space<vmem>>[vector<16xi32>, vector<16xi32>], vector<16xf32>, vector<16xi1>
      %sub3A_1314 = arith.subf %gather3A_1304, %gather3A_1313 : vector<16xf32>
      %mul3A_1315 = arith.mulf %get3A_76, %sub3A_1314 : vector<16xf32>
      %add3A_1316 = arith.addf %gather3A_1313, %mul3A_1315 : vector<16xf32>
      tpu.vector_store_idx %arg14[%select_n3A_1312, %select_n3A_1309], %add3A_1316 masked %and3A_1302 : memref<16x1792xf32, #tpu.memory_space<vmem>>[vector<16xi32>, vector<16xi32>], vector<16xf32>, vector<16xi1>
    }
    %while3A_533 = arith.constant 1 : i32
    scf.for %while3A_1282 = %while3A_531 to %while3A_527 step %while3A_533  : i32 {
      %mul3A_1283 = arith.muli %while3A_1282, %while3A_523 : i32
      %add3A_1284 = arith.addi %while3A_524, %mul3A_1283 : i32
      %mul3A_1285 = arith.constant 16 : i32
      %mul3A_1286 = arith.muli %add3A_1284, %mul3A_1285 : i32
      %add3A_1287 = vector.broadcast %mul3A_1286 : i32 to vector<16xi32>
      %add3A_1288 = arith.addi %iota3A, %add3A_1287 : vector<16xi32>
      %lt3A = vector.broadcast %scan3A_74 : i32 to vector<16xi32>
      %lt3A_1289 = arith.cmpi slt, %add3A_1288, %lt3A : vector<16xi32>
      %mul3A_1290 = arith.constant 16 : i32
      %mul3A_1291 = arith.muli %add3A_1284, %mul3A_1290 : i32
      %get3A_1292 = arith.index_cast %mul3A_1291 : i32 to index
      %get3A_1293 = tpu.vector_load %arg13[%get3A_1292] {strides = array<i32>} : memref<16400xi32, #tpu.memory_space<vmem>>, vector<16xi32>,
      %jit3A_1294 = arith.constant 0 : i32
      %broadcast_in_dim3A = vector.broadcast %jit3A_1294 : i32 to vector<16xi32>
      %select_n3A_1295 = arith.select %lt3A_1289, %get3A_1293, %broadcast_in_dim3A : vector<16xi1>, vector<16xi32>
      %gather3A = tpu.vector_load_idx %arg10[%select_n3A_1295] : memref<16384xi32, #tpu.memory_space<vmem>>[vector<16xi32>], vector<16xi32>,
      %ge3A = vector.broadcast %min3A_410 : i32 to vector<16xi32>
      %ge3A_1296 = arith.cmpi sge, %gather3A, %ge3A : vector<16xi32>
      %and3A_1297 = arith.andi %lt3A_1289, %ge3A_1296 : vector<16xi1>
      %add3A_1298 = arith.constant 1792 : i32
      %add3A_1299 = arith.addi %min3A_410, %add3A_1298 : i32
      %lt3A_1300 = vector.broadcast %add3A_1299 : i32 to vector<16xi32>
      %lt3A_1301 = arith.cmpi slt, %gather3A, %lt3A_1300 : vector<16xi32>
      %and3A_1302 = arith.andi %and3A_1297, %lt3A_1301 : vector<16xi1>
      %gather3A_1303 = tpu.vector_load_idx %arg11[%select_n3A_1295] : memref<16384xi32, #tpu.memory_space<vmem>>[vector<16xi32>], vector<16xi32>,
      %gather3A_1304 = tpu.vector_load_idx %arg12[%select_n3A_1295] : memref<16384xf32, #tpu.memory_space<vmem>>[vector<16xi32>], vector<16xf32>,
      %sub3A_1305 = vector.broadcast %min3A_410 : i32 to vector<16xi32>
      %sub3A_1306 = arith.subi %gather3A, %sub3A_1305 : vector<16xi32>
      %jit3A_1307 = arith.constant 0 : i32
      %broadcast_in_dim3A_1308 = vector.broadcast %jit3A_1307 : i32 to vector<16xi32>
      %select_n3A_1309 = arith.select %and3A_1302, %sub3A_1306, %broadcast_in_dim3A_1308 : vector<16xi1>, vector<16xi32>
      %jit3A_1310 = arith.constant 0 : i32
      %broadcast_in_dim3A_1311 = vector.broadcast %jit3A_1310 : i32 to vector<16xi32>
      %select_n3A_1312 = arith.select %and3A_1302, %gather3A_1303, %broadcast_in_dim3A_1311 : vector<16xi1>, vector<16xi32>
      %gather3A_1313 = tpu.vector_load_idx %arg14[%select_n3A_1312, %select_n3A_1309] masked %and3A_1302 : memref<16x1792xf32, #tpu.memory_space<vmem>>[vector<16xi32>, vector<16xi32>], vector<16xf32>, vector<16xi1>
      %sub3A_1314 = arith.subf %gather3A_1304, %gather3A_1313 : vector<16xf32>
      %mul3A_1315 = arith.mulf %get3A_76, %sub3A_1314 : vector<16xf32>
      %add3A_1316 = arith.addf %gather3A_1313, %mul3A_1315 : vector<16xf32>
      tpu.vector_store_idx %arg14[%select_n3A_1312, %select_n3A_1309], %add3A_1316 masked %and3A_1302 : memref<16x1792xf32, #tpu.memory_space<vmem>>[vector<16xi32>, vector<16xi32>], vector<16xf32>, vector<16xi1>
    }
    %dma_start3A_534 = arith.constant 0 : i32
    %dma_start3A_535 = tpu.memref_slice %arg8[%dma_start3A_534, %min3A_410] : memref<16x1000000xf32, #tpu.memory_space<hbm>> -> memref<16x1792xf32, #tpu.memory_space<hbm>>
    %dma_start3A_536 = arith.constant 0 : i32
    %dma_start3A_537 = tpu.memref_slice %arg8[%dma_start3A_536, %min3A_410] : memref<16x1000000xf32, #tpu.memory_space<hbm>> -> memref<16x1792xf32, #tpu.memory_space<hbm>>
    tpu.enqueue_dma source(%arg14 : memref<16x1792xf32, #tpu.memory_space<vmem>>) target(%dma_start3A_537 : memref<16x1792xf32, #tpu.memory_space<hbm>>) target_semaphore(%arg20 : memref<!tpu.dma_semaphore, #tpu.memory_space<semaphore_mem>>)
    %dma_wait3A_538 = arith.constant 0 : i32
    %dma_wait3A_539 = tpu.memref_slice %arg8[%dma_wait3A_538, %min3A_410] : memref<16x1000000xf32, #tpu.memory_space<hbm>> -> memref<16x1792xf32, #tpu.memory_space<hbm>>
    %dma_wait3A_540 = arith.constant 0 : i32
    %dma_wait3A_541 = tpu.memref_slice %arg8[%dma_wait3A_540, %min3A_410] : memref<16x1000000xf32, #tpu.memory_space<hbm>> -> memref<16x1792xf32, #tpu.memory_space<hbm>>
    tpu.wait_dma2 semaphore(%arg20 : memref<!tpu.dma_semaphore, #tpu.memory_space<semaphore_mem>>) src(%arg14 : memref<16x1792xf32, #tpu.memory_space<vmem>>) dst(%dma_wait3A_541 : memref<16x1792xf32, #tpu.memory_space<hbm>>)
    %add3A_542 = arith.constant 14336 : i32
    %add3A_543 = arith.addi %mul3A_21, %add3A_542 : i32
    %sub3A_544 = arith.constant 1792 : i32
    %sub3A_545 = arith.subi %mul3A_51, %sub3A_544 : i32
    %min3A_546 = arith.minsi %add3A_543, %sub3A_545 : i32
    %dma_start3A_547 = arith.constant 0 : i32
    %dma_start3A_548 = tpu.memref_slice %arg2[%dma_start3A_547, %min3A_546] : memref<16x1000000xf32, #tpu.memory_space<hbm>> -> memref<16x1792xf32, #tpu.memory_space<hbm>>
    %dma_start3A_549 = arith.constant 0 : i32
    %dma_start3A_550 = tpu.memref_slice %arg2[%dma_start3A_549, %min3A_546] : memref<16x1000000xf32, #tpu.memory_space<hbm>> -> memref<16x1792xf32, #tpu.memory_space<hbm>>
    tpu.enqueue_dma source(%dma_start3A_550 : memref<16x1792xf32, #tpu.memory_space<hbm>>) target(%arg14 : memref<16x1792xf32, #tpu.memory_space<vmem>>) target_semaphore(%arg18 : memref<!tpu.dma_semaphore, #tpu.memory_space<semaphore_mem>>)
    %dma_wait3A_551 = arith.constant 0 : i32
    %dma_wait3A_552 = tpu.memref_slice %arg2[%dma_wait3A_551, %min3A_478] : memref<16x1000000xf32, #tpu.memory_space<hbm>> -> memref<16x1792xf32, #tpu.memory_space<hbm>>
    %dma_wait3A_553 = arith.constant 0 : i32
    %dma_wait3A_554 = tpu.memref_slice %arg2[%dma_wait3A_553, %min3A_478] : memref<16x1000000xf32, #tpu.memory_space<hbm>> -> memref<16x1792xf32, #tpu.memory_space<hbm>>
    tpu.wait_dma2 semaphore(%arg19 : memref<!tpu.dma_semaphore, #tpu.memory_space<semaphore_mem>>) src(%dma_wait3A_554 : memref<16x1792xf32, #tpu.memory_space<hbm>>) dst(%arg15 : memref<16x1792xf32, #tpu.memory_space<vmem>>)
    %add3A_555 = arith.constant 16 : i32
    %add3A_556 = arith.addi %scan3A_74, %add3A_555 : i32
    %sub3A_557 = arith.constant 1 : i32
    %sub3A_558 = arith.subi %add3A_556, %sub3A_557 : i32
    %jit3A_559 = arith.constant 16 : i32
    %div3A_560 = arith.divsi %sub3A_558, %jit3A_559 : i32
    %sign3A_561 = arith.constant 0 : i32
    %sign3A_562 = arith.cmpi sgt, %sub3A_558, %sign3A_561 : i32
    %sign3A_563 = arith.extui %sign3A_562 : i1 to i32
    %sign3A_564 = arith.constant 0 : i32
    %sign3A_565 = arith.cmpi slt, %sub3A_558, %sign3A_564 : i32
    %sign3A_566 = arith.extui %sign3A_565 : i1 to i32
    %sign3A_567 = arith.subi %sign3A_563, %sign3A_566 : i32
    %sign3A_568 = arith.constant 0 : i32
    %sign3A_569 = arith.cmpi sgt, %jit3A_559, %sign3A_568 : i32
    %sign3A_570 = arith.extui %sign3A_569 : i1 to i32
    %sign3A_571 = arith.constant 0 : i32
    %sign3A_572 = arith.cmpi slt, %jit3A_559, %sign3A_571 : i32
    %sign3A_573 = arith.extui %sign3A_572 : i1 to i32
    %sign3A_574 = arith.subi %sign3A_570, %sign3A_573 : i32
    %ne3A_575 = arith.cmpi ne, %sign3A_567, %sign3A_574 : i32
    %rem3A_576 = arith.remsi %sub3A_558, %jit3A_559 : i32
    %ne3A_577 = arith.constant 0 : i32
    %ne3A_578 = arith.cmpi ne, %rem3A_576, %ne3A_577 : i32
    %and3A_579 = arith.andi %ne3A_575, %ne3A_578 : i1
    %sub3A_580 = arith.constant 1 : i32
    %sub3A_581 = arith.subi %div3A_560, %sub3A_580 : i32
    %select_n3A_582 = arith.select %and3A_579, %sub3A_581, %div3A_560 : i32
    %sub3A_583 = arith.constant 0 : i32
    %sub3A_584 = arith.subi %select_n3A_582, %sub3A_583 : i32
    %sub3A_585 = arith.constant 1 : i32
    %sub3A_586 = arith.constant 1 : i32
    %sub3A_587 = arith.subi %sub3A_585, %sub3A_586 : i32
    %add3A_588 = arith.addi %sub3A_584, %sub3A_587 : i32
    %div3A_589 = arith.constant 1 : i32
    %div3A_590 = arith.divsi %add3A_588, %div3A_589 : i32
    %while3A_591 = arith.constant 1 : i32
    %while3A_592 = arith.constant 0 : i32
    %while3A_593 = arith.constant 0 : i32
    %while3A_594 = arith.subi %div3A_590, %while3A_593 : i32
    %while3A_595 = arith.addi %while3A_593, %while3A_594 : i32
    %while3A_596 = arith.constant 1 : i32
    %while3A_597 = arith.divsi %while3A_594, %while3A_596 : i32
    %while3A_598 = arith.muli %while3A_597, %while3A_596 : i32
    %while3A_599 = arith.addi %while3A_593, %while3A_598 : i32
    %while3A_600 = arith.constant 1 : i32
    scf.for %while3A_1282 = %while3A_593 to %while3A_599 step %while3A_600  : i32 {
      %mul3A_1283 = arith.muli %while3A_1282, %while3A_591 : i32
      %add3A_1284 = arith.addi %while3A_592, %mul3A_1283 : i32
      %mul3A_1285 = arith.constant 16 : i32
      %mul3A_1286 = arith.muli %add3A_1284, %mul3A_1285 : i32
      %add3A_1287 = vector.broadcast %mul3A_1286 : i32 to vector<16xi32>
      %add3A_1288 = arith.addi %iota3A, %add3A_1287 : vector<16xi32>
      %lt3A = vector.broadcast %scan3A_74 : i32 to vector<16xi32>
      %lt3A_1289 = arith.cmpi slt, %add3A_1288, %lt3A : vector<16xi32>
      %mul3A_1290 = arith.constant 16 : i32
      %mul3A_1291 = arith.muli %add3A_1284, %mul3A_1290 : i32
      %get3A_1292 = arith.index_cast %mul3A_1291 : i32 to index
      %get3A_1293 = tpu.vector_load %arg13[%get3A_1292] {strides = array<i32>} : memref<16400xi32, #tpu.memory_space<vmem>>, vector<16xi32>,
      %jit3A_1294 = arith.constant 0 : i32
      %broadcast_in_dim3A = vector.broadcast %jit3A_1294 : i32 to vector<16xi32>
      %select_n3A_1295 = arith.select %lt3A_1289, %get3A_1293, %broadcast_in_dim3A : vector<16xi1>, vector<16xi32>
      %gather3A = tpu.vector_load_idx %arg10[%select_n3A_1295] : memref<16384xi32, #tpu.memory_space<vmem>>[vector<16xi32>], vector<16xi32>,
      %ge3A = vector.broadcast %min3A_478 : i32 to vector<16xi32>
      %ge3A_1296 = arith.cmpi sge, %gather3A, %ge3A : vector<16xi32>
      %and3A_1297 = arith.andi %lt3A_1289, %ge3A_1296 : vector<16xi1>
      %add3A_1298 = arith.constant 1792 : i32
      %add3A_1299 = arith.addi %min3A_478, %add3A_1298 : i32
      %lt3A_1300 = vector.broadcast %add3A_1299 : i32 to vector<16xi32>
      %lt3A_1301 = arith.cmpi slt, %gather3A, %lt3A_1300 : vector<16xi32>
      %and3A_1302 = arith.andi %and3A_1297, %lt3A_1301 : vector<16xi1>
      %gather3A_1303 = tpu.vector_load_idx %arg11[%select_n3A_1295] : memref<16384xi32, #tpu.memory_space<vmem>>[vector<16xi32>], vector<16xi32>,
      %gather3A_1304 = tpu.vector_load_idx %arg12[%select_n3A_1295] : memref<16384xf32, #tpu.memory_space<vmem>>[vector<16xi32>], vector<16xf32>,
      %sub3A_1305 = vector.broadcast %min3A_478 : i32 to vector<16xi32>
      %sub3A_1306 = arith.subi %gather3A, %sub3A_1305 : vector<16xi32>
      %jit3A_1307 = arith.constant 0 : i32
      %broadcast_in_dim3A_1308 = vector.broadcast %jit3A_1307 : i32 to vector<16xi32>
      %select_n3A_1309 = arith.select %and3A_1302, %sub3A_1306, %broadcast_in_dim3A_1308 : vector<16xi1>, vector<16xi32>
      %jit3A_1310 = arith.constant 0 : i32
      %broadcast_in_dim3A_1311 = vector.broadcast %jit3A_1310 : i32 to vector<16xi32>
      %select_n3A_1312 = arith.select %and3A_1302, %gather3A_1303, %broadcast_in_dim3A_1311 : vector<16xi1>, vector<16xi32>
      %gather3A_1313 = tpu.vector_load_idx %arg15[%select_n3A_1312, %select_n3A_1309] masked %and3A_1302 : memref<16x1792xf32, #tpu.memory_space<vmem>>[vector<16xi32>, vector<16xi32>], vector<16xf32>, vector<16xi1>
      %sub3A_1314 = arith.subf %gather3A_1304, %gather3A_1313 : vector<16xf32>
      %mul3A_1315 = arith.mulf %get3A_76, %sub3A_1314 : vector<16xf32>
      %add3A_1316 = arith.addf %gather3A_1313, %mul3A_1315 : vector<16xf32>
      tpu.vector_store_idx %arg15[%select_n3A_1312, %select_n3A_1309], %add3A_1316 masked %and3A_1302 : memref<16x1792xf32, #tpu.memory_space<vmem>>[vector<16xi32>, vector<16xi32>], vector<16xf32>, vector<16xi1>
    }
    %while3A_601 = arith.constant 1 : i32
    scf.for %while3A_1282 = %while3A_599 to %while3A_595 step %while3A_601  : i32 {
      %mul3A_1283 = arith.muli %while3A_1282, %while3A_591 : i32
      %add3A_1284 = arith.addi %while3A_592, %mul3A_1283 : i32
      %mul3A_1285 = arith.constant 16 : i32
      %mul3A_1286 = arith.muli %add3A_1284, %mul3A_1285 : i32
      %add3A_1287 = vector.broadcast %mul3A_1286 : i32 to vector<16xi32>
      %add3A_1288 = arith.addi %iota3A, %add3A_1287 : vector<16xi32>
      %lt3A = vector.broadcast %scan3A_74 : i32 to vector<16xi32>
      %lt3A_1289 = arith.cmpi slt, %add3A_1288, %lt3A : vector<16xi32>
      %mul3A_1290 = arith.constant 16 : i32
      %mul3A_1291 = arith.muli %add3A_1284, %mul3A_1290 : i32
      %get3A_1292 = arith.index_cast %mul3A_1291 : i32 to index
      %get3A_1293 = tpu.vector_load %arg13[%get3A_1292] {strides = array<i32>} : memref<16400xi32, #tpu.memory_space<vmem>>, vector<16xi32>,
      %jit3A_1294 = arith.constant 0 : i32
      %broadcast_in_dim3A = vector.broadcast %jit3A_1294 : i32 to vector<16xi32>
      %select_n3A_1295 = arith.select %lt3A_1289, %get3A_1293, %broadcast_in_dim3A : vector<16xi1>, vector<16xi32>
      %gather3A = tpu.vector_load_idx %arg10[%select_n3A_1295] : memref<16384xi32, #tpu.memory_space<vmem>>[vector<16xi32>], vector<16xi32>,
      %ge3A = vector.broadcast %min3A_478 : i32 to vector<16xi32>
      %ge3A_1296 = arith.cmpi sge, %gather3A, %ge3A : vector<16xi32>
      %and3A_1297 = arith.andi %lt3A_1289, %ge3A_1296 : vector<16xi1>
      %add3A_1298 = arith.constant 1792 : i32
      %add3A_1299 = arith.addi %min3A_478, %add3A_1298 : i32
      %lt3A_1300 = vector.broadcast %add3A_1299 : i32 to vector<16xi32>
      %lt3A_1301 = arith.cmpi slt, %gather3A, %lt3A_1300 : vector<16xi32>
      %and3A_1302 = arith.andi %and3A_1297, %lt3A_1301 : vector<16xi1>
      %gather3A_1303 = tpu.vector_load_idx %arg11[%select_n3A_1295] : memref<16384xi32, #tpu.memory_space<vmem>>[vector<16xi32>], vector<16xi32>,
      %gather3A_1304 = tpu.vector_load_idx %arg12[%select_n3A_1295] : memref<16384xf32, #tpu.memory_space<vmem>>[vector<16xi32>], vector<16xf32>,
      %sub3A_1305 = vector.broadcast %min3A_478 : i32 to vector<16xi32>
      %sub3A_1306 = arith.subi %gather3A, %sub3A_1305 : vector<16xi32>
      %jit3A_1307 = arith.constant 0 : i32
      %broadcast_in_dim3A_1308 = vector.broadcast %jit3A_1307 : i32 to vector<16xi32>
      %select_n3A_1309 = arith.select %and3A_1302, %sub3A_1306, %broadcast_in_dim3A_1308 : vector<16xi1>, vector<16xi32>
      %jit3A_1310 = arith.constant 0 : i32
      %broadcast_in_dim3A_1311 = vector.broadcast %jit3A_1310 : i32 to vector<16xi32>
      %select_n3A_1312 = arith.select %and3A_1302, %gather3A_1303, %broadcast_in_dim3A_1311 : vector<16xi1>, vector<16xi32>
      %gather3A_1313 = tpu.vector_load_idx %arg15[%select_n3A_1312, %select_n3A_1309] masked %and3A_1302 : memref<16x1792xf32, #tpu.memory_space<vmem>>[vector<16xi32>, vector<16xi32>], vector<16xf32>, vector<16xi1>
      %sub3A_1314 = arith.subf %gather3A_1304, %gather3A_1313 : vector<16xf32>
      %mul3A_1315 = arith.mulf %get3A_76, %sub3A_1314 : vector<16xf32>
      %add3A_1316 = arith.addf %gather3A_1313, %mul3A_1315 : vector<16xf32>
      tpu.vector_store_idx %arg15[%select_n3A_1312, %select_n3A_1309], %add3A_1316 masked %and3A_1302 : memref<16x1792xf32, #tpu.memory_space<vmem>>[vector<16xi32>, vector<16xi32>], vector<16xf32>, vector<16xi1>
    }
    %dma_start3A_602 = arith.constant 0 : i32
    %dma_start3A_603 = tpu.memref_slice %arg8[%dma_start3A_602, %min3A_478] : memref<16x1000000xf32, #tpu.memory_space<hbm>> -> memref<16x1792xf32, #tpu.memory_space<hbm>>
    %dma_start3A_604 = arith.constant 0 : i32
    %dma_start3A_605 = tpu.memref_slice %arg8[%dma_start3A_604, %min3A_478] : memref<16x1000000xf32, #tpu.memory_space<hbm>> -> memref<16x1792xf32, #tpu.memory_space<hbm>>
    tpu.enqueue_dma source(%arg15 : memref<16x1792xf32, #tpu.memory_space<vmem>>) target(%dma_start3A_605 : memref<16x1792xf32, #tpu.memory_space<hbm>>) target_semaphore(%arg21 : memref<!tpu.dma_semaphore, #tpu.memory_space<semaphore_mem>>)
    %dma_wait3A_606 = arith.constant 0 : i32
    %dma_wait3A_607 = tpu.memref_slice %arg8[%dma_wait3A_606, %min3A_478] : memref<16x1000000xf32, #tpu.memory_space<hbm>> -> memref<16x1792xf32, #tpu.memory_space<hbm>>
    %dma_wait3A_608 = arith.constant 0 : i32
    %dma_wait3A_609 = tpu.memref_slice %arg8[%dma_wait3A_608, %min3A_478] : memref<16x1000000xf32, #tpu.memory_space<hbm>> -> memref<16x1792xf32, #tpu.memory_space<hbm>>
    tpu.wait_dma2 semaphore(%arg21 : memref<!tpu.dma_semaphore, #tpu.memory_space<semaphore_mem>>) src(%arg15 : memref<16x1792xf32, #tpu.memory_space<vmem>>) dst(%dma_wait3A_609 : memref<16x1792xf32, #tpu.memory_space<hbm>>)
    %add3A_610 = arith.constant 16128 : i32
    %add3A_611 = arith.addi %mul3A_21, %add3A_610 : i32
    %sub3A_612 = arith.constant 1792 : i32
    %sub3A_613 = arith.subi %mul3A_51, %sub3A_612 : i32
    %min3A_614 = arith.minsi %add3A_611, %sub3A_613 : i32
    %dma_start3A_615 = arith.constant 0 : i32
    %dma_start3A_616 = tpu.memref_slice %arg2[%dma_start3A_615, %min3A_614] : memref<16x1000000xf32, #tpu.memory_space<hbm>> -> memref<16x1792xf32, #tpu.memory_space<hbm>>
    %dma_start3A_617 = arith.constant 0 : i32
    %dma_start3A_618 = tpu.memref_slice %arg2[%dma_start3A_617, %min3A_614] : memref<16x1000000xf32, #tpu.memory_space<hbm>> -> memref<16x1792xf32, #tpu.memory_space<hbm>>
    tpu.enqueue_dma source(%dma_start3A_618 : memref<16x1792xf32, #tpu.memory_space<hbm>>) target(%arg15 : memref<16x1792xf32, #tpu.memory_space<vmem>>) target_semaphore(%arg19 : memref<!tpu.dma_semaphore, #tpu.memory_space<semaphore_mem>>)
    %dma_wait3A_619 = arith.constant 0 : i32
    %dma_wait3A_620 = tpu.memref_slice %arg2[%dma_wait3A_619, %min3A_546] : memref<16x1000000xf32, #tpu.memory_space<hbm>> -> memref<16x1792xf32, #tpu.memory_space<hbm>>
    %dma_wait3A_621 = arith.constant 0 : i32
    %dma_wait3A_622 = tpu.memref_slice %arg2[%dma_wait3A_621, %min3A_546] : memref<16x1000000xf32, #tpu.memory_space<hbm>> -> memref<16x1792xf32, #tpu.memory_space<hbm>>
    tpu.wait_dma2 semaphore(%arg18 : memref<!tpu.dma_semaphore, #tpu.memory_space<semaphore_mem>>) src(%dma_wait3A_622 : memref<16x1792xf32, #tpu.memory_space<hbm>>) dst(%arg14 : memref<16x1792xf32, #tpu.memory_space<vmem>>)
    %add3A_623 = arith.constant 16 : i32
    %add3A_624 = arith.addi %scan3A_74, %add3A_623 : i32
    %sub3A_625 = arith.constant 1 : i32
    %sub3A_626 = arith.subi %add3A_624, %sub3A_625 : i32
    %jit3A_627 = arith.constant 16 : i32
    %div3A_628 = arith.divsi %sub3A_626, %jit3A_627 : i32
    %sign3A_629 = arith.constant 0 : i32
    %sign3A_630 = arith.cmpi sgt, %sub3A_626, %sign3A_629 : i32
    %sign3A_631 = arith.extui %sign3A_630 : i1 to i32
    %sign3A_632 = arith.constant 0 : i32
    %sign3A_633 = arith.cmpi slt, %sub3A_626, %sign3A_632 : i32
    %sign3A_634 = arith.extui %sign3A_633 : i1 to i32
    %sign3A_635 = arith.subi %sign3A_631, %sign3A_634 : i32
    %sign3A_636 = arith.constant 0 : i32
    %sign3A_637 = arith.cmpi sgt, %jit3A_627, %sign3A_636 : i32
    %sign3A_638 = arith.extui %sign3A_637 : i1 to i32
    %sign3A_639 = arith.constant 0 : i32
    %sign3A_640 = arith.cmpi slt, %jit3A_627, %sign3A_639 : i32
    %sign3A_641 = arith.extui %sign3A_640 : i1 to i32
    %sign3A_642 = arith.subi %sign3A_638, %sign3A_641 : i32
    %ne3A_643 = arith.cmpi ne, %sign3A_635, %sign3A_642 : i32
    %rem3A_644 = arith.remsi %sub3A_626, %jit3A_627 : i32
    %ne3A_645 = arith.constant 0 : i32
    %ne3A_646 = arith.cmpi ne, %rem3A_644, %ne3A_645 : i32
    %and3A_647 = arith.andi %ne3A_643, %ne3A_646 : i1
    %sub3A_648 = arith.constant 1 : i32
    %sub3A_649 = arith.subi %div3A_628, %sub3A_648 : i32
    %select_n3A_650 = arith.select %and3A_647, %sub3A_649, %div3A_628 : i32
    %sub3A_651 = arith.constant 0 : i32
    %sub3A_652 = arith.subi %select_n3A_650, %sub3A_651 : i32
    %sub3A_653 = arith.constant 1 : i32
    %sub3A_654 = arith.constant 1 : i32
    %sub3A_655 = arith.subi %sub3A_653, %sub3A_654 : i32
    %add3A_656 = arith.addi %sub3A_652, %sub3A_655 : i32
    %div3A_657 = arith.constant 1 : i32
    %div3A_658 = arith.divsi %add3A_656, %div3A_657 : i32
    %while3A_659 = arith.constant 1 : i32
    %while3A_660 = arith.constant 0 : i32
    %while3A_661 = arith.constant 0 : i32
    %while3A_662 = arith.subi %div3A_658, %while3A_661 : i32
    %while3A_663 = arith.addi %while3A_661, %while3A_662 : i32
    %while3A_664 = arith.constant 1 : i32
    %while3A_665 = arith.divsi %while3A_662, %while3A_664 : i32
    %while3A_666 = arith.muli %while3A_665, %while3A_664 : i32
    %while3A_667 = arith.addi %while3A_661, %while3A_666 : i32
    %while3A_668 = arith.constant 1 : i32
    scf.for %while3A_1282 = %while3A_661 to %while3A_667 step %while3A_668  : i32 {
      %mul3A_1283 = arith.muli %while3A_1282, %while3A_659 : i32
      %add3A_1284 = arith.addi %while3A_660, %mul3A_1283 : i32
      %mul3A_1285 = arith.constant 16 : i32
      %mul3A_1286 = arith.muli %add3A_1284, %mul3A_1285 : i32
      %add3A_1287 = vector.broadcast %mul3A_1286 : i32 to vector<16xi32>
      %add3A_1288 = arith.addi %iota3A, %add3A_1287 : vector<16xi32>
      %lt3A = vector.broadcast %scan3A_74 : i32 to vector<16xi32>
      %lt3A_1289 = arith.cmpi slt, %add3A_1288, %lt3A : vector<16xi32>
      %mul3A_1290 = arith.constant 16 : i32
      %mul3A_1291 = arith.muli %add3A_1284, %mul3A_1290 : i32
      %get3A_1292 = arith.index_cast %mul3A_1291 : i32 to index
      %get3A_1293 = tpu.vector_load %arg13[%get3A_1292] {strides = array<i32>} : memref<16400xi32, #tpu.memory_space<vmem>>, vector<16xi32>,
      %jit3A_1294 = arith.constant 0 : i32
      %broadcast_in_dim3A = vector.broadcast %jit3A_1294 : i32 to vector<16xi32>
      %select_n3A_1295 = arith.select %lt3A_1289, %get3A_1293, %broadcast_in_dim3A : vector<16xi1>, vector<16xi32>
      %gather3A = tpu.vector_load_idx %arg10[%select_n3A_1295] : memref<16384xi32, #tpu.memory_space<vmem>>[vector<16xi32>], vector<16xi32>,
      %ge3A = vector.broadcast %min3A_546 : i32 to vector<16xi32>
      %ge3A_1296 = arith.cmpi sge, %gather3A, %ge3A : vector<16xi32>
      %and3A_1297 = arith.andi %lt3A_1289, %ge3A_1296 : vector<16xi1>
      %add3A_1298 = arith.constant 1792 : i32
      %add3A_1299 = arith.addi %min3A_546, %add3A_1298 : i32
      %lt3A_1300 = vector.broadcast %add3A_1299 : i32 to vector<16xi32>
      %lt3A_1301 = arith.cmpi slt, %gather3A, %lt3A_1300 : vector<16xi32>
      %and3A_1302 = arith.andi %and3A_1297, %lt3A_1301 : vector<16xi1>
      %gather3A_1303 = tpu.vector_load_idx %arg11[%select_n3A_1295] : memref<16384xi32, #tpu.memory_space<vmem>>[vector<16xi32>], vector<16xi32>,
      %gather3A_1304 = tpu.vector_load_idx %arg12[%select_n3A_1295] : memref<16384xf32, #tpu.memory_space<vmem>>[vector<16xi32>], vector<16xf32>,
      %sub3A_1305 = vector.broadcast %min3A_546 : i32 to vector<16xi32>
      %sub3A_1306 = arith.subi %gather3A, %sub3A_1305 : vector<16xi32>
      %jit3A_1307 = arith.constant 0 : i32
      %broadcast_in_dim3A_1308 = vector.broadcast %jit3A_1307 : i32 to vector<16xi32>
      %select_n3A_1309 = arith.select %and3A_1302, %sub3A_1306, %broadcast_in_dim3A_1308 : vector<16xi1>, vector<16xi32>
      %jit3A_1310 = arith.constant 0 : i32
      %broadcast_in_dim3A_1311 = vector.broadcast %jit3A_1310 : i32 to vector<16xi32>
      %select_n3A_1312 = arith.select %and3A_1302, %gather3A_1303, %broadcast_in_dim3A_1311 : vector<16xi1>, vector<16xi32>
      %gather3A_1313 = tpu.vector_load_idx %arg14[%select_n3A_1312, %select_n3A_1309] masked %and3A_1302 : memref<16x1792xf32, #tpu.memory_space<vmem>>[vector<16xi32>, vector<16xi32>], vector<16xf32>, vector<16xi1>
      %sub3A_1314 = arith.subf %gather3A_1304, %gather3A_1313 : vector<16xf32>
      %mul3A_1315 = arith.mulf %get3A_76, %sub3A_1314 : vector<16xf32>
      %add3A_1316 = arith.addf %gather3A_1313, %mul3A_1315 : vector<16xf32>
      tpu.vector_store_idx %arg14[%select_n3A_1312, %select_n3A_1309], %add3A_1316 masked %and3A_1302 : memref<16x1792xf32, #tpu.memory_space<vmem>>[vector<16xi32>, vector<16xi32>], vector<16xf32>, vector<16xi1>
    }
    %while3A_669 = arith.constant 1 : i32
    scf.for %while3A_1282 = %while3A_667 to %while3A_663 step %while3A_669  : i32 {
      %mul3A_1283 = arith.muli %while3A_1282, %while3A_659 : i32
      %add3A_1284 = arith.addi %while3A_660, %mul3A_1283 : i32
      %mul3A_1285 = arith.constant 16 : i32
      %mul3A_1286 = arith.muli %add3A_1284, %mul3A_1285 : i32
      %add3A_1287 = vector.broadcast %mul3A_1286 : i32 to vector<16xi32>
      %add3A_1288 = arith.addi %iota3A, %add3A_1287 : vector<16xi32>
      %lt3A = vector.broadcast %scan3A_74 : i32 to vector<16xi32>
      %lt3A_1289 = arith.cmpi slt, %add3A_1288, %lt3A : vector<16xi32>
      %mul3A_1290 = arith.constant 16 : i32
      %mul3A_1291 = arith.muli %add3A_1284, %mul3A_1290 : i32
      %get3A_1292 = arith.index_cast %mul3A_1291 : i32 to index
      %get3A_1293 = tpu.vector_load %arg13[%get3A_1292] {strides = array<i32>} : memref<16400xi32, #tpu.memory_space<vmem>>, vector<16xi32>,
      %jit3A_1294 = arith.constant 0 : i32
      %broadcast_in_dim3A = vector.broadcast %jit3A_1294 : i32 to vector<16xi32>
      %select_n3A_1295 = arith.select %lt3A_1289, %get3A_1293, %broadcast_in_dim3A : vector<16xi1>, vector<16xi32>
      %gather3A = tpu.vector_load_idx %arg10[%select_n3A_1295] : memref<16384xi32, #tpu.memory_space<vmem>>[vector<16xi32>], vector<16xi32>,
      %ge3A = vector.broadcast %min3A_546 : i32 to vector<16xi32>
      %ge3A_1296 = arith.cmpi sge, %gather3A, %ge3A : vector<16xi32>
      %and3A_1297 = arith.andi %lt3A_1289, %ge3A_1296 : vector<16xi1>
      %add3A_1298 = arith.constant 1792 : i32
      %add3A_1299 = arith.addi %min3A_546, %add3A_1298 : i32
      %lt3A_1300 = vector.broadcast %add3A_1299 : i32 to vector<16xi32>
      %lt3A_1301 = arith.cmpi slt, %gather3A, %lt3A_1300 : vector<16xi32>
      %and3A_1302 = arith.andi %and3A_1297, %lt3A_1301 : vector<16xi1>
      %gather3A_1303 = tpu.vector_load_idx %arg11[%select_n3A_1295] : memref<16384xi32, #tpu.memory_space<vmem>>[vector<16xi32>], vector<16xi32>,
      %gather3A_1304 = tpu.vector_load_idx %arg12[%select_n3A_1295] : memref<16384xf32, #tpu.memory_space<vmem>>[vector<16xi32>], vector<16xf32>,
      %sub3A_1305 = vector.broadcast %min3A_546 : i32 to vector<16xi32>
      %sub3A_1306 = arith.subi %gather3A, %sub3A_1305 : vector<16xi32>
      %jit3A_1307 = arith.constant 0 : i32
      %broadcast_in_dim3A_1308 = vector.broadcast %jit3A_1307 : i32 to vector<16xi32>
      %select_n3A_1309 = arith.select %and3A_1302, %sub3A_1306, %broadcast_in_dim3A_1308 : vector<16xi1>, vector<16xi32>
      %jit3A_1310 = arith.constant 0 : i32
      %broadcast_in_dim3A_1311 = vector.broadcast %jit3A_1310 : i32 to vector<16xi32>
      %select_n3A_1312 = arith.select %and3A_1302, %gather3A_1303, %broadcast_in_dim3A_1311 : vector<16xi1>, vector<16xi32>
      %gather3A_1313 = tpu.vector_load_idx %arg14[%select_n3A_1312, %select_n3A_1309] masked %and3A_1302 : memref<16x1792xf32, #tpu.memory_space<vmem>>[vector<16xi32>, vector<16xi32>], vector<16xf32>, vector<16xi1>
      %sub3A_1314 = arith.subf %gather3A_1304, %gather3A_1313 : vector<16xf32>
      %mul3A_1315 = arith.mulf %get3A_76, %sub3A_1314 : vector<16xf32>
      %add3A_1316 = arith.addf %gather3A_1313, %mul3A_1315 : vector<16xf32>
      tpu.vector_store_idx %arg14[%select_n3A_1312, %select_n3A_1309], %add3A_1316 masked %and3A_1302 : memref<16x1792xf32, #tpu.memory_space<vmem>>[vector<16xi32>, vector<16xi32>], vector<16xf32>, vector<16xi1>
    }
    %dma_start3A_670 = arith.constant 0 : i32
    %dma_start3A_671 = tpu.memref_slice %arg8[%dma_start3A_670, %min3A_546] : memref<16x1000000xf32, #tpu.memory_space<hbm>> -> memref<16x1792xf32, #tpu.memory_space<hbm>>
    %dma_start3A_672 = arith.constant 0 : i32
    %dma_start3A_673 = tpu.memref_slice %arg8[%dma_start3A_672, %min3A_546] : memref<16x1000000xf32, #tpu.memory_space<hbm>> -> memref<16x1792xf32, #tpu.memory_space<hbm>>
    tpu.enqueue_dma source(%arg14 : memref<16x1792xf32, #tpu.memory_space<vmem>>) target(%dma_start3A_673 : memref<16x1792xf32, #tpu.memory_space<hbm>>) target_semaphore(%arg20 : memref<!tpu.dma_semaphore, #tpu.memory_space<semaphore_mem>>)
    %dma_wait3A_674 = arith.constant 0 : i32
    %dma_wait3A_675 = tpu.memref_slice %arg8[%dma_wait3A_674, %min3A_546] : memref<16x1000000xf32, #tpu.memory_space<hbm>> -> memref<16x1792xf32, #tpu.memory_space<hbm>>
    %dma_wait3A_676 = arith.constant 0 : i32
    %dma_wait3A_677 = tpu.memref_slice %arg8[%dma_wait3A_676, %min3A_546] : memref<16x1000000xf32, #tpu.memory_space<hbm>> -> memref<16x1792xf32, #tpu.memory_space<hbm>>
    tpu.wait_dma2 semaphore(%arg20 : memref<!tpu.dma_semaphore, #tpu.memory_space<semaphore_mem>>) src(%arg14 : memref<16x1792xf32, #tpu.memory_space<vmem>>) dst(%dma_wait3A_677 : memref<16x1792xf32, #tpu.memory_space<hbm>>)
    %add3A_678 = arith.constant 17920 : i32
    %add3A_679 = arith.addi %mul3A_21, %add3A_678 : i32
    %sub3A_680 = arith.constant 1792 : i32
    %sub3A_681 = arith.subi %mul3A_51, %sub3A_680 : i32
    %min3A_682 = arith.minsi %add3A_679, %sub3A_681 : i32
    %dma_start3A_683 = arith.constant 0 : i32
    %dma_start3A_684 = tpu.memref_slice %arg2[%dma_start3A_683, %min3A_682] : memref<16x1000000xf32, #tpu.memory_space<hbm>> -> memref<16x1792xf32, #tpu.memory_space<hbm>>
    %dma_start3A_685 = arith.constant 0 : i32
    %dma_start3A_686 = tpu.memref_slice %arg2[%dma_start3A_685, %min3A_682] : memref<16x1000000xf32, #tpu.memory_space<hbm>> -> memref<16x1792xf32, #tpu.memory_space<hbm>>
    tpu.enqueue_dma source(%dma_start3A_686 : memref<16x1792xf32, #tpu.memory_space<hbm>>) target(%arg14 : memref<16x1792xf32, #tpu.memory_space<vmem>>) target_semaphore(%arg18 : memref<!tpu.dma_semaphore, #tpu.memory_space<semaphore_mem>>)
    %dma_wait3A_687 = arith.constant 0 : i32
    %dma_wait3A_688 = tpu.memref_slice %arg2[%dma_wait3A_687, %min3A_614] : memref<16x1000000xf32, #tpu.memory_space<hbm>> -> memref<16x1792xf32, #tpu.memory_space<hbm>>
    %dma_wait3A_689 = arith.constant 0 : i32
    %dma_wait3A_690 = tpu.memref_slice %arg2[%dma_wait3A_689, %min3A_614] : memref<16x1000000xf32, #tpu.memory_space<hbm>> -> memref<16x1792xf32, #tpu.memory_space<hbm>>
    tpu.wait_dma2 semaphore(%arg19 : memref<!tpu.dma_semaphore, #tpu.memory_space<semaphore_mem>>) src(%dma_wait3A_690 : memref<16x1792xf32, #tpu.memory_space<hbm>>) dst(%arg15 : memref<16x1792xf32, #tpu.memory_space<vmem>>)
    %add3A_691 = arith.constant 16 : i32
    %add3A_692 = arith.addi %scan3A_74, %add3A_691 : i32
    %sub3A_693 = arith.constant 1 : i32
    %sub3A_694 = arith.subi %add3A_692, %sub3A_693 : i32
    %jit3A_695 = arith.constant 16 : i32
    %div3A_696 = arith.divsi %sub3A_694, %jit3A_695 : i32
    %sign3A_697 = arith.constant 0 : i32
    %sign3A_698 = arith.cmpi sgt, %sub3A_694, %sign3A_697 : i32
    %sign3A_699 = arith.extui %sign3A_698 : i1 to i32
    %sign3A_700 = arith.constant 0 : i32
    %sign3A_701 = arith.cmpi slt, %sub3A_694, %sign3A_700 : i32
    %sign3A_702 = arith.extui %sign3A_701 : i1 to i32
    %sign3A_703 = arith.subi %sign3A_699, %sign3A_702 : i32
    %sign3A_704 = arith.constant 0 : i32
    %sign3A_705 = arith.cmpi sgt, %jit3A_695, %sign3A_704 : i32
    %sign3A_706 = arith.extui %sign3A_705 : i1 to i32
    %sign3A_707 = arith.constant 0 : i32
    %sign3A_708 = arith.cmpi slt, %jit3A_695, %sign3A_707 : i32
    %sign3A_709 = arith.extui %sign3A_708 : i1 to i32
    %sign3A_710 = arith.subi %sign3A_706, %sign3A_709 : i32
    %ne3A_711 = arith.cmpi ne, %sign3A_703, %sign3A_710 : i32
    %rem3A_712 = arith.remsi %sub3A_694, %jit3A_695 : i32
    %ne3A_713 = arith.constant 0 : i32
    %ne3A_714 = arith.cmpi ne, %rem3A_712, %ne3A_713 : i32
    %and3A_715 = arith.andi %ne3A_711, %ne3A_714 : i1
    %sub3A_716 = arith.constant 1 : i32
    %sub3A_717 = arith.subi %div3A_696, %sub3A_716 : i32
    %select_n3A_718 = arith.select %and3A_715, %sub3A_717, %div3A_696 : i32
    %sub3A_719 = arith.constant 0 : i32
    %sub3A_720 = arith.subi %select_n3A_718, %sub3A_719 : i32
    %sub3A_721 = arith.constant 1 : i32
    %sub3A_722 = arith.constant 1 : i32
    %sub3A_723 = arith.subi %sub3A_721, %sub3A_722 : i32
    %add3A_724 = arith.addi %sub3A_720, %sub3A_723 : i32
    %div3A_725 = arith.constant 1 : i32
    %div3A_726 = arith.divsi %add3A_724, %div3A_725 : i32
    %while3A_727 = arith.constant 1 : i32
    %while3A_728 = arith.constant 0 : i32
    %while3A_729 = arith.constant 0 : i32
    %while3A_730 = arith.subi %div3A_726, %while3A_729 : i32
    %while3A_731 = arith.addi %while3A_729, %while3A_730 : i32
    %while3A_732 = arith.constant 1 : i32
    %while3A_733 = arith.divsi %while3A_730, %while3A_732 : i32
    %while3A_734 = arith.muli %while3A_733, %while3A_732 : i32
    %while3A_735 = arith.addi %while3A_729, %while3A_734 : i32
    %while3A_736 = arith.constant 1 : i32
    scf.for %while3A_1282 = %while3A_729 to %while3A_735 step %while3A_736  : i32 {
      %mul3A_1283 = arith.muli %while3A_1282, %while3A_727 : i32
      %add3A_1284 = arith.addi %while3A_728, %mul3A_1283 : i32
      %mul3A_1285 = arith.constant 16 : i32
      %mul3A_1286 = arith.muli %add3A_1284, %mul3A_1285 : i32
      %add3A_1287 = vector.broadcast %mul3A_1286 : i32 to vector<16xi32>
      %add3A_1288 = arith.addi %iota3A, %add3A_1287 : vector<16xi32>
      %lt3A = vector.broadcast %scan3A_74 : i32 to vector<16xi32>
      %lt3A_1289 = arith.cmpi slt, %add3A_1288, %lt3A : vector<16xi32>
      %mul3A_1290 = arith.constant 16 : i32
      %mul3A_1291 = arith.muli %add3A_1284, %mul3A_1290 : i32
      %get3A_1292 = arith.index_cast %mul3A_1291 : i32 to index
      %get3A_1293 = tpu.vector_load %arg13[%get3A_1292] {strides = array<i32>} : memref<16400xi32, #tpu.memory_space<vmem>>, vector<16xi32>,
      %jit3A_1294 = arith.constant 0 : i32
      %broadcast_in_dim3A = vector.broadcast %jit3A_1294 : i32 to vector<16xi32>
      %select_n3A_1295 = arith.select %lt3A_1289, %get3A_1293, %broadcast_in_dim3A : vector<16xi1>, vector<16xi32>
      %gather3A = tpu.vector_load_idx %arg10[%select_n3A_1295] : memref<16384xi32, #tpu.memory_space<vmem>>[vector<16xi32>], vector<16xi32>,
      %ge3A = vector.broadcast %min3A_614 : i32 to vector<16xi32>
      %ge3A_1296 = arith.cmpi sge, %gather3A, %ge3A : vector<16xi32>
      %and3A_1297 = arith.andi %lt3A_1289, %ge3A_1296 : vector<16xi1>
      %add3A_1298 = arith.constant 1792 : i32
      %add3A_1299 = arith.addi %min3A_614, %add3A_1298 : i32
      %lt3A_1300 = vector.broadcast %add3A_1299 : i32 to vector<16xi32>
      %lt3A_1301 = arith.cmpi slt, %gather3A, %lt3A_1300 : vector<16xi32>
      %and3A_1302 = arith.andi %and3A_1297, %lt3A_1301 : vector<16xi1>
      %gather3A_1303 = tpu.vector_load_idx %arg11[%select_n3A_1295] : memref<16384xi32, #tpu.memory_space<vmem>>[vector<16xi32>], vector<16xi32>,
      %gather3A_1304 = tpu.vector_load_idx %arg12[%select_n3A_1295] : memref<16384xf32, #tpu.memory_space<vmem>>[vector<16xi32>], vector<16xf32>,
      %sub3A_1305 = vector.broadcast %min3A_614 : i32 to vector<16xi32>
      %sub3A_1306 = arith.subi %gather3A, %sub3A_1305 : vector<16xi32>
      %jit3A_1307 = arith.constant 0 : i32
      %broadcast_in_dim3A_1308 = vector.broadcast %jit3A_1307 : i32 to vector<16xi32>
      %select_n3A_1309 = arith.select %and3A_1302, %sub3A_1306, %broadcast_in_dim3A_1308 : vector<16xi1>, vector<16xi32>
      %jit3A_1310 = arith.constant 0 : i32
      %broadcast_in_dim3A_1311 = vector.broadcast %jit3A_1310 : i32 to vector<16xi32>
      %select_n3A_1312 = arith.select %and3A_1302, %gather3A_1303, %broadcast_in_dim3A_1311 : vector<16xi1>, vector<16xi32>
      %gather3A_1313 = tpu.vector_load_idx %arg15[%select_n3A_1312, %select_n3A_1309] masked %and3A_1302 : memref<16x1792xf32, #tpu.memory_space<vmem>>[vector<16xi32>, vector<16xi32>], vector<16xf32>, vector<16xi1>
      %sub3A_1314 = arith.subf %gather3A_1304, %gather3A_1313 : vector<16xf32>
      %mul3A_1315 = arith.mulf %get3A_76, %sub3A_1314 : vector<16xf32>
      %add3A_1316 = arith.addf %gather3A_1313, %mul3A_1315 : vector<16xf32>
      tpu.vector_store_idx %arg15[%select_n3A_1312, %select_n3A_1309], %add3A_1316 masked %and3A_1302 : memref<16x1792xf32, #tpu.memory_space<vmem>>[vector<16xi32>, vector<16xi32>], vector<16xf32>, vector<16xi1>
    }
    %while3A_737 = arith.constant 1 : i32
    scf.for %while3A_1282 = %while3A_735 to %while3A_731 step %while3A_737  : i32 {
      %mul3A_1283 = arith.muli %while3A_1282, %while3A_727 : i32
      %add3A_1284 = arith.addi %while3A_728, %mul3A_1283 : i32
      %mul3A_1285 = arith.constant 16 : i32
      %mul3A_1286 = arith.muli %add3A_1284, %mul3A_1285 : i32
      %add3A_1287 = vector.broadcast %mul3A_1286 : i32 to vector<16xi32>
      %add3A_1288 = arith.addi %iota3A, %add3A_1287 : vector<16xi32>
      %lt3A = vector.broadcast %scan3A_74 : i32 to vector<16xi32>
      %lt3A_1289 = arith.cmpi slt, %add3A_1288, %lt3A : vector<16xi32>
      %mul3A_1290 = arith.constant 16 : i32
      %mul3A_1291 = arith.muli %add3A_1284, %mul3A_1290 : i32
      %get3A_1292 = arith.index_cast %mul3A_1291 : i32 to index
      %get3A_1293 = tpu.vector_load %arg13[%get3A_1292] {strides = array<i32>} : memref<16400xi32, #tpu.memory_space<vmem>>, vector<16xi32>,
      %jit3A_1294 = arith.constant 0 : i32
      %broadcast_in_dim3A = vector.broadcast %jit3A_1294 : i32 to vector<16xi32>
      %select_n3A_1295 = arith.select %lt3A_1289, %get3A_1293, %broadcast_in_dim3A : vector<16xi1>, vector<16xi32>
      %gather3A = tpu.vector_load_idx %arg10[%select_n3A_1295] : memref<16384xi32, #tpu.memory_space<vmem>>[vector<16xi32>], vector<16xi32>,
      %ge3A = vector.broadcast %min3A_614 : i32 to vector<16xi32>
      %ge3A_1296 = arith.cmpi sge, %gather3A, %ge3A : vector<16xi32>
      %and3A_1297 = arith.andi %lt3A_1289, %ge3A_1296 : vector<16xi1>
      %add3A_1298 = arith.constant 1792 : i32
      %add3A_1299 = arith.addi %min3A_614, %add3A_1298 : i32
      %lt3A_1300 = vector.broadcast %add3A_1299 : i32 to vector<16xi32>
      %lt3A_1301 = arith.cmpi slt, %gather3A, %lt3A_1300 : vector<16xi32>
      %and3A_1302 = arith.andi %and3A_1297, %lt3A_1301 : vector<16xi1>
      %gather3A_1303 = tpu.vector_load_idx %arg11[%select_n3A_1295] : memref<16384xi32, #tpu.memory_space<vmem>>[vector<16xi32>], vector<16xi32>,
      %gather3A_1304 = tpu.vector_load_idx %arg12[%select_n3A_1295] : memref<16384xf32, #tpu.memory_space<vmem>>[vector<16xi32>], vector<16xf32>,
      %sub3A_1305 = vector.broadcast %min3A_614 : i32 to vector<16xi32>
      %sub3A_1306 = arith.subi %gather3A, %sub3A_1305 : vector<16xi32>
      %jit3A_1307 = arith.constant 0 : i32
      %broadcast_in_dim3A_1308 = vector.broadcast %jit3A_1307 : i32 to vector<16xi32>
      %select_n3A_1309 = arith.select %and3A_1302, %sub3A_1306, %broadcast_in_dim3A_1308 : vector<16xi1>, vector<16xi32>
      %jit3A_1310 = arith.constant 0 : i32
      %broadcast_in_dim3A_1311 = vector.broadcast %jit3A_1310 : i32 to vector<16xi32>
      %select_n3A_1312 = arith.select %and3A_1302, %gather3A_1303, %broadcast_in_dim3A_1311 : vector<16xi1>, vector<16xi32>
      %gather3A_1313 = tpu.vector_load_idx %arg15[%select_n3A_1312, %select_n3A_1309] masked %and3A_1302 : memref<16x1792xf32, #tpu.memory_space<vmem>>[vector<16xi32>, vector<16xi32>], vector<16xf32>, vector<16xi1>
      %sub3A_1314 = arith.subf %gather3A_1304, %gather3A_1313 : vector<16xf32>
      %mul3A_1315 = arith.mulf %get3A_76, %sub3A_1314 : vector<16xf32>
      %add3A_1316 = arith.addf %gather3A_1313, %mul3A_1315 : vector<16xf32>
      tpu.vector_store_idx %arg15[%select_n3A_1312, %select_n3A_1309], %add3A_1316 masked %and3A_1302 : memref<16x1792xf32, #tpu.memory_space<vmem>>[vector<16xi32>, vector<16xi32>], vector<16xf32>, vector<16xi1>
    }
    %dma_start3A_738 = arith.constant 0 : i32
    %dma_start3A_739 = tpu.memref_slice %arg8[%dma_start3A_738, %min3A_614] : memref<16x1000000xf32, #tpu.memory_space<hbm>> -> memref<16x1792xf32, #tpu.memory_space<hbm>>
    %dma_start3A_740 = arith.constant 0 : i32
    %dma_start3A_741 = tpu.memref_slice %arg8[%dma_start3A_740, %min3A_614] : memref<16x1000000xf32, #tpu.memory_space<hbm>> -> memref<16x1792xf32, #tpu.memory_space<hbm>>
    tpu.enqueue_dma source(%arg15 : memref<16x1792xf32, #tpu.memory_space<vmem>>) target(%dma_start3A_741 : memref<16x1792xf32, #tpu.memory_space<hbm>>) target_semaphore(%arg21 : memref<!tpu.dma_semaphore, #tpu.memory_space<semaphore_mem>>)
    %dma_wait3A_742 = arith.constant 0 : i32
    %dma_wait3A_743 = tpu.memref_slice %arg8[%dma_wait3A_742, %min3A_614] : memref<16x1000000xf32, #tpu.memory_space<hbm>> -> memref<16x1792xf32, #tpu.memory_space<hbm>>
    %dma_wait3A_744 = arith.constant 0 : i32
    %dma_wait3A_745 = tpu.memref_slice %arg8[%dma_wait3A_744, %min3A_614] : memref<16x1000000xf32, #tpu.memory_space<hbm>> -> memref<16x1792xf32, #tpu.memory_space<hbm>>
    tpu.wait_dma2 semaphore(%arg21 : memref<!tpu.dma_semaphore, #tpu.memory_space<semaphore_mem>>) src(%arg15 : memref<16x1792xf32, #tpu.memory_space<vmem>>) dst(%dma_wait3A_745 : memref<16x1792xf32, #tpu.memory_space<hbm>>)
    %add3A_746 = arith.constant 19712 : i32
    %add3A_747 = arith.addi %mul3A_21, %add3A_746 : i32
    %sub3A_748 = arith.constant 1792 : i32
    %sub3A_749 = arith.subi %mul3A_51, %sub3A_748 : i32
    %min3A_750 = arith.minsi %add3A_747, %sub3A_749 : i32
    %dma_start3A_751 = arith.constant 0 : i32
    %dma_start3A_752 = tpu.memref_slice %arg2[%dma_start3A_751, %min3A_750] : memref<16x1000000xf32, #tpu.memory_space<hbm>> -> memref<16x1792xf32, #tpu.memory_space<hbm>>
    %dma_start3A_753 = arith.constant 0 : i32
    %dma_start3A_754 = tpu.memref_slice %arg2[%dma_start3A_753, %min3A_750] : memref<16x1000000xf32, #tpu.memory_space<hbm>> -> memref<16x1792xf32, #tpu.memory_space<hbm>>
    tpu.enqueue_dma source(%dma_start3A_754 : memref<16x1792xf32, #tpu.memory_space<hbm>>) target(%arg15 : memref<16x1792xf32, #tpu.memory_space<vmem>>) target_semaphore(%arg19 : memref<!tpu.dma_semaphore, #tpu.memory_space<semaphore_mem>>)
    %dma_wait3A_755 = arith.constant 0 : i32
    %dma_wait3A_756 = tpu.memref_slice %arg2[%dma_wait3A_755, %min3A_682] : memref<16x1000000xf32, #tpu.memory_space<hbm>> -> memref<16x1792xf32, #tpu.memory_space<hbm>>
    %dma_wait3A_757 = arith.constant 0 : i32
    %dma_wait3A_758 = tpu.memref_slice %arg2[%dma_wait3A_757, %min3A_682] : memref<16x1000000xf32, #tpu.memory_space<hbm>> -> memref<16x1792xf32, #tpu.memory_space<hbm>>
    tpu.wait_dma2 semaphore(%arg18 : memref<!tpu.dma_semaphore, #tpu.memory_space<semaphore_mem>>) src(%dma_wait3A_758 : memref<16x1792xf32, #tpu.memory_space<hbm>>) dst(%arg14 : memref<16x1792xf32, #tpu.memory_space<vmem>>)
    %add3A_759 = arith.constant 16 : i32
    %add3A_760 = arith.addi %scan3A_74, %add3A_759 : i32
    %sub3A_761 = arith.constant 1 : i32
    %sub3A_762 = arith.subi %add3A_760, %sub3A_761 : i32
    %jit3A_763 = arith.constant 16 : i32
    %div3A_764 = arith.divsi %sub3A_762, %jit3A_763 : i32
    %sign3A_765 = arith.constant 0 : i32
    %sign3A_766 = arith.cmpi sgt, %sub3A_762, %sign3A_765 : i32
    %sign3A_767 = arith.extui %sign3A_766 : i1 to i32
    %sign3A_768 = arith.constant 0 : i32
    %sign3A_769 = arith.cmpi slt, %sub3A_762, %sign3A_768 : i32
    %sign3A_770 = arith.extui %sign3A_769 : i1 to i32
    %sign3A_771 = arith.subi %sign3A_767, %sign3A_770 : i32
    %sign3A_772 = arith.constant 0 : i32
    %sign3A_773 = arith.cmpi sgt, %jit3A_763, %sign3A_772 : i32
    %sign3A_774 = arith.extui %sign3A_773 : i1 to i32
    %sign3A_775 = arith.constant 0 : i32
    %sign3A_776 = arith.cmpi slt, %jit3A_763, %sign3A_775 : i32
    %sign3A_777 = arith.extui %sign3A_776 : i1 to i32
    %sign3A_778 = arith.subi %sign3A_774, %sign3A_777 : i32
    %ne3A_779 = arith.cmpi ne, %sign3A_771, %sign3A_778 : i32
    %rem3A_780 = arith.remsi %sub3A_762, %jit3A_763 : i32
    %ne3A_781 = arith.constant 0 : i32
    %ne3A_782 = arith.cmpi ne, %rem3A_780, %ne3A_781 : i32
    %and3A_783 = arith.andi %ne3A_779, %ne3A_782 : i1
    %sub3A_784 = arith.constant 1 : i32
    %sub3A_785 = arith.subi %div3A_764, %sub3A_784 : i32
    %select_n3A_786 = arith.select %and3A_783, %sub3A_785, %div3A_764 : i32
    %sub3A_787 = arith.constant 0 : i32
    %sub3A_788 = arith.subi %select_n3A_786, %sub3A_787 : i32
    %sub3A_789 = arith.constant 1 : i32
    %sub3A_790 = arith.constant 1 : i32
    %sub3A_791 = arith.subi %sub3A_789, %sub3A_790 : i32
    %add3A_792 = arith.addi %sub3A_788, %sub3A_791 : i32
    %div3A_793 = arith.constant 1 : i32
    %div3A_794 = arith.divsi %add3A_792, %div3A_793 : i32
    %while3A_795 = arith.constant 1 : i32
    %while3A_796 = arith.constant 0 : i32
    %while3A_797 = arith.constant 0 : i32
    %while3A_798 = arith.subi %div3A_794, %while3A_797 : i32
    %while3A_799 = arith.addi %while3A_797, %while3A_798 : i32
    %while3A_800 = arith.constant 1 : i32
    %while3A_801 = arith.divsi %while3A_798, %while3A_800 : i32
    %while3A_802 = arith.muli %while3A_801, %while3A_800 : i32
    %while3A_803 = arith.addi %while3A_797, %while3A_802 : i32
    %while3A_804 = arith.constant 1 : i32
    scf.for %while3A_1282 = %while3A_797 to %while3A_803 step %while3A_804  : i32 {
      %mul3A_1283 = arith.muli %while3A_1282, %while3A_795 : i32
      %add3A_1284 = arith.addi %while3A_796, %mul3A_1283 : i32
      %mul3A_1285 = arith.constant 16 : i32
      %mul3A_1286 = arith.muli %add3A_1284, %mul3A_1285 : i32
      %add3A_1287 = vector.broadcast %mul3A_1286 : i32 to vector<16xi32>
      %add3A_1288 = arith.addi %iota3A, %add3A_1287 : vector<16xi32>
      %lt3A = vector.broadcast %scan3A_74 : i32 to vector<16xi32>
      %lt3A_1289 = arith.cmpi slt, %add3A_1288, %lt3A : vector<16xi32>
      %mul3A_1290 = arith.constant 16 : i32
      %mul3A_1291 = arith.muli %add3A_1284, %mul3A_1290 : i32
      %get3A_1292 = arith.index_cast %mul3A_1291 : i32 to index
      %get3A_1293 = tpu.vector_load %arg13[%get3A_1292] {strides = array<i32>} : memref<16400xi32, #tpu.memory_space<vmem>>, vector<16xi32>,
      %jit3A_1294 = arith.constant 0 : i32
      %broadcast_in_dim3A = vector.broadcast %jit3A_1294 : i32 to vector<16xi32>
      %select_n3A_1295 = arith.select %lt3A_1289, %get3A_1293, %broadcast_in_dim3A : vector<16xi1>, vector<16xi32>
      %gather3A = tpu.vector_load_idx %arg10[%select_n3A_1295] : memref<16384xi32, #tpu.memory_space<vmem>>[vector<16xi32>], vector<16xi32>,
      %ge3A = vector.broadcast %min3A_682 : i32 to vector<16xi32>
      %ge3A_1296 = arith.cmpi sge, %gather3A, %ge3A : vector<16xi32>
      %and3A_1297 = arith.andi %lt3A_1289, %ge3A_1296 : vector<16xi1>
      %add3A_1298 = arith.constant 1792 : i32
      %add3A_1299 = arith.addi %min3A_682, %add3A_1298 : i32
      %lt3A_1300 = vector.broadcast %add3A_1299 : i32 to vector<16xi32>
      %lt3A_1301 = arith.cmpi slt, %gather3A, %lt3A_1300 : vector<16xi32>
      %and3A_1302 = arith.andi %and3A_1297, %lt3A_1301 : vector<16xi1>
      %gather3A_1303 = tpu.vector_load_idx %arg11[%select_n3A_1295] : memref<16384xi32, #tpu.memory_space<vmem>>[vector<16xi32>], vector<16xi32>,
      %gather3A_1304 = tpu.vector_load_idx %arg12[%select_n3A_1295] : memref<16384xf32, #tpu.memory_space<vmem>>[vector<16xi32>], vector<16xf32>,
      %sub3A_1305 = vector.broadcast %min3A_682 : i32 to vector<16xi32>
      %sub3A_1306 = arith.subi %gather3A, %sub3A_1305 : vector<16xi32>
      %jit3A_1307 = arith.constant 0 : i32
      %broadcast_in_dim3A_1308 = vector.broadcast %jit3A_1307 : i32 to vector<16xi32>
      %select_n3A_1309 = arith.select %and3A_1302, %sub3A_1306, %broadcast_in_dim3A_1308 : vector<16xi1>, vector<16xi32>
      %jit3A_1310 = arith.constant 0 : i32
      %broadcast_in_dim3A_1311 = vector.broadcast %jit3A_1310 : i32 to vector<16xi32>
      %select_n3A_1312 = arith.select %and3A_1302, %gather3A_1303, %broadcast_in_dim3A_1311 : vector<16xi1>, vector<16xi32>
      %gather3A_1313 = tpu.vector_load_idx %arg14[%select_n3A_1312, %select_n3A_1309] masked %and3A_1302 : memref<16x1792xf32, #tpu.memory_space<vmem>>[vector<16xi32>, vector<16xi32>], vector<16xf32>, vector<16xi1>
      %sub3A_1314 = arith.subf %gather3A_1304, %gather3A_1313 : vector<16xf32>
      %mul3A_1315 = arith.mulf %get3A_76, %sub3A_1314 : vector<16xf32>
      %add3A_1316 = arith.addf %gather3A_1313, %mul3A_1315 : vector<16xf32>
      tpu.vector_store_idx %arg14[%select_n3A_1312, %select_n3A_1309], %add3A_1316 masked %and3A_1302 : memref<16x1792xf32, #tpu.memory_space<vmem>>[vector<16xi32>, vector<16xi32>], vector<16xf32>, vector<16xi1>
    }
    %while3A_805 = arith.constant 1 : i32
    scf.for %while3A_1282 = %while3A_803 to %while3A_799 step %while3A_805  : i32 {
      %mul3A_1283 = arith.muli %while3A_1282, %while3A_795 : i32
      %add3A_1284 = arith.addi %while3A_796, %mul3A_1283 : i32
      %mul3A_1285 = arith.constant 16 : i32
      %mul3A_1286 = arith.muli %add3A_1284, %mul3A_1285 : i32
      %add3A_1287 = vector.broadcast %mul3A_1286 : i32 to vector<16xi32>
      %add3A_1288 = arith.addi %iota3A, %add3A_1287 : vector<16xi32>
      %lt3A = vector.broadcast %scan3A_74 : i32 to vector<16xi32>
      %lt3A_1289 = arith.cmpi slt, %add3A_1288, %lt3A : vector<16xi32>
      %mul3A_1290 = arith.constant 16 : i32
      %mul3A_1291 = arith.muli %add3A_1284, %mul3A_1290 : i32
      %get3A_1292 = arith.index_cast %mul3A_1291 : i32 to index
      %get3A_1293 = tpu.vector_load %arg13[%get3A_1292] {strides = array<i32>} : memref<16400xi32, #tpu.memory_space<vmem>>, vector<16xi32>,
      %jit3A_1294 = arith.constant 0 : i32
      %broadcast_in_dim3A = vector.broadcast %jit3A_1294 : i32 to vector<16xi32>
      %select_n3A_1295 = arith.select %lt3A_1289, %get3A_1293, %broadcast_in_dim3A : vector<16xi1>, vector<16xi32>
      %gather3A = tpu.vector_load_idx %arg10[%select_n3A_1295] : memref<16384xi32, #tpu.memory_space<vmem>>[vector<16xi32>], vector<16xi32>,
      %ge3A = vector.broadcast %min3A_682 : i32 to vector<16xi32>
      %ge3A_1296 = arith.cmpi sge, %gather3A, %ge3A : vector<16xi32>
      %and3A_1297 = arith.andi %lt3A_1289, %ge3A_1296 : vector<16xi1>
      %add3A_1298 = arith.constant 1792 : i32
      %add3A_1299 = arith.addi %min3A_682, %add3A_1298 : i32
      %lt3A_1300 = vector.broadcast %add3A_1299 : i32 to vector<16xi32>
      %lt3A_1301 = arith.cmpi slt, %gather3A, %lt3A_1300 : vector<16xi32>
      %and3A_1302 = arith.andi %and3A_1297, %lt3A_1301 : vector<16xi1>
      %gather3A_1303 = tpu.vector_load_idx %arg11[%select_n3A_1295] : memref<16384xi32, #tpu.memory_space<vmem>>[vector<16xi32>], vector<16xi32>,
      %gather3A_1304 = tpu.vector_load_idx %arg12[%select_n3A_1295] : memref<16384xf32, #tpu.memory_space<vmem>>[vector<16xi32>], vector<16xf32>,
      %sub3A_1305 = vector.broadcast %min3A_682 : i32 to vector<16xi32>
      %sub3A_1306 = arith.subi %gather3A, %sub3A_1305 : vector<16xi32>
      %jit3A_1307 = arith.constant 0 : i32
      %broadcast_in_dim3A_1308 = vector.broadcast %jit3A_1307 : i32 to vector<16xi32>
      %select_n3A_1309 = arith.select %and3A_1302, %sub3A_1306, %broadcast_in_dim3A_1308 : vector<16xi1>, vector<16xi32>
      %jit3A_1310 = arith.constant 0 : i32
      %broadcast_in_dim3A_1311 = vector.broadcast %jit3A_1310 : i32 to vector<16xi32>
      %select_n3A_1312 = arith.select %and3A_1302, %gather3A_1303, %broadcast_in_dim3A_1311 : vector<16xi1>, vector<16xi32>
      %gather3A_1313 = tpu.vector_load_idx %arg14[%select_n3A_1312, %select_n3A_1309] masked %and3A_1302 : memref<16x1792xf32, #tpu.memory_space<vmem>>[vector<16xi32>, vector<16xi32>], vector<16xf32>, vector<16xi1>
      %sub3A_1314 = arith.subf %gather3A_1304, %gather3A_1313 : vector<16xf32>
      %mul3A_1315 = arith.mulf %get3A_76, %sub3A_1314 : vector<16xf32>
      %add3A_1316 = arith.addf %gather3A_1313, %mul3A_1315 : vector<16xf32>
      tpu.vector_store_idx %arg14[%select_n3A_1312, %select_n3A_1309], %add3A_1316 masked %and3A_1302 : memref<16x1792xf32, #tpu.memory_space<vmem>>[vector<16xi32>, vector<16xi32>], vector<16xf32>, vector<16xi1>
    }
    %dma_start3A_806 = arith.constant 0 : i32
    %dma_start3A_807 = tpu.memref_slice %arg8[%dma_start3A_806, %min3A_682] : memref<16x1000000xf32, #tpu.memory_space<hbm>> -> memref<16x1792xf32, #tpu.memory_space<hbm>>
    %dma_start3A_808 = arith.constant 0 : i32
    %dma_start3A_809 = tpu.memref_slice %arg8[%dma_start3A_808, %min3A_682] : memref<16x1000000xf32, #tpu.memory_space<hbm>> -> memref<16x1792xf32, #tpu.memory_space<hbm>>
    tpu.enqueue_dma source(%arg14 : memref<16x1792xf32, #tpu.memory_space<vmem>>) target(%dma_start3A_809 : memref<16x1792xf32, #tpu.memory_space<hbm>>) target_semaphore(%arg20 : memref<!tpu.dma_semaphore, #tpu.memory_space<semaphore_mem>>)
    %dma_wait3A_810 = arith.constant 0 : i32
    %dma_wait3A_811 = tpu.memref_slice %arg8[%dma_wait3A_810, %min3A_682] : memref<16x1000000xf32, #tpu.memory_space<hbm>> -> memref<16x1792xf32, #tpu.memory_space<hbm>>
    %dma_wait3A_812 = arith.constant 0 : i32
    %dma_wait3A_813 = tpu.memref_slice %arg8[%dma_wait3A_812, %min3A_682] : memref<16x1000000xf32, #tpu.memory_space<hbm>> -> memref<16x1792xf32, #tpu.memory_space<hbm>>
    tpu.wait_dma2 semaphore(%arg20 : memref<!tpu.dma_semaphore, #tpu.memory_space<semaphore_mem>>) src(%arg14 : memref<16x1792xf32, #tpu.memory_space<vmem>>) dst(%dma_wait3A_813 : memref<16x1792xf32, #tpu.memory_space<hbm>>)
    %add3A_814 = arith.constant 21504 : i32
    %add3A_815 = arith.addi %mul3A_21, %add3A_814 : i32
    %sub3A_816 = arith.constant 1792 : i32
    %sub3A_817 = arith.subi %mul3A_51, %sub3A_816 : i32
    %min3A_818 = arith.minsi %add3A_815, %sub3A_817 : i32
    %dma_start3A_819 = arith.constant 0 : i32
    %dma_start3A_820 = tpu.memref_slice %arg2[%dma_start3A_819, %min3A_818] : memref<16x1000000xf32, #tpu.memory_space<hbm>> -> memref<16x1792xf32, #tpu.memory_space<hbm>>
    %dma_start3A_821 = arith.constant 0 : i32
    %dma_start3A_822 = tpu.memref_slice %arg2[%dma_start3A_821, %min3A_818] : memref<16x1000000xf32, #tpu.memory_space<hbm>> -> memref<16x1792xf32, #tpu.memory_space<hbm>>
    tpu.enqueue_dma source(%dma_start3A_822 : memref<16x1792xf32, #tpu.memory_space<hbm>>) target(%arg14 : memref<16x1792xf32, #tpu.memory_space<vmem>>) target_semaphore(%arg18 : memref<!tpu.dma_semaphore, #tpu.memory_space<semaphore_mem>>)
    %dma_wait3A_823 = arith.constant 0 : i32
    %dma_wait3A_824 = tpu.memref_slice %arg2[%dma_wait3A_823, %min3A_750] : memref<16x1000000xf32, #tpu.memory_space<hbm>> -> memref<16x1792xf32, #tpu.memory_space<hbm>>
    %dma_wait3A_825 = arith.constant 0 : i32
    %dma_wait3A_826 = tpu.memref_slice %arg2[%dma_wait3A_825, %min3A_750] : memref<16x1000000xf32, #tpu.memory_space<hbm>> -> memref<16x1792xf32, #tpu.memory_space<hbm>>
    tpu.wait_dma2 semaphore(%arg19 : memref<!tpu.dma_semaphore, #tpu.memory_space<semaphore_mem>>) src(%dma_wait3A_826 : memref<16x1792xf32, #tpu.memory_space<hbm>>) dst(%arg15 : memref<16x1792xf32, #tpu.memory_space<vmem>>)
    %add3A_827 = arith.constant 16 : i32
    %add3A_828 = arith.addi %scan3A_74, %add3A_827 : i32
    %sub3A_829 = arith.constant 1 : i32
    %sub3A_830 = arith.subi %add3A_828, %sub3A_829 : i32
    %jit3A_831 = arith.constant 16 : i32
    %div3A_832 = arith.divsi %sub3A_830, %jit3A_831 : i32
    %sign3A_833 = arith.constant 0 : i32
    %sign3A_834 = arith.cmpi sgt, %sub3A_830, %sign3A_833 : i32
    %sign3A_835 = arith.extui %sign3A_834 : i1 to i32
    %sign3A_836 = arith.constant 0 : i32
    %sign3A_837 = arith.cmpi slt, %sub3A_830, %sign3A_836 : i32
    %sign3A_838 = arith.extui %sign3A_837 : i1 to i32
    %sign3A_839 = arith.subi %sign3A_835, %sign3A_838 : i32
    %sign3A_840 = arith.constant 0 : i32
    %sign3A_841 = arith.cmpi sgt, %jit3A_831, %sign3A_840 : i32
    %sign3A_842 = arith.extui %sign3A_841 : i1 to i32
    %sign3A_843 = arith.constant 0 : i32
    %sign3A_844 = arith.cmpi slt, %jit3A_831, %sign3A_843 : i32
    %sign3A_845 = arith.extui %sign3A_844 : i1 to i32
    %sign3A_846 = arith.subi %sign3A_842, %sign3A_845 : i32
    %ne3A_847 = arith.cmpi ne, %sign3A_839, %sign3A_846 : i32
    %rem3A_848 = arith.remsi %sub3A_830, %jit3A_831 : i32
    %ne3A_849 = arith.constant 0 : i32
    %ne3A_850 = arith.cmpi ne, %rem3A_848, %ne3A_849 : i32
    %and3A_851 = arith.andi %ne3A_847, %ne3A_850 : i1
    %sub3A_852 = arith.constant 1 : i32
    %sub3A_853 = arith.subi %div3A_832, %sub3A_852 : i32
    %select_n3A_854 = arith.select %and3A_851, %sub3A_853, %div3A_832 : i32
    %sub3A_855 = arith.constant 0 : i32
    %sub3A_856 = arith.subi %select_n3A_854, %sub3A_855 : i32
    %sub3A_857 = arith.constant 1 : i32
    %sub3A_858 = arith.constant 1 : i32
    %sub3A_859 = arith.subi %sub3A_857, %sub3A_858 : i32
    %add3A_860 = arith.addi %sub3A_856, %sub3A_859 : i32
    %div3A_861 = arith.constant 1 : i32
    %div3A_862 = arith.divsi %add3A_860, %div3A_861 : i32
    %while3A_863 = arith.constant 1 : i32
    %while3A_864 = arith.constant 0 : i32
    %while3A_865 = arith.constant 0 : i32
    %while3A_866 = arith.subi %div3A_862, %while3A_865 : i32
    %while3A_867 = arith.addi %while3A_865, %while3A_866 : i32
    %while3A_868 = arith.constant 1 : i32
    %while3A_869 = arith.divsi %while3A_866, %while3A_868 : i32
    %while3A_870 = arith.muli %while3A_869, %while3A_868 : i32
    %while3A_871 = arith.addi %while3A_865, %while3A_870 : i32
    %while3A_872 = arith.constant 1 : i32
    scf.for %while3A_1282 = %while3A_865 to %while3A_871 step %while3A_872  : i32 {
      %mul3A_1283 = arith.muli %while3A_1282, %while3A_863 : i32
      %add3A_1284 = arith.addi %while3A_864, %mul3A_1283 : i32
      %mul3A_1285 = arith.constant 16 : i32
      %mul3A_1286 = arith.muli %add3A_1284, %mul3A_1285 : i32
      %add3A_1287 = vector.broadcast %mul3A_1286 : i32 to vector<16xi32>
      %add3A_1288 = arith.addi %iota3A, %add3A_1287 : vector<16xi32>
      %lt3A = vector.broadcast %scan3A_74 : i32 to vector<16xi32>
      %lt3A_1289 = arith.cmpi slt, %add3A_1288, %lt3A : vector<16xi32>
      %mul3A_1290 = arith.constant 16 : i32
      %mul3A_1291 = arith.muli %add3A_1284, %mul3A_1290 : i32
      %get3A_1292 = arith.index_cast %mul3A_1291 : i32 to index
      %get3A_1293 = tpu.vector_load %arg13[%get3A_1292] {strides = array<i32>} : memref<16400xi32, #tpu.memory_space<vmem>>, vector<16xi32>,
      %jit3A_1294 = arith.constant 0 : i32
      %broadcast_in_dim3A = vector.broadcast %jit3A_1294 : i32 to vector<16xi32>
      %select_n3A_1295 = arith.select %lt3A_1289, %get3A_1293, %broadcast_in_dim3A : vector<16xi1>, vector<16xi32>
      %gather3A = tpu.vector_load_idx %arg10[%select_n3A_1295] : memref<16384xi32, #tpu.memory_space<vmem>>[vector<16xi32>], vector<16xi32>,
      %ge3A = vector.broadcast %min3A_750 : i32 to vector<16xi32>
      %ge3A_1296 = arith.cmpi sge, %gather3A, %ge3A : vector<16xi32>
      %and3A_1297 = arith.andi %lt3A_1289, %ge3A_1296 : vector<16xi1>
      %add3A_1298 = arith.constant 1792 : i32
      %add3A_1299 = arith.addi %min3A_750, %add3A_1298 : i32
      %lt3A_1300 = vector.broadcast %add3A_1299 : i32 to vector<16xi32>
      %lt3A_1301 = arith.cmpi slt, %gather3A, %lt3A_1300 : vector<16xi32>
      %and3A_1302 = arith.andi %and3A_1297, %lt3A_1301 : vector<16xi1>
      %gather3A_1303 = tpu.vector_load_idx %arg11[%select_n3A_1295] : memref<16384xi32, #tpu.memory_space<vmem>>[vector<16xi32>], vector<16xi32>,
      %gather3A_1304 = tpu.vector_load_idx %arg12[%select_n3A_1295] : memref<16384xf32, #tpu.memory_space<vmem>>[vector<16xi32>], vector<16xf32>,
      %sub3A_1305 = vector.broadcast %min3A_750 : i32 to vector<16xi32>
      %sub3A_1306 = arith.subi %gather3A, %sub3A_1305 : vector<16xi32>
      %jit3A_1307 = arith.constant 0 : i32
      %broadcast_in_dim3A_1308 = vector.broadcast %jit3A_1307 : i32 to vector<16xi32>
      %select_n3A_1309 = arith.select %and3A_1302, %sub3A_1306, %broadcast_in_dim3A_1308 : vector<16xi1>, vector<16xi32>
      %jit3A_1310 = arith.constant 0 : i32
      %broadcast_in_dim3A_1311 = vector.broadcast %jit3A_1310 : i32 to vector<16xi32>
      %select_n3A_1312 = arith.select %and3A_1302, %gather3A_1303, %broadcast_in_dim3A_1311 : vector<16xi1>, vector<16xi32>
      %gather3A_1313 = tpu.vector_load_idx %arg15[%select_n3A_1312, %select_n3A_1309] masked %and3A_1302 : memref<16x1792xf32, #tpu.memory_space<vmem>>[vector<16xi32>, vector<16xi32>], vector<16xf32>, vector<16xi1>
      %sub3A_1314 = arith.subf %gather3A_1304, %gather3A_1313 : vector<16xf32>
      %mul3A_1315 = arith.mulf %get3A_76, %sub3A_1314 : vector<16xf32>
      %add3A_1316 = arith.addf %gather3A_1313, %mul3A_1315 : vector<16xf32>
      tpu.vector_store_idx %arg15[%select_n3A_1312, %select_n3A_1309], %add3A_1316 masked %and3A_1302 : memref<16x1792xf32, #tpu.memory_space<vmem>>[vector<16xi32>, vector<16xi32>], vector<16xf32>, vector<16xi1>
    }
    %while3A_873 = arith.constant 1 : i32
    scf.for %while3A_1282 = %while3A_871 to %while3A_867 step %while3A_873  : i32 {
      %mul3A_1283 = arith.muli %while3A_1282, %while3A_863 : i32
      %add3A_1284 = arith.addi %while3A_864, %mul3A_1283 : i32
      %mul3A_1285 = arith.constant 16 : i32
      %mul3A_1286 = arith.muli %add3A_1284, %mul3A_1285 : i32
      %add3A_1287 = vector.broadcast %mul3A_1286 : i32 to vector<16xi32>
      %add3A_1288 = arith.addi %iota3A, %add3A_1287 : vector<16xi32>
      %lt3A = vector.broadcast %scan3A_74 : i32 to vector<16xi32>
      %lt3A_1289 = arith.cmpi slt, %add3A_1288, %lt3A : vector<16xi32>
      %mul3A_1290 = arith.constant 16 : i32
      %mul3A_1291 = arith.muli %add3A_1284, %mul3A_1290 : i32
      %get3A_1292 = arith.index_cast %mul3A_1291 : i32 to index
      %get3A_1293 = tpu.vector_load %arg13[%get3A_1292] {strides = array<i32>} : memref<16400xi32, #tpu.memory_space<vmem>>, vector<16xi32>,
      %jit3A_1294 = arith.constant 0 : i32
      %broadcast_in_dim3A = vector.broadcast %jit3A_1294 : i32 to vector<16xi32>
      %select_n3A_1295 = arith.select %lt3A_1289, %get3A_1293, %broadcast_in_dim3A : vector<16xi1>, vector<16xi32>
      %gather3A = tpu.vector_load_idx %arg10[%select_n3A_1295] : memref<16384xi32, #tpu.memory_space<vmem>>[vector<16xi32>], vector<16xi32>,
      %ge3A = vector.broadcast %min3A_750 : i32 to vector<16xi32>
      %ge3A_1296 = arith.cmpi sge, %gather3A, %ge3A : vector<16xi32>
      %and3A_1297 = arith.andi %lt3A_1289, %ge3A_1296 : vector<16xi1>
      %add3A_1298 = arith.constant 1792 : i32
      %add3A_1299 = arith.addi %min3A_750, %add3A_1298 : i32
      %lt3A_1300 = vector.broadcast %add3A_1299 : i32 to vector<16xi32>
      %lt3A_1301 = arith.cmpi slt, %gather3A, %lt3A_1300 : vector<16xi32>
      %and3A_1302 = arith.andi %and3A_1297, %lt3A_1301 : vector<16xi1>
      %gather3A_1303 = tpu.vector_load_idx %arg11[%select_n3A_1295] : memref<16384xi32, #tpu.memory_space<vmem>>[vector<16xi32>], vector<16xi32>,
      %gather3A_1304 = tpu.vector_load_idx %arg12[%select_n3A_1295] : memref<16384xf32, #tpu.memory_space<vmem>>[vector<16xi32>], vector<16xf32>,
      %sub3A_1305 = vector.broadcast %min3A_750 : i32 to vector<16xi32>
      %sub3A_1306 = arith.subi %gather3A, %sub3A_1305 : vector<16xi32>
      %jit3A_1307 = arith.constant 0 : i32
      %broadcast_in_dim3A_1308 = vector.broadcast %jit3A_1307 : i32 to vector<16xi32>
      %select_n3A_1309 = arith.select %and3A_1302, %sub3A_1306, %broadcast_in_dim3A_1308 : vector<16xi1>, vector<16xi32>
      %jit3A_1310 = arith.constant 0 : i32
      %broadcast_in_dim3A_1311 = vector.broadcast %jit3A_1310 : i32 to vector<16xi32>
      %select_n3A_1312 = arith.select %and3A_1302, %gather3A_1303, %broadcast_in_dim3A_1311 : vector<16xi1>, vector<16xi32>
      %gather3A_1313 = tpu.vector_load_idx %arg15[%select_n3A_1312, %select_n3A_1309] masked %and3A_1302 : memref<16x1792xf32, #tpu.memory_space<vmem>>[vector<16xi32>, vector<16xi32>], vector<16xf32>, vector<16xi1>
      %sub3A_1314 = arith.subf %gather3A_1304, %gather3A_1313 : vector<16xf32>
      %mul3A_1315 = arith.mulf %get3A_76, %sub3A_1314 : vector<16xf32>
      %add3A_1316 = arith.addf %gather3A_1313, %mul3A_1315 : vector<16xf32>
      tpu.vector_store_idx %arg15[%select_n3A_1312, %select_n3A_1309], %add3A_1316 masked %and3A_1302 : memref<16x1792xf32, #tpu.memory_space<vmem>>[vector<16xi32>, vector<16xi32>], vector<16xf32>, vector<16xi1>
    }
    %dma_start3A_874 = arith.constant 0 : i32
    %dma_start3A_875 = tpu.memref_slice %arg8[%dma_start3A_874, %min3A_750] : memref<16x1000000xf32, #tpu.memory_space<hbm>> -> memref<16x1792xf32, #tpu.memory_space<hbm>>
    %dma_start3A_876 = arith.constant 0 : i32
    %dma_start3A_877 = tpu.memref_slice %arg8[%dma_start3A_876, %min3A_750] : memref<16x1000000xf32, #tpu.memory_space<hbm>> -> memref<16x1792xf32, #tpu.memory_space<hbm>>
    tpu.enqueue_dma source(%arg15 : memref<16x1792xf32, #tpu.memory_space<vmem>>) target(%dma_start3A_877 : memref<16x1792xf32, #tpu.memory_space<hbm>>) target_semaphore(%arg21 : memref<!tpu.dma_semaphore, #tpu.memory_space<semaphore_mem>>)
    %dma_wait3A_878 = arith.constant 0 : i32
    %dma_wait3A_879 = tpu.memref_slice %arg8[%dma_wait3A_878, %min3A_750] : memref<16x1000000xf32, #tpu.memory_space<hbm>> -> memref<16x1792xf32, #tpu.memory_space<hbm>>
    %dma_wait3A_880 = arith.constant 0 : i32
    %dma_wait3A_881 = tpu.memref_slice %arg8[%dma_wait3A_880, %min3A_750] : memref<16x1000000xf32, #tpu.memory_space<hbm>> -> memref<16x1792xf32, #tpu.memory_space<hbm>>
    tpu.wait_dma2 semaphore(%arg21 : memref<!tpu.dma_semaphore, #tpu.memory_space<semaphore_mem>>) src(%arg15 : memref<16x1792xf32, #tpu.memory_space<vmem>>) dst(%dma_wait3A_881 : memref<16x1792xf32, #tpu.memory_space<hbm>>)
    %add3A_882 = arith.constant 23296 : i32
    %add3A_883 = arith.addi %mul3A_21, %add3A_882 : i32
    %sub3A_884 = arith.constant 1792 : i32
    %sub3A_885 = arith.subi %mul3A_51, %sub3A_884 : i32
    %min3A_886 = arith.minsi %add3A_883, %sub3A_885 : i32
    %dma_start3A_887 = arith.constant 0 : i32
    %dma_start3A_888 = tpu.memref_slice %arg2[%dma_start3A_887, %min3A_886] : memref<16x1000000xf32, #tpu.memory_space<hbm>> -> memref<16x1792xf32, #tpu.memory_space<hbm>>
    %dma_start3A_889 = arith.constant 0 : i32
    %dma_start3A_890 = tpu.memref_slice %arg2[%dma_start3A_889, %min3A_886] : memref<16x1000000xf32, #tpu.memory_space<hbm>> -> memref<16x1792xf32, #tpu.memory_space<hbm>>
    tpu.enqueue_dma source(%dma_start3A_890 : memref<16x1792xf32, #tpu.memory_space<hbm>>) target(%arg15 : memref<16x1792xf32, #tpu.memory_space<vmem>>) target_semaphore(%arg19 : memref<!tpu.dma_semaphore, #tpu.memory_space<semaphore_mem>>)
    %dma_wait3A_891 = arith.constant 0 : i32
    %dma_wait3A_892 = tpu.memref_slice %arg2[%dma_wait3A_891, %min3A_818] : memref<16x1000000xf32, #tpu.memory_space<hbm>> -> memref<16x1792xf32, #tpu.memory_space<hbm>>
    %dma_wait3A_893 = arith.constant 0 : i32
    %dma_wait3A_894 = tpu.memref_slice %arg2[%dma_wait3A_893, %min3A_818] : memref<16x1000000xf32, #tpu.memory_space<hbm>> -> memref<16x1792xf32, #tpu.memory_space<hbm>>
    tpu.wait_dma2 semaphore(%arg18 : memref<!tpu.dma_semaphore, #tpu.memory_space<semaphore_mem>>) src(%dma_wait3A_894 : memref<16x1792xf32, #tpu.memory_space<hbm>>) dst(%arg14 : memref<16x1792xf32, #tpu.memory_space<vmem>>)
    %add3A_895 = arith.constant 16 : i32
    %add3A_896 = arith.addi %scan3A_74, %add3A_895 : i32
    %sub3A_897 = arith.constant 1 : i32
    %sub3A_898 = arith.subi %add3A_896, %sub3A_897 : i32
    %jit3A_899 = arith.constant 16 : i32
    %div3A_900 = arith.divsi %sub3A_898, %jit3A_899 : i32
    %sign3A_901 = arith.constant 0 : i32
    %sign3A_902 = arith.cmpi sgt, %sub3A_898, %sign3A_901 : i32
    %sign3A_903 = arith.extui %sign3A_902 : i1 to i32
    %sign3A_904 = arith.constant 0 : i32
    %sign3A_905 = arith.cmpi slt, %sub3A_898, %sign3A_904 : i32
    %sign3A_906 = arith.extui %sign3A_905 : i1 to i32
    %sign3A_907 = arith.subi %sign3A_903, %sign3A_906 : i32
    %sign3A_908 = arith.constant 0 : i32
    %sign3A_909 = arith.cmpi sgt, %jit3A_899, %sign3A_908 : i32
    %sign3A_910 = arith.extui %sign3A_909 : i1 to i32
    %sign3A_911 = arith.constant 0 : i32
    %sign3A_912 = arith.cmpi slt, %jit3A_899, %sign3A_911 : i32
    %sign3A_913 = arith.extui %sign3A_912 : i1 to i32
    %sign3A_914 = arith.subi %sign3A_910, %sign3A_913 : i32
    %ne3A_915 = arith.cmpi ne, %sign3A_907, %sign3A_914 : i32
    %rem3A_916 = arith.remsi %sub3A_898, %jit3A_899 : i32
    %ne3A_917 = arith.constant 0 : i32
    %ne3A_918 = arith.cmpi ne, %rem3A_916, %ne3A_917 : i32
    %and3A_919 = arith.andi %ne3A_915, %ne3A_918 : i1
    %sub3A_920 = arith.constant 1 : i32
    %sub3A_921 = arith.subi %div3A_900, %sub3A_920 : i32
    %select_n3A_922 = arith.select %and3A_919, %sub3A_921, %div3A_900 : i32
    %sub3A_923 = arith.constant 0 : i32
    %sub3A_924 = arith.subi %select_n3A_922, %sub3A_923 : i32
    %sub3A_925 = arith.constant 1 : i32
    %sub3A_926 = arith.constant 1 : i32
    %sub3A_927 = arith.subi %sub3A_925, %sub3A_926 : i32
    %add3A_928 = arith.addi %sub3A_924, %sub3A_927 : i32
    %div3A_929 = arith.constant 1 : i32
    %div3A_930 = arith.divsi %add3A_928, %div3A_929 : i32
    %while3A_931 = arith.constant 1 : i32
    %while3A_932 = arith.constant 0 : i32
    %while3A_933 = arith.constant 0 : i32
    %while3A_934 = arith.subi %div3A_930, %while3A_933 : i32
    %while3A_935 = arith.addi %while3A_933, %while3A_934 : i32
    %while3A_936 = arith.constant 1 : i32
    %while3A_937 = arith.divsi %while3A_934, %while3A_936 : i32
    %while3A_938 = arith.muli %while3A_937, %while3A_936 : i32
    %while3A_939 = arith.addi %while3A_933, %while3A_938 : i32
    %while3A_940 = arith.constant 1 : i32
    scf.for %while3A_1282 = %while3A_933 to %while3A_939 step %while3A_940  : i32 {
      %mul3A_1283 = arith.muli %while3A_1282, %while3A_931 : i32
      %add3A_1284 = arith.addi %while3A_932, %mul3A_1283 : i32
      %mul3A_1285 = arith.constant 16 : i32
      %mul3A_1286 = arith.muli %add3A_1284, %mul3A_1285 : i32
      %add3A_1287 = vector.broadcast %mul3A_1286 : i32 to vector<16xi32>
      %add3A_1288 = arith.addi %iota3A, %add3A_1287 : vector<16xi32>
      %lt3A = vector.broadcast %scan3A_74 : i32 to vector<16xi32>
      %lt3A_1289 = arith.cmpi slt, %add3A_1288, %lt3A : vector<16xi32>
      %mul3A_1290 = arith.constant 16 : i32
      %mul3A_1291 = arith.muli %add3A_1284, %mul3A_1290 : i32
      %get3A_1292 = arith.index_cast %mul3A_1291 : i32 to index
      %get3A_1293 = tpu.vector_load %arg13[%get3A_1292] {strides = array<i32>} : memref<16400xi32, #tpu.memory_space<vmem>>, vector<16xi32>,
      %jit3A_1294 = arith.constant 0 : i32
      %broadcast_in_dim3A = vector.broadcast %jit3A_1294 : i32 to vector<16xi32>
      %select_n3A_1295 = arith.select %lt3A_1289, %get3A_1293, %broadcast_in_dim3A : vector<16xi1>, vector<16xi32>
      %gather3A = tpu.vector_load_idx %arg10[%select_n3A_1295] : memref<16384xi32, #tpu.memory_space<vmem>>[vector<16xi32>], vector<16xi32>,
      %ge3A = vector.broadcast %min3A_818 : i32 to vector<16xi32>
      %ge3A_1296 = arith.cmpi sge, %gather3A, %ge3A : vector<16xi32>
      %and3A_1297 = arith.andi %lt3A_1289, %ge3A_1296 : vector<16xi1>
      %add3A_1298 = arith.constant 1792 : i32
      %add3A_1299 = arith.addi %min3A_818, %add3A_1298 : i32
      %lt3A_1300 = vector.broadcast %add3A_1299 : i32 to vector<16xi32>
      %lt3A_1301 = arith.cmpi slt, %gather3A, %lt3A_1300 : vector<16xi32>
      %and3A_1302 = arith.andi %and3A_1297, %lt3A_1301 : vector<16xi1>
      %gather3A_1303 = tpu.vector_load_idx %arg11[%select_n3A_1295] : memref<16384xi32, #tpu.memory_space<vmem>>[vector<16xi32>], vector<16xi32>,
      %gather3A_1304 = tpu.vector_load_idx %arg12[%select_n3A_1295] : memref<16384xf32, #tpu.memory_space<vmem>>[vector<16xi32>], vector<16xf32>,
      %sub3A_1305 = vector.broadcast %min3A_818 : i32 to vector<16xi32>
      %sub3A_1306 = arith.subi %gather3A, %sub3A_1305 : vector<16xi32>
      %jit3A_1307 = arith.constant 0 : i32
      %broadcast_in_dim3A_1308 = vector.broadcast %jit3A_1307 : i32 to vector<16xi32>
      %select_n3A_1309 = arith.select %and3A_1302, %sub3A_1306, %broadcast_in_dim3A_1308 : vector<16xi1>, vector<16xi32>
      %jit3A_1310 = arith.constant 0 : i32
      %broadcast_in_dim3A_1311 = vector.broadcast %jit3A_1310 : i32 to vector<16xi32>
      %select_n3A_1312 = arith.select %and3A_1302, %gather3A_1303, %broadcast_in_dim3A_1311 : vector<16xi1>, vector<16xi32>
      %gather3A_1313 = tpu.vector_load_idx %arg14[%select_n3A_1312, %select_n3A_1309] masked %and3A_1302 : memref<16x1792xf32, #tpu.memory_space<vmem>>[vector<16xi32>, vector<16xi32>], vector<16xf32>, vector<16xi1>
      %sub3A_1314 = arith.subf %gather3A_1304, %gather3A_1313 : vector<16xf32>
      %mul3A_1315 = arith.mulf %get3A_76, %sub3A_1314 : vector<16xf32>
      %add3A_1316 = arith.addf %gather3A_1313, %mul3A_1315 : vector<16xf32>
      tpu.vector_store_idx %arg14[%select_n3A_1312, %select_n3A_1309], %add3A_1316 masked %and3A_1302 : memref<16x1792xf32, #tpu.memory_space<vmem>>[vector<16xi32>, vector<16xi32>], vector<16xf32>, vector<16xi1>
    }
    %while3A_941 = arith.constant 1 : i32
    scf.for %while3A_1282 = %while3A_939 to %while3A_935 step %while3A_941  : i32 {
      %mul3A_1283 = arith.muli %while3A_1282, %while3A_931 : i32
      %add3A_1284 = arith.addi %while3A_932, %mul3A_1283 : i32
      %mul3A_1285 = arith.constant 16 : i32
      %mul3A_1286 = arith.muli %add3A_1284, %mul3A_1285 : i32
      %add3A_1287 = vector.broadcast %mul3A_1286 : i32 to vector<16xi32>
      %add3A_1288 = arith.addi %iota3A, %add3A_1287 : vector<16xi32>
      %lt3A = vector.broadcast %scan3A_74 : i32 to vector<16xi32>
      %lt3A_1289 = arith.cmpi slt, %add3A_1288, %lt3A : vector<16xi32>
      %mul3A_1290 = arith.constant 16 : i32
      %mul3A_1291 = arith.muli %add3A_1284, %mul3A_1290 : i32
      %get3A_1292 = arith.index_cast %mul3A_1291 : i32 to index
      %get3A_1293 = tpu.vector_load %arg13[%get3A_1292] {strides = array<i32>} : memref<16400xi32, #tpu.memory_space<vmem>>, vector<16xi32>,
      %jit3A_1294 = arith.constant 0 : i32
      %broadcast_in_dim3A = vector.broadcast %jit3A_1294 : i32 to vector<16xi32>
      %select_n3A_1295 = arith.select %lt3A_1289, %get3A_1293, %broadcast_in_dim3A : vector<16xi1>, vector<16xi32>
      %gather3A = tpu.vector_load_idx %arg10[%select_n3A_1295] : memref<16384xi32, #tpu.memory_space<vmem>>[vector<16xi32>], vector<16xi32>,
      %ge3A = vector.broadcast %min3A_818 : i32 to vector<16xi32>
      %ge3A_1296 = arith.cmpi sge, %gather3A, %ge3A : vector<16xi32>
      %and3A_1297 = arith.andi %lt3A_1289, %ge3A_1296 : vector<16xi1>
      %add3A_1298 = arith.constant 1792 : i32
      %add3A_1299 = arith.addi %min3A_818, %add3A_1298 : i32
      %lt3A_1300 = vector.broadcast %add3A_1299 : i32 to vector<16xi32>
      %lt3A_1301 = arith.cmpi slt, %gather3A, %lt3A_1300 : vector<16xi32>
      %and3A_1302 = arith.andi %and3A_1297, %lt3A_1301 : vector<16xi1>
      %gather3A_1303 = tpu.vector_load_idx %arg11[%select_n3A_1295] : memref<16384xi32, #tpu.memory_space<vmem>>[vector<16xi32>], vector<16xi32>,
      %gather3A_1304 = tpu.vector_load_idx %arg12[%select_n3A_1295] : memref<16384xf32, #tpu.memory_space<vmem>>[vector<16xi32>], vector<16xf32>,
      %sub3A_1305 = vector.broadcast %min3A_818 : i32 to vector<16xi32>
      %sub3A_1306 = arith.subi %gather3A, %sub3A_1305 : vector<16xi32>
      %jit3A_1307 = arith.constant 0 : i32
      %broadcast_in_dim3A_1308 = vector.broadcast %jit3A_1307 : i32 to vector<16xi32>
      %select_n3A_1309 = arith.select %and3A_1302, %sub3A_1306, %broadcast_in_dim3A_1308 : vector<16xi1>, vector<16xi32>
      %jit3A_1310 = arith.constant 0 : i32
      %broadcast_in_dim3A_1311 = vector.broadcast %jit3A_1310 : i32 to vector<16xi32>
      %select_n3A_1312 = arith.select %and3A_1302, %gather3A_1303, %broadcast_in_dim3A_1311 : vector<16xi1>, vector<16xi32>
      %gather3A_1313 = tpu.vector_load_idx %arg14[%select_n3A_1312, %select_n3A_1309] masked %and3A_1302 : memref<16x1792xf32, #tpu.memory_space<vmem>>[vector<16xi32>, vector<16xi32>], vector<16xf32>, vector<16xi1>
      %sub3A_1314 = arith.subf %gather3A_1304, %gather3A_1313 : vector<16xf32>
      %mul3A_1315 = arith.mulf %get3A_76, %sub3A_1314 : vector<16xf32>
      %add3A_1316 = arith.addf %gather3A_1313, %mul3A_1315 : vector<16xf32>
      tpu.vector_store_idx %arg14[%select_n3A_1312, %select_n3A_1309], %add3A_1316 masked %and3A_1302 : memref<16x1792xf32, #tpu.memory_space<vmem>>[vector<16xi32>, vector<16xi32>], vector<16xf32>, vector<16xi1>
    }
    %dma_start3A_942 = arith.constant 0 : i32
    %dma_start3A_943 = tpu.memref_slice %arg8[%dma_start3A_942, %min3A_818] : memref<16x1000000xf32, #tpu.memory_space<hbm>> -> memref<16x1792xf32, #tpu.memory_space<hbm>>
    %dma_start3A_944 = arith.constant 0 : i32
    %dma_start3A_945 = tpu.memref_slice %arg8[%dma_start3A_944, %min3A_818] : memref<16x1000000xf32, #tpu.memory_space<hbm>> -> memref<16x1792xf32, #tpu.memory_space<hbm>>
    tpu.enqueue_dma source(%arg14 : memref<16x1792xf32, #tpu.memory_space<vmem>>) target(%dma_start3A_945 : memref<16x1792xf32, #tpu.memory_space<hbm>>) target_semaphore(%arg20 : memref<!tpu.dma_semaphore, #tpu.memory_space<semaphore_mem>>)
    %dma_wait3A_946 = arith.constant 0 : i32
    %dma_wait3A_947 = tpu.memref_slice %arg8[%dma_wait3A_946, %min3A_818] : memref<16x1000000xf32, #tpu.memory_space<hbm>> -> memref<16x1792xf32, #tpu.memory_space<hbm>>
    %dma_wait3A_948 = arith.constant 0 : i32
    %dma_wait3A_949 = tpu.memref_slice %arg8[%dma_wait3A_948, %min3A_818] : memref<16x1000000xf32, #tpu.memory_space<hbm>> -> memref<16x1792xf32, #tpu.memory_space<hbm>>
    tpu.wait_dma2 semaphore(%arg20 : memref<!tpu.dma_semaphore, #tpu.memory_space<semaphore_mem>>) src(%arg14 : memref<16x1792xf32, #tpu.memory_space<vmem>>) dst(%dma_wait3A_949 : memref<16x1792xf32, #tpu.memory_space<hbm>>)
    %add3A_950 = arith.constant 25088 : i32
    %add3A_951 = arith.addi %mul3A_21, %add3A_950 : i32
    %sub3A_952 = arith.constant 1792 : i32
    %sub3A_953 = arith.subi %mul3A_51, %sub3A_952 : i32
    %min3A_954 = arith.minsi %add3A_951, %sub3A_953 : i32
    %dma_start3A_955 = arith.constant 0 : i32
    %dma_start3A_956 = tpu.memref_slice %arg2[%dma_start3A_955, %min3A_954] : memref<16x1000000xf32, #tpu.memory_space<hbm>> -> memref<16x1792xf32, #tpu.memory_space<hbm>>
    %dma_start3A_957 = arith.constant 0 : i32
    %dma_start3A_958 = tpu.memref_slice %arg2[%dma_start3A_957, %min3A_954] : memref<16x1000000xf32, #tpu.memory_space<hbm>> -> memref<16x1792xf32, #tpu.memory_space<hbm>>
    tpu.enqueue_dma source(%dma_start3A_958 : memref<16x1792xf32, #tpu.memory_space<hbm>>) target(%arg14 : memref<16x1792xf32, #tpu.memory_space<vmem>>) target_semaphore(%arg18 : memref<!tpu.dma_semaphore, #tpu.memory_space<semaphore_mem>>)
    %dma_wait3A_959 = arith.constant 0 : i32
    %dma_wait3A_960 = tpu.memref_slice %arg2[%dma_wait3A_959, %min3A_886] : memref<16x1000000xf32, #tpu.memory_space<hbm>> -> memref<16x1792xf32, #tpu.memory_space<hbm>>
    %dma_wait3A_961 = arith.constant 0 : i32
    %dma_wait3A_962 = tpu.memref_slice %arg2[%dma_wait3A_961, %min3A_886] : memref<16x1000000xf32, #tpu.memory_space<hbm>> -> memref<16x1792xf32, #tpu.memory_space<hbm>>
    tpu.wait_dma2 semaphore(%arg19 : memref<!tpu.dma_semaphore, #tpu.memory_space<semaphore_mem>>) src(%dma_wait3A_962 : memref<16x1792xf32, #tpu.memory_space<hbm>>) dst(%arg15 : memref<16x1792xf32, #tpu.memory_space<vmem>>)
    %add3A_963 = arith.constant 16 : i32
    %add3A_964 = arith.addi %scan3A_74, %add3A_963 : i32
    %sub3A_965 = arith.constant 1 : i32
    %sub3A_966 = arith.subi %add3A_964, %sub3A_965 : i32
    %jit3A_967 = arith.constant 16 : i32
    %div3A_968 = arith.divsi %sub3A_966, %jit3A_967 : i32
    %sign3A_969 = arith.constant 0 : i32
    %sign3A_970 = arith.cmpi sgt, %sub3A_966, %sign3A_969 : i32
    %sign3A_971 = arith.extui %sign3A_970 : i1 to i32
    %sign3A_972 = arith.constant 0 : i32
    %sign3A_973 = arith.cmpi slt, %sub3A_966, %sign3A_972 : i32
    %sign3A_974 = arith.extui %sign3A_973 : i1 to i32
    %sign3A_975 = arith.subi %sign3A_971, %sign3A_974 : i32
    %sign3A_976 = arith.constant 0 : i32
    %sign3A_977 = arith.cmpi sgt, %jit3A_967, %sign3A_976 : i32
    %sign3A_978 = arith.extui %sign3A_977 : i1 to i32
    %sign3A_979 = arith.constant 0 : i32
    %sign3A_980 = arith.cmpi slt, %jit3A_967, %sign3A_979 : i32
    %sign3A_981 = arith.extui %sign3A_980 : i1 to i32
    %sign3A_982 = arith.subi %sign3A_978, %sign3A_981 : i32
    %ne3A_983 = arith.cmpi ne, %sign3A_975, %sign3A_982 : i32
    %rem3A_984 = arith.remsi %sub3A_966, %jit3A_967 : i32
    %ne3A_985 = arith.constant 0 : i32
    %ne3A_986 = arith.cmpi ne, %rem3A_984, %ne3A_985 : i32
    %and3A_987 = arith.andi %ne3A_983, %ne3A_986 : i1
    %sub3A_988 = arith.constant 1 : i32
    %sub3A_989 = arith.subi %div3A_968, %sub3A_988 : i32
    %select_n3A_990 = arith.select %and3A_987, %sub3A_989, %div3A_968 : i32
    %sub3A_991 = arith.constant 0 : i32
    %sub3A_992 = arith.subi %select_n3A_990, %sub3A_991 : i32
    %sub3A_993 = arith.constant 1 : i32
    %sub3A_994 = arith.constant 1 : i32
    %sub3A_995 = arith.subi %sub3A_993, %sub3A_994 : i32
    %add3A_996 = arith.addi %sub3A_992, %sub3A_995 : i32
    %div3A_997 = arith.constant 1 : i32
    %div3A_998 = arith.divsi %add3A_996, %div3A_997 : i32
    %while3A_999 = arith.constant 1 : i32
    %while3A_1000 = arith.constant 0 : i32
    %while3A_1001 = arith.constant 0 : i32
    %while3A_1002 = arith.subi %div3A_998, %while3A_1001 : i32
    %while3A_1003 = arith.addi %while3A_1001, %while3A_1002 : i32
    %while3A_1004 = arith.constant 1 : i32
    %while3A_1005 = arith.divsi %while3A_1002, %while3A_1004 : i32
    %while3A_1006 = arith.muli %while3A_1005, %while3A_1004 : i32
    %while3A_1007 = arith.addi %while3A_1001, %while3A_1006 : i32
    %while3A_1008 = arith.constant 1 : i32
    scf.for %while3A_1282 = %while3A_1001 to %while3A_1007 step %while3A_1008  : i32 {
      %mul3A_1283 = arith.muli %while3A_1282, %while3A_999 : i32
      %add3A_1284 = arith.addi %while3A_1000, %mul3A_1283 : i32
      %mul3A_1285 = arith.constant 16 : i32
      %mul3A_1286 = arith.muli %add3A_1284, %mul3A_1285 : i32
      %add3A_1287 = vector.broadcast %mul3A_1286 : i32 to vector<16xi32>
      %add3A_1288 = arith.addi %iota3A, %add3A_1287 : vector<16xi32>
      %lt3A = vector.broadcast %scan3A_74 : i32 to vector<16xi32>
      %lt3A_1289 = arith.cmpi slt, %add3A_1288, %lt3A : vector<16xi32>
      %mul3A_1290 = arith.constant 16 : i32
      %mul3A_1291 = arith.muli %add3A_1284, %mul3A_1290 : i32
      %get3A_1292 = arith.index_cast %mul3A_1291 : i32 to index
      %get3A_1293 = tpu.vector_load %arg13[%get3A_1292] {strides = array<i32>} : memref<16400xi32, #tpu.memory_space<vmem>>, vector<16xi32>,
      %jit3A_1294 = arith.constant 0 : i32
      %broadcast_in_dim3A = vector.broadcast %jit3A_1294 : i32 to vector<16xi32>
      %select_n3A_1295 = arith.select %lt3A_1289, %get3A_1293, %broadcast_in_dim3A : vector<16xi1>, vector<16xi32>
      %gather3A = tpu.vector_load_idx %arg10[%select_n3A_1295] : memref<16384xi32, #tpu.memory_space<vmem>>[vector<16xi32>], vector<16xi32>,
      %ge3A = vector.broadcast %min3A_886 : i32 to vector<16xi32>
      %ge3A_1296 = arith.cmpi sge, %gather3A, %ge3A : vector<16xi32>
      %and3A_1297 = arith.andi %lt3A_1289, %ge3A_1296 : vector<16xi1>
      %add3A_1298 = arith.constant 1792 : i32
      %add3A_1299 = arith.addi %min3A_886, %add3A_1298 : i32
      %lt3A_1300 = vector.broadcast %add3A_1299 : i32 to vector<16xi32>
      %lt3A_1301 = arith.cmpi slt, %gather3A, %lt3A_1300 : vector<16xi32>
      %and3A_1302 = arith.andi %and3A_1297, %lt3A_1301 : vector<16xi1>
      %gather3A_1303 = tpu.vector_load_idx %arg11[%select_n3A_1295] : memref<16384xi32, #tpu.memory_space<vmem>>[vector<16xi32>], vector<16xi32>,
      %gather3A_1304 = tpu.vector_load_idx %arg12[%select_n3A_1295] : memref<16384xf32, #tpu.memory_space<vmem>>[vector<16xi32>], vector<16xf32>,
      %sub3A_1305 = vector.broadcast %min3A_886 : i32 to vector<16xi32>
      %sub3A_1306 = arith.subi %gather3A, %sub3A_1305 : vector<16xi32>
      %jit3A_1307 = arith.constant 0 : i32
      %broadcast_in_dim3A_1308 = vector.broadcast %jit3A_1307 : i32 to vector<16xi32>
      %select_n3A_1309 = arith.select %and3A_1302, %sub3A_1306, %broadcast_in_dim3A_1308 : vector<16xi1>, vector<16xi32>
      %jit3A_1310 = arith.constant 0 : i32
      %broadcast_in_dim3A_1311 = vector.broadcast %jit3A_1310 : i32 to vector<16xi32>
      %select_n3A_1312 = arith.select %and3A_1302, %gather3A_1303, %broadcast_in_dim3A_1311 : vector<16xi1>, vector<16xi32>
      %gather3A_1313 = tpu.vector_load_idx %arg15[%select_n3A_1312, %select_n3A_1309] masked %and3A_1302 : memref<16x1792xf32, #tpu.memory_space<vmem>>[vector<16xi32>, vector<16xi32>], vector<16xf32>, vector<16xi1>
      %sub3A_1314 = arith.subf %gather3A_1304, %gather3A_1313 : vector<16xf32>
      %mul3A_1315 = arith.mulf %get3A_76, %sub3A_1314 : vector<16xf32>
      %add3A_1316 = arith.addf %gather3A_1313, %mul3A_1315 : vector<16xf32>
      tpu.vector_store_idx %arg15[%select_n3A_1312, %select_n3A_1309], %add3A_1316 masked %and3A_1302 : memref<16x1792xf32, #tpu.memory_space<vmem>>[vector<16xi32>, vector<16xi32>], vector<16xf32>, vector<16xi1>
    }
    %while3A_1009 = arith.constant 1 : i32
    scf.for %while3A_1282 = %while3A_1007 to %while3A_1003 step %while3A_1009  : i32 {
      %mul3A_1283 = arith.muli %while3A_1282, %while3A_999 : i32
      %add3A_1284 = arith.addi %while3A_1000, %mul3A_1283 : i32
      %mul3A_1285 = arith.constant 16 : i32
      %mul3A_1286 = arith.muli %add3A_1284, %mul3A_1285 : i32
      %add3A_1287 = vector.broadcast %mul3A_1286 : i32 to vector<16xi32>
      %add3A_1288 = arith.addi %iota3A, %add3A_1287 : vector<16xi32>
      %lt3A = vector.broadcast %scan3A_74 : i32 to vector<16xi32>
      %lt3A_1289 = arith.cmpi slt, %add3A_1288, %lt3A : vector<16xi32>
      %mul3A_1290 = arith.constant 16 : i32
      %mul3A_1291 = arith.muli %add3A_1284, %mul3A_1290 : i32
      %get3A_1292 = arith.index_cast %mul3A_1291 : i32 to index
      %get3A_1293 = tpu.vector_load %arg13[%get3A_1292] {strides = array<i32>} : memref<16400xi32, #tpu.memory_space<vmem>>, vector<16xi32>,
      %jit3A_1294 = arith.constant 0 : i32
      %broadcast_in_dim3A = vector.broadcast %jit3A_1294 : i32 to vector<16xi32>
      %select_n3A_1295 = arith.select %lt3A_1289, %get3A_1293, %broadcast_in_dim3A : vector<16xi1>, vector<16xi32>
      %gather3A = tpu.vector_load_idx %arg10[%select_n3A_1295] : memref<16384xi32, #tpu.memory_space<vmem>>[vector<16xi32>], vector<16xi32>,
      %ge3A = vector.broadcast %min3A_886 : i32 to vector<16xi32>
      %ge3A_1296 = arith.cmpi sge, %gather3A, %ge3A : vector<16xi32>
      %and3A_1297 = arith.andi %lt3A_1289, %ge3A_1296 : vector<16xi1>
      %add3A_1298 = arith.constant 1792 : i32
      %add3A_1299 = arith.addi %min3A_886, %add3A_1298 : i32
      %lt3A_1300 = vector.broadcast %add3A_1299 : i32 to vector<16xi32>
      %lt3A_1301 = arith.cmpi slt, %gather3A, %lt3A_1300 : vector<16xi32>
      %and3A_1302 = arith.andi %and3A_1297, %lt3A_1301 : vector<16xi1>
      %gather3A_1303 = tpu.vector_load_idx %arg11[%select_n3A_1295] : memref<16384xi32, #tpu.memory_space<vmem>>[vector<16xi32>], vector<16xi32>,
      %gather3A_1304 = tpu.vector_load_idx %arg12[%select_n3A_1295] : memref<16384xf32, #tpu.memory_space<vmem>>[vector<16xi32>], vector<16xf32>,
      %sub3A_1305 = vector.broadcast %min3A_886 : i32 to vector<16xi32>
      %sub3A_1306 = arith.subi %gather3A, %sub3A_1305 : vector<16xi32>
      %jit3A_1307 = arith.constant 0 : i32
      %broadcast_in_dim3A_1308 = vector.broadcast %jit3A_1307 : i32 to vector<16xi32>
      %select_n3A_1309 = arith.select %and3A_1302, %sub3A_1306, %broadcast_in_dim3A_1308 : vector<16xi1>, vector<16xi32>
      %jit3A_1310 = arith.constant 0 : i32
      %broadcast_in_dim3A_1311 = vector.broadcast %jit3A_1310 : i32 to vector<16xi32>
      %select_n3A_1312 = arith.select %and3A_1302, %gather3A_1303, %broadcast_in_dim3A_1311 : vector<16xi1>, vector<16xi32>
      %gather3A_1313 = tpu.vector_load_idx %arg15[%select_n3A_1312, %select_n3A_1309] masked %and3A_1302 : memref<16x1792xf32, #tpu.memory_space<vmem>>[vector<16xi32>, vector<16xi32>], vector<16xf32>, vector<16xi1>
      %sub3A_1314 = arith.subf %gather3A_1304, %gather3A_1313 : vector<16xf32>
      %mul3A_1315 = arith.mulf %get3A_76, %sub3A_1314 : vector<16xf32>
      %add3A_1316 = arith.addf %gather3A_1313, %mul3A_1315 : vector<16xf32>
      tpu.vector_store_idx %arg15[%select_n3A_1312, %select_n3A_1309], %add3A_1316 masked %and3A_1302 : memref<16x1792xf32, #tpu.memory_space<vmem>>[vector<16xi32>, vector<16xi32>], vector<16xf32>, vector<16xi1>
    }
    %dma_start3A_1010 = arith.constant 0 : i32
    %dma_start3A_1011 = tpu.memref_slice %arg8[%dma_start3A_1010, %min3A_886] : memref<16x1000000xf32, #tpu.memory_space<hbm>> -> memref<16x1792xf32, #tpu.memory_space<hbm>>
    %dma_start3A_1012 = arith.constant 0 : i32
    %dma_start3A_1013 = tpu.memref_slice %arg8[%dma_start3A_1012, %min3A_886] : memref<16x1000000xf32, #tpu.memory_space<hbm>> -> memref<16x1792xf32, #tpu.memory_space<hbm>>
    tpu.enqueue_dma source(%arg15 : memref<16x1792xf32, #tpu.memory_space<vmem>>) target(%dma_start3A_1013 : memref<16x1792xf32, #tpu.memory_space<hbm>>) target_semaphore(%arg21 : memref<!tpu.dma_semaphore, #tpu.memory_space<semaphore_mem>>)
    %dma_wait3A_1014 = arith.constant 0 : i32
    %dma_wait3A_1015 = tpu.memref_slice %arg8[%dma_wait3A_1014, %min3A_886] : memref<16x1000000xf32, #tpu.memory_space<hbm>> -> memref<16x1792xf32, #tpu.memory_space<hbm>>
    %dma_wait3A_1016 = arith.constant 0 : i32
    %dma_wait3A_1017 = tpu.memref_slice %arg8[%dma_wait3A_1016, %min3A_886] : memref<16x1000000xf32, #tpu.memory_space<hbm>> -> memref<16x1792xf32, #tpu.memory_space<hbm>>
    tpu.wait_dma2 semaphore(%arg21 : memref<!tpu.dma_semaphore, #tpu.memory_space<semaphore_mem>>) src(%arg15 : memref<16x1792xf32, #tpu.memory_space<vmem>>) dst(%dma_wait3A_1017 : memref<16x1792xf32, #tpu.memory_space<hbm>>)
    %add3A_1018 = arith.constant 26880 : i32
    %add3A_1019 = arith.addi %mul3A_21, %add3A_1018 : i32
    %sub3A_1020 = arith.constant 1792 : i32
    %sub3A_1021 = arith.subi %mul3A_51, %sub3A_1020 : i32
    %min3A_1022 = arith.minsi %add3A_1019, %sub3A_1021 : i32
    %dma_start3A_1023 = arith.constant 0 : i32
    %dma_start3A_1024 = tpu.memref_slice %arg2[%dma_start3A_1023, %min3A_1022] : memref<16x1000000xf32, #tpu.memory_space<hbm>> -> memref<16x1792xf32, #tpu.memory_space<hbm>>
    %dma_start3A_1025 = arith.constant 0 : i32
    %dma_start3A_1026 = tpu.memref_slice %arg2[%dma_start3A_1025, %min3A_1022] : memref<16x1000000xf32, #tpu.memory_space<hbm>> -> memref<16x1792xf32, #tpu.memory_space<hbm>>
    tpu.enqueue_dma source(%dma_start3A_1026 : memref<16x1792xf32, #tpu.memory_space<hbm>>) target(%arg15 : memref<16x1792xf32, #tpu.memory_space<vmem>>) target_semaphore(%arg19 : memref<!tpu.dma_semaphore, #tpu.memory_space<semaphore_mem>>)
    %dma_wait3A_1027 = arith.constant 0 : i32
    %dma_wait3A_1028 = tpu.memref_slice %arg2[%dma_wait3A_1027, %min3A_954] : memref<16x1000000xf32, #tpu.memory_space<hbm>> -> memref<16x1792xf32, #tpu.memory_space<hbm>>
    %dma_wait3A_1029 = arith.constant 0 : i32
    %dma_wait3A_1030 = tpu.memref_slice %arg2[%dma_wait3A_1029, %min3A_954] : memref<16x1000000xf32, #tpu.memory_space<hbm>> -> memref<16x1792xf32, #tpu.memory_space<hbm>>
    tpu.wait_dma2 semaphore(%arg18 : memref<!tpu.dma_semaphore, #tpu.memory_space<semaphore_mem>>) src(%dma_wait3A_1030 : memref<16x1792xf32, #tpu.memory_space<hbm>>) dst(%arg14 : memref<16x1792xf32, #tpu.memory_space<vmem>>)
    %add3A_1031 = arith.constant 16 : i32
    %add3A_1032 = arith.addi %scan3A_74, %add3A_1031 : i32
    %sub3A_1033 = arith.constant 1 : i32
    %sub3A_1034 = arith.subi %add3A_1032, %sub3A_1033 : i32
    %jit3A_1035 = arith.constant 16 : i32
    %div3A_1036 = arith.divsi %sub3A_1034, %jit3A_1035 : i32
    %sign3A_1037 = arith.constant 0 : i32
    %sign3A_1038 = arith.cmpi sgt, %sub3A_1034, %sign3A_1037 : i32
    %sign3A_1039 = arith.extui %sign3A_1038 : i1 to i32
    %sign3A_1040 = arith.constant 0 : i32
    %sign3A_1041 = arith.cmpi slt, %sub3A_1034, %sign3A_1040 : i32
    %sign3A_1042 = arith.extui %sign3A_1041 : i1 to i32
    %sign3A_1043 = arith.subi %sign3A_1039, %sign3A_1042 : i32
    %sign3A_1044 = arith.constant 0 : i32
    %sign3A_1045 = arith.cmpi sgt, %jit3A_1035, %sign3A_1044 : i32
    %sign3A_1046 = arith.extui %sign3A_1045 : i1 to i32
    %sign3A_1047 = arith.constant 0 : i32
    %sign3A_1048 = arith.cmpi slt, %jit3A_1035, %sign3A_1047 : i32
    %sign3A_1049 = arith.extui %sign3A_1048 : i1 to i32
    %sign3A_1050 = arith.subi %sign3A_1046, %sign3A_1049 : i32
    %ne3A_1051 = arith.cmpi ne, %sign3A_1043, %sign3A_1050 : i32
    %rem3A_1052 = arith.remsi %sub3A_1034, %jit3A_1035 : i32
    %ne3A_1053 = arith.constant 0 : i32
    %ne3A_1054 = arith.cmpi ne, %rem3A_1052, %ne3A_1053 : i32
    %and3A_1055 = arith.andi %ne3A_1051, %ne3A_1054 : i1
    %sub3A_1056 = arith.constant 1 : i32
    %sub3A_1057 = arith.subi %div3A_1036, %sub3A_1056 : i32
    %select_n3A_1058 = arith.select %and3A_1055, %sub3A_1057, %div3A_1036 : i32
    %sub3A_1059 = arith.constant 0 : i32
    %sub3A_1060 = arith.subi %select_n3A_1058, %sub3A_1059 : i32
    %sub3A_1061 = arith.constant 1 : i32
    %sub3A_1062 = arith.constant 1 : i32
    %sub3A_1063 = arith.subi %sub3A_1061, %sub3A_1062 : i32
    %add3A_1064 = arith.addi %sub3A_1060, %sub3A_1063 : i32
    %div3A_1065 = arith.constant 1 : i32
    %div3A_1066 = arith.divsi %add3A_1064, %div3A_1065 : i32
    %while3A_1067 = arith.constant 1 : i32
    %while3A_1068 = arith.constant 0 : i32
    %while3A_1069 = arith.constant 0 : i32
    %while3A_1070 = arith.subi %div3A_1066, %while3A_1069 : i32
    %while3A_1071 = arith.addi %while3A_1069, %while3A_1070 : i32
    %while3A_1072 = arith.constant 1 : i32
    %while3A_1073 = arith.divsi %while3A_1070, %while3A_1072 : i32
    %while3A_1074 = arith.muli %while3A_1073, %while3A_1072 : i32
    %while3A_1075 = arith.addi %while3A_1069, %while3A_1074 : i32
    %while3A_1076 = arith.constant 1 : i32
    scf.for %while3A_1282 = %while3A_1069 to %while3A_1075 step %while3A_1076  : i32 {
      %mul3A_1283 = arith.muli %while3A_1282, %while3A_1067 : i32
      %add3A_1284 = arith.addi %while3A_1068, %mul3A_1283 : i32
      %mul3A_1285 = arith.constant 16 : i32
      %mul3A_1286 = arith.muli %add3A_1284, %mul3A_1285 : i32
      %add3A_1287 = vector.broadcast %mul3A_1286 : i32 to vector<16xi32>
      %add3A_1288 = arith.addi %iota3A, %add3A_1287 : vector<16xi32>
      %lt3A = vector.broadcast %scan3A_74 : i32 to vector<16xi32>
      %lt3A_1289 = arith.cmpi slt, %add3A_1288, %lt3A : vector<16xi32>
      %mul3A_1290 = arith.constant 16 : i32
      %mul3A_1291 = arith.muli %add3A_1284, %mul3A_1290 : i32
      %get3A_1292 = arith.index_cast %mul3A_1291 : i32 to index
      %get3A_1293 = tpu.vector_load %arg13[%get3A_1292] {strides = array<i32>} : memref<16400xi32, #tpu.memory_space<vmem>>, vector<16xi32>,
      %jit3A_1294 = arith.constant 0 : i32
      %broadcast_in_dim3A = vector.broadcast %jit3A_1294 : i32 to vector<16xi32>
      %select_n3A_1295 = arith.select %lt3A_1289, %get3A_1293, %broadcast_in_dim3A : vector<16xi1>, vector<16xi32>
      %gather3A = tpu.vector_load_idx %arg10[%select_n3A_1295] : memref<16384xi32, #tpu.memory_space<vmem>>[vector<16xi32>], vector<16xi32>,
      %ge3A = vector.broadcast %min3A_954 : i32 to vector<16xi32>
      %ge3A_1296 = arith.cmpi sge, %gather3A, %ge3A : vector<16xi32>
      %and3A_1297 = arith.andi %lt3A_1289, %ge3A_1296 : vector<16xi1>
      %add3A_1298 = arith.constant 1792 : i32
      %add3A_1299 = arith.addi %min3A_954, %add3A_1298 : i32
      %lt3A_1300 = vector.broadcast %add3A_1299 : i32 to vector<16xi32>
      %lt3A_1301 = arith.cmpi slt, %gather3A, %lt3A_1300 : vector<16xi32>
      %and3A_1302 = arith.andi %and3A_1297, %lt3A_1301 : vector<16xi1>
      %gather3A_1303 = tpu.vector_load_idx %arg11[%select_n3A_1295] : memref<16384xi32, #tpu.memory_space<vmem>>[vector<16xi32>], vector<16xi32>,
      %gather3A_1304 = tpu.vector_load_idx %arg12[%select_n3A_1295] : memref<16384xf32, #tpu.memory_space<vmem>>[vector<16xi32>], vector<16xf32>,
      %sub3A_1305 = vector.broadcast %min3A_954 : i32 to vector<16xi32>
      %sub3A_1306 = arith.subi %gather3A, %sub3A_1305 : vector<16xi32>
      %jit3A_1307 = arith.constant 0 : i32
      %broadcast_in_dim3A_1308 = vector.broadcast %jit3A_1307 : i32 to vector<16xi32>
      %select_n3A_1309 = arith.select %and3A_1302, %sub3A_1306, %broadcast_in_dim3A_1308 : vector<16xi1>, vector<16xi32>
      %jit3A_1310 = arith.constant 0 : i32
      %broadcast_in_dim3A_1311 = vector.broadcast %jit3A_1310 : i32 to vector<16xi32>
      %select_n3A_1312 = arith.select %and3A_1302, %gather3A_1303, %broadcast_in_dim3A_1311 : vector<16xi1>, vector<16xi32>
      %gather3A_1313 = tpu.vector_load_idx %arg14[%select_n3A_1312, %select_n3A_1309] masked %and3A_1302 : memref<16x1792xf32, #tpu.memory_space<vmem>>[vector<16xi32>, vector<16xi32>], vector<16xf32>, vector<16xi1>
      %sub3A_1314 = arith.subf %gather3A_1304, %gather3A_1313 : vector<16xf32>
      %mul3A_1315 = arith.mulf %get3A_76, %sub3A_1314 : vector<16xf32>
      %add3A_1316 = arith.addf %gather3A_1313, %mul3A_1315 : vector<16xf32>
      tpu.vector_store_idx %arg14[%select_n3A_1312, %select_n3A_1309], %add3A_1316 masked %and3A_1302 : memref<16x1792xf32, #tpu.memory_space<vmem>>[vector<16xi32>, vector<16xi32>], vector<16xf32>, vector<16xi1>
    }
    %while3A_1077 = arith.constant 1 : i32
    scf.for %while3A_1282 = %while3A_1075 to %while3A_1071 step %while3A_1077  : i32 {
      %mul3A_1283 = arith.muli %while3A_1282, %while3A_1067 : i32
      %add3A_1284 = arith.addi %while3A_1068, %mul3A_1283 : i32
      %mul3A_1285 = arith.constant 16 : i32
      %mul3A_1286 = arith.muli %add3A_1284, %mul3A_1285 : i32
      %add3A_1287 = vector.broadcast %mul3A_1286 : i32 to vector<16xi32>
      %add3A_1288 = arith.addi %iota3A, %add3A_1287 : vector<16xi32>
      %lt3A = vector.broadcast %scan3A_74 : i32 to vector<16xi32>
      %lt3A_1289 = arith.cmpi slt, %add3A_1288, %lt3A : vector<16xi32>
      %mul3A_1290 = arith.constant 16 : i32
      %mul3A_1291 = arith.muli %add3A_1284, %mul3A_1290 : i32
      %get3A_1292 = arith.index_cast %mul3A_1291 : i32 to index
      %get3A_1293 = tpu.vector_load %arg13[%get3A_1292] {strides = array<i32>} : memref<16400xi32, #tpu.memory_space<vmem>>, vector<16xi32>,
      %jit3A_1294 = arith.constant 0 : i32
      %broadcast_in_dim3A = vector.broadcast %jit3A_1294 : i32 to vector<16xi32>
      %select_n3A_1295 = arith.select %lt3A_1289, %get3A_1293, %broadcast_in_dim3A : vector<16xi1>, vector<16xi32>
      %gather3A = tpu.vector_load_idx %arg10[%select_n3A_1295] : memref<16384xi32, #tpu.memory_space<vmem>>[vector<16xi32>], vector<16xi32>,
      %ge3A = vector.broadcast %min3A_954 : i32 to vector<16xi32>
      %ge3A_1296 = arith.cmpi sge, %gather3A, %ge3A : vector<16xi32>
      %and3A_1297 = arith.andi %lt3A_1289, %ge3A_1296 : vector<16xi1>
      %add3A_1298 = arith.constant 1792 : i32
      %add3A_1299 = arith.addi %min3A_954, %add3A_1298 : i32
      %lt3A_1300 = vector.broadcast %add3A_1299 : i32 to vector<16xi32>
      %lt3A_1301 = arith.cmpi slt, %gather3A, %lt3A_1300 : vector<16xi32>
      %and3A_1302 = arith.andi %and3A_1297, %lt3A_1301 : vector<16xi1>
      %gather3A_1303 = tpu.vector_load_idx %arg11[%select_n3A_1295] : memref<16384xi32, #tpu.memory_space<vmem>>[vector<16xi32>], vector<16xi32>,
      %gather3A_1304 = tpu.vector_load_idx %arg12[%select_n3A_1295] : memref<16384xf32, #tpu.memory_space<vmem>>[vector<16xi32>], vector<16xf32>,
      %sub3A_1305 = vector.broadcast %min3A_954 : i32 to vector<16xi32>
      %sub3A_1306 = arith.subi %gather3A, %sub3A_1305 : vector<16xi32>
      %jit3A_1307 = arith.constant 0 : i32
      %broadcast_in_dim3A_1308 = vector.broadcast %jit3A_1307 : i32 to vector<16xi32>
      %select_n3A_1309 = arith.select %and3A_1302, %sub3A_1306, %broadcast_in_dim3A_1308 : vector<16xi1>, vector<16xi32>
      %jit3A_1310 = arith.constant 0 : i32
      %broadcast_in_dim3A_1311 = vector.broadcast %jit3A_1310 : i32 to vector<16xi32>
      %select_n3A_1312 = arith.select %and3A_1302, %gather3A_1303, %broadcast_in_dim3A_1311 : vector<16xi1>, vector<16xi32>
      %gather3A_1313 = tpu.vector_load_idx %arg14[%select_n3A_1312, %select_n3A_1309] masked %and3A_1302 : memref<16x1792xf32, #tpu.memory_space<vmem>>[vector<16xi32>, vector<16xi32>], vector<16xf32>, vector<16xi1>
      %sub3A_1314 = arith.subf %gather3A_1304, %gather3A_1313 : vector<16xf32>
      %mul3A_1315 = arith.mulf %get3A_76, %sub3A_1314 : vector<16xf32>
      %add3A_1316 = arith.addf %gather3A_1313, %mul3A_1315 : vector<16xf32>
      tpu.vector_store_idx %arg14[%select_n3A_1312, %select_n3A_1309], %add3A_1316 masked %and3A_1302 : memref<16x1792xf32, #tpu.memory_space<vmem>>[vector<16xi32>, vector<16xi32>], vector<16xf32>, vector<16xi1>
    }
    %dma_start3A_1078 = arith.constant 0 : i32
    %dma_start3A_1079 = tpu.memref_slice %arg8[%dma_start3A_1078, %min3A_954] : memref<16x1000000xf32, #tpu.memory_space<hbm>> -> memref<16x1792xf32, #tpu.memory_space<hbm>>
    %dma_start3A_1080 = arith.constant 0 : i32
    %dma_start3A_1081 = tpu.memref_slice %arg8[%dma_start3A_1080, %min3A_954] : memref<16x1000000xf32, #tpu.memory_space<hbm>> -> memref<16x1792xf32, #tpu.memory_space<hbm>>
    tpu.enqueue_dma source(%arg14 : memref<16x1792xf32, #tpu.memory_space<vmem>>) target(%dma_start3A_1081 : memref<16x1792xf32, #tpu.memory_space<hbm>>) target_semaphore(%arg20 : memref<!tpu.dma_semaphore, #tpu.memory_space<semaphore_mem>>)
    %dma_wait3A_1082 = arith.constant 0 : i32
    %dma_wait3A_1083 = tpu.memref_slice %arg8[%dma_wait3A_1082, %min3A_954] : memref<16x1000000xf32, #tpu.memory_space<hbm>> -> memref<16x1792xf32, #tpu.memory_space<hbm>>
    %dma_wait3A_1084 = arith.constant 0 : i32
    %dma_wait3A_1085 = tpu.memref_slice %arg8[%dma_wait3A_1084, %min3A_954] : memref<16x1000000xf32, #tpu.memory_space<hbm>> -> memref<16x1792xf32, #tpu.memory_space<hbm>>
    tpu.wait_dma2 semaphore(%arg20 : memref<!tpu.dma_semaphore, #tpu.memory_space<semaphore_mem>>) src(%arg14 : memref<16x1792xf32, #tpu.memory_space<vmem>>) dst(%dma_wait3A_1085 : memref<16x1792xf32, #tpu.memory_space<hbm>>)
    %add3A_1086 = arith.constant 28672 : i32
    %add3A_1087 = arith.addi %mul3A_21, %add3A_1086 : i32
    %sub3A_1088 = arith.constant 1792 : i32
    %sub3A_1089 = arith.subi %mul3A_51, %sub3A_1088 : i32
    %min3A_1090 = arith.minsi %add3A_1087, %sub3A_1089 : i32
    %dma_start3A_1091 = arith.constant 0 : i32
    %dma_start3A_1092 = tpu.memref_slice %arg2[%dma_start3A_1091, %min3A_1090] : memref<16x1000000xf32, #tpu.memory_space<hbm>> -> memref<16x1792xf32, #tpu.memory_space<hbm>>
    %dma_start3A_1093 = arith.constant 0 : i32
    %dma_start3A_1094 = tpu.memref_slice %arg2[%dma_start3A_1093, %min3A_1090] : memref<16x1000000xf32, #tpu.memory_space<hbm>> -> memref<16x1792xf32, #tpu.memory_space<hbm>>
    tpu.enqueue_dma source(%dma_start3A_1094 : memref<16x1792xf32, #tpu.memory_space<hbm>>) target(%arg14 : memref<16x1792xf32, #tpu.memory_space<vmem>>) target_semaphore(%arg18 : memref<!tpu.dma_semaphore, #tpu.memory_space<semaphore_mem>>)
    %dma_wait3A_1095 = arith.constant 0 : i32
    %dma_wait3A_1096 = tpu.memref_slice %arg2[%dma_wait3A_1095, %min3A_1022] : memref<16x1000000xf32, #tpu.memory_space<hbm>> -> memref<16x1792xf32, #tpu.memory_space<hbm>>
    %dma_wait3A_1097 = arith.constant 0 : i32
    %dma_wait3A_1098 = tpu.memref_slice %arg2[%dma_wait3A_1097, %min3A_1022] : memref<16x1000000xf32, #tpu.memory_space<hbm>> -> memref<16x1792xf32, #tpu.memory_space<hbm>>
    tpu.wait_dma2 semaphore(%arg19 : memref<!tpu.dma_semaphore, #tpu.memory_space<semaphore_mem>>) src(%dma_wait3A_1098 : memref<16x1792xf32, #tpu.memory_space<hbm>>) dst(%arg15 : memref<16x1792xf32, #tpu.memory_space<vmem>>)
    %add3A_1099 = arith.constant 16 : i32
    %add3A_1100 = arith.addi %scan3A_74, %add3A_1099 : i32
    %sub3A_1101 = arith.constant 1 : i32
    %sub3A_1102 = arith.subi %add3A_1100, %sub3A_1101 : i32
    %jit3A_1103 = arith.constant 16 : i32
    %div3A_1104 = arith.divsi %sub3A_1102, %jit3A_1103 : i32
    %sign3A_1105 = arith.constant 0 : i32
    %sign3A_1106 = arith.cmpi sgt, %sub3A_1102, %sign3A_1105 : i32
    %sign3A_1107 = arith.extui %sign3A_1106 : i1 to i32
    %sign3A_1108 = arith.constant 0 : i32
    %sign3A_1109 = arith.cmpi slt, %sub3A_1102, %sign3A_1108 : i32
    %sign3A_1110 = arith.extui %sign3A_1109 : i1 to i32
    %sign3A_1111 = arith.subi %sign3A_1107, %sign3A_1110 : i32
    %sign3A_1112 = arith.constant 0 : i32
    %sign3A_1113 = arith.cmpi sgt, %jit3A_1103, %sign3A_1112 : i32
    %sign3A_1114 = arith.extui %sign3A_1113 : i1 to i32
    %sign3A_1115 = arith.constant 0 : i32
    %sign3A_1116 = arith.cmpi slt, %jit3A_1103, %sign3A_1115 : i32
    %sign3A_1117 = arith.extui %sign3A_1116 : i1 to i32
    %sign3A_1118 = arith.subi %sign3A_1114, %sign3A_1117 : i32
    %ne3A_1119 = arith.cmpi ne, %sign3A_1111, %sign3A_1118 : i32
    %rem3A_1120 = arith.remsi %sub3A_1102, %jit3A_1103 : i32
    %ne3A_1121 = arith.constant 0 : i32
    %ne3A_1122 = arith.cmpi ne, %rem3A_1120, %ne3A_1121 : i32
    %and3A_1123 = arith.andi %ne3A_1119, %ne3A_1122 : i1
    %sub3A_1124 = arith.constant 1 : i32
    %sub3A_1125 = arith.subi %div3A_1104, %sub3A_1124 : i32
    %select_n3A_1126 = arith.select %and3A_1123, %sub3A_1125, %div3A_1104 : i32
    %sub3A_1127 = arith.constant 0 : i32
    %sub3A_1128 = arith.subi %select_n3A_1126, %sub3A_1127 : i32
    %sub3A_1129 = arith.constant 1 : i32
    %sub3A_1130 = arith.constant 1 : i32
    %sub3A_1131 = arith.subi %sub3A_1129, %sub3A_1130 : i32
    %add3A_1132 = arith.addi %sub3A_1128, %sub3A_1131 : i32
    %div3A_1133 = arith.constant 1 : i32
    %div3A_1134 = arith.divsi %add3A_1132, %div3A_1133 : i32
    %while3A_1135 = arith.constant 1 : i32
    %while3A_1136 = arith.constant 0 : i32
    %while3A_1137 = arith.constant 0 : i32
    %while3A_1138 = arith.subi %div3A_1134, %while3A_1137 : i32
    %while3A_1139 = arith.addi %while3A_1137, %while3A_1138 : i32
    %while3A_1140 = arith.constant 1 : i32
    %while3A_1141 = arith.divsi %while3A_1138, %while3A_1140 : i32
    %while3A_1142 = arith.muli %while3A_1141, %while3A_1140 : i32
    %while3A_1143 = arith.addi %while3A_1137, %while3A_1142 : i32
    %while3A_1144 = arith.constant 1 : i32
    scf.for %while3A_1282 = %while3A_1137 to %while3A_1143 step %while3A_1144  : i32 {
      %mul3A_1283 = arith.muli %while3A_1282, %while3A_1135 : i32
      %add3A_1284 = arith.addi %while3A_1136, %mul3A_1283 : i32
      %mul3A_1285 = arith.constant 16 : i32
      %mul3A_1286 = arith.muli %add3A_1284, %mul3A_1285 : i32
      %add3A_1287 = vector.broadcast %mul3A_1286 : i32 to vector<16xi32>
      %add3A_1288 = arith.addi %iota3A, %add3A_1287 : vector<16xi32>
      %lt3A = vector.broadcast %scan3A_74 : i32 to vector<16xi32>
      %lt3A_1289 = arith.cmpi slt, %add3A_1288, %lt3A : vector<16xi32>
      %mul3A_1290 = arith.constant 16 : i32
      %mul3A_1291 = arith.muli %add3A_1284, %mul3A_1290 : i32
      %get3A_1292 = arith.index_cast %mul3A_1291 : i32 to index
      %get3A_1293 = tpu.vector_load %arg13[%get3A_1292] {strides = array<i32>} : memref<16400xi32, #tpu.memory_space<vmem>>, vector<16xi32>,
      %jit3A_1294 = arith.constant 0 : i32
      %broadcast_in_dim3A = vector.broadcast %jit3A_1294 : i32 to vector<16xi32>
      %select_n3A_1295 = arith.select %lt3A_1289, %get3A_1293, %broadcast_in_dim3A : vector<16xi1>, vector<16xi32>
      %gather3A = tpu.vector_load_idx %arg10[%select_n3A_1295] : memref<16384xi32, #tpu.memory_space<vmem>>[vector<16xi32>], vector<16xi32>,
      %ge3A = vector.broadcast %min3A_1022 : i32 to vector<16xi32>
      %ge3A_1296 = arith.cmpi sge, %gather3A, %ge3A : vector<16xi32>
      %and3A_1297 = arith.andi %lt3A_1289, %ge3A_1296 : vector<16xi1>
      %add3A_1298 = arith.constant 1792 : i32
      %add3A_1299 = arith.addi %min3A_1022, %add3A_1298 : i32
      %lt3A_1300 = vector.broadcast %add3A_1299 : i32 to vector<16xi32>
      %lt3A_1301 = arith.cmpi slt, %gather3A, %lt3A_1300 : vector<16xi32>
      %and3A_1302 = arith.andi %and3A_1297, %lt3A_1301 : vector<16xi1>
      %gather3A_1303 = tpu.vector_load_idx %arg11[%select_n3A_1295] : memref<16384xi32, #tpu.memory_space<vmem>>[vector<16xi32>], vector<16xi32>,
      %gather3A_1304 = tpu.vector_load_idx %arg12[%select_n3A_1295] : memref<16384xf32, #tpu.memory_space<vmem>>[vector<16xi32>], vector<16xf32>,
      %sub3A_1305 = vector.broadcast %min3A_1022 : i32 to vector<16xi32>
      %sub3A_1306 = arith.subi %gather3A, %sub3A_1305 : vector<16xi32>
      %jit3A_1307 = arith.constant 0 : i32
      %broadcast_in_dim3A_1308 = vector.broadcast %jit3A_1307 : i32 to vector<16xi32>
      %select_n3A_1309 = arith.select %and3A_1302, %sub3A_1306, %broadcast_in_dim3A_1308 : vector<16xi1>, vector<16xi32>
      %jit3A_1310 = arith.constant 0 : i32
      %broadcast_in_dim3A_1311 = vector.broadcast %jit3A_1310 : i32 to vector<16xi32>
      %select_n3A_1312 = arith.select %and3A_1302, %gather3A_1303, %broadcast_in_dim3A_1311 : vector<16xi1>, vector<16xi32>
      %gather3A_1313 = tpu.vector_load_idx %arg15[%select_n3A_1312, %select_n3A_1309] masked %and3A_1302 : memref<16x1792xf32, #tpu.memory_space<vmem>>[vector<16xi32>, vector<16xi32>], vector<16xf32>, vector<16xi1>
      %sub3A_1314 = arith.subf %gather3A_1304, %gather3A_1313 : vector<16xf32>
      %mul3A_1315 = arith.mulf %get3A_76, %sub3A_1314 : vector<16xf32>
      %add3A_1316 = arith.addf %gather3A_1313, %mul3A_1315 : vector<16xf32>
      tpu.vector_store_idx %arg15[%select_n3A_1312, %select_n3A_1309], %add3A_1316 masked %and3A_1302 : memref<16x1792xf32, #tpu.memory_space<vmem>>[vector<16xi32>, vector<16xi32>], vector<16xf32>, vector<16xi1>
    }
    %while3A_1145 = arith.constant 1 : i32
    scf.for %while3A_1282 = %while3A_1143 to %while3A_1139 step %while3A_1145  : i32 {
      %mul3A_1283 = arith.muli %while3A_1282, %while3A_1135 : i32
      %add3A_1284 = arith.addi %while3A_1136, %mul3A_1283 : i32
      %mul3A_1285 = arith.constant 16 : i32
      %mul3A_1286 = arith.muli %add3A_1284, %mul3A_1285 : i32
      %add3A_1287 = vector.broadcast %mul3A_1286 : i32 to vector<16xi32>
      %add3A_1288 = arith.addi %iota3A, %add3A_1287 : vector<16xi32>
      %lt3A = vector.broadcast %scan3A_74 : i32 to vector<16xi32>
      %lt3A_1289 = arith.cmpi slt, %add3A_1288, %lt3A : vector<16xi32>
      %mul3A_1290 = arith.constant 16 : i32
      %mul3A_1291 = arith.muli %add3A_1284, %mul3A_1290 : i32
      %get3A_1292 = arith.index_cast %mul3A_1291 : i32 to index
      %get3A_1293 = tpu.vector_load %arg13[%get3A_1292] {strides = array<i32>} : memref<16400xi32, #tpu.memory_space<vmem>>, vector<16xi32>,
      %jit3A_1294 = arith.constant 0 : i32
      %broadcast_in_dim3A = vector.broadcast %jit3A_1294 : i32 to vector<16xi32>
      %select_n3A_1295 = arith.select %lt3A_1289, %get3A_1293, %broadcast_in_dim3A : vector<16xi1>, vector<16xi32>
      %gather3A = tpu.vector_load_idx %arg10[%select_n3A_1295] : memref<16384xi32, #tpu.memory_space<vmem>>[vector<16xi32>], vector<16xi32>,
      %ge3A = vector.broadcast %min3A_1022 : i32 to vector<16xi32>
      %ge3A_1296 = arith.cmpi sge, %gather3A, %ge3A : vector<16xi32>
      %and3A_1297 = arith.andi %lt3A_1289, %ge3A_1296 : vector<16xi1>
      %add3A_1298 = arith.constant 1792 : i32
      %add3A_1299 = arith.addi %min3A_1022, %add3A_1298 : i32
      %lt3A_1300 = vector.broadcast %add3A_1299 : i32 to vector<16xi32>
      %lt3A_1301 = arith.cmpi slt, %gather3A, %lt3A_1300 : vector<16xi32>
      %and3A_1302 = arith.andi %and3A_1297, %lt3A_1301 : vector<16xi1>
      %gather3A_1303 = tpu.vector_load_idx %arg11[%select_n3A_1295] : memref<16384xi32, #tpu.memory_space<vmem>>[vector<16xi32>], vector<16xi32>,
      %gather3A_1304 = tpu.vector_load_idx %arg12[%select_n3A_1295] : memref<16384xf32, #tpu.memory_space<vmem>>[vector<16xi32>], vector<16xf32>,
      %sub3A_1305 = vector.broadcast %min3A_1022 : i32 to vector<16xi32>
      %sub3A_1306 = arith.subi %gather3A, %sub3A_1305 : vector<16xi32>
      %jit3A_1307 = arith.constant 0 : i32
      %broadcast_in_dim3A_1308 = vector.broadcast %jit3A_1307 : i32 to vector<16xi32>
      %select_n3A_1309 = arith.select %and3A_1302, %sub3A_1306, %broadcast_in_dim3A_1308 : vector<16xi1>, vector<16xi32>
      %jit3A_1310 = arith.constant 0 : i32
      %broadcast_in_dim3A_1311 = vector.broadcast %jit3A_1310 : i32 to vector<16xi32>
      %select_n3A_1312 = arith.select %and3A_1302, %gather3A_1303, %broadcast_in_dim3A_1311 : vector<16xi1>, vector<16xi32>
      %gather3A_1313 = tpu.vector_load_idx %arg15[%select_n3A_1312, %select_n3A_1309] masked %and3A_1302 : memref<16x1792xf32, #tpu.memory_space<vmem>>[vector<16xi32>, vector<16xi32>], vector<16xf32>, vector<16xi1>
      %sub3A_1314 = arith.subf %gather3A_1304, %gather3A_1313 : vector<16xf32>
      %mul3A_1315 = arith.mulf %get3A_76, %sub3A_1314 : vector<16xf32>
      %add3A_1316 = arith.addf %gather3A_1313, %mul3A_1315 : vector<16xf32>
      tpu.vector_store_idx %arg15[%select_n3A_1312, %select_n3A_1309], %add3A_1316 masked %and3A_1302 : memref<16x1792xf32, #tpu.memory_space<vmem>>[vector<16xi32>, vector<16xi32>], vector<16xf32>, vector<16xi1>
    }
    %dma_start3A_1146 = arith.constant 0 : i32
    %dma_start3A_1147 = tpu.memref_slice %arg8[%dma_start3A_1146, %min3A_1022] : memref<16x1000000xf32, #tpu.memory_space<hbm>> -> memref<16x1792xf32, #tpu.memory_space<hbm>>
    %dma_start3A_1148 = arith.constant 0 : i32
    %dma_start3A_1149 = tpu.memref_slice %arg8[%dma_start3A_1148, %min3A_1022] : memref<16x1000000xf32, #tpu.memory_space<hbm>> -> memref<16x1792xf32, #tpu.memory_space<hbm>>
    tpu.enqueue_dma source(%arg15 : memref<16x1792xf32, #tpu.memory_space<vmem>>) target(%dma_start3A_1149 : memref<16x1792xf32, #tpu.memory_space<hbm>>) target_semaphore(%arg21 : memref<!tpu.dma_semaphore, #tpu.memory_space<semaphore_mem>>)
    %dma_wait3A_1150 = arith.constant 0 : i32
    %dma_wait3A_1151 = tpu.memref_slice %arg8[%dma_wait3A_1150, %min3A_1022] : memref<16x1000000xf32, #tpu.memory_space<hbm>> -> memref<16x1792xf32, #tpu.memory_space<hbm>>
    %dma_wait3A_1152 = arith.constant 0 : i32
    %dma_wait3A_1153 = tpu.memref_slice %arg8[%dma_wait3A_1152, %min3A_1022] : memref<16x1000000xf32, #tpu.memory_space<hbm>> -> memref<16x1792xf32, #tpu.memory_space<hbm>>
    tpu.wait_dma2 semaphore(%arg21 : memref<!tpu.dma_semaphore, #tpu.memory_space<semaphore_mem>>) src(%arg15 : memref<16x1792xf32, #tpu.memory_space<vmem>>) dst(%dma_wait3A_1153 : memref<16x1792xf32, #tpu.memory_space<hbm>>)
    %add3A_1154 = arith.constant 30464 : i32
    %add3A_1155 = arith.addi %mul3A_21, %add3A_1154 : i32
    %sub3A_1156 = arith.constant 1792 : i32
    %sub3A_1157 = arith.subi %mul3A_51, %sub3A_1156 : i32
    %min3A_1158 = arith.minsi %add3A_1155, %sub3A_1157 : i32
    %dma_start3A_1159 = arith.constant 0 : i32
    %dma_start3A_1160 = tpu.memref_slice %arg2[%dma_start3A_1159, %min3A_1158] : memref<16x1000000xf32, #tpu.memory_space<hbm>> -> memref<16x1792xf32, #tpu.memory_space<hbm>>
    %dma_start3A_1161 = arith.constant 0 : i32
    %dma_start3A_1162 = tpu.memref_slice %arg2[%dma_start3A_1161, %min3A_1158] : memref<16x1000000xf32, #tpu.memory_space<hbm>> -> memref<16x1792xf32, #tpu.memory_space<hbm>>
    tpu.enqueue_dma source(%dma_start3A_1162 : memref<16x1792xf32, #tpu.memory_space<hbm>>) target(%arg15 : memref<16x1792xf32, #tpu.memory_space<vmem>>) target_semaphore(%arg19 : memref<!tpu.dma_semaphore, #tpu.memory_space<semaphore_mem>>)
    %dma_wait3A_1163 = arith.constant 0 : i32
    %dma_wait3A_1164 = tpu.memref_slice %arg2[%dma_wait3A_1163, %min3A_1090] : memref<16x1000000xf32, #tpu.memory_space<hbm>> -> memref<16x1792xf32, #tpu.memory_space<hbm>>
    %dma_wait3A_1165 = arith.constant 0 : i32
    %dma_wait3A_1166 = tpu.memref_slice %arg2[%dma_wait3A_1165, %min3A_1090] : memref<16x1000000xf32, #tpu.memory_space<hbm>> -> memref<16x1792xf32, #tpu.memory_space<hbm>>
    tpu.wait_dma2 semaphore(%arg18 : memref<!tpu.dma_semaphore, #tpu.memory_space<semaphore_mem>>) src(%dma_wait3A_1166 : memref<16x1792xf32, #tpu.memory_space<hbm>>) dst(%arg14 : memref<16x1792xf32, #tpu.memory_space<vmem>>)
    %add3A_1167 = arith.constant 16 : i32
    %add3A_1168 = arith.addi %scan3A_74, %add3A_1167 : i32
    %sub3A_1169 = arith.constant 1 : i32
    %sub3A_1170 = arith.subi %add3A_1168, %sub3A_1169 : i32
    %jit3A_1171 = arith.constant 16 : i32
    %div3A_1172 = arith.divsi %sub3A_1170, %jit3A_1171 : i32
    %sign3A_1173 = arith.constant 0 : i32
    %sign3A_1174 = arith.cmpi sgt, %sub3A_1170, %sign3A_1173 : i32
    %sign3A_1175 = arith.extui %sign3A_1174 : i1 to i32
    %sign3A_1176 = arith.constant 0 : i32
    %sign3A_1177 = arith.cmpi slt, %sub3A_1170, %sign3A_1176 : i32
    %sign3A_1178 = arith.extui %sign3A_1177 : i1 to i32
    %sign3A_1179 = arith.subi %sign3A_1175, %sign3A_1178 : i32
    %sign3A_1180 = arith.constant 0 : i32
    %sign3A_1181 = arith.cmpi sgt, %jit3A_1171, %sign3A_1180 : i32
    %sign3A_1182 = arith.extui %sign3A_1181 : i1 to i32
    %sign3A_1183 = arith.constant 0 : i32
    %sign3A_1184 = arith.cmpi slt, %jit3A_1171, %sign3A_1183 : i32
    %sign3A_1185 = arith.extui %sign3A_1184 : i1 to i32
    %sign3A_1186 = arith.subi %sign3A_1182, %sign3A_1185 : i32
    %ne3A_1187 = arith.cmpi ne, %sign3A_1179, %sign3A_1186 : i32
    %rem3A_1188 = arith.remsi %sub3A_1170, %jit3A_1171 : i32
    %ne3A_1189 = arith.constant 0 : i32
    %ne3A_1190 = arith.cmpi ne, %rem3A_1188, %ne3A_1189 : i32
    %and3A_1191 = arith.andi %ne3A_1187, %ne3A_1190 : i1
    %sub3A_1192 = arith.constant 1 : i32
    %sub3A_1193 = arith.subi %div3A_1172, %sub3A_1192 : i32
    %select_n3A_1194 = arith.select %and3A_1191, %sub3A_1193, %div3A_1172 : i32
    %sub3A_1195 = arith.constant 0 : i32
    %sub3A_1196 = arith.subi %select_n3A_1194, %sub3A_1195 : i32
    %sub3A_1197 = arith.constant 1 : i32
    %sub3A_1198 = arith.constant 1 : i32
    %sub3A_1199 = arith.subi %sub3A_1197, %sub3A_1198 : i32
    %add3A_1200 = arith.addi %sub3A_1196, %sub3A_1199 : i32
    %div3A_1201 = arith.constant 1 : i32
    %div3A_1202 = arith.divsi %add3A_1200, %div3A_1201 : i32
    %while3A_1203 = arith.constant 1 : i32
    %while3A_1204 = arith.constant 0 : i32
    %while3A_1205 = arith.constant 0 : i32
    %while3A_1206 = arith.subi %div3A_1202, %while3A_1205 : i32
    %while3A_1207 = arith.addi %while3A_1205, %while3A_1206 : i32
    %while3A_1208 = arith.constant 1 : i32
    %while3A_1209 = arith.divsi %while3A_1206, %while3A_1208 : i32
    %while3A_1210 = arith.muli %while3A_1209, %while3A_1208 : i32
    %while3A_1211 = arith.addi %while3A_1205, %while3A_1210 : i32
    %while3A_1212 = arith.constant 1 : i32
    scf.for %while3A_1282 = %while3A_1205 to %while3A_1211 step %while3A_1212  : i32 {
      %mul3A_1283 = arith.muli %while3A_1282, %while3A_1203 : i32
      %add3A_1284 = arith.addi %while3A_1204, %mul3A_1283 : i32
      %mul3A_1285 = arith.constant 16 : i32
      %mul3A_1286 = arith.muli %add3A_1284, %mul3A_1285 : i32
      %add3A_1287 = vector.broadcast %mul3A_1286 : i32 to vector<16xi32>
      %add3A_1288 = arith.addi %iota3A, %add3A_1287 : vector<16xi32>
      %lt3A = vector.broadcast %scan3A_74 : i32 to vector<16xi32>
      %lt3A_1289 = arith.cmpi slt, %add3A_1288, %lt3A : vector<16xi32>
      %mul3A_1290 = arith.constant 16 : i32
      %mul3A_1291 = arith.muli %add3A_1284, %mul3A_1290 : i32
      %get3A_1292 = arith.index_cast %mul3A_1291 : i32 to index
      %get3A_1293 = tpu.vector_load %arg13[%get3A_1292] {strides = array<i32>} : memref<16400xi32, #tpu.memory_space<vmem>>, vector<16xi32>,
      %jit3A_1294 = arith.constant 0 : i32
      %broadcast_in_dim3A = vector.broadcast %jit3A_1294 : i32 to vector<16xi32>
      %select_n3A_1295 = arith.select %lt3A_1289, %get3A_1293, %broadcast_in_dim3A : vector<16xi1>, vector<16xi32>
      %gather3A = tpu.vector_load_idx %arg10[%select_n3A_1295] : memref<16384xi32, #tpu.memory_space<vmem>>[vector<16xi32>], vector<16xi32>,
      %ge3A = vector.broadcast %min3A_1090 : i32 to vector<16xi32>
      %ge3A_1296 = arith.cmpi sge, %gather3A, %ge3A : vector<16xi32>
      %and3A_1297 = arith.andi %lt3A_1289, %ge3A_1296 : vector<16xi1>
      %add3A_1298 = arith.constant 1792 : i32
      %add3A_1299 = arith.addi %min3A_1090, %add3A_1298 : i32
      %lt3A_1300 = vector.broadcast %add3A_1299 : i32 to vector<16xi32>
      %lt3A_1301 = arith.cmpi slt, %gather3A, %lt3A_1300 : vector<16xi32>
      %and3A_1302 = arith.andi %and3A_1297, %lt3A_1301 : vector<16xi1>
      %gather3A_1303 = tpu.vector_load_idx %arg11[%select_n3A_1295] : memref<16384xi32, #tpu.memory_space<vmem>>[vector<16xi32>], vector<16xi32>,
      %gather3A_1304 = tpu.vector_load_idx %arg12[%select_n3A_1295] : memref<16384xf32, #tpu.memory_space<vmem>>[vector<16xi32>], vector<16xf32>,
      %sub3A_1305 = vector.broadcast %min3A_1090 : i32 to vector<16xi32>
      %sub3A_1306 = arith.subi %gather3A, %sub3A_1305 : vector<16xi32>
      %jit3A_1307 = arith.constant 0 : i32
      %broadcast_in_dim3A_1308 = vector.broadcast %jit3A_1307 : i32 to vector<16xi32>
      %select_n3A_1309 = arith.select %and3A_1302, %sub3A_1306, %broadcast_in_dim3A_1308 : vector<16xi1>, vector<16xi32>
      %jit3A_1310 = arith.constant 0 : i32
      %broadcast_in_dim3A_1311 = vector.broadcast %jit3A_1310 : i32 to vector<16xi32>
      %select_n3A_1312 = arith.select %and3A_1302, %gather3A_1303, %broadcast_in_dim3A_1311 : vector<16xi1>, vector<16xi32>
      %gather3A_1313 = tpu.vector_load_idx %arg14[%select_n3A_1312, %select_n3A_1309] masked %and3A_1302 : memref<16x1792xf32, #tpu.memory_space<vmem>>[vector<16xi32>, vector<16xi32>], vector<16xf32>, vector<16xi1>
      %sub3A_1314 = arith.subf %gather3A_1304, %gather3A_1313 : vector<16xf32>
      %mul3A_1315 = arith.mulf %get3A_76, %sub3A_1314 : vector<16xf32>
      %add3A_1316 = arith.addf %gather3A_1313, %mul3A_1315 : vector<16xf32>
      tpu.vector_store_idx %arg14[%select_n3A_1312, %select_n3A_1309], %add3A_1316 masked %and3A_1302 : memref<16x1792xf32, #tpu.memory_space<vmem>>[vector<16xi32>, vector<16xi32>], vector<16xf32>, vector<16xi1>
    }
    %while3A_1213 = arith.constant 1 : i32
    scf.for %while3A_1282 = %while3A_1211 to %while3A_1207 step %while3A_1213  : i32 {
      %mul3A_1283 = arith.muli %while3A_1282, %while3A_1203 : i32
      %add3A_1284 = arith.addi %while3A_1204, %mul3A_1283 : i32
      %mul3A_1285 = arith.constant 16 : i32
      %mul3A_1286 = arith.muli %add3A_1284, %mul3A_1285 : i32
      %add3A_1287 = vector.broadcast %mul3A_1286 : i32 to vector<16xi32>
      %add3A_1288 = arith.addi %iota3A, %add3A_1287 : vector<16xi32>
      %lt3A = vector.broadcast %scan3A_74 : i32 to vector<16xi32>
      %lt3A_1289 = arith.cmpi slt, %add3A_1288, %lt3A : vector<16xi32>
      %mul3A_1290 = arith.constant 16 : i32
      %mul3A_1291 = arith.muli %add3A_1284, %mul3A_1290 : i32
      %get3A_1292 = arith.index_cast %mul3A_1291 : i32 to index
      %get3A_1293 = tpu.vector_load %arg13[%get3A_1292] {strides = array<i32>} : memref<16400xi32, #tpu.memory_space<vmem>>, vector<16xi32>,
      %jit3A_1294 = arith.constant 0 : i32
      %broadcast_in_dim3A = vector.broadcast %jit3A_1294 : i32 to vector<16xi32>
      %select_n3A_1295 = arith.select %lt3A_1289, %get3A_1293, %broadcast_in_dim3A : vector<16xi1>, vector<16xi32>
      %gather3A = tpu.vector_load_idx %arg10[%select_n3A_1295] : memref<16384xi32, #tpu.memory_space<vmem>>[vector<16xi32>], vector<16xi32>,
      %ge3A = vector.broadcast %min3A_1090 : i32 to vector<16xi32>
      %ge3A_1296 = arith.cmpi sge, %gather3A, %ge3A : vector<16xi32>
      %and3A_1297 = arith.andi %lt3A_1289, %ge3A_1296 : vector<16xi1>
      %add3A_1298 = arith.constant 1792 : i32
      %add3A_1299 = arith.addi %min3A_1090, %add3A_1298 : i32
      %lt3A_1300 = vector.broadcast %add3A_1299 : i32 to vector<16xi32>
      %lt3A_1301 = arith.cmpi slt, %gather3A, %lt3A_1300 : vector<16xi32>
      %and3A_1302 = arith.andi %and3A_1297, %lt3A_1301 : vector<16xi1>
      %gather3A_1303 = tpu.vector_load_idx %arg11[%select_n3A_1295] : memref<16384xi32, #tpu.memory_space<vmem>>[vector<16xi32>], vector<16xi32>,
      %gather3A_1304 = tpu.vector_load_idx %arg12[%select_n3A_1295] : memref<16384xf32, #tpu.memory_space<vmem>>[vector<16xi32>], vector<16xf32>,
      %sub3A_1305 = vector.broadcast %min3A_1090 : i32 to vector<16xi32>
      %sub3A_1306 = arith.subi %gather3A, %sub3A_1305 : vector<16xi32>
      %jit3A_1307 = arith.constant 0 : i32
      %broadcast_in_dim3A_1308 = vector.broadcast %jit3A_1307 : i32 to vector<16xi32>
      %select_n3A_1309 = arith.select %and3A_1302, %sub3A_1306, %broadcast_in_dim3A_1308 : vector<16xi1>, vector<16xi32>
      %jit3A_1310 = arith.constant 0 : i32
      %broadcast_in_dim3A_1311 = vector.broadcast %jit3A_1310 : i32 to vector<16xi32>
      %select_n3A_1312 = arith.select %and3A_1302, %gather3A_1303, %broadcast_in_dim3A_1311 : vector<16xi1>, vector<16xi32>
      %gather3A_1313 = tpu.vector_load_idx %arg14[%select_n3A_1312, %select_n3A_1309] masked %and3A_1302 : memref<16x1792xf32, #tpu.memory_space<vmem>>[vector<16xi32>, vector<16xi32>], vector<16xf32>, vector<16xi1>
      %sub3A_1314 = arith.subf %gather3A_1304, %gather3A_1313 : vector<16xf32>
      %mul3A_1315 = arith.mulf %get3A_76, %sub3A_1314 : vector<16xf32>
      %add3A_1316 = arith.addf %gather3A_1313, %mul3A_1315 : vector<16xf32>
      tpu.vector_store_idx %arg14[%select_n3A_1312, %select_n3A_1309], %add3A_1316 masked %and3A_1302 : memref<16x1792xf32, #tpu.memory_space<vmem>>[vector<16xi32>, vector<16xi32>], vector<16xf32>, vector<16xi1>
    }
    %dma_start3A_1214 = arith.constant 0 : i32
    %dma_start3A_1215 = tpu.memref_slice %arg8[%dma_start3A_1214, %min3A_1090] : memref<16x1000000xf32, #tpu.memory_space<hbm>> -> memref<16x1792xf32, #tpu.memory_space<hbm>>
    %dma_start3A_1216 = arith.constant 0 : i32
    %dma_start3A_1217 = tpu.memref_slice %arg8[%dma_start3A_1216, %min3A_1090] : memref<16x1000000xf32, #tpu.memory_space<hbm>> -> memref<16x1792xf32, #tpu.memory_space<hbm>>
    tpu.enqueue_dma source(%arg14 : memref<16x1792xf32, #tpu.memory_space<vmem>>) target(%dma_start3A_1217 : memref<16x1792xf32, #tpu.memory_space<hbm>>) target_semaphore(%arg20 : memref<!tpu.dma_semaphore, #tpu.memory_space<semaphore_mem>>)
    %dma_wait3A_1218 = arith.constant 0 : i32
    %dma_wait3A_1219 = tpu.memref_slice %arg2[%dma_wait3A_1218, %min3A_1158] : memref<16x1000000xf32, #tpu.memory_space<hbm>> -> memref<16x1792xf32, #tpu.memory_space<hbm>>
    %dma_wait3A_1220 = arith.constant 0 : i32
    %dma_wait3A_1221 = tpu.memref_slice %arg2[%dma_wait3A_1220, %min3A_1158] : memref<16x1000000xf32, #tpu.memory_space<hbm>> -> memref<16x1792xf32, #tpu.memory_space<hbm>>
    tpu.wait_dma2 semaphore(%arg19 : memref<!tpu.dma_semaphore, #tpu.memory_space<semaphore_mem>>) src(%dma_wait3A_1221 : memref<16x1792xf32, #tpu.memory_space<hbm>>) dst(%arg15 : memref<16x1792xf32, #tpu.memory_space<vmem>>)
    %add3A_1222 = arith.constant 16 : i32
    %add3A_1223 = arith.addi %scan3A_74, %add3A_1222 : i32
    %sub3A_1224 = arith.constant 1 : i32
    %sub3A_1225 = arith.subi %add3A_1223, %sub3A_1224 : i32
    %jit3A_1226 = arith.constant 16 : i32
    %div3A_1227 = arith.divsi %sub3A_1225, %jit3A_1226 : i32
    %sign3A_1228 = arith.constant 0 : i32
    %sign3A_1229 = arith.cmpi sgt, %sub3A_1225, %sign3A_1228 : i32
    %sign3A_1230 = arith.extui %sign3A_1229 : i1 to i32
    %sign3A_1231 = arith.constant 0 : i32
    %sign3A_1232 = arith.cmpi slt, %sub3A_1225, %sign3A_1231 : i32
    %sign3A_1233 = arith.extui %sign3A_1232 : i1 to i32
    %sign3A_1234 = arith.subi %sign3A_1230, %sign3A_1233 : i32
    %sign3A_1235 = arith.constant 0 : i32
    %sign3A_1236 = arith.cmpi sgt, %jit3A_1226, %sign3A_1235 : i32
    %sign3A_1237 = arith.extui %sign3A_1236 : i1 to i32
    %sign3A_1238 = arith.constant 0 : i32
    %sign3A_1239 = arith.cmpi slt, %jit3A_1226, %sign3A_1238 : i32
    %sign3A_1240 = arith.extui %sign3A_1239 : i1 to i32
    %sign3A_1241 = arith.subi %sign3A_1237, %sign3A_1240 : i32
    %ne3A_1242 = arith.cmpi ne, %sign3A_1234, %sign3A_1241 : i32
    %rem3A_1243 = arith.remsi %sub3A_1225, %jit3A_1226 : i32
    %ne3A_1244 = arith.constant 0 : i32
    %ne3A_1245 = arith.cmpi ne, %rem3A_1243, %ne3A_1244 : i32
    %and3A_1246 = arith.andi %ne3A_1242, %ne3A_1245 : i1
    %sub3A_1247 = arith.constant 1 : i32
    %sub3A_1248 = arith.subi %div3A_1227, %sub3A_1247 : i32
    %select_n3A_1249 = arith.select %and3A_1246, %sub3A_1248, %div3A_1227 : i32
    %sub3A_1250 = arith.constant 0 : i32
    %sub3A_1251 = arith.subi %select_n3A_1249, %sub3A_1250 : i32
    %sub3A_1252 = arith.constant 1 : i32
    %sub3A_1253 = arith.constant 1 : i32
    %sub3A_1254 = arith.subi %sub3A_1252, %sub3A_1253 : i32
    %add3A_1255 = arith.addi %sub3A_1251, %sub3A_1254 : i32
    %div3A_1256 = arith.constant 1 : i32
    %div3A_1257 = arith.divsi %add3A_1255, %div3A_1256 : i32
    %while3A_1258 = arith.constant 1 : i32
    %while3A_1259 = arith.constant 0 : i32
    %while3A_1260 = arith.constant 0 : i32
    %while3A_1261 = arith.subi %div3A_1257, %while3A_1260 : i32
    %while3A_1262 = arith.addi %while3A_1260, %while3A_1261 : i32
    %while3A_1263 = arith.constant 1 : i32
    %while3A_1264 = arith.divsi %while3A_1261, %while3A_1263 : i32
    %while3A_1265 = arith.muli %while3A_1264, %while3A_1263 : i32
    %while3A_1266 = arith.addi %while3A_1260, %while3A_1265 : i32
    %while3A_1267 = arith.constant 1 : i32
    scf.for %while3A_1282 = %while3A_1260 to %while3A_1266 step %while3A_1267  : i32 {
      %mul3A_1283 = arith.muli %while3A_1282, %while3A_1258 : i32
      %add3A_1284 = arith.addi %while3A_1259, %mul3A_1283 : i32
      %mul3A_1285 = arith.constant 16 : i32
      %mul3A_1286 = arith.muli %add3A_1284, %mul3A_1285 : i32
      %add3A_1287 = vector.broadcast %mul3A_1286 : i32 to vector<16xi32>
      %add3A_1288 = arith.addi %iota3A, %add3A_1287 : vector<16xi32>
      %lt3A = vector.broadcast %scan3A_74 : i32 to vector<16xi32>
      %lt3A_1289 = arith.cmpi slt, %add3A_1288, %lt3A : vector<16xi32>
      %mul3A_1290 = arith.constant 16 : i32
      %mul3A_1291 = arith.muli %add3A_1284, %mul3A_1290 : i32
      %get3A_1292 = arith.index_cast %mul3A_1291 : i32 to index
      %get3A_1293 = tpu.vector_load %arg13[%get3A_1292] {strides = array<i32>} : memref<16400xi32, #tpu.memory_space<vmem>>, vector<16xi32>,
      %jit3A_1294 = arith.constant 0 : i32
      %broadcast_in_dim3A = vector.broadcast %jit3A_1294 : i32 to vector<16xi32>
      %select_n3A_1295 = arith.select %lt3A_1289, %get3A_1293, %broadcast_in_dim3A : vector<16xi1>, vector<16xi32>
      %gather3A = tpu.vector_load_idx %arg10[%select_n3A_1295] : memref<16384xi32, #tpu.memory_space<vmem>>[vector<16xi32>], vector<16xi32>,
      %ge3A = vector.broadcast %min3A_1158 : i32 to vector<16xi32>
      %ge3A_1296 = arith.cmpi sge, %gather3A, %ge3A : vector<16xi32>
      %and3A_1297 = arith.andi %lt3A_1289, %ge3A_1296 : vector<16xi1>
      %add3A_1298 = arith.constant 1792 : i32
      %add3A_1299 = arith.addi %min3A_1158, %add3A_1298 : i32
      %lt3A_1300 = vector.broadcast %add3A_1299 : i32 to vector<16xi32>
      %lt3A_1301 = arith.cmpi slt, %gather3A, %lt3A_1300 : vector<16xi32>
      %and3A_1302 = arith.andi %and3A_1297, %lt3A_1301 : vector<16xi1>
      %gather3A_1303 = tpu.vector_load_idx %arg11[%select_n3A_1295] : memref<16384xi32, #tpu.memory_space<vmem>>[vector<16xi32>], vector<16xi32>,
      %gather3A_1304 = tpu.vector_load_idx %arg12[%select_n3A_1295] : memref<16384xf32, #tpu.memory_space<vmem>>[vector<16xi32>], vector<16xf32>,
      %sub3A_1305 = vector.broadcast %min3A_1158 : i32 to vector<16xi32>
      %sub3A_1306 = arith.subi %gather3A, %sub3A_1305 : vector<16xi32>
      %jit3A_1307 = arith.constant 0 : i32
      %broadcast_in_dim3A_1308 = vector.broadcast %jit3A_1307 : i32 to vector<16xi32>
      %select_n3A_1309 = arith.select %and3A_1302, %sub3A_1306, %broadcast_in_dim3A_1308 : vector<16xi1>, vector<16xi32>
      %jit3A_1310 = arith.constant 0 : i32
      %broadcast_in_dim3A_1311 = vector.broadcast %jit3A_1310 : i32 to vector<16xi32>
      %select_n3A_1312 = arith.select %and3A_1302, %gather3A_1303, %broadcast_in_dim3A_1311 : vector<16xi1>, vector<16xi32>
      %gather3A_1313 = tpu.vector_load_idx %arg15[%select_n3A_1312, %select_n3A_1309] masked %and3A_1302 : memref<16x1792xf32, #tpu.memory_space<vmem>>[vector<16xi32>, vector<16xi32>], vector<16xf32>, vector<16xi1>
      %sub3A_1314 = arith.subf %gather3A_1304, %gather3A_1313 : vector<16xf32>
      %mul3A_1315 = arith.mulf %get3A_76, %sub3A_1314 : vector<16xf32>
      %add3A_1316 = arith.addf %gather3A_1313, %mul3A_1315 : vector<16xf32>
      tpu.vector_store_idx %arg15[%select_n3A_1312, %select_n3A_1309], %add3A_1316 masked %and3A_1302 : memref<16x1792xf32, #tpu.memory_space<vmem>>[vector<16xi32>, vector<16xi32>], vector<16xf32>, vector<16xi1>
    }
    %while3A_1268 = arith.constant 1 : i32
    scf.for %while3A_1282 = %while3A_1266 to %while3A_1262 step %while3A_1268  : i32 {
      %mul3A_1283 = arith.muli %while3A_1282, %while3A_1258 : i32
      %add3A_1284 = arith.addi %while3A_1259, %mul3A_1283 : i32
      %mul3A_1285 = arith.constant 16 : i32
      %mul3A_1286 = arith.muli %add3A_1284, %mul3A_1285 : i32
      %add3A_1287 = vector.broadcast %mul3A_1286 : i32 to vector<16xi32>
      %add3A_1288 = arith.addi %iota3A, %add3A_1287 : vector<16xi32>
      %lt3A = vector.broadcast %scan3A_74 : i32 to vector<16xi32>
      %lt3A_1289 = arith.cmpi slt, %add3A_1288, %lt3A : vector<16xi32>
      %mul3A_1290 = arith.constant 16 : i32
      %mul3A_1291 = arith.muli %add3A_1284, %mul3A_1290 : i32
      %get3A_1292 = arith.index_cast %mul3A_1291 : i32 to index
      %get3A_1293 = tpu.vector_load %arg13[%get3A_1292] {strides = array<i32>} : memref<16400xi32, #tpu.memory_space<vmem>>, vector<16xi32>,
      %jit3A_1294 = arith.constant 0 : i32
      %broadcast_in_dim3A = vector.broadcast %jit3A_1294 : i32 to vector<16xi32>
      %select_n3A_1295 = arith.select %lt3A_1289, %get3A_1293, %broadcast_in_dim3A : vector<16xi1>, vector<16xi32>
      %gather3A = tpu.vector_load_idx %arg10[%select_n3A_1295] : memref<16384xi32, #tpu.memory_space<vmem>>[vector<16xi32>], vector<16xi32>,
      %ge3A = vector.broadcast %min3A_1158 : i32 to vector<16xi32>
      %ge3A_1296 = arith.cmpi sge, %gather3A, %ge3A : vector<16xi32>
      %and3A_1297 = arith.andi %lt3A_1289, %ge3A_1296 : vector<16xi1>
      %add3A_1298 = arith.constant 1792 : i32
      %add3A_1299 = arith.addi %min3A_1158, %add3A_1298 : i32
      %lt3A_1300 = vector.broadcast %add3A_1299 : i32 to vector<16xi32>
      %lt3A_1301 = arith.cmpi slt, %gather3A, %lt3A_1300 : vector<16xi32>
      %and3A_1302 = arith.andi %and3A_1297, %lt3A_1301 : vector<16xi1>
      %gather3A_1303 = tpu.vector_load_idx %arg11[%select_n3A_1295] : memref<16384xi32, #tpu.memory_space<vmem>>[vector<16xi32>], vector<16xi32>,
      %gather3A_1304 = tpu.vector_load_idx %arg12[%select_n3A_1295] : memref<16384xf32, #tpu.memory_space<vmem>>[vector<16xi32>], vector<16xf32>,
      %sub3A_1305 = vector.broadcast %min3A_1158 : i32 to vector<16xi32>
      %sub3A_1306 = arith.subi %gather3A, %sub3A_1305 : vector<16xi32>
      %jit3A_1307 = arith.constant 0 : i32
      %broadcast_in_dim3A_1308 = vector.broadcast %jit3A_1307 : i32 to vector<16xi32>
      %select_n3A_1309 = arith.select %and3A_1302, %sub3A_1306, %broadcast_in_dim3A_1308 : vector<16xi1>, vector<16xi32>
      %jit3A_1310 = arith.constant 0 : i32
      %broadcast_in_dim3A_1311 = vector.broadcast %jit3A_1310 : i32 to vector<16xi32>
      %select_n3A_1312 = arith.select %and3A_1302, %gather3A_1303, %broadcast_in_dim3A_1311 : vector<16xi1>, vector<16xi32>
      %gather3A_1313 = tpu.vector_load_idx %arg15[%select_n3A_1312, %select_n3A_1309] masked %and3A_1302 : memref<16x1792xf32, #tpu.memory_space<vmem>>[vector<16xi32>, vector<16xi32>], vector<16xf32>, vector<16xi1>
      %sub3A_1314 = arith.subf %gather3A_1304, %gather3A_1313 : vector<16xf32>
      %mul3A_1315 = arith.mulf %get3A_76, %sub3A_1314 : vector<16xf32>
      %add3A_1316 = arith.addf %gather3A_1313, %mul3A_1315 : vector<16xf32>
      tpu.vector_store_idx %arg15[%select_n3A_1312, %select_n3A_1309], %add3A_1316 masked %and3A_1302 : memref<16x1792xf32, #tpu.memory_space<vmem>>[vector<16xi32>, vector<16xi32>], vector<16xf32>, vector<16xi1>
    }
    %dma_start3A_1269 = arith.constant 0 : i32
    %dma_start3A_1270 = tpu.memref_slice %arg8[%dma_start3A_1269, %min3A_1158] : memref<16x1000000xf32, #tpu.memory_space<hbm>> -> memref<16x1792xf32, #tpu.memory_space<hbm>>
    %dma_start3A_1271 = arith.constant 0 : i32
    %dma_start3A_1272 = tpu.memref_slice %arg8[%dma_start3A_1271, %min3A_1158] : memref<16x1000000xf32, #tpu.memory_space<hbm>> -> memref<16x1792xf32, #tpu.memory_space<hbm>>
    tpu.enqueue_dma source(%arg15 : memref<16x1792xf32, #tpu.memory_space<vmem>>) target(%dma_start3A_1272 : memref<16x1792xf32, #tpu.memory_space<hbm>>) target_semaphore(%arg21 : memref<!tpu.dma_semaphore, #tpu.memory_space<semaphore_mem>>)
    %convert_element_type3A = arith.extui %eq3A_1 : i1 to i32
    %cond3A = arith.constant 0 : i32
    %cond3A_1273 = arith.cmpi ne, %convert_element_type3A, %cond3A : i32
    scf.if %cond3A_1273 {
      tpu.enqueue_dma source(%arg3 : memref<16x256xf32, #tpu.memory_space<hbm>>) target(%arg16 : memref<16x256xf32, #tpu.memory_space<vmem>>) target_semaphore(%arg22 : memref<!tpu.dma_semaphore, #tpu.memory_space<semaphore_mem>>)
      tpu.wait_dma2 semaphore(%arg22 : memref<!tpu.dma_semaphore, #tpu.memory_space<semaphore_mem>>) src(%arg3 : memref<16x256xf32, #tpu.memory_space<hbm>>) dst(%arg16 : memref<16x256xf32, #tpu.memory_space<vmem>>)
      %add3A_1282 = arith.constant 16 : i32
      %add3A_1283 = arith.addi %scan3A_74, %add3A_1282 : i32
      %sub3A_1284 = arith.constant 1 : i32
      %sub3A_1285 = arith.subi %add3A_1283, %sub3A_1284 : i32
      %jit3A_1286 = arith.constant 16 : i32
      %div3A_1287 = arith.divsi %sub3A_1285, %jit3A_1286 : i32
      %sign3A_1288 = arith.constant 0 : i32
      %sign3A_1289 = arith.cmpi sgt, %sub3A_1285, %sign3A_1288 : i32
      %sign3A_1290 = arith.extui %sign3A_1289 : i1 to i32
      %sign3A_1291 = arith.constant 0 : i32
      %sign3A_1292 = arith.cmpi slt, %sub3A_1285, %sign3A_1291 : i32
      %sign3A_1293 = arith.extui %sign3A_1292 : i1 to i32
      %sign3A_1294 = arith.subi %sign3A_1290, %sign3A_1293 : i32
      %sign3A_1295 = arith.constant 0 : i32
      %sign3A_1296 = arith.cmpi sgt, %jit3A_1286, %sign3A_1295 : i32
      %sign3A_1297 = arith.extui %sign3A_1296 : i1 to i32
      %sign3A_1298 = arith.constant 0 : i32
      %sign3A_1299 = arith.cmpi slt, %jit3A_1286, %sign3A_1298 : i32
      %sign3A_1300 = arith.extui %sign3A_1299 : i1 to i32
      %sign3A_1301 = arith.subi %sign3A_1297, %sign3A_1300 : i32
      %ne3A_1302 = arith.cmpi ne, %sign3A_1294, %sign3A_1301 : i32
      %rem3A_1303 = arith.remsi %sub3A_1285, %jit3A_1286 : i32
      %ne3A_1304 = arith.constant 0 : i32
      %ne3A_1305 = arith.cmpi ne, %rem3A_1303, %ne3A_1304 : i32
      %and3A_1306 = arith.andi %ne3A_1302, %ne3A_1305 : i1
      %sub3A_1307 = arith.constant 1 : i32
      %sub3A_1308 = arith.subi %div3A_1287, %sub3A_1307 : i32
      %select_n3A_1309 = arith.select %and3A_1306, %sub3A_1308, %div3A_1287 : i32
      %sub3A_1310 = arith.constant 0 : i32
      %sub3A_1311 = arith.subi %select_n3A_1309, %sub3A_1310 : i32
      %sub3A_1312 = arith.constant 1 : i32
      %sub3A_1313 = arith.constant 1 : i32
      %sub3A_1314 = arith.subi %sub3A_1312, %sub3A_1313 : i32
      %add3A_1315 = arith.addi %sub3A_1311, %sub3A_1314 : i32
      %div3A_1316 = arith.constant 1 : i32
      %div3A_1317 = arith.divsi %add3A_1315, %div3A_1316 : i32
      %while3A_1318 = arith.constant 1 : i32
      %while3A_1319 = arith.constant 0 : i32
      %while3A_1320 = arith.constant 0 : i32
      %while3A_1321 = arith.subi %div3A_1317, %while3A_1320 : i32
      %while3A_1322 = arith.addi %while3A_1320, %while3A_1321 : i32
      %while3A_1323 = arith.constant 1 : i32
      %while3A_1324 = arith.divsi %while3A_1321, %while3A_1323 : i32
      %while3A_1325 = arith.muli %while3A_1324, %while3A_1323 : i32
      %while3A_1326 = arith.addi %while3A_1320, %while3A_1325 : i32
      %while3A_1327 = arith.constant 1 : i32
      scf.for %while3A_1329 = %while3A_1320 to %while3A_1326 step %while3A_1327  : i32 {
        %mul3A_1330 = arith.muli %while3A_1329, %while3A_1318 : i32
        %add3A_1331 = arith.addi %while3A_1319, %mul3A_1330 : i32
        %mul3A_1332 = arith.constant 16 : i32
        %mul3A_1333 = arith.muli %add3A_1331, %mul3A_1332 : i32
        %add3A_1334 = vector.broadcast %mul3A_1333 : i32 to vector<16xi32>
        %add3A_1335 = arith.addi %iota3A, %add3A_1334 : vector<16xi32>
        %lt3A = vector.broadcast %scan3A_74 : i32 to vector<16xi32>
        %lt3A_1336 = arith.cmpi slt, %add3A_1335, %lt3A : vector<16xi32>
        %mul3A_1337 = arith.constant 16 : i32
        %mul3A_1338 = arith.muli %add3A_1331, %mul3A_1337 : i32
        %get3A_1339 = arith.index_cast %mul3A_1338 : i32 to index
        %get3A_1340 = tpu.vector_load %arg13[%get3A_1339] {strides = array<i32>} : memref<16400xi32, #tpu.memory_space<vmem>>, vector<16xi32>,
        %jit3A_1341 = arith.constant 0 : i32
        %broadcast_in_dim3A = vector.broadcast %jit3A_1341 : i32 to vector<16xi32>
        %select_n3A_1342 = arith.select %lt3A_1336, %get3A_1340, %broadcast_in_dim3A : vector<16xi1>, vector<16xi32>
        %gather3A = tpu.vector_load_idx %arg10[%select_n3A_1342] : memref<16384xi32, #tpu.memory_space<vmem>>[vector<16xi32>], vector<16xi32>,
        %ge3A = arith.constant 999744 : i32
        %ge3A_1343 = vector.broadcast %ge3A : i32 to vector<16xi32>
        %ge3A_1344 = arith.cmpi sge, %gather3A, %ge3A_1343 : vector<16xi32>
        %and3A_1345 = arith.andi %lt3A_1336, %ge3A_1344 : vector<16xi1>
        %lt3A_1346 = arith.constant 1000000 : i32
        %lt3A_1347 = vector.broadcast %lt3A_1346 : i32 to vector<16xi32>
        %lt3A_1348 = arith.cmpi slt, %gather3A, %lt3A_1347 : vector<16xi32>
        %and3A_1349 = arith.andi %and3A_1345, %lt3A_1348 : vector<16xi1>
        %gather3A_1350 = tpu.vector_load_idx %arg11[%select_n3A_1342] : memref<16384xi32, #tpu.memory_space<vmem>>[vector<16xi32>], vector<16xi32>,
        %gather3A_1351 = tpu.vector_load_idx %arg12[%select_n3A_1342] : memref<16384xf32, #tpu.memory_space<vmem>>[vector<16xi32>], vector<16xf32>,
        %sub3A_1352 = arith.constant 999744 : i32
        %sub3A_1353 = vector.broadcast %sub3A_1352 : i32 to vector<16xi32>
        %sub3A_1354 = arith.subi %gather3A, %sub3A_1353 : vector<16xi32>
        %jit3A_1355 = arith.constant 0 : i32
        %broadcast_in_dim3A_1356 = vector.broadcast %jit3A_1355 : i32 to vector<16xi32>
        %select_n3A_1357 = arith.select %and3A_1349, %sub3A_1354, %broadcast_in_dim3A_1356 : vector<16xi1>, vector<16xi32>
        %jit3A_1358 = arith.constant 0 : i32
        %broadcast_in_dim3A_1359 = vector.broadcast %jit3A_1358 : i32 to vector<16xi32>
        %select_n3A_1360 = arith.select %and3A_1349, %gather3A_1350, %broadcast_in_dim3A_1359 : vector<16xi1>, vector<16xi32>
        %gather3A_1361 = tpu.vector_load_idx %arg16[%select_n3A_1360, %select_n3A_1357] masked %and3A_1349 : memref<16x256xf32, #tpu.memory_space<vmem>>[vector<16xi32>, vector<16xi32>], vector<16xf32>, vector<16xi1>
        %sub3A_1362 = arith.subf %gather3A_1351, %gather3A_1361 : vector<16xf32>
        %mul3A_1363 = arith.mulf %get3A_76, %sub3A_1362 : vector<16xf32>
        %add3A_1364 = arith.addf %gather3A_1361, %mul3A_1363 : vector<16xf32>
        tpu.vector_store_idx %arg16[%select_n3A_1360, %select_n3A_1357], %add3A_1364 masked %and3A_1349 : memref<16x256xf32, #tpu.memory_space<vmem>>[vector<16xi32>, vector<16xi32>], vector<16xf32>, vector<16xi1>
      }
      %while3A_1328 = arith.constant 1 : i32
      scf.for %while3A_1329 = %while3A_1326 to %while3A_1322 step %while3A_1328  : i32 {
        %mul3A_1330 = arith.muli %while3A_1329, %while3A_1318 : i32
        %add3A_1331 = arith.addi %while3A_1319, %mul3A_1330 : i32
        %mul3A_1332 = arith.constant 16 : i32
        %mul3A_1333 = arith.muli %add3A_1331, %mul3A_1332 : i32
        %add3A_1334 = vector.broadcast %mul3A_1333 : i32 to vector<16xi32>
        %add3A_1335 = arith.addi %iota3A, %add3A_1334 : vector<16xi32>
        %lt3A = vector.broadcast %scan3A_74 : i32 to vector<16xi32>
        %lt3A_1336 = arith.cmpi slt, %add3A_1335, %lt3A : vector<16xi32>
        %mul3A_1337 = arith.constant 16 : i32
        %mul3A_1338 = arith.muli %add3A_1331, %mul3A_1337 : i32
        %get3A_1339 = arith.index_cast %mul3A_1338 : i32 to index
        %get3A_1340 = tpu.vector_load %arg13[%get3A_1339] {strides = array<i32>} : memref<16400xi32, #tpu.memory_space<vmem>>, vector<16xi32>,
        %jit3A_1341 = arith.constant 0 : i32
        %broadcast_in_dim3A = vector.broadcast %jit3A_1341 : i32 to vector<16xi32>
        %select_n3A_1342 = arith.select %lt3A_1336, %get3A_1340, %broadcast_in_dim3A : vector<16xi1>, vector<16xi32>
        %gather3A = tpu.vector_load_idx %arg10[%select_n3A_1342] : memref<16384xi32, #tpu.memory_space<vmem>>[vector<16xi32>], vector<16xi32>,
        %ge3A = arith.constant 999744 : i32
        %ge3A_1343 = vector.broadcast %ge3A : i32 to vector<16xi32>
        %ge3A_1344 = arith.cmpi sge, %gather3A, %ge3A_1343 : vector<16xi32>
        %and3A_1345 = arith.andi %lt3A_1336, %ge3A_1344 : vector<16xi1>
        %lt3A_1346 = arith.constant 1000000 : i32
        %lt3A_1347 = vector.broadcast %lt3A_1346 : i32 to vector<16xi32>
        %lt3A_1348 = arith.cmpi slt, %gather3A, %lt3A_1347 : vector<16xi32>
        %and3A_1349 = arith.andi %and3A_1345, %lt3A_1348 : vector<16xi1>
        %gather3A_1350 = tpu.vector_load_idx %arg11[%select_n3A_1342] : memref<16384xi32, #tpu.memory_space<vmem>>[vector<16xi32>], vector<16xi32>,
        %gather3A_1351 = tpu.vector_load_idx %arg12[%select_n3A_1342] : memref<16384xf32, #tpu.memory_space<vmem>>[vector<16xi32>], vector<16xf32>,
        %sub3A_1352 = arith.constant 999744 : i32
        %sub3A_1353 = vector.broadcast %sub3A_1352 : i32 to vector<16xi32>
        %sub3A_1354 = arith.subi %gather3A, %sub3A_1353 : vector<16xi32>
        %jit3A_1355 = arith.constant 0 : i32
        %broadcast_in_dim3A_1356 = vector.broadcast %jit3A_1355 : i32 to vector<16xi32>
        %select_n3A_1357 = arith.select %and3A_1349, %sub3A_1354, %broadcast_in_dim3A_1356 : vector<16xi1>, vector<16xi32>
        %jit3A_1358 = arith.constant 0 : i32
        %broadcast_in_dim3A_1359 = vector.broadcast %jit3A_1358 : i32 to vector<16xi32>
        %select_n3A_1360 = arith.select %and3A_1349, %gather3A_1350, %broadcast_in_dim3A_1359 : vector<16xi1>, vector<16xi32>
        %gather3A_1361 = tpu.vector_load_idx %arg16[%select_n3A_1360, %select_n3A_1357] masked %and3A_1349 : memref<16x256xf32, #tpu.memory_space<vmem>>[vector<16xi32>, vector<16xi32>], vector<16xf32>, vector<16xi1>
        %sub3A_1362 = arith.subf %gather3A_1351, %gather3A_1361 : vector<16xf32>
        %mul3A_1363 = arith.mulf %get3A_76, %sub3A_1362 : vector<16xf32>
        %add3A_1364 = arith.addf %gather3A_1361, %mul3A_1363 : vector<16xf32>
        tpu.vector_store_idx %arg16[%select_n3A_1360, %select_n3A_1357], %add3A_1364 masked %and3A_1349 : memref<16x256xf32, #tpu.memory_space<vmem>>[vector<16xi32>, vector<16xi32>], vector<16xf32>, vector<16xi1>
      }
      tpu.enqueue_dma source(%arg16 : memref<16x256xf32, #tpu.memory_space<vmem>>) target(%arg9 : memref<16x256xf32, #tpu.memory_space<hbm>>) target_semaphore(%arg22 : memref<!tpu.dma_semaphore, #tpu.memory_space<semaphore_mem>>)
      tpu.wait_dma2 semaphore(%arg22 : memref<!tpu.dma_semaphore, #tpu.memory_space<semaphore_mem>>) src(%arg16 : memref<16x256xf32, #tpu.memory_space<vmem>>) dst(%arg9 : memref<16x256xf32, #tpu.memory_space<hbm>>)
    } else {
    }
    %dma_wait3A_1274 = arith.constant 0 : i32
    %dma_wait3A_1275 = tpu.memref_slice %arg8[%dma_wait3A_1274, %min3A_1090] : memref<16x1000000xf32, #tpu.memory_space<hbm>> -> memref<16x1792xf32, #tpu.memory_space<hbm>>
    %dma_wait3A_1276 = arith.constant 0 : i32
    %dma_wait3A_1277 = tpu.memref_slice %arg8[%dma_wait3A_1276, %min3A_1090] : memref<16x1000000xf32, #tpu.memory_space<hbm>> -> memref<16x1792xf32, #tpu.memory_space<hbm>>
    tpu.wait_dma2 semaphore(%arg20 : memref<!tpu.dma_semaphore, #tpu.memory_space<semaphore_mem>>) src(%arg14 : memref<16x1792xf32, #tpu.memory_space<vmem>>) dst(%dma_wait3A_1277 : memref<16x1792xf32, #tpu.memory_space<hbm>>)
    %dma_wait3A_1278 = arith.constant 0 : i32
    %dma_wait3A_1279 = tpu.memref_slice %arg8[%dma_wait3A_1278, %min3A_1158] : memref<16x1000000xf32, #tpu.memory_space<hbm>> -> memref<16x1792xf32, #tpu.memory_space<hbm>>
    %dma_wait3A_1280 = arith.constant 0 : i32
    %dma_wait3A_1281 = tpu.memref_slice %arg8[%dma_wait3A_1280, %min3A_1158] : memref<16x1000000xf32, #tpu.memory_space<hbm>> -> memref<16x1792xf32, #tpu.memory_space<hbm>>
    tpu.wait_dma2 semaphore(%arg21 : memref<!tpu.dma_semaphore, #tpu.memory_space<semaphore_mem>>) src(%arg15 : memref<16x1792xf32, #tpu.memory_space<vmem>>) dst(%dma_wait3A_1281 : memref<16x1792xf32, #tpu.memory_space<hbm>>)
    return
  }
}

</mosaic_0001>

<sc_bundles>
// kernel: kernel.3.cloned.1.call-start
scs
__scs_entry_jumppad:
0x0: {  	(pc) =	sbr.rel $0x88, $3  }
0x1: {  	(tag) =	ssettag $0x0;
	lr =	simm.s32 $0x1  }
0x2: {  	[smem:$0x3F9C] =	sst lr;
	_ =	strace $0xD0000000  }
0x3: {  	_ = 	snop  }
0x4: {  	_ = 	snop  }
0x5: {  	_ = 	snop  }
0x6: {  	_ = 	snop  }
0x7: {  	_ = 	snop  }
__scs_overlays_trampoline_lowered:
0x8: {  	[smem:$0x3FAB] =	sst s0  }
0x9: {  	[smem:$0x3FAC] =	sst s1  }
0xa: {  	[smem:$0x3FAD] =	sst s2  }
0xb: {  	[smem:$0x3FAE] =	sst s3  }
0xc: {  	[smem:$0x3FAF] =	sst s4  }
0xd: {  	[smem:$0x3FB0] =	sst s5  }
0xe: {  	[smem:$0x3FB1] =	sst s6  }
0xf: {  	[smem:$0x3FB2] =	sst s7  }
0x10: {  	[smem:$0x3FB3] =	sst s8  }
0x11: {  	[smem:$0x3FB4] =	sst s9;
	s0 =	simm.s32 @!p0 $0x0  }
0x12: {  	s1 =	sld [smem:$0x3F9A];
	s0 =	simm.s32 @p0 $0x1  }
0x13: {  	[smem:$0x3FB5] =	sst s0;
	s0 =	simm.s32 @!p1 $0x0  }
0x14: {  	s2 =	sld [smem:$0x3F99];
	s0 =	simm.s32 @p1 $0x1  }
0x15: {  	[smem:$0x3FB6] =	sst s0;
	s0 =	simm.s32 @!p2 $0x0  }
0x16: {  	s3 =	sld [smem:$0x3FDB];
	s0 =	simm.s32 @p2 $0x1  }
0x17: {  	s4 =	simm.s32 $0x1BF5;
	[smem:$0x3FB8] =	sst s0  }
0x18: {  	s0 =	sld [smem:$0x3F9B];
	_ =	swait.ge [sflag:s4], $0x0  }
0x19: {  	s7 =	sld [smem:$0x3F9C]  }
0x1a: {  	s8 =	sadd.s32 $0xFFFFE003, lr  }
0x1b: {  	s9 =	sadd.s32 $0xFFFFFEF7, lr;
	s5 =	simm.s32 $0xFFFFFFFF;
	p2 =	slt.u32 s8, $0xFFFFF086  }
0x1c: {  	p1 =	slt.u32 s9, $0xF7A;
	s5 =	simm.s32 @!p2 $0x0  }
0x1d: {  	s5 =	simm.s32 @p1 $0x1;
	p0 =	seq.s32 s7, s2  }
0x1e: {  	s7 =	smul.u32 @!p0 $0xF7A, s2;
	p2 =	seq.s32 @!p0 s5, $0x0  }
0x1f: {  	s9 =	smul.u32 $0xF7A, s1;
	s8 =	simm.s32 @!p0 $0x1BF5;
	p2 =	por !p2, p0  }
0x20: {  	[sflag:s8] =	ssyncset.s32 @!p0 $0xFFFFF086;
	s6 =	sadd.s32 @!p0 s3, s7;
	s7 =	simm.s32 @!p0 $0x108  }
0x21: {  	s3 =	sadd.s32 s3, s9;
	s6 =	sadd.s32 @!p0 $0x88, s6;
	s7 =	simm.s32 @p2 $0x1082  }
0x22: {  	[simem:s7], [sflag:s8] =	dma.local @!p0 [hbm:s6], $0xF7A  }
0x23: {  	s9 =	sor.u32 $0xD0000000, s2;
	s6 =	simm.s32 $0x108;
	_ =	swait.ge @!p0 [sflag:s8], $0x0  }
0x24: {  	s3 =	sadd.s32 $0x88, s3;
	s6 =	simm.s32 @!p1 $0x1082;
	[sflag:s4] =	ssyncset.s32 $0xFFFFF086  }
0x25: {  	[simem:s6], [sflag:s4] =	dma.local [hbm:s3], $0xF7A  }
0x26: {  	[smem:$0x3F9C] =	sst s1;
	(tag) =	ssettag s2;
	_ =	strace s9  }
0x27: {  	s1 =	sld [smem:$0x3FAC]  }
0x28: {  	s2 =	sld [smem:$0x3FAD]  }
0x29: {  	s4 =	sld [smem:$0x3FAF]  }
0x2a: {  	p0 =	seq.s32 s5, $0x0;
	s5 =	sld [smem:$0x3FB0]  }
0x2b: {  	s6 =	sld [smem:$0x3FB1]  }
0x2c: {  	s7 =	sld [smem:$0x3FB2]  }
0x2d: {  	s3 =	simm.s32 $0x108;
	s8 =	sld [smem:$0x3FB3]  }
0x2e: {  	s3 =	simm.s32 @!p0 $0x1082;
	s9 =	sld [smem:$0x3FB4]  }
0x2f: {  	lr =	sadd.s32 s0, s3;
	s0 =	sld [smem:$0x3FAB]  }
0x30: {  	s3 =	sld [smem:$0x3FAE]  }
0x31: {  	[smem:$0x3FB7] =	sst s10  }
0x32: {  	s10 =	sld [smem:$0x3FB5];
	_ =	sdelay $0x3  }
0x33: {  	p0 =	seq.s32 s10, $0x1;
	s10 =	sld [smem:$0x3FB7];
	_ =	sdelay $0x3  }
0x34: {  	[smem:$0x3FB7] =	sst s10  }
0x35: {  	s10 =	sld [smem:$0x3FB6];
	_ =	sdelay $0x3  }
0x36: {  	p1 =	seq.s32 s10, $0x1;
	s10 =	sld [smem:$0x3FB7];
	_ =	sdelay $0x3  }
0x37: {  	[smem:$0x3FB7] =	sst s10  }
0x38: {  	s10 =	sld [smem:$0x3FB8]  }
0x39: {  	_ = 	snop;
	(pc) =	sbr.ind lr, $3  }
0x3a: {  	_ = 	snop  }
0x3b: {  	_ = 	snop  }
0x3c: {  	p2 =	seq.s32 s10, $0x1;
	s10 =	sld [smem:$0x3FB7]  }
0x3d: {  	_ =	shalt  }
0x3e: {  	_ =	shalt  }
0x3f: {  	_ =	shalt  }
0x40: {  	_ =	shalt  }
0x41: {  	_ =	shalt  }
0x42: {  	_ =	shalt  }
0x43: {  	_ =	shalt  }
0x44: {  	_ =	shalt  }
0x45: {  	_ =	shalt  }
0x46: {  	_ =	shalt  }
0x47: {  	_ =	shalt  }
0x48: {  	_ =	shalt  }
0x49: {  	_ =	shalt  }
0x4a: {  	_ =	shalt  }
0x4b: {  	_ =	shalt  }
0x4c: {  	_ =	shalt  }
0x4d: {  	_ =	shalt  }
0x4e: {  	_ =	shalt  }
0x4f: {  	_ =	shalt  }
0x50: {  	_ =	shalt  }
0x51: {  	_ =	shalt  }
0x52: {  	_ =	shalt  }
0x53: {  	_ =	shalt  }
0x54: {  	_ =	shalt  }
0x55: {  	_ =	shalt  }
0x56: {  	_ =	shalt  }
0x57: {  	_ =	shalt  }
0x58: {  	_ =	shalt  }
0x59: {  	_ =	shalt  }
0x5a: {  	_ =	shalt  }
0x5b: {  	_ =	shalt  }
0x5c: {  	_ =	shalt  }
0x5d: {  	_ =	shalt  }
0x5e: {  	_ =	shalt  }
0x5f: {  	_ =	shalt  }
0x60: {  	_ =	shalt  }
0x61: {  	_ =	shalt  }
0x62: {  	_ =	shalt  }
0x63: {  	_ =	shalt  }
0x64: {  	_ =	shalt  }
0x65: {  	_ =	shalt  }
0x66: {  	_ =	shalt  }
0x67: {  	_ =	shalt  }
0x68: {  	_ =	shalt  }
0x69: {  	_ =	shalt  }
0x6a: {  	_ =	shalt  }
0x6b: {  	_ =	shalt  }
0x6c: {  	_ =	shalt  }
0x6d: {  	_ =	shalt  }
0x6e: {  	_ =	shalt  }
0x6f: {  	_ =	shalt  }
0x70: {  	_ =	shalt  }
0x71: {  	_ =	shalt  }
0x72: {  	_ =	shalt  }
0x73: {  	_ =	shalt  }
0x74: {  	_ =	shalt  }
0x75: {  	_ =	shalt  }
0x76: {  	_ =	shalt  }
0x77: {  	_ =	shalt  }
0x78: {  	_ =	shalt  }
0x79: {  	_ =	shalt  }
0x7a: {  	_ =	shalt  }
0x7b: {  	_ =	shalt  }
0x7c: {  	_ =	shalt  }
0x7d: {  	_ =	shalt  }
0x7e: {  	_ =	shalt  }
0x7f: {  	_ =	shalt  }
0x80: {  	_ =	shalt  }
0x81: {  	_ =	shalt  }
0x82: {  	_ =	shalt  }
0x83: {  	_ =	shalt  }
0x84: {  	_ =	shalt  }
0x85: {  	_ =	shalt  }
0x86: {  	_ =	shalt  }
0x87: {  	_ =	shalt  }
.Lfunc_end0:
.L_simem_size_0:
called_computation_lowered:
.L_overlay_start_0:
0x88: {  	s2 =	sld [smem:$0x3FD9]  }
0x89: {  	s3 =	sld [smem:$0x3FFE];
	_ =	sdelay $0x1  }
0x8a: {  	s1 =	srdreg.scid  }
0x8b: {  	s0 =	sand.u32 $0x1, s1  }
0x8c: {  	s17 =	sshll.u32 s0, $0xA;
	s2 =	sadd.s32 s3, s2  }
0x8d: {  	s2 =	sadd.s32 s2, s17  }
0x8e: {  	[smem:$0x3FC3] =	sst s2  }
0x8f: {  	_ = 	snop  }
0x90: {  	s2 =	sld [smem:$0x3FC9]  }
0x91: {  	s18 =	sld [smem:$0x3FC8]  }
0x92: {  	s4 =	sld [smem:$0x3FC7]  }
0x93: {  	s5 =	sld [smem:$0x3FC5]  }
0x94: {  	s6 =	sld [smem:$0x3FD0];
	(tm) =	ssettm $0x1  }
0x95: {  	s7 =	sld [smem:$0x3FFB];
	_ =	sdelay $0x3  }
0x96: {  	_ =	strace s7  }
0x97: {  	s7 =	sld [smem:$0x3FFC];
	_ =	sdelay $0x3  }
0x98: {  	_ =	strace s7  }
0x99: {  	s7 =	sld [smem:$0x3FFD];
	_ =	sdelay $0x3  }
0x9a: {  	_ =	strace s7  }
0x9b: {  	_ =	strace $0x8FFFFFFF  }
0x9c: {  	s19 =	sld [smem:$0x3FDB];
	_ =	sdelay $0x1  }
0x9d: {  	s8 =	simm.s32 $_scs_section_size  }
0x9e: {  	s9 =	simm.s32 $_size__tile_overlayer_lowered;
	s10 =	simm.s32 $_tile_overlayer_lowered  }
0x9f: {  	s22 =	simm.s32 $0x1BFF;
	s21 =	sshll.u32 s10, $0x1;
	s7 =	sadd.s32 s8, s19  }
0xa0: {  	s11 =	simm.s32 $0x0;
	s20 =	sshll.u32 s9, $0x1;
	s9 =	sadd.s32 s21, s7  }
0xa1: {  	[timem:s11], [sflag:s22] =	dma.local [hbm:s9], s20  }
0xa2: {  	_ =	swait.ge [sflag:s22], s20  }
0xa3: {  	s8 =	ssub.s32 $0x0, s20;
	[sflag:s22] =	ssyncset.done $0x0  }
0xa4: {  	[sflag:s22] =	ssyncadd.s32 s8;
	_ =	sdelay $0x1  }
0xa5: {  	s23 =	simm.s32 $0x1B8B  }
0xa6: {  	_ =	swait.ge [sflag:s23], $0x1  }
0xa7: {  	[sflag:s23] =	ssyncset.done $0x0  }
0xa8: {  	s25 =	simm.s32 $0x1B8E;
	s24 =	sld [smem:$0x3FFE];
	[sflag:s23] =	ssyncadd.s32 $0xFFFFFFFF  }
0xa9: {  	s26 =	simm.s32 $execute0_lowered;
	[smem:$0x3FD2] =	sst s25  }
0xaa: {  	s9 =	sshll.u32 s26, $0x1;
	_ =	strace $0x80000046;
	[dreg:$0x1] =	wrdreg $0xFFFFFFFF  }
0xab: {  	s28 =	simm.s32 $_size_execute0_lowered;
	s7 =	sadd.s32 s7, s9;
	[dreg:$0x0] =	wrdreg $0x0  }
0xac: {  	s9 =	sshll.u32 s28, $0x1;
	[dreg:$0x2] =	wrdreg s7  }
0xad: {  	[dreg:$0x3] =	wrdreg s9  }
0xae: {  	[dreg:$0x4] =	wrdreg $0xC0  }
0xaf: {  	_ =	task [dreg:s11], $0x5FFFF  }
0xb0: {  	[dreg:$0x1] =	wrdreg $0xFFFFFFFF  }
0xb1: {  	[dreg:$0x0] =	wrdreg $0x60  }
0xb2: {  	[dreg:$0x2] =	wrdreg s2  }
0xb3: {  	[dreg:$0x3] =	wrdreg s24  }
0xb4: {  	[dreg:$0x4] =	wrdreg s18  }
0xb5: {  	[dreg:$0x5] =	wrdreg s5  }
0xb6: {  	[dreg:$0x6] =	wrdreg s4  }
0xb7: {  	[dreg:$0x7] =	wrdreg s6  }
0xb8: {  	[dreg:$0x8] =	wrdreg $0x9  }
0xb9: {  	_ =	task.clear_ibuf [dreg:s11], $0x9FFFF;
	_ =	strace $0x90000046  }
0xba: {  	s29 =	simm.s32 $0x9;
	_ =	strace $0x80000048  }
0xbb: {  	_ =	swait.ge [sflag:s29], $0x1  }
0xbc: {  	[sflag:s29] =	ssyncadd.s32 $0xFFFFFFFF  }
0xbd: {  	_ =	strace $0x90000048  }
0xbe: {  	_ =	sfence  }
0xbf: {  	s30 =	sld [smem:$0x0];
	_ =	sdelay $0x2  }
0xc0: {  	s31 =	sshll.u32 s1, $0xD;
	s1 =	sshrl.u32 s1, $0x2  }
0xc1: {  	s3 =	sand.u32 $0x4000, s31;
	s1 =	sadd.s32 s1, s30  }
0xc2: {  	s0 =	sor.u32 s3, s0;
	s1 =	sshll.u32 s1, $0x11  }
0xc3: {  	s0 =	sor.u32 s1, s0  }
0xc4: {  	s0 =	sadd.s32 $0x8F2B, s0  }
0xc5: {  	[sflag:s0] =	ssyncadd.remote.s32 $0x1  }
0xc6: {  	_ =	sfence.sel $0xFFFF  }
0xc7: {  	[dreg:$0x0] =	wrdreg $0xFFFFFFFF;
	(pc) =	sbr.abs _section_cstart, $3  }
0xc8: {  	[dreg:$0x1] =	wrdreg $0xFFFFFFFF  }
0xc9: {  	_ =	task.clear_ibuf [dreg:s11], $0x2FFFF;
	_ =	strace $0x9FFFFFFF  }
0xca: {  	(tm) =	ssettm $0x7FFFFFFF  }
0xcb: {  	_ =	shalt  }
tec
execute0_lowered:
.L_overlay_start_1:
0x0: {  	(tag) =	ssettag $0x1  }
0x1: {  	s2 =	rddreg [dreg:$0x0]  }
0x2: {  	s1 =	srdreg.scid;
	s3 =	stileid.u32  }
0x3: {  	s8 =	rddreg [dreg:$0x1];
	s1 =	sand.u32 $0x1, s1;
	s3 =	sshll.u32 s3, $0x1  }
0x4: {  	s0 =	rddreg [dreg:$0x5];
	s5 =	simm.s32 $0x0;
	s3 =	sor.u32 s1, s3  }
0x5: {  	[smem:$0x7FF] =	sst s5;
	s1 =	ssub.s32 $0x2, s1;
	s4 =	smul.u32 $0x7A10, s3  }
0x6: {  	_ =	strace $0x80000047;
	s6 =	sshrl.u32 s1, $0x1;
	p0 =	seq.s32 s3, $0x1F  }
0x7: {  	s15 =	ssub.s32 s1, s6;
	s19 =	sadd.s32 $0x7A10, s4;
	s4 =	sand.u32 $0xFFF80, s4  }
0x8: {  	s6 =	sand.u32 $0x1FFF80, s19;
	s20 =	sadd.s32 $0x700, s4;
	s10 =	sadd.s32 $0xE00, s4  }
0x9: {  	s21 =	sadd.s32 $0x1500, s4;
	s22 =	sadd.s32 $0x1C00, s4;
	s13 =	sadd.s32 $0x2300, s4  }
0xa: {  	s23 =	sadd.s32 $0x2A00, s4;
	s24 =	sadd.s32 $0x3100, s4;
	s31 =	sadd.s32 $0x3800, s4  }
0xb: {  	s16 =	sadd.s32 $0x4D00, s4;
	s17 =	sadd.s32 $0x5400, s4;
	s19 =	sadd.s32 $0x5B00, s4  }
0xc: {  	s9 =	sadd.s32 $0xFFFFF900, s6;
	s6 =	simm.s32 @p0 $0xF4240;
	p0 =	sne.s32 s3, $0x1F  }
0xd: {  	s7 =	smin.u32 s20, s9;
	s11 =	smin.u32 s10, s9;
	s12 =	smin.u32 s21, s9  }
0xe: {  	s14 =	smin.u32 s22, s9;
	s25 =	smin.u32 s13, s9;
	s26 =	smin.u32 s23, s9  }
0xf: {  	s24 =	smin.u32 s24, s9;
	s20 =	smin.u32 s31, s9;
	s10 =	sadd.s32 $0x3F00, s4  }
0x10: {  	s13 =	sadd.s32 $0x4600, s4;
	s16 =	smin.u32 s16, s9;
	s17 =	smin.u32 s17, s9  }
0x11: {  	s19 =	smin.u32 s19, s9;
	s22 =	sadd.s32 $0x6200, s4;
	s23 =	sadd.s32 $0x6900, s4  }
0x12: {  	s31 =	sadd.s32 $0x7000, s4;
	s21 =	smin.u32 s10, s9;
	s18 =	smin.u32 s13, s9  }
0x13: {  	s22 =	smin.u32 s22, s9;
	s23 =	smin.u32 s23, s9;
	s13 =	sadd.s32 $0x800, s8  }
0x14: {  	s3 =	smin.u32 s31, s9;
	s31 =	sadd.s32 $0xA00, s8;
	[dreg:$0x7] =	wrdreg s13  }
0x15: {  	s10 =	sadd.s32 $0x7700, s4;
	s8 =	sadd.s32 $0xC00, s8;
	[dreg:$0x8] =	wrdreg s31  }
0x16: {  	s1 =	smin.u32 s10, s9;
	[dreg:$0x9] =	wrdreg s8;
	s31 =	sadd.s32 s2, s7  }
0x17: {  	s9 =	smin.u32 s4, s9;
	s10 =	sadd.s32 s2, s11;
	[dreg:$0xb] =	wrdreg s31  }
0x18: {  	s13 =	sadd.s32 s2, s9;
	[dreg:$0xc] =	wrdreg s10  }
0x19: {  	s31 =	sadd.s32 s2, s14;
	[dreg:$0xa] =	wrdreg s13  }
0x1a: {  	s10 =	sadd.s32 s2, s25;
	[dreg:$0xe] =	wrdreg s31  }
0x1b: {  	s13 =	sadd.s32 s2, s12;
	[dreg:$0xf] =	wrdreg s10  }
0x1c: {  	s31 =	sadd.s32 s2, s24;
	[dreg:$0xd] =	wrdreg s13  }
0x1d: {  	s30 =	simm.s32 $0x0;
	s10 =	sadd.s32 s2, s20;
	[dreg:$0x11] =	wrdreg s31  }
0x1e: {  	s15 =	smax.u32 s15, $0x1;
	s13 =	sadd.s32 s2, s26;
	[dreg:$0x12] =	wrdreg s10  }
0x1f: {  	s28 =	sadd.s32 $0x700, s12;
	s31 =	sadd.s32 s2, s18;
	[dreg:$0x10] =	wrdreg s13  }
0x20: {  	s29 =	sadd.s32 $0x700, s14;
	s10 =	sadd.s32 s2, s16;
	[dreg:$0x14] =	wrdreg s31  }
0x21: {  	v1 =	vmov s6;
	s6 =	sadd.s32 s0, s21;
	s13 =	sadd.s32 s2, s21;
	[dreg:$0x15] =	wrdreg s10  }
0x22: {  	s8 =	sadd.s32 s0, s18;
	s31 =	sadd.s32 s2, s19;
	[dreg:$0x13] =	wrdreg s13  }
0x23: {  	v0 =	vmov s4;
	s4 =	sadd.s32 $0x700, s25;
	s10 =	sadd.s32 s2, s22;
	[dreg:$0x17] =	wrdreg s31  }
0x24: {  	v11 =	vmov s29;
	s29 =	simm.s32 $0x1E080;
	s13 =	sadd.s32 s2, s17;
	[dreg:$0x18] =	wrdreg s10  }
0x25: {  	v13 =	vmov s4;
	s4 =	sadd.s32 $0x700, s20;
	s31 =	sadd.s32 s2, s3;
	[dreg:$0x16] =	wrdreg s13  }
0x26: {  	v9 =	vmov s28;
	s28 =	sadd.s32 $0x700, s1;
	s10 =	sadd.s32 s0, s9;
	[dreg:$0x1a] =	wrdreg s31  }
0x27: {  	v19 =	vmov s4;
	s4 =	sadd.s32 $0x700, s22;
	s13 =	sadd.s32 s2, s23;
	[dreg:$0x1c] =	wrdreg s10  }
0x28: {  	v37 =	vmov s28;
	s28 =	simm.s32 $0x4;
	s2 =	sadd.s32 s2, s1;
	[dreg:$0x19] =	wrdreg s13  }
0x29: {  	s10 =	sadd.s32 $0x700, s7;
	s31 =	sadd.s32 s0, s11;
	[dreg:$0x1b] =	wrdreg s2  }
0x2a: {  	s2 =	sadd.s32 $0x700, s9;
	s13 =	sadd.s32 s0, s7;
	[dreg:$0x1e] =	wrdreg s31  }
0x2b: {  	v4 =	vmov s7;
	v2 =	vmov s9;
	s31 =	sadd.s32 s0, s12;
	s7 =	sadd.s32 s0, s16;
	s9 =	sadd.s32 s0, s17  }
0x2c: {  	v8 =	vmov s12;
	v5 =	vmov s10;
	s10 =	sadd.s32 s0, s19;
	s12 =	sadd.s32 s0, s23;
	[dreg:$0x1d] =	wrdreg s13  }
0x2d: {  	s13 =	sadd.s32 $0x700, s11;
	[dreg:$0x1f] =	wrdreg s31;
	s31 =	sadd.s32 s0, s14  }
0x2e: {  	v6 =	vmov s11;
	v10 =	vmov s14;
	v3 =	vmov s2;
	s11 =	sadd.s32 s0, s22;
	s14 =	sadd.s32 s0, s1;
	s2 =	sadd.s32 $0x700, s26  }
0x2f: {  	v30 =	vmov s22;
	s22 =	simm.s32 $0x8000;
	[smem:$0x7F9] =	sst s31;
	s31 =	sadd.s32 s0, s25  }
0x30: {  	v12 =	vmov s25;
	v28 =	vmov s19;
	v7 =	vmov s13;
	s13 =	sadd.s32 s0, s3;
	s25 =	sadd.s32 $0x700, s19;
	s19 =	simm.s32 $0x10080  }
0x31: {  	v14 =	vmov s26;
	[smem:$0x7FA] =	sst s31;
	s31 =	sadd.s32 s0, s26;
	s26 =	sadd.s32 $0x700, s21  }
0x32: {  	v26 =	vmov s17;
	v20 =	vmov s21;
	s21 =	sadd.s32 $0x700, s17;
	s17 =	simm.s32 $0x3800;
	v29 =	vmov s25;
	s25 =	simm.s32 $0x3  }
0x33: {  	v38 =	vlaneseq.u32;
	[smem:$0x7FB] =	sst s31;
	s31 =	sadd.s32 s0, s24;
	v21 =	vmov s26;
	s26 =	sadd.s32 $0x700, s23  }
.Ltmp0:
0x34: {  	v16 =	vmov s24;
	v18 =	vmov s20;
	v24 =	vmov s16;
	[smem:$0x7FC] =	sst s31;
	s31 =	sadd.s32 s0, s20;
	(pc) =	sbr.rel .LBB2_1-.Ltmp0, $4  }
0x35: {  	v22 =	vmov s18;
	v32 =	vmov s23;
	v27 =	vmov s21;
	s21 =	simm.s32 $0x4000;
	[smem:$0x7FD] =	sst s31;
	s31 =	sadd.s32 $0x700, s24  }
0x36: {  	v34 =	vmov s3;
	v36 =	vmov s1;
	s23 =	simm.s32 $0x5;
	s20 =	simm.s32 $0x17080;
	v17 =	vmov s31;
	s31 =	sadd.s32 $0x700, s18  }
0x37: {  	v31 =	vmov s4;
	v33 =	vmov s26;
	s26 =	simm.s32 $0x2;
	s24 =	sadd.s32 $0x700, s16;
	v23 =	vmov s31;
	s31 =	sadd.s32 $0x700, s3  }
0x38: {  	v15 =	vmov s2;
	s16 =	simm.s32 $0x6;
	v25 =	vmov s24;
	s18 =	simm.s32 $0x7A1400;
	s24 =	simm.s32 $0x1;
	v35 =	vmov s31  }
.LBB2_61:
0x39: {  	s0 =	rddreg [dreg:$0x9]  }
0x3a: {  	[hbm4b:s0+s5] =	stream.linear.scatter [tilespmem:s29], [sflag:$0x5], $0x1000, $0x38;
	[tilespmem:$0x1F100] =	vst v63  }
0x3b: {  	_ =	swait.ge [sflag:s23], $0x1000  }
0x3c: {  	[sflag:s23] =	ssyncset.done $0x0  }
0x3d: {  	[sflag:s23] =	ssyncadd.s32 $0xFFFFF000  }
.LBB2_62:
0x3e: {  	s30 =	sadd.s32 $0x1, s30  }
0x3f: {  	_ =	swait.ge [sflag:s25], $0x7000;
	p1 =	sne.s32 s30, s15  }
.Ltmp1:
0x40: {  	[sflag:s25] =	ssyncset.done $0x0;
	(pc) =	sbr.rel @!p1 .LBB2_63-.Ltmp1, $4  }
0x41: {  	[sflag:s25] =	ssyncadd.s32 $0xFFFF9000  }
0x42: {  	_ =	swait.ge [sflag:s28], $0x7000  }
0x43: {  	[sflag:s28] =	ssyncset.done $0x0  }
0x44: {  	[sflag:s28] =	ssyncadd.s32 $0xFFFF9000  }
.LBB2_1:
0x45: {  	s0 =	rddreg [dreg:$0x2]  }
0x46: {  	[tilespmem:s5], [sflag:$0x6] =	stream.linear.gather [hbm4b:s0+s5], $0x4000, $0x38;
	[tilespmem:$0x1F100] =	vst v63  }
0x47: {  	_ =	swait.ge [sflag:s16], $0x4000  }
0x48: {  	[sflag:s16] =	ssyncset.done $0x0  }
0x49: {  	s4 =	rddreg [dreg:$0xa];
	[sflag:s16] =	ssyncadd.s32 $0xFFFFC000  }
0x4a: {  	[tilespmem:s19], [sflag:$0x1] =	stream.strided.gather [hbm4b:s4+s17], $0x7000, s18, s17, $0x38;
	[tilespmem:$0x1F100] =	vst v63  }
0x4b: {  	s1 =	rddreg [dreg:$0xb]  }
0x4c: {  	[tilespmem:s20], [sflag:$0x2] =	stream.strided.gather [hbm4b:s1+s17], $0x7000, s18, s17, $0x38;
	[tilespmem:$0x1F100] =	vst v63  }
0x4d: {  	s2 =	rddreg [dreg:$0x3]  }
0x4e: {  	[tilespmem:s21], [sflag:$0x5] =	stream.linear.gather [hbm4b:s2+s5], $0x4000, $0x38;
	[tilespmem:$0x1F100] =	vst v63  }
0x4f: {  	s3 =	rddreg [dreg:$0x4]  }
0x50: {  	[tilespmem:s22], [sflag:$0x5] =	stream.linear.gather [hbm4b:s3+s5], $0x4000, $0x38;
	[tilespmem:$0x1F100] =	vst v63  }
0x51: {  	s0 =	simm.s32 $0x20;
	s4 =	rddreg [dreg:$0x8];
	s1 =	simm.s32 $0x1F080  }
0x52: {  	[tilespmem:s1], [sflag:$0x5] =	stream.linear.gather [hbm4b:s4+s5], $0x80, $0x38;
	[tilespmem:$0x1F100] =	vst v63  }
0x53: {  	v39 =	vld [tilespmem:s0+$0xFFFFFFE0];
	_ =	sdelay $0x4  }
0x54: {  	vm0 =	vge.s32 v39, v0;
	vm1 =	vlt.s32 v39, v1  }
0x55: {  	v52 =	vor.u32 s5, v38;
	vm0 =	vmand vm0, vm1  }
0x56: {  	[tilespmem:s5+$0xC000] =	vst.msk vm0, v52;
	v53 =	vmpcnt.ones.xlane vm0  }
0x57: {  	v40 =	vld [tilespmem:s0+$0xFFFFFFF0]  }
0x58: {  	v39 =	vxor.u32 $0x80000000, v53  }
0x59: {  	(xrf0) =	vmax.scan.msk.u32 $0xffff, v39;
	_ =	sdelay $0x2  }
0x5a: {  	vm0 =	vge.s32 v40, v0;
	vm1 =	vlt.s32 v40, v1  }
0x5b: {  	vm0 =	vmand vm0, vm1  }
0x5c: {  	v54 =	vmpcnt.ones.xlane vm0  }
0x5d: {  	v55, _, _ =	vpop (xrf0)  }
0x5e: {  	v39 =	vxor.u32 $0x80000000, v54;
	(v2sf) =	vpush v55, $0xF  }
0x5f: {  	(xrf0) =	vmax.scan.msk.u32 $0xffff, v39;
	_ =	sdelay $0x5  }
0x60: {  	v39, _, _ =	vpop (xrf0)  }
0x61: {  	(v2sf) =	vpush v39, $0xF;
	_ =	sdelay $0x6  }
0x62: {  	s2 =	spop (v2sf)  }
0x63: {  	s1 =	sadd.s32 $0x0, s2;
	s2 =	simm.s32 $0x10  }
0x64: {  	s1 =	sadd.s32 $0x80000000, s1;
	v56 =	vor.u32 s2, v38  }
0x65: {  	[tilespmem:s1+$0xC000] =	vst.msk vm0, v56  }
0x66: {  	v39 =	vld [tilespmem:s0+$0x0];
	_ =	sdelay $0x3  }
0x67: {  	s3 =	spop (v2sf)  }
0x68: {  	s4 =	simm.s32 $0x20;
	s1 =	sadd.s32 s3, s1;
	vm0 =	vge.s32 v39, v0;
	vm1 =	vlt.s32 v39, v1  }
0x69: {  	v57 =	vor.u32 s4, v38;
	s1 =	sadd.s32 $0x80000000, s1;
	vm0 =	vmand vm0, vm1  }
0x6a: {  	[tilespmem:s1+$0xC000] =	vst.msk vm0, v57;
	v58 =	vmpcnt.ones.xlane vm0  }
0x6b: {  	v59 =	vld [tilespmem:s0+$0x10]  }
0x6c: {  	v39 =	vxor.u32 $0x80000000, v58  }
0x6d: {  	(xrf0) =	vmax.scan.msk.u32 $0xffff, v39;
	_ =	sdelay $0x2  }
0x6e: {  	vm0 =	vge.s32 v59, v0;
	vm1 =	vlt.s32 v59, v1  }
0x6f: {  	vm0 =	vmand vm0, vm1  }
0x70: {  	v60 =	vmpcnt.ones.xlane vm0  }
0x71: {  	v61, _, _ =	vpop (xrf0)  }
0x72: {  	v39 =	vxor.u32 $0x80000000, v60;
	(v2sf) =	vpush v61, $0xF  }
0x73: {  	(xrf0) =	vmax.scan.msk.u32 $0xffff, v39;
	_ =	sdelay $0x5  }
0x74: {  	v39, _, _ =	vpop (xrf0)  }
0x75: {  	(v2sf) =	vpush v39, $0xF;
	_ =	sdelay $0x6  }
0x76: {  	s3 =	spop (v2sf)  }
0x77: {  	s4 =	simm.s32 $0x30;
	s0 =	sadd.s32 s3, s1  }
0x78: {  	v62 =	vor.u32 s4, v38;
	s2 =	sadd.s32 $0x80000000, s0  }
0x79: {  	s31 =	simm.s32 $0x60;
	[tilespmem:s2+$0xC000] =	vst.msk vm0, v62  }
0x7a: {  	v63 =	vld [tilespmem:s31+$0xFFFFFFE0];
	_ =	sdelay $0x3  }
0x7b: {  	s3 =	simm.s32 $0x40;
	s4 =	spop (v2sf)  }
0x7c: {  	s1 =	simm.s32 $0x80;
	v39 =	vor.u32 s3, v38;
	s0 =	simm.s32 $0x4;
	vm0 =	vge.s32 v63, v0;
	vm1 =	vlt.s32 v63, v1;
	s2 =	sadd.s32 s4, s2  }
.LBB2_2:
0x7d: {  	v40 =	vor.u32 s1, v38;
	s0 =	sadd.s32 $0x4, s0;
	vm0 =	vmand vm0, vm1;
	s2 =	sadd.s32 $0x80000000, s2  }
0x7e: {  	p1 =	slt.u32 s0, $0x3FC;
	[tilespmem:s2+$0xC000] =	vst.msk vm0, v39;
	v41 =	vmpcnt.ones.xlane vm0;
	v39 =	vmov v40  }
0x7f: {  	v40 =	vld [tilespmem:s31+$0xFFFFFFF0]  }
0x80: {  	v41 =	vxor.u32 $0x80000000, v41  }
0x81: {  	(xrf0) =	vmax.scan.msk.u32 $0xffff, v41;
	_ =	sdelay $0x2  }
0x82: {  	vm0 =	vge.s32 v40, v0;
	vm1 =	vlt.s32 v40, v1  }
0x83: {  	vm0 =	vmand vm0, vm1  }
0x84: {  	v40 =	vmpcnt.ones.xlane vm0  }
0x85: {  	v41, _, _ =	vpop (xrf0)  }
0x86: {  	v40 =	vxor.u32 $0x80000000, v40;
	(v2sf) =	vpush v41, $0xF  }
0x87: {  	(xrf0) =	vmax.scan.msk.u32 $0xffff, v40;
	_ =	sdelay $0x5  }
0x88: {  	v40, _, _ =	vpop (xrf0)  }
0x89: {  	(v2sf) =	vpush v40, $0xF;
	_ =	sdelay $0x6  }
0x8a: {  	s4 =	spop (v2sf)  }
0x8b: {  	s2 =	sadd.s32 s4, s2;
	s4 =	sadd.s32 $0x10, s3  }
0x8c: {  	s2 =	sadd.s32 $0x80000000, s2;
	v40 =	vor.u32 s4, v38  }
0x8d: {  	[tilespmem:s2+$0xC000] =	vst.msk vm0, v40  }
0x8e: {  	v40 =	vld [tilespmem:s31+$0x0];
	_ =	sdelay $0x3  }
0x8f: {  	s4 =	spop (v2sf)  }
0x90: {  	s2 =	sadd.s32 s4, s2;
	s4 =	sadd.s32 $0x20, s3;
	vm0 =	vge.s32 v40, v0;
	vm1 =	vlt.s32 v40, v1  }
0x91: {  	s2 =	sadd.s32 $0x80000000, s2;
	vm0 =	vmand vm0, vm1;
	v40 =	vor.u32 s4, v38  }
0x92: {  	[tilespmem:s2+$0xC000] =	vst.msk vm0, v40;
	v40 =	vmpcnt.ones.xlane vm0  }
0x93: {  	v41 =	vld [tilespmem:s31+$0x10]  }
0x94: {  	v40 =	vxor.u32 $0x80000000, v40  }
0x95: {  	(xrf0) =	vmax.scan.msk.u32 $0xffff, v40;
	_ =	sdelay $0x2  }
0x96: {  	vm0 =	vge.s32 v41, v0;
	vm1 =	vlt.s32 v41, v1  }
0x97: {  	vm0 =	vmand vm0, vm1  }
0x98: {  	v40 =	vmpcnt.ones.xlane vm0  }
0x99: {  	v41, _, _ =	vpop (xrf0)  }
0x9a: {  	v40 =	vxor.u32 $0x80000000, v40;
	(v2sf) =	vpush v41, $0xF  }
0x9b: {  	(xrf0) =	vmax.scan.msk.u32 $0xffff, v40;
	_ =	sdelay $0x5  }
0x9c: {  	v40, _, _ =	vpop (xrf0)  }
0x9d: {  	(v2sf) =	vpush v40, $0xF;
	_ =	sdelay $0x6  }
0x9e: {  	s4 =	spop (v2sf)  }
0x9f: {  	s2 =	sadd.s32 s4, s2;
	s4 =	sadd.s32 $0x30, s3;
	s3 =	smov.u32 s1  }
0xa0: {  	s2 =	sadd.s32 $0x80000000, s2;
	v40 =	vor.u32 s4, v38  }
0xa1: {  	s31 =	sadd.s32 $0x40, s31;
	[tilespmem:s2+$0xC000] =	vst.msk vm0, v40  }
0xa2: {  	v40 =	vld [tilespmem:s31+$0xFFFFFFE0]  }
.Ltmp2:
0xa3: {  	(pc) =	sbr.rel @p1 .LBB2_2-.Ltmp2, $3  }
0xa4: {  	_ =	sdelay $0x1  }
0xa5: {  	s4 =	spop (v2sf)  }
0xa6: {  	s1 =	sadd.s32 $0x40, s1;
	vm0 =	vge.s32 v40, v0;
	vm1 =	vlt.s32 v40, v1;
	s2 =	sadd.s32 s4, s2  }
0xa7: {  	vm0 =	vmand vm0, vm1;
	s0 =	sadd.s32 $0x80000000, s2  }
0xa8: {  	[tilespmem:s0+$0xC000] =	vst.msk vm0, v39;
	v53 =	vmpcnt.ones.xlane vm0  }
0xa9: {  	v40 =	vld [tilespmem:s31+$0xFFFFFFF0]  }
0xaa: {  	v39 =	vxor.u32 $0x80000000, v53  }
0xab: {  	(xrf0) =	vmax.scan.msk.u32 $0xffff, v39;
	_ =	sdelay $0x2  }
0xac: {  	vm10 =	vge.s32 v40, v0;
	vm11 =	vlt.s32 v40, v1  }
0xad: {  	vm0 =	vmand vm10, vm11  }
0xae: {  	v54 =	vmpcnt.ones.xlane vm0  }
0xaf: {  	v55, _, _ =	vpop (xrf0)  }
0xb0: {  	v39 =	vxor.u32 $0x80000000, v54;
	(v2sf) =	vpush v55, $0xF  }
0xb1: {  	(xrf0) =	vmax.scan.msk.u32 $0xffff, v39;
	_ =	sdelay $0x5  }
0xb2: {  	v39, _, _ =	vpop (xrf0)  }
0xb3: {  	(v2sf) =	vpush v39, $0xF;
	_ =	sdelay $0x6  }
0xb4: {  	s1 =	spop (v2sf)  }
0xb5: {  	s4 =	sadd.s32 $0x10, s3;
	s0 =	sadd.s32 s1, s0  }
0xb6: {  	v56 =	vor.u32 s4, v38;
	s0 =	sadd.s32 $0x80000000, s0  }
0xb7: {  	[tilespmem:s0+$0xC000] =	vst.msk vm0, v56  }
0xb8: {  	v39 =	vld [tilespmem:s31+$0x0];
	_ =	sdelay $0x3  }
0xb9: {  	s2 =	spop (v2sf)  }
0xba: {  	s4 =	sadd.s32 $0x20, s3;
	s0 =	sadd.s32 s2, s0;
	vm12 =	vge.s32 v39, v0;
	vm13 =	vlt.s32 v39, v1  }
0xbb: {  	v57 =	vor.u32 s4, v38;
	s0 =	sadd.s32 $0x80000000, s0;
	vm0 =	vmand vm12, vm13  }
0xbc: {  	[tilespmem:s0+$0xC000] =	vst.msk vm0, v57  }
0xbd: {  	v39 =	vld [tilespmem:s31+$0x10];
	_ =	sdelay $0x4  }
0xbe: {  	v58 =	vmpcnt.ones.xlane vm0;
	vm14 =	vge.s32 v39, v0;
	vm15 =	vlt.s32 v39, v1  }
0xbf: {  	vm0 =	vmand vm14, vm15  }
0xc0: {  	v59 =	vxor.u32 $0x80000000, v58;
	v60 =	vmpcnt.ones.xlane vm0  }
0xc1: {  	(xrf0) =	vmax.scan.msk.u32 $0xffff, v59  }
0xc2: {  	v39 =	vxor.u32 $0x80000000, v60  }
0xc3: {  	(xrf0) =	vmax.scan.msk.u32 $0xffff, v39;
	_ =	sdelay $0x3  }
0xc4: {  	v61, _, _ =	vpop (xrf0)  }
0xc5: {  	(v2sf) =	vpush v61, $0xF  }
0xc6: {  	v62, _, _ =	vpop (xrf0)  }
0xc7: {  	(v2sf) =	vpush v62, $0xF;
	_ =	sdelay $0xc  }
0xc8: {  	s2 =	spop (v2sf)  }
0xc9: {  	s4 =	sadd.s32 $0x30, s3;
	s0 =	sadd.s32 s2, s0  }
0xca: {  	v63 =	vor.u32 s4, v38;
	s0 =	sadd.s32 $0x80000000, s0;
	s31 =	spop (v2sf)  }
0xcb: {  	[tilespmem:s0+$0xC000] =	vst.msk vm0, v63;
	s0 =	sadd.s32 s31, s0  }
0xcc: {  	s3 =	sadd.s32 $0x80000000, s0  }
0xcd: {  	_ =	swait.ge [sflag:s23], $0x4000;
	s0 =	sadd.s32 $0xF, s3  }
0xce: {  	s1 =	simm.s32 $0x1;
	[sflag:s23] =	ssyncset.done $0x0;
	s2 =	sand.u32 $0xF, s0  }
0xcf: {  	s4 =	sshra.s32 s0, $0x1F;
	p1 =	slt.s32 s0, $0x1;
	p2 =	sne.s32 s2, $0x0  }
0xd0: {  	[sflag:s23] =	ssyncadd.s32 $0xFFFFC000;
	s31 =	sshrl.u32 s4, $0x1C;
	p1 =	por !p1, !p2  }
0xd1: {  	_ =	swait.ge [sflag:s23], $0x4000;
	s0 =	sadd.s32 s31, s0;
	p1 =	por !p1, !p1  }
0xd2: {  	[sflag:s23] =	ssyncset.done $0x0;
	s0 =	sshra.s32 s0, $0x4;
	s1 =	simm.s32 @!p1 $0x0  }
0xd3: {  	[sflag:s23] =	ssyncadd.s32 $0xFFFFC000;
	s2 =	ssub.s32 s0, s1  }
0xd4: {  	_ =	swait.ge [sflag:s23], $0x80;
	p1 =	slt.s32 s2, $0x1  }
.Ltmp3:
0xd5: {  	[sflag:s23] =	ssyncset.done $0x0;
	(pc) =	sbr.rel @p1 .LBB2_6-.Ltmp3, $4  }
0xd6: {  	[sflag:s23] =	ssyncadd.s32 $0xFFFFFF80  }
0xd7: {  	v39 =	vld [tilespmem:$0x1F080];
	_ =	swait.ge [sflag:s24], $0x7000  }
0xd8: {  	[sflag:s24] =	ssyncset.done $0x0  }
0xd9: {  	[sflag:s24] =	ssyncadd.s32 $0xFFFF9000  }
0xda: {  	v40 =	vmov s3;
	s0 =	simm.s32 $0xC000;
	s1 =	simm.s32 $0x0;
	s31 =	smov.u32 s2  }
.LBB2_5:
0xdb: {  	v41 =	vld [tilespmem:s0+$0x0];
	_ =	sdelay $0x2  }
0xdc: {  	v42 =	vor.u32 s1, v38  }
0xdd: {  	vm0 =	vlt.s32 v42, v40  }
0xde: {  	v41 =	vnsel vm0, $0x0, v41;
	_ =	sdelay $0x4  }
0xdf: {  	v63 =	vld.idx.msk [tilespmem:v41+s5+$0x0], $0xffff;
	_ =	sdelay $0x2  }
0xe0: {  	v43 =	vld.idx.msk [tilespmem:v41+s21+$0x0], $0xffff;
	_ =	sdelay $0x1  }
0xe1: {  	vm1 =	vlt.s32 v63, v3  }
0xe2: {  	vm2 =	vge.s32 v63, v2;
	vm0 =	vmand vm1, vm0  }
0xe3: {  	vm0 =	vmand vm0, vm2  }
0xe4: {  	v42 =	vsub.s32 v63, v2;
	v43 =	vnsel vm0, $0x0, v43  }
0xe5: {  	v42 =	vnsel vm0, $0x0, v42;
	v44 =	vshrl.u32 v43, $0x3  }
0xe6: {  	v45 =	vshll.u32 v42, $0x3;
	v44 =	vmul.u32 $0x3800, v44  }
0xe7: {  	v43 =	vshll.u32 v43, $0x7;
	v45 =	vand.u32 $0xFFFFFC00, v45  }
0xe8: {  	v43 =	vand.u32 $0x380, v43;
	v44 =	vadd.s32 v45, v44  }
0xe9: {  	v42 =	vand.u32 $0x7F, v42;
	v43 =	vor.u32 v43, v44  }
0xea: {  	v42 =	vor.u32 v42, v43;
	_ =	sdelay $0x3  }
0xeb: {  	v41 =	vld.idx.msk [tilespmem:v41+s22+$0x0], $0xffff  }
0xec: {  	v43 =	vld.idx.msk [tilespmem:v42+s19+$0x0], vm0;
	_ =	sdelay $0x4  }
0xed: {  	v41 =	vsub.f32 v41, v43  }
0xee: {  	p2 =	sne.s32 s31, $0x1  }
.Ltmp4:
0xef: {  	v41 =	vmul.f32 v41, v39;
	(pc) =	sbr.rel @p2 .LBB2_5-.Ltmp4, $3  }
0xf0: {  	_ = 	snop  }
0xf1: {  	v41 =	vadd.f32 v41, v43;
	_ =	sdelay $0x1  }
0xf2: {  	s0 =	sadd.s32 $0x10, s0;
	s1 =	sadd.s32 $0x10, s1;
	s31 =	sadd.s32 $0xFFFFFFFF, s31;
	[tilespmem:v42+s19+$0x0] =	vst.idx.msk vm0, v41  }
.LBB2_6:
0xf3: {  	s0 =	rddreg [dreg:$0x1c]  }
0xf4: {  	[hbm4b:s0+s17] =	stream.strided.scatter [tilespmem:s19], [sflag:$0x3], $0x7000, s18, s17, $0x38;
	[tilespmem:$0x1F100] =	vst v63  }
0xf5: {  	_ =	swait.ge [sflag:s25], $0x7000  }
0xf6: {  	[sflag:s25] =	ssyncset.done $0x0  }
.Ltmp5:
0xf7: {  	s31 =	rddreg [dreg:$0xc];
	[sflag:s25] =	ssyncadd.s32 $0xFFFF9000;
	(pc) =	sbr.rel @p1 .LBB2_9-.Ltmp5, $4  }
0xf8: {  	[tilespmem:s19], [sflag:$0x1] =	stream.strided.gather [hbm4b:s31+s17], $0x7000, s18, s17, $0x38;
	[tilespmem:$0x1F100] =	vst v63  }
0xf9: {  	_ =	swait.ge [sflag:s26], $0x7000  }
0xfa: {  	[sflag:s26] =	ssyncset.done $0x0  }
0xfb: {  	[sflag:s26] =	ssyncadd.s32 $0xFFFF9000  }
0xfc: {  	v40 =	vmov s3;
	s0 =	simm.s32 $0xC000;
	s1 =	simm.s32 $0x0;
	s31 =	smov.u32 s2  }
.LBB2_8:
0xfd: {  	v41 =	vld [tilespmem:s0+$0x0];
	_ =	sdelay $0x2  }
0xfe: {  	v42 =	vor.u32 s1, v38  }
0xff: {  	vm0 =	vlt.s32 v42, v40  }
0x100: {  	v41 =	vnsel vm0, $0x0, v41;
	_ =	sdelay $0x4  }
0x101: {  	v63 =	vld.idx.msk [tilespmem:v41+s5+$0x0], $0xffff;
	_ =	sdelay $0x2  }
0x102: {  	v43 =	vld.idx.msk [tilespmem:v41+s21+$0x0], $0xffff;
	_ =	sdelay $0x1  }
0x103: {  	vm1 =	vlt.s32 v63, v5  }
0x104: {  	vm2 =	vge.s32 v63, v4;
	vm0 =	vmand vm1, vm0  }
0x105: {  	vm0 =	vmand vm0, vm2  }
0x106: {  	v42 =	vsub.s32 v63, v4;
	v43 =	vnsel vm0, $0x0, v43  }
0x107: {  	v42 =	vnsel vm0, $0x0, v42;
	v44 =	vshrl.u32 v43, $0x3  }
0x108: {  	v45 =	vshll.u32 v42, $0x3;
	v44 =	vmul.u32 $0x3800, v44  }
0x109: {  	v43 =	vshll.u32 v43, $0x7;
	v45 =	vand.u32 $0xFFFFFC00, v45  }
0x10a: {  	v43 =	vand.u32 $0x380, v43;
	v44 =	vadd.s32 v45, v44  }
0x10b: {  	v42 =	vand.u32 $0x7F, v42;
	v43 =	vor.u32 v43, v44  }
0x10c: {  	v42 =	vor.u32 v42, v43;
	_ =	sdelay $0x3  }
0x10d: {  	v41 =	vld.idx.msk [tilespmem:v41+s22+$0x0], $0xffff  }
0x10e: {  	v43 =	vld.idx.msk [tilespmem:v42+s20+$0x0], vm0;
	_ =	sdelay $0x4  }
0x10f: {  	v41 =	vsub.f32 v41, v43  }
0x110: {  	p2 =	sne.s32 s31, $0x1  }
.Ltmp6:
0x111: {  	v41 =	vmul.f32 v41, v39;
	(pc) =	sbr.rel @p2 .LBB2_8-.Ltmp6, $3  }
0x112: {  	_ = 	snop  }
0x113: {  	v41 =	vadd.f32 v41, v43;
	_ =	sdelay $0x1  }
0x114: {  	s0 =	sadd.s32 $0x10, s0;
	s1 =	sadd.s32 $0x10, s1;
	s31 =	sadd.s32 $0xFFFFFFFF, s31;
	[tilespmem:v42+s20+$0x0] =	vst.idx.msk vm0, v41  }
.LBB2_9:
0x115: {  	s0 =	rddreg [dreg:$0x1d]  }
0x116: {  	[hbm4b:s0+s17] =	stream.strided.scatter [tilespmem:s20], [sflag:$0x4], $0x7000, s18, s17, $0x38;
	[tilespmem:$0x1F100] =	vst v63  }
0x117: {  	_ =	swait.ge [sflag:s28], $0x7000  }
0x118: {  	[sflag:s28] =	ssyncset.done $0x0  }
.Ltmp7:
0x119: {  	s31 =	rddreg [dreg:$0xd];
	[sflag:s28] =	ssyncadd.s32 $0xFFFF9000;
	(pc) =	sbr.rel @p1 .LBB2_12-.Ltmp7, $4  }
0x11a: {  	[tilespmem:s20], [sflag:$0x2] =	stream.strided.gather [hbm4b:s31+s17], $0x7000, s18, s17, $0x38;
	[tilespmem:$0x1F100] =	vst v63  }
0x11b: {  	_ =	swait.ge [sflag:s24], $0x7000  }
0x11c: {  	[sflag:s24] =	ssyncset.done $0x0  }
0x11d: {  	[sflag:s24] =	ssyncadd.s32 $0xFFFF9000  }
0x11e: {  	v40 =	vmov s3;
	s0 =	simm.s32 $0xC000;
	s1 =	simm.s32 $0x0;
	s31 =	smov.u32 s2  }
.LBB2_11:
0x11f: {  	v41 =	vld [tilespmem:s0+$0x0];
	_ =	sdelay $0x2  }
0x120: {  	v42 =	vor.u32 s1, v38  }
0x121: {  	vm0 =	vlt.s32 v42, v40  }
0x122: {  	v41 =	vnsel vm0, $0x0, v41;
	_ =	sdelay $0x4  }
0x123: {  	v63 =	vld.idx.msk [tilespmem:v41+s5+$0x0], $0xffff;
	_ =	sdelay $0x2  }
0x124: {  	v43 =	vld.idx.msk [tilespmem:v41+s21+$0x0], $0xffff;
	_ =	sdelay $0x1  }
0x125: {  	vm1 =	vlt.s32 v63, v7  }
0x126: {  	vm2 =	vge.s32 v63, v6;
	vm0 =	vmand vm1, vm0  }
0x127: {  	vm0 =	vmand vm0, vm2  }
0x128: {  	v42 =	vsub.s32 v63, v6;
	v43 =	vnsel vm0, $0x0, v43  }
0x129: {  	v42 =	vnsel vm0, $0x0, v42;
	v44 =	vshrl.u32 v43, $0x3  }
0x12a: {  	v45 =	vshll.u32 v42, $0x3;
	v44 =	vmul.u32 $0x3800, v44  }
0x12b: {  	v43 =	vshll.u32 v43, $0x7;
	v45 =	vand.u32 $0xFFFFFC00, v45  }
0x12c: {  	v43 =	vand.u32 $0x380, v43;
	v44 =	vadd.s32 v45, v44  }
0x12d: {  	v42 =	vand.u32 $0x7F, v42;
	v43 =	vor.u32 v43, v44  }
0x12e: {  	v42 =	vor.u32 v42, v43;
	_ =	sdelay $0x3  }
0x12f: {  	v41 =	vld.idx.msk [tilespmem:v41+s22+$0x0], $0xffff  }
0x130: {  	v43 =	vld.idx.msk [tilespmem:v42+s19+$0x0], vm0;
	_ =	sdelay $0x4  }
0x131: {  	v41 =	vsub.f32 v41, v43  }
0x132: {  	p2 =	sne.s32 s31, $0x1  }
.Ltmp8:
0x133: {  	v41 =	vmul.f32 v41, v39;
	(pc) =	sbr.rel @p2 .LBB2_11-.Ltmp8, $3  }
0x134: {  	_ = 	snop  }
0x135: {  	v41 =	vadd.f32 v41, v43;
	_ =	sdelay $0x1  }
0x136: {  	s0 =	sadd.s32 $0x10, s0;
	s1 =	sadd.s32 $0x10, s1;
	s31 =	sadd.s32 $0xFFFFFFFF, s31;
	[tilespmem:v42+s19+$0x0] =	vst.idx.msk vm0, v41  }
.LBB2_12:
0x137: {  	s0 =	rddreg [dreg:$0x1e]  }
0x138: {  	[hbm4b:s0+s17] =	stream.strided.scatter [tilespmem:s19], [sflag:$0x3], $0x7000, s18, s17, $0x38;
	[tilespmem:$0x1F100] =	vst v63  }
0x139: {  	_ =	swait.ge [sflag:s25], $0x7000  }
0x13a: {  	[sflag:s25] =	ssyncset.done $0x0  }
.Ltmp9:
0x13b: {  	s31 =	rddreg [dreg:$0xe];
	[sflag:s25] =	ssyncadd.s32 $0xFFFF9000;
	(pc) =	sbr.rel @p1 .LBB2_15-.Ltmp9, $4  }
0x13c: {  	[tilespmem:s19], [sflag:$0x1] =	stream.strided.gather [hbm4b:s31+s17], $0x7000, s18, s17, $0x38;
	[tilespmem:$0x1F100] =	vst v63  }
0x13d: {  	_ =	swait.ge [sflag:s26], $0x7000  }
0x13e: {  	[sflag:s26] =	ssyncset.done $0x0  }
0x13f: {  	[sflag:s26] =	ssyncadd.s32 $0xFFFF9000  }
0x140: {  	v40 =	vmov s3;
	s0 =	simm.s32 $0xC000;
	s1 =	simm.s32 $0x0;
	s31 =	smov.u32 s2  }
.LBB2_14:
0x141: {  	v41 =	vld [tilespmem:s0+$0x0];
	_ =	sdelay $0x2  }
0x142: {  	v42 =	vor.u32 s1, v38  }
0x143: {  	vm0 =	vlt.s32 v42, v40  }
0x144: {  	v41 =	vnsel vm0, $0x0, v41;
	_ =	sdelay $0x4  }
0x145: {  	v63 =	vld.idx.msk [tilespmem:v41+s5+$0x0], $0xffff;
	_ =	sdelay $0x2  }
0x146: {  	v43 =	vld.idx.msk [tilespmem:v41+s21+$0x0], $0xffff;
	_ =	sdelay $0x1  }
0x147: {  	vm1 =	vlt.s32 v63, v9  }
0x148: {  	vm2 =	vge.s32 v63, v8;
	vm0 =	vmand vm1, vm0  }
0x149: {  	vm0 =	vmand vm0, vm2  }
0x14a: {  	v42 =	vsub.s32 v63, v8;
	v43 =	vnsel vm0, $0x0, v43  }
0x14b: {  	v42 =	vnsel vm0, $0x0, v42;
	v44 =	vshrl.u32 v43, $0x3  }
0x14c: {  	v45 =	vshll.u32 v42, $0x3;
	v44 =	vmul.u32 $0x3800, v44  }
0x14d: {  	v43 =	vshll.u32 v43, $0x7;
	v45 =	vand.u32 $0xFFFFFC00, v45  }
0x14e: {  	v43 =	vand.u32 $0x380, v43;
	v44 =	vadd.s32 v45, v44  }
0x14f: {  	v42 =	vand.u32 $0x7F, v42;
	v43 =	vor.u32 v43, v44  }
0x150: {  	v42 =	vor.u32 v42, v43;
	_ =	sdelay $0x3  }
0x151: {  	v41 =	vld.idx.msk [tilespmem:v41+s22+$0x0], $0xffff  }
0x152: {  	v43 =	vld.idx.msk [tilespmem:v42+s20+$0x0], vm0;
	_ =	sdelay $0x4  }
0x153: {  	v41 =	vsub.f32 v41, v43  }
0x154: {  	p2 =	sne.s32 s31, $0x1  }
.Ltmp10:
0x155: {  	v41 =	vmul.f32 v41, v39;
	(pc) =	sbr.rel @p2 .LBB2_14-.Ltmp10, $3  }
0x156: {  	_ = 	snop  }
0x157: {  	v41 =	vadd.f32 v41, v43;
	_ =	sdelay $0x1  }
0x158: {  	s0 =	sadd.s32 $0x10, s0;
	s1 =	sadd.s32 $0x10, s1;
	s31 =	sadd.s32 $0xFFFFFFFF, s31;
	[tilespmem:v42+s20+$0x0] =	vst.idx.msk vm0, v41  }
.LBB2_15:
0x159: {  	s0 =	rddreg [dreg:$0x1f]  }
0x15a: {  	[hbm4b:s0+s17] =	stream.strided.scatter [tilespmem:s20], [sflag:$0x4], $0x7000, s18, s17, $0x38;
	[tilespmem:$0x1F100] =	vst v63  }
0x15b: {  	_ =	swait.ge [sflag:s28], $0x7000  }
0x15c: {  	[sflag:s28] =	ssyncset.done $0x0  }
.Ltmp11:
0x15d: {  	s31 =	rddreg [dreg:$0xf];
	[sflag:s28] =	ssyncadd.s32 $0xFFFF9000;
	(pc) =	sbr.rel @p1 .LBB2_18-.Ltmp11, $4  }
0x15e: {  	[tilespmem:s20], [sflag:$0x2] =	stream.strided.gather [hbm4b:s31+s17], $0x7000, s18, s17, $0x38;
	[tilespmem:$0x1F100] =	vst v63  }
0x15f: {  	_ =	swait.ge [sflag:s24], $0x7000  }
0x160: {  	[sflag:s24] =	ssyncset.done $0x0  }
0x161: {  	[sflag:s24] =	ssyncadd.s32 $0xFFFF9000  }
0x162: {  	v40 =	vmov s3;
	s0 =	simm.s32 $0xC000;
	s1 =	simm.s32 $0x0;
	s31 =	smov.u32 s2  }
.LBB2_17:
0x163: {  	v41 =	vld [tilespmem:s0+$0x0];
	_ =	sdelay $0x2  }
0x164: {  	v42 =	vor.u32 s1, v38  }
0x165: {  	vm0 =	vlt.s32 v42, v40  }
0x166: {  	v41 =	vnsel vm0, $0x0, v41;
	_ =	sdelay $0x4  }
0x167: {  	v63 =	vld.idx.msk [tilespmem:v41+s5+$0x0], $0xffff;
	_ =	sdelay $0x2  }
0x168: {  	v43 =	vld.idx.msk [tilespmem:v41+s21+$0x0], $0xffff;
	_ =	sdelay $0x1  }
0x169: {  	vm1 =	vlt.s32 v63, v11  }
0x16a: {  	vm2 =	vge.s32 v63, v10;
	vm0 =	vmand vm1, vm0  }
0x16b: {  	vm0 =	vmand vm0, vm2  }
0x16c: {  	v42 =	vsub.s32 v63, v10;
	v43 =	vnsel vm0, $0x0, v43  }
0x16d: {  	v42 =	vnsel vm0, $0x0, v42;
	v44 =	vshrl.u32 v43, $0x3  }
0x16e: {  	v45 =	vshll.u32 v42, $0x3;
	v44 =	vmul.u32 $0x3800, v44  }
0x16f: {  	v43 =	vshll.u32 v43, $0x7;
	v45 =	vand.u32 $0xFFFFFC00, v45  }
0x170: {  	v43 =	vand.u32 $0x380, v43;
	v44 =	vadd.s32 v45, v44  }
0x171: {  	v42 =	vand.u32 $0x7F, v42;
	v43 =	vor.u32 v43, v44  }
0x172: {  	v42 =	vor.u32 v42, v43;
	_ =	sdelay $0x3  }
0x173: {  	v41 =	vld.idx.msk [tilespmem:v41+s22+$0x0], $0xffff  }
0x174: {  	v43 =	vld.idx.msk [tilespmem:v42+s19+$0x0], vm0;
	_ =	sdelay $0x4  }
0x175: {  	v41 =	vsub.f32 v41, v43  }
0x176: {  	p2 =	sne.s32 s31, $0x1  }
.Ltmp12:
0x177: {  	v41 =	vmul.f32 v41, v39;
	(pc) =	sbr.rel @p2 .LBB2_17-.Ltmp12, $3  }
0x178: {  	_ = 	snop  }
0x179: {  	v41 =	vadd.f32 v41, v43;
	_ =	sdelay $0x1  }
0x17a: {  	s0 =	sadd.s32 $0x10, s0;
	s1 =	sadd.s32 $0x10, s1;
	s31 =	sadd.s32 $0xFFFFFFFF, s31;
	[tilespmem:v42+s19+$0x0] =	vst.idx.msk vm0, v41  }
.LBB2_18:
0x17b: {  	s0 =	sld [smem:$0x7F9];
	_ =	sdelay $0x2  }
0x17c: {  	[hbm4b:s0+s17] =	stream.strided.scatter [tilespmem:s19], [sflag:$0x3], $0x7000, s18, s17, $0x38;
	[tilespmem:$0x1F100] =	vst v63  }
0x17d: {  	_ =	swait.ge [sflag:s25], $0x7000  }
0x17e: {  	[sflag:s25] =	ssyncset.done $0x0  }
.Ltmp13:
0x17f: {  	s31 =	rddreg [dreg:$0x10];
	[sflag:s25] =	ssyncadd.s32 $0xFFFF9000;
	(pc) =	sbr.rel @p1 .LBB2_21-.Ltmp13, $4  }
0x180: {  	[tilespmem:s19], [sflag:$0x1] =	stream.strided.gather [hbm4b:s31+s17], $0x7000, s18, s17, $0x38;
	[tilespmem:$0x1F100] =	vst v63  }
0x181: {  	_ =	swait.ge [sflag:s26], $0x7000  }
0x182: {  	[sflag:s26] =	ssyncset.done $0x0  }
0x183: {  	[sflag:s26] =	ssyncadd.s32 $0xFFFF9000  }
0x184: {  	v40 =	vmov s3;
	s0 =	simm.s32 $0xC000;
	s1 =	simm.s32 $0x0;
	s31 =	smov.u32 s2  }
.LBB2_20:
0x185: {  	v41 =	vld [tilespmem:s0+$0x0];
	_ =	sdelay $0x2  }
0x186: {  	v42 =	vor.u32 s1, v38  }
0x187: {  	vm0 =	vlt.s32 v42, v40  }
0x188: {  	v41 =	vnsel vm0, $0x0, v41;
	_ =	sdelay $0x4  }
0x189: {  	v63 =	vld.idx.msk [tilespmem:v41+s5+$0x0], $0xffff;
	_ =	sdelay $0x2  }
0x18a: {  	v43 =	vld.idx.msk [tilespmem:v41+s21+$0x0], $0xffff;
	_ =	sdelay $0x1  }
0x18b: {  	vm1 =	vlt.s32 v63, v13  }
0x18c: {  	vm2 =	vge.s32 v63, v12;
	vm0 =	vmand vm1, vm0  }
0x18d: {  	vm0 =	vmand vm0, vm2  }
0x18e: {  	v42 =	vsub.s32 v63, v12;
	v43 =	vnsel vm0, $0x0, v43  }
0x18f: {  	v42 =	vnsel vm0, $0x0, v42;
	v44 =	vshrl.u32 v43, $0x3  }
0x190: {  	v45 =	vshll.u32 v42, $0x3;
	v44 =	vmul.u32 $0x3800, v44  }
0x191: {  	v43 =	vshll.u32 v43, $0x7;
	v45 =	vand.u32 $0xFFFFFC00, v45  }
0x192: {  	v43 =	vand.u32 $0x380, v43;
	v44 =	vadd.s32 v45, v44  }
0x193: {  	v42 =	vand.u32 $0x7F, v42;
	v43 =	vor.u32 v43, v44  }
0x194: {  	v42 =	vor.u32 v42, v43;
	_ =	sdelay $0x3  }
0x195: {  	v41 =	vld.idx.msk [tilespmem:v41+s22+$0x0], $0xffff  }
0x196: {  	v43 =	vld.idx.msk [tilespmem:v42+s20+$0x0], vm0;
	_ =	sdelay $0x4  }
0x197: {  	v41 =	vsub.f32 v41, v43  }
0x198: {  	p2 =	sne.s32 s31, $0x1  }
.Ltmp14:
0x199: {  	v41 =	vmul.f32 v41, v39;
	(pc) =	sbr.rel @p2 .LBB2_20-.Ltmp14, $3  }
0x19a: {  	_ = 	snop  }
0x19b: {  	v41 =	vadd.f32 v41, v43;
	_ =	sdelay $0x1  }
0x19c: {  	s0 =	sadd.s32 $0x10, s0;
	s1 =	sadd.s32 $0x10, s1;
	s31 =	sadd.s32 $0xFFFFFFFF, s31;
	[tilespmem:v42+s20+$0x0] =	vst.idx.msk vm0, v41  }
.LBB2_21:
0x19d: {  	s0 =	sld [smem:$0x7FA];
	_ =	sdelay $0x2  }
0x19e: {  	[hbm4b:s0+s17] =	stream.strided.scatter [tilespmem:s20], [sflag:$0x4], $0x7000, s18, s17, $0x38;
	[tilespmem:$0x1F100] =	vst v63  }
0x19f: {  	_ =	swait.ge [sflag:s28], $0x7000  }
0x1a0: {  	[sflag:s28] =	ssyncset.done $0x0  }
.Ltmp15:
0x1a1: {  	s31 =	rddreg [dreg:$0x11];
	[sflag:s28] =	ssyncadd.s32 $0xFFFF9000;
	(pc) =	sbr.rel @p1 .LBB2_24-.Ltmp15, $4  }
0x1a2: {  	[tilespmem:s20], [sflag:$0x2] =	stream.strided.gather [hbm4b:s31+s17], $0x7000, s18, s17, $0x38;
	[tilespmem:$0x1F100] =	vst v63  }
0x1a3: {  	_ =	swait.ge [sflag:s24], $0x7000  }
0x1a4: {  	[sflag:s24] =	ssyncset.done $0x0  }
0x1a5: {  	[sflag:s24] =	ssyncadd.s32 $0xFFFF9000  }
0x1a6: {  	v40 =	vmov s3;
	s0 =	simm.s32 $0xC000;
	s1 =	simm.s32 $0x0;
	s31 =	smov.u32 s2  }
.LBB2_23:
0x1a7: {  	v41 =	vld [tilespmem:s0+$0x0];
	_ =	sdelay $0x2  }
0x1a8: {  	v42 =	vor.u32 s1, v38  }
0x1a9: {  	vm0 =	vlt.s32 v42, v40  }
0x1aa: {  	v41 =	vnsel vm0, $0x0, v41;
	_ =	sdelay $0x4  }
0x1ab: {  	v63 =	vld.idx.msk [tilespmem:v41+s5+$0x0], $0xffff;
	_ =	sdelay $0x2  }
0x1ac: {  	v43 =	vld.idx.msk [tilespmem:v41+s21+$0x0], $0xffff;
	_ =	sdelay $0x1  }
0x1ad: {  	vm1 =	vlt.s32 v63, v15  }
0x1ae: {  	vm2 =	vge.s32 v63, v14;
	vm0 =	vmand vm1, vm0  }
0x1af: {  	vm0 =	vmand vm0, vm2  }
0x1b0: {  	v42 =	vsub.s32 v63, v14;
	v43 =	vnsel vm0, $0x0, v43  }
0x1b1: {  	v42 =	vnsel vm0, $0x0, v42;
	v44 =	vshrl.u32 v43, $0x3  }
0x1b2: {  	v45 =	vshll.u32 v42, $0x3;
	v44 =	vmul.u32 $0x3800, v44  }
0x1b3: {  	v43 =	vshll.u32 v43, $0x7;
	v45 =	vand.u32 $0xFFFFFC00, v45  }
0x1b4: {  	v43 =	vand.u32 $0x380, v43;
	v44 =	vadd.s32 v45, v44  }
0x1b5: {  	v42 =	vand.u32 $0x7F, v42;
	v43 =	vor.u32 v43, v44  }
0x1b6: {  	v42 =	vor.u32 v42, v43;
	_ =	sdelay $0x3  }
0x1b7: {  	v41 =	vld.idx.msk [tilespmem:v41+s22+$0x0], $0xffff  }
0x1b8: {  	v43 =	vld.idx.msk [tilespmem:v42+s19+$0x0], vm0;
	_ =	sdelay $0x4  }
0x1b9: {  	v41 =	vsub.f32 v41, v43  }
0x1ba: {  	p2 =	sne.s32 s31, $0x1  }
.Ltmp16:
0x1bb: {  	v41 =	vmul.f32 v41, v39;
	(pc) =	sbr.rel @p2 .LBB2_23-.Ltmp16, $3  }
0x1bc: {  	_ = 	snop  }
0x1bd: {  	v41 =	vadd.f32 v41, v43;
	_ =	sdelay $0x1  }
0x1be: {  	s0 =	sadd.s32 $0x10, s0;
	s1 =	sadd.s32 $0x10, s1;
	s31 =	sadd.s32 $0xFFFFFFFF, s31;
	[tilespmem:v42+s19+$0x0] =	vst.idx.msk vm0, v41  }
.LBB2_24:
0x1bf: {  	s0 =	sld [smem:$0x7FB];
	_ =	sdelay $0x2  }
0x1c0: {  	[hbm4b:s0+s17] =	stream.strided.scatter [tilespmem:s19], [sflag:$0x3], $0x7000, s18, s17, $0x38;
	[tilespmem:$0x1F100] =	vst v63  }
0x1c1: {  	_ =	swait.ge [sflag:s25], $0x7000  }
0x1c2: {  	[sflag:s25] =	ssyncset.done $0x0  }
.Ltmp17:
0x1c3: {  	s31 =	rddreg [dreg:$0x12];
	[sflag:s25] =	ssyncadd.s32 $0xFFFF9000;
	(pc) =	sbr.rel @p1 .LBB2_27-.Ltmp17, $4  }
0x1c4: {  	[tilespmem:s19], [sflag:$0x1] =	stream.strided.gather [hbm4b:s31+s17], $0x7000, s18, s17, $0x38;
	[tilespmem:$0x1F100] =	vst v63  }
0x1c5: {  	_ =	swait.ge [sflag:s26], $0x7000  }
0x1c6: {  	[sflag:s26] =	ssyncset.done $0x0  }
0x1c7: {  	[sflag:s26] =	ssyncadd.s32 $0xFFFF9000  }
0x1c8: {  	v40 =	vmov s3;
	s0 =	simm.s32 $0xC000;
	s1 =	simm.s32 $0x0;
	s31 =	smov.u32 s2  }
.LBB2_26:
0x1c9: {  	v41 =	vld [tilespmem:s0+$0x0];
	_ =	sdelay $0x2  }
0x1ca: {  	v42 =	vor.u32 s1, v38  }
0x1cb: {  	vm0 =	vlt.s32 v42, v40  }
0x1cc: {  	v41 =	vnsel vm0, $0x0, v41;
	_ =	sdelay $0x4  }
0x1cd: {  	v63 =	vld.idx.msk [tilespmem:v41+s5+$0x0], $0xffff;
	_ =	sdelay $0x2  }
0x1ce: {  	v43 =	vld.idx.msk [tilespmem:v41+s21+$0x0], $0xffff;
	_ =	sdelay $0x1  }
0x1cf: {  	vm1 =	vlt.s32 v63, v17  }
0x1d0: {  	vm2 =	vge.s32 v63, v16;
	vm0 =	vmand vm1, vm0  }
0x1d1: {  	vm0 =	vmand vm0, vm2  }
0x1d2: {  	v42 =	vsub.s32 v63, v16;
	v43 =	vnsel vm0, $0x0, v43  }
0x1d3: {  	v42 =	vnsel vm0, $0x0, v42;
	v44 =	vshrl.u32 v43, $0x3  }
0x1d4: {  	v45 =	vshll.u32 v42, $0x3;
	v44 =	vmul.u32 $0x3800, v44  }
0x1d5: {  	v43 =	vshll.u32 v43, $0x7;
	v45 =	vand.u32 $0xFFFFFC00, v45  }
0x1d6: {  	v43 =	vand.u32 $0x380, v43;
	v44 =	vadd.s32 v45, v44  }
0x1d7: {  	v42 =	vand.u32 $0x7F, v42;
	v43 =	vor.u32 v43, v44  }
0x1d8: {  	v42 =	vor.u32 v42, v43;
	_ =	sdelay $0x3  }
0x1d9: {  	v41 =	vld.idx.msk [tilespmem:v41+s22+$0x0], $0xffff  }
0x1da: {  	v43 =	vld.idx.msk [tilespmem:v42+s20+$0x0], vm0;
	_ =	sdelay $0x4  }
0x1db: {  	v41 =	vsub.f32 v41, v43  }
0x1dc: {  	p2 =	sne.s32 s31, $0x1  }
.Ltmp18:
0x1dd: {  	v41 =	vmul.f32 v41, v39;
	(pc) =	sbr.rel @p2 .LBB2_26-.Ltmp18, $3  }
0x1de: {  	_ = 	snop  }
0x1df: {  	v41 =	vadd.f32 v41, v43;
	_ =	sdelay $0x1  }
0x1e0: {  	s0 =	sadd.s32 $0x10, s0;
	s1 =	sadd.s32 $0x10, s1;
	s31 =	sadd.s32 $0xFFFFFFFF, s31;
	[tilespmem:v42+s20+$0x0] =	vst.idx.msk vm0, v41  }
.LBB2_27:
0x1e1: {  	s0 =	sld [smem:$0x7FC];
	_ =	sdelay $0x2  }
0x1e2: {  	[hbm4b:s0+s17] =	stream.strided.scatter [tilespmem:s20], [sflag:$0x4], $0x7000, s18, s17, $0x38;
	[tilespmem:$0x1F100] =	vst v63  }
0x1e3: {  	_ =	swait.ge [sflag:s28], $0x7000  }
0x1e4: {  	[sflag:s28] =	ssyncset.done $0x0  }
.Ltmp19:
0x1e5: {  	s31 =	rddreg [dreg:$0x13];
	[sflag:s28] =	ssyncadd.s32 $0xFFFF9000;
	(pc) =	sbr.rel @p1 .LBB2_30-.Ltmp19, $4  }
0x1e6: {  	[tilespmem:s20], [sflag:$0x2] =	stream.strided.gather [hbm4b:s31+s17], $0x7000, s18, s17, $0x38;
	[tilespmem:$0x1F100] =	vst v63  }
0x1e7: {  	_ =	swait.ge [sflag:s24], $0x7000  }
0x1e8: {  	[sflag:s24] =	ssyncset.done $0x0  }
0x1e9: {  	[sflag:s24] =	ssyncadd.s32 $0xFFFF9000  }
0x1ea: {  	v40 =	vmov s3;
	s0 =	simm.s32 $0xC000;
	s1 =	simm.s32 $0x0;
	s31 =	smov.u32 s2  }
.LBB2_29:
0x1eb: {  	v41 =	vld [tilespmem:s0+$0x0];
	_ =	sdelay $0x2  }
0x1ec: {  	v42 =	vor.u32 s1, v38  }
0x1ed: {  	vm0 =	vlt.s32 v42, v40  }
0x1ee: {  	v41 =	vnsel vm0, $0x0, v41;
	_ =	sdelay $0x4  }
0x1ef: {  	v63 =	vld.idx.msk [tilespmem:v41+s5+$0x0], $0xffff;
	_ =	sdelay $0x2  }
0x1f0: {  	v43 =	vld.idx.msk [tilespmem:v41+s21+$0x0], $0xffff;
	_ =	sdelay $0x1  }
0x1f1: {  	vm1 =	vlt.s32 v63, v19  }
0x1f2: {  	vm2 =	vge.s32 v63, v18;
	vm0 =	vmand vm1, vm0  }
0x1f3: {  	vm0 =	vmand vm0, vm2  }
0x1f4: {  	v42 =	vsub.s32 v63, v18;
	v43 =	vnsel vm0, $0x0, v43  }
0x1f5: {  	v42 =	vnsel vm0, $0x0, v42;
	v44 =	vshrl.u32 v43, $0x3  }
0x1f6: {  	v45 =	vshll.u32 v42, $0x3;
	v44 =	vmul.u32 $0x3800, v44  }
0x1f7: {  	v43 =	vshll.u32 v43, $0x7;
	v45 =	vand.u32 $0xFFFFFC00, v45  }
0x1f8: {  	v43 =	vand.u32 $0x380, v43;
	v44 =	vadd.s32 v45, v44  }
0x1f9: {  	v42 =	vand.u32 $0x7F, v42;
	v43 =	vor.u32 v43, v44  }
0x1fa: {  	v42 =	vor.u32 v42, v43;
	_ =	sdelay $0x3  }
0x1fb: {  	v41 =	vld.idx.msk [tilespmem:v41+s22+$0x0], $0xffff  }
0x1fc: {  	v43 =	vld.idx.msk [tilespmem:v42+s19+$0x0], vm0;
	_ =	sdelay $0x4  }
0x1fd: {  	v41 =	vsub.f32 v41, v43  }
0x1fe: {  	p2 =	sne.s32 s31, $0x1  }
.Ltmp20:
0x1ff: {  	v41 =	vmul.f32 v41, v39;
	(pc) =	sbr.rel @p2 .LBB2_29-.Ltmp20, $3  }
0x200: {  	_ = 	snop  }
0x201: {  	v41 =	vadd.f32 v41, v43;
	_ =	sdelay $0x1  }
0x202: {  	s0 =	sadd.s32 $0x10, s0;
	s1 =	sadd.s32 $0x10, s1;
	s31 =	sadd.s32 $0xFFFFFFFF, s31;
	[tilespmem:v42+s19+$0x0] =	vst.idx.msk vm0, v41  }
.LBB2_30:
0x203: {  	s0 =	sld [smem:$0x7FD];
	_ =	sdelay $0x2  }
0x204: {  	[hbm4b:s0+s17] =	stream.strided.scatter [tilespmem:s19], [sflag:$0x3], $0x7000, s18, s17, $0x38;
	[tilespmem:$0x1F100] =	vst v63  }
0x205: {  	_ =	swait.ge [sflag:s25], $0x7000  }
0x206: {  	[sflag:s25] =	ssyncset.done $0x0  }
.Ltmp21:
0x207: {  	s31 =	rddreg [dreg:$0x14];
	[sflag:s25] =	ssyncadd.s32 $0xFFFF9000;
	(pc) =	sbr.rel @p1 .LBB2_33-.Ltmp21, $4  }
0x208: {  	[tilespmem:s19], [sflag:$0x1] =	stream.strided.gather [hbm4b:s31+s17], $0x7000, s18, s17, $0x38;
	[tilespmem:$0x1F100] =	vst v63  }
0x209: {  	_ =	swait.ge [sflag:s26], $0x7000  }
0x20a: {  	[sflag:s26] =	ssyncset.done $0x0  }
0x20b: {  	[sflag:s26] =	ssyncadd.s32 $0xFFFF9000  }
0x20c: {  	v40 =	vmov s3;
	s0 =	simm.s32 $0xC000;
	s1 =	simm.s32 $0x0;
	s31 =	smov.u32 s2  }
.LBB2_32:
0x20d: {  	v41 =	vld [tilespmem:s0+$0x0];
	_ =	sdelay $0x2  }
0x20e: {  	v42 =	vor.u32 s1, v38  }
0x20f: {  	vm0 =	vlt.s32 v42, v40  }
0x210: {  	v41 =	vnsel vm0, $0x0, v41;
	_ =	sdelay $0x4  }
0x211: {  	v63 =	vld.idx.msk [tilespmem:v41+s5+$0x0], $0xffff;
	_ =	sdelay $0x2  }
0x212: {  	v43 =	vld.idx.msk [tilespmem:v41+s21+$0x0], $0xffff;
	_ =	sdelay $0x1  }
0x213: {  	vm1 =	vlt.s32 v63, v21  }
0x214: {  	vm2 =	vge.s32 v63, v20;
	vm0 =	vmand vm1, vm0  }
0x215: {  	vm0 =	vmand vm0, vm2  }
0x216: {  	v42 =	vsub.s32 v63, v20;
	v43 =	vnsel vm0, $0x0, v43  }
0x217: {  	v42 =	vnsel vm0, $0x0, v42;
	v44 =	vshrl.u32 v43, $0x3  }
0x218: {  	v45 =	vshll.u32 v42, $0x3;
	v44 =	vmul.u32 $0x3800, v44  }
0x219: {  	v43 =	vshll.u32 v43, $0x7;
	v45 =	vand.u32 $0xFFFFFC00, v45  }
0x21a: {  	v43 =	vand.u32 $0x380, v43;
	v44 =	vadd.s32 v45, v44  }
0x21b: {  	v42 =	vand.u32 $0x7F, v42;
	v43 =	vor.u32 v43, v44  }
0x21c: {  	v42 =	vor.u32 v42, v43;
	_ =	sdelay $0x3  }
0x21d: {  	v41 =	vld.idx.msk [tilespmem:v41+s22+$0x0], $0xffff  }
0x21e: {  	v43 =	vld.idx.msk [tilespmem:v42+s20+$0x0], vm0;
	_ =	sdelay $0x4  }
0x21f: {  	v41 =	vsub.f32 v41, v43  }
0x220: {  	p2 =	sne.s32 s31, $0x1  }
.Ltmp22:
0x221: {  	v41 =	vmul.f32 v41, v39;
	(pc) =	sbr.rel @p2 .LBB2_32-.Ltmp22, $3  }
0x222: {  	_ = 	snop  }
0x223: {  	v41 =	vadd.f32 v41, v43;
	_ =	sdelay $0x1  }
0x224: {  	s0 =	sadd.s32 $0x10, s0;
	s1 =	sadd.s32 $0x10, s1;
	s31 =	sadd.s32 $0xFFFFFFFF, s31;
	[tilespmem:v42+s20+$0x0] =	vst.idx.msk vm0, v41  }
.LBB2_33:
0x225: {  	[hbm4b:s6+s17] =	stream.strided.scatter [tilespmem:s20], [sflag:$0x4], $0x7000, s18, s17, $0x38;
	[tilespmem:$0x1F100] =	vst v63  }
0x226: {  	_ =	swait.ge [sflag:s28], $0x7000  }
0x227: {  	[sflag:s28] =	ssyncset.done $0x0  }
.Ltmp23:
0x228: {  	s0 =	rddreg [dreg:$0x15];
	[sflag:s28] =	ssyncadd.s32 $0xFFFF9000;
	(pc) =	sbr.rel @p1 .LBB2_36-.Ltmp23, $4  }
0x229: {  	[tilespmem:s20], [sflag:$0x2] =	stream.strided.gather [hbm4b:s0+s17], $0x7000, s18, s17, $0x38;
	[tilespmem:$0x1F100] =	vst v63  }
0x22a: {  	_ =	swait.ge [sflag:s24], $0x7000  }
0x22b: {  	[sflag:s24] =	ssyncset.done $0x0  }
0x22c: {  	[sflag:s24] =	ssyncadd.s32 $0xFFFF9000  }
0x22d: {  	v40 =	vmov s3;
	s0 =	simm.s32 $0xC000;
	s1 =	simm.s32 $0x0;
	s31 =	smov.u32 s2  }
.LBB2_35:
0x22e: {  	v41 =	vld [tilespmem:s0+$0x0];
	_ =	sdelay $0x2  }
0x22f: {  	v42 =	vor.u32 s1, v38  }
0x230: {  	vm0 =	vlt.s32 v42, v40  }
0x231: {  	v41 =	vnsel vm0, $0x0, v41;
	_ =	sdelay $0x4  }
0x232: {  	v63 =	vld.idx.msk [tilespmem:v41+s5+$0x0], $0xffff;
	_ =	sdelay $0x2  }
0x233: {  	v43 =	vld.idx.msk [tilespmem:v41+s21+$0x0], $0xffff;
	_ =	sdelay $0x1  }
0x234: {  	vm1 =	vlt.s32 v63, v23  }
0x235: {  	vm2 =	vge.s32 v63, v22;
	vm0 =	vmand vm1, vm0  }
0x236: {  	vm0 =	vmand vm0, vm2  }
0x237: {  	v42 =	vsub.s32 v63, v22;
	v43 =	vnsel vm0, $0x0, v43  }
0x238: {  	v42 =	vnsel vm0, $0x0, v42;
	v44 =	vshrl.u32 v43, $0x3  }
0x239: {  	v45 =	vshll.u32 v42, $0x3;
	v44 =	vmul.u32 $0x3800, v44  }
0x23a: {  	v43 =	vshll.u32 v43, $0x7;
	v45 =	vand.u32 $0xFFFFFC00, v45  }
0x23b: {  	v43 =	vand.u32 $0x380, v43;
	v44 =	vadd.s32 v45, v44  }
0x23c: {  	v42 =	vand.u32 $0x7F, v42;
	v43 =	vor.u32 v43, v44  }
0x23d: {  	v42 =	vor.u32 v42, v43;
	_ =	sdelay $0x3  }
0x23e: {  	v41 =	vld.idx.msk [tilespmem:v41+s22+$0x0], $0xffff  }
0x23f: {  	v43 =	vld.idx.msk [tilespmem:v42+s19+$0x0], vm0;
	_ =	sdelay $0x4  }
0x240: {  	v41 =	vsub.f32 v41, v43  }
0x241: {  	p2 =	sne.s32 s31, $0x1  }
.Ltmp24:
0x242: {  	v41 =	vmul.f32 v41, v39;
	(pc) =	sbr.rel @p2 .LBB2_35-.Ltmp24, $3  }
0x243: {  	_ = 	snop  }
0x244: {  	v41 =	vadd.f32 v41, v43;
	_ =	sdelay $0x1  }
0x245: {  	s0 =	sadd.s32 $0x10, s0;
	s1 =	sadd.s32 $0x10, s1;
	s31 =	sadd.s32 $0xFFFFFFFF, s31;
	[tilespmem:v42+s19+$0x0] =	vst.idx.msk vm0, v41  }
.LBB2_36:
0x246: {  	[hbm4b:s8+s17] =	stream.strided.scatter [tilespmem:s19], [sflag:$0x3], $0x7000, s18, s17, $0x38;
	[tilespmem:$0x1F100] =	vst v63  }
0x247: {  	_ =	swait.ge [sflag:s25], $0x7000  }
0x248: {  	[sflag:s25] =	ssyncset.done $0x0  }
.Ltmp25:
0x249: {  	s0 =	rddreg [dreg:$0x16];
	[sflag:s25] =	ssyncadd.s32 $0xFFFF9000;
	(pc) =	sbr.rel @p1 .LBB2_39-.Ltmp25, $4  }
0x24a: {  	[tilespmem:s19], [sflag:$0x1] =	stream.strided.gather [hbm4b:s0+s17], $0x7000, s18, s17, $0x38;
	[tilespmem:$0x1F100] =	vst v63  }
0x24b: {  	_ =	swait.ge [sflag:s26], $0x7000  }
0x24c: {  	[sflag:s26] =	ssyncset.done $0x0  }
0x24d: {  	[sflag:s26] =	ssyncadd.s32 $0xFFFF9000  }
0x24e: {  	v40 =	vmov s3;
	s0 =	simm.s32 $0xC000;
	s1 =	simm.s32 $0x0;
	s31 =	smov.u32 s2  }
.LBB2_38:
0x24f: {  	v41 =	vld [tilespmem:s0+$0x0];
	_ =	sdelay $0x2  }
0x250: {  	v42 =	vor.u32 s1, v38  }
0x251: {  	vm0 =	vlt.s32 v42, v40  }
0x252: {  	v41 =	vnsel vm0, $0x0, v41;
	_ =	sdelay $0x4  }
0x253: {  	v63 =	vld.idx.msk [tilespmem:v41+s5+$0x0], $0xffff;
	_ =	sdelay $0x2  }
0x254: {  	v43 =	vld.idx.msk [tilespmem:v41+s21+$0x0], $0xffff;
	_ =	sdelay $0x1  }
0x255: {  	vm1 =	vlt.s32 v63, v25  }
0x256: {  	vm2 =	vge.s32 v63, v24;
	vm0 =	vmand vm1, vm0  }
0x257: {  	vm0 =	vmand vm0, vm2  }
0x258: {  	v42 =	vsub.s32 v63, v24;
	v43 =	vnsel vm0, $0x0, v43  }
0x259: {  	v42 =	vnsel vm0, $0x0, v42;
	v44 =	vshrl.u32 v43, $0x3  }
0x25a: {  	v45 =	vshll.u32 v42, $0x3;
	v44 =	vmul.u32 $0x3800, v44  }
0x25b: {  	v43 =	vshll.u32 v43, $0x7;
	v45 =	vand.u32 $0xFFFFFC00, v45  }
0x25c: {  	v43 =	vand.u32 $0x380, v43;
	v44 =	vadd.s32 v45, v44  }
0x25d: {  	v42 =	vand.u32 $0x7F, v42;
	v43 =	vor.u32 v43, v44  }
0x25e: {  	v42 =	vor.u32 v42, v43;
	_ =	sdelay $0x3  }
0x25f: {  	v41 =	vld.idx.msk [tilespmem:v41+s22+$0x0], $0xffff  }
0x260: {  	v43 =	vld.idx.msk [tilespmem:v42+s20+$0x0], vm0;
	_ =	sdelay $0x4  }
0x261: {  	v41 =	vsub.f32 v41, v43  }
0x262: {  	p2 =	sne.s32 s31, $0x1  }
.Ltmp26:
0x263: {  	v41 =	vmul.f32 v41, v39;
	(pc) =	sbr.rel @p2 .LBB2_38-.Ltmp26, $3  }
0x264: {  	_ = 	snop  }
0x265: {  	v41 =	vadd.f32 v41, v43;
	_ =	sdelay $0x1  }
0x266: {  	s0 =	sadd.s32 $0x10, s0;
	s1 =	sadd.s32 $0x10, s1;
	s31 =	sadd.s32 $0xFFFFFFFF, s31;
	[tilespmem:v42+s20+$0x0] =	vst.idx.msk vm0, v41  }
.LBB2_39:
0x267: {  	[hbm4b:s7+s17] =	stream.strided.scatter [tilespmem:s20], [sflag:$0x4], $0x7000, s18, s17, $0x38;
	[tilespmem:$0x1F100] =	vst v63  }
0x268: {  	_ =	swait.ge [sflag:s28], $0x7000  }
0x269: {  	[sflag:s28] =	ssyncset.done $0x0  }
.Ltmp27:
0x26a: {  	s0 =	rddreg [dreg:$0x17];
	[sflag:s28] =	ssyncadd.s32 $0xFFFF9000;
	(pc) =	sbr.rel @p1 .LBB2_42-.Ltmp27, $4  }
0x26b: {  	[tilespmem:s20], [sflag:$0x2] =	stream.strided.gather [hbm4b:s0+s17], $0x7000, s18, s17, $0x38;
	[tilespmem:$0x1F100] =	vst v63  }
0x26c: {  	_ =	swait.ge [sflag:s24], $0x7000  }
0x26d: {  	[sflag:s24] =	ssyncset.done $0x0  }
0x26e: {  	[sflag:s24] =	ssyncadd.s32 $0xFFFF9000  }
0x26f: {  	v40 =	vmov s3;
	s0 =	simm.s32 $0xC000;
	s1 =	simm.s32 $0x0;
	s31 =	smov.u32 s2  }
.LBB2_41:
0x270: {  	v41 =	vld [tilespmem:s0+$0x0];
	_ =	sdelay $0x2  }
0x271: {  	v42 =	vor.u32 s1, v38  }
0x272: {  	vm0 =	vlt.s32 v42, v40  }
0x273: {  	v41 =	vnsel vm0, $0x0, v41;
	_ =	sdelay $0x4  }
0x274: {  	v63 =	vld.idx.msk [tilespmem:v41+s5+$0x0], $0xffff;
	_ =	sdelay $0x2  }
0x275: {  	v43 =	vld.idx.msk [tilespmem:v41+s21+$0x0], $0xffff;
	_ =	sdelay $0x1  }
0x276: {  	vm1 =	vlt.s32 v63, v27  }
0x277: {  	vm2 =	vge.s32 v63, v26;
	vm0 =	vmand vm1, vm0  }
0x278: {  	vm0 =	vmand vm0, vm2  }
0x279: {  	v42 =	vsub.s32 v63, v26;
	v43 =	vnsel vm0, $0x0, v43  }
0x27a: {  	v42 =	vnsel vm0, $0x0, v42;
	v44 =	vshrl.u32 v43, $0x3  }
0x27b: {  	v45 =	vshll.u32 v42, $0x3;
	v44 =	vmul.u32 $0x3800, v44  }
0x27c: {  	v43 =	vshll.u32 v43, $0x7;
	v45 =	vand.u32 $0xFFFFFC00, v45  }
0x27d: {  	v43 =	vand.u32 $0x380, v43;
	v44 =	vadd.s32 v45, v44  }
0x27e: {  	v42 =	vand.u32 $0x7F, v42;
	v43 =	vor.u32 v43, v44  }
0x27f: {  	v42 =	vor.u32 v42, v43;
	_ =	sdelay $0x3  }
0x280: {  	v41 =	vld.idx.msk [tilespmem:v41+s22+$0x0], $0xffff  }
0x281: {  	v43 =	vld.idx.msk [tilespmem:v42+s19+$0x0], vm0;
	_ =	sdelay $0x4  }
0x282: {  	v41 =	vsub.f32 v41, v43  }
0x283: {  	p2 =	sne.s32 s31, $0x1  }
.Ltmp28:
0x284: {  	v41 =	vmul.f32 v41, v39;
	(pc) =	sbr.rel @p2 .LBB2_41-.Ltmp28, $3  }
0x285: {  	_ = 	snop  }
0x286: {  	v41 =	vadd.f32 v41, v43;
	_ =	sdelay $0x1  }
0x287: {  	s0 =	sadd.s32 $0x10, s0;
	s1 =	sadd.s32 $0x10, s1;
	s31 =	sadd.s32 $0xFFFFFFFF, s31;
	[tilespmem:v42+s19+$0x0] =	vst.idx.msk vm0, v41  }
.LBB2_42:
0x288: {  	[hbm4b:s9+s17] =	stream.strided.scatter [tilespmem:s19], [sflag:$0x3], $0x7000, s18, s17, $0x38;
	[tilespmem:$0x1F100] =	vst v63  }
0x289: {  	_ =	swait.ge [sflag:s25], $0x7000  }
0x28a: {  	[sflag:s25] =	ssyncset.done $0x0  }
.Ltmp29:
0x28b: {  	s0 =	rddreg [dreg:$0x18];
	[sflag:s25] =	ssyncadd.s32 $0xFFFF9000;
	(pc) =	sbr.rel @p1 .LBB2_45-.Ltmp29, $4  }
0x28c: {  	[tilespmem:s19], [sflag:$0x1] =	stream.strided.gather [hbm4b:s0+s17], $0x7000, s18, s17, $0x38;
	[tilespmem:$0x1F100] =	vst v63  }
0x28d: {  	_ =	swait.ge [sflag:s26], $0x7000  }
0x28e: {  	[sflag:s26] =	ssyncset.done $0x0  }
0x28f: {  	[sflag:s26] =	ssyncadd.s32 $0xFFFF9000  }
0x290: {  	v40 =	vmov s3;
	s0 =	simm.s32 $0xC000;
	s1 =	simm.s32 $0x0;
	s31 =	smov.u32 s2  }
.LBB2_44:
0x291: {  	v41 =	vld [tilespmem:s0+$0x0];
	_ =	sdelay $0x2  }
0x292: {  	v42 =	vor.u32 s1, v38  }
0x293: {  	vm0 =	vlt.s32 v42, v40  }
0x294: {  	v41 =	vnsel vm0, $0x0, v41;
	_ =	sdelay $0x4  }
0x295: {  	v63 =	vld.idx.msk [tilespmem:v41+s5+$0x0], $0xffff;
	_ =	sdelay $0x2  }
0x296: {  	v43 =	vld.idx.msk [tilespmem:v41+s21+$0x0], $0xffff;
	_ =	sdelay $0x1  }
0x297: {  	vm1 =	vlt.s32 v63, v29  }
0x298: {  	vm2 =	vge.s32 v63, v28;
	vm0 =	vmand vm1, vm0  }
0x299: {  	vm0 =	vmand vm0, vm2  }
0x29a: {  	v42 =	vsub.s32 v63, v28;
	v43 =	vnsel vm0, $0x0, v43  }
0x29b: {  	v42 =	vnsel vm0, $0x0, v42;
	v44 =	vshrl.u32 v43, $0x3  }
0x29c: {  	v45 =	vshll.u32 v42, $0x3;
	v44 =	vmul.u32 $0x3800, v44  }
0x29d: {  	v43 =	vshll.u32 v43, $0x7;
	v45 =	vand.u32 $0xFFFFFC00, v45  }
0x29e: {  	v43 =	vand.u32 $0x380, v43;
	v44 =	vadd.s32 v45, v44  }
0x29f: {  	v42 =	vand.u32 $0x7F, v42;
	v43 =	vor.u32 v43, v44  }
0x2a0: {  	v42 =	vor.u32 v42, v43;
	_ =	sdelay $0x3  }
0x2a1: {  	v41 =	vld.idx.msk [tilespmem:v41+s22+$0x0], $0xffff  }
0x2a2: {  	v43 =	vld.idx.msk [tilespmem:v42+s20+$0x0], vm0;
	_ =	sdelay $0x4  }
0x2a3: {  	v41 =	vsub.f32 v41, v43  }
0x2a4: {  	p2 =	sne.s32 s31, $0x1  }
.Ltmp30:
0x2a5: {  	v41 =	vmul.f32 v41, v39;
	(pc) =	sbr.rel @p2 .LBB2_44-.Ltmp30, $3  }
0x2a6: {  	_ = 	snop  }
0x2a7: {  	v41 =	vadd.f32 v41, v43;
	_ =	sdelay $0x1  }
0x2a8: {  	s0 =	sadd.s32 $0x10, s0;
	s1 =	sadd.s32 $0x10, s1;
	s31 =	sadd.s32 $0xFFFFFFFF, s31;
	[tilespmem:v42+s20+$0x0] =	vst.idx.msk vm0, v41  }
.LBB2_45:
0x2a9: {  	[hbm4b:s10+s17] =	stream.strided.scatter [tilespmem:s20], [sflag:$0x4], $0x7000, s18, s17, $0x38;
	[tilespmem:$0x1F100] =	vst v63  }
0x2aa: {  	_ =	swait.ge [sflag:s28], $0x7000  }
0x2ab: {  	[sflag:s28] =	ssyncset.done $0x0  }
.Ltmp31:
0x2ac: {  	s0 =	rddreg [dreg:$0x19];
	[sflag:s28] =	ssyncadd.s32 $0xFFFF9000;
	(pc) =	sbr.rel @p1 .LBB2_48-.Ltmp31, $4  }
0x2ad: {  	[tilespmem:s20], [sflag:$0x2] =	stream.strided.gather [hbm4b:s0+s17], $0x7000, s18, s17, $0x38;
	[tilespmem:$0x1F100] =	vst v63  }
0x2ae: {  	_ =	swait.ge [sflag:s24], $0x7000  }
0x2af: {  	[sflag:s24] =	ssyncset.done $0x0  }
0x2b0: {  	[sflag:s24] =	ssyncadd.s32 $0xFFFF9000  }
0x2b1: {  	v40 =	vmov s3;
	s0 =	simm.s32 $0xC000;
	s1 =	simm.s32 $0x0;
	s31 =	smov.u32 s2  }
.LBB2_47:
0x2b2: {  	v41 =	vld [tilespmem:s0+$0x0];
	_ =	sdelay $0x2  }
0x2b3: {  	v42 =	vor.u32 s1, v38  }
0x2b4: {  	vm0 =	vlt.s32 v42, v40  }
0x2b5: {  	v41 =	vnsel vm0, $0x0, v41;
	_ =	sdelay $0x4  }
0x2b6: {  	v63 =	vld.idx.msk [tilespmem:v41+s5+$0x0], $0xffff;
	_ =	sdelay $0x2  }
0x2b7: {  	v43 =	vld.idx.msk [tilespmem:v41+s21+$0x0], $0xffff;
	_ =	sdelay $0x1  }
0x2b8: {  	vm1 =	vlt.s32 v63, v31  }
0x2b9: {  	vm2 =	vge.s32 v63, v30;
	vm0 =	vmand vm1, vm0  }
0x2ba: {  	vm0 =	vmand vm0, vm2  }
0x2bb: {  	v42 =	vsub.s32 v63, v30;
	v43 =	vnsel vm0, $0x0, v43  }
0x2bc: {  	v42 =	vnsel vm0, $0x0, v42;
	v44 =	vshrl.u32 v43, $0x3  }
0x2bd: {  	v45 =	vshll.u32 v42, $0x3;
	v44 =	vmul.u32 $0x3800, v44  }
0x2be: {  	v43 =	vshll.u32 v43, $0x7;
	v45 =	vand.u32 $0xFFFFFC00, v45  }
0x2bf: {  	v43 =	vand.u32 $0x380, v43;
	v44 =	vadd.s32 v45, v44  }
0x2c0: {  	v42 =	vand.u32 $0x7F, v42;
	v43 =	vor.u32 v43, v44  }
0x2c1: {  	v42 =	vor.u32 v42, v43;
	_ =	sdelay $0x3  }
0x2c2: {  	v41 =	vld.idx.msk [tilespmem:v41+s22+$0x0], $0xffff  }
0x2c3: {  	v43 =	vld.idx.msk [tilespmem:v42+s19+$0x0], vm0;
	_ =	sdelay $0x4  }
0x2c4: {  	v41 =	vsub.f32 v41, v43  }
0x2c5: {  	p2 =	sne.s32 s31, $0x1  }
.Ltmp32:
0x2c6: {  	v41 =	vmul.f32 v41, v39;
	(pc) =	sbr.rel @p2 .LBB2_47-.Ltmp32, $3  }
0x2c7: {  	_ = 	snop  }
0x2c8: {  	v41 =	vadd.f32 v41, v43;
	_ =	sdelay $0x1  }
0x2c9: {  	s0 =	sadd.s32 $0x10, s0;
	s1 =	sadd.s32 $0x10, s1;
	s31 =	sadd.s32 $0xFFFFFFFF, s31;
	[tilespmem:v42+s19+$0x0] =	vst.idx.msk vm0, v41  }
.LBB2_48:
0x2ca: {  	[hbm4b:s11+s17] =	stream.strided.scatter [tilespmem:s19], [sflag:$0x3], $0x7000, s18, s17, $0x38;
	[tilespmem:$0x1F100] =	vst v63  }
0x2cb: {  	_ =	swait.ge [sflag:s25], $0x7000  }
0x2cc: {  	[sflag:s25] =	ssyncset.done $0x0  }
.Ltmp33:
0x2cd: {  	s0 =	rddreg [dreg:$0x1a];
	[sflag:s25] =	ssyncadd.s32 $0xFFFF9000;
	(pc) =	sbr.rel @p1 .LBB2_51-.Ltmp33, $4  }
0x2ce: {  	[tilespmem:s19], [sflag:$0x1] =	stream.strided.gather [hbm4b:s0+s17], $0x7000, s18, s17, $0x38;
	[tilespmem:$0x1F100] =	vst v63  }
0x2cf: {  	_ =	swait.ge [sflag:s26], $0x7000  }
0x2d0: {  	[sflag:s26] =	ssyncset.done $0x0  }
0x2d1: {  	[sflag:s26] =	ssyncadd.s32 $0xFFFF9000  }
0x2d2: {  	v40 =	vmov s3;
	s0 =	simm.s32 $0xC000;
	s1 =	simm.s32 $0x0;
	s31 =	smov.u32 s2  }
.LBB2_50:
0x2d3: {  	v41 =	vld [tilespmem:s0+$0x0];
	_ =	sdelay $0x2  }
0x2d4: {  	v42 =	vor.u32 s1, v38  }
0x2d5: {  	vm0 =	vlt.s32 v42, v40  }
0x2d6: {  	v41 =	vnsel vm0, $0x0, v41;
	_ =	sdelay $0x4  }
0x2d7: {  	v63 =	vld.idx.msk [tilespmem:v41+s5+$0x0], $0xffff;
	_ =	sdelay $0x2  }
0x2d8: {  	v43 =	vld.idx.msk [tilespmem:v41+s21+$0x0], $0xffff;
	_ =	sdelay $0x1  }
0x2d9: {  	vm1 =	vlt.s32 v63, v33  }
0x2da: {  	vm2 =	vge.s32 v63, v32;
	vm0 =	vmand vm1, vm0  }
0x2db: {  	vm0 =	vmand vm0, vm2  }
0x2dc: {  	v42 =	vsub.s32 v63, v32;
	v43 =	vnsel vm0, $0x0, v43  }
0x2dd: {  	v42 =	vnsel vm0, $0x0, v42;
	v44 =	vshrl.u32 v43, $0x3  }
0x2de: {  	v45 =	vshll.u32 v42, $0x3;
	v44 =	vmul.u32 $0x3800, v44  }
0x2df: {  	v43 =	vshll.u32 v43, $0x7;
	v45 =	vand.u32 $0xFFFFFC00, v45  }
0x2e0: {  	v43 =	vand.u32 $0x380, v43;
	v44 =	vadd.s32 v45, v44  }
0x2e1: {  	v42 =	vand.u32 $0x7F, v42;
	v43 =	vor.u32 v43, v44  }
0x2e2: {  	v42 =	vor.u32 v42, v43;
	_ =	sdelay $0x3  }
0x2e3: {  	v41 =	vld.idx.msk [tilespmem:v41+s22+$0x0], $0xffff  }
0x2e4: {  	v43 =	vld.idx.msk [tilespmem:v42+s20+$0x0], vm0;
	_ =	sdelay $0x4  }
0x2e5: {  	v41 =	vsub.f32 v41, v43  }
0x2e6: {  	p2 =	sne.s32 s31, $0x1  }
.Ltmp34:
0x2e7: {  	v41 =	vmul.f32 v41, v39;
	(pc) =	sbr.rel @p2 .LBB2_50-.Ltmp34, $3  }
0x2e8: {  	_ = 	snop  }
0x2e9: {  	v41 =	vadd.f32 v41, v43;
	_ =	sdelay $0x1  }
0x2ea: {  	s0 =	sadd.s32 $0x10, s0;
	s1 =	sadd.s32 $0x10, s1;
	s31 =	sadd.s32 $0xFFFFFFFF, s31;
	[tilespmem:v42+s20+$0x0] =	vst.idx.msk vm0, v41  }
.LBB2_51:
0x2eb: {  	[hbm4b:s12+s17] =	stream.strided.scatter [tilespmem:s20], [sflag:$0x4], $0x7000, s18, s17, $0x38;
	[tilespmem:$0x1F100] =	vst v63  }
0x2ec: {  	_ =	swait.ge [sflag:s28], $0x7000  }
0x2ed: {  	[sflag:s28] =	ssyncset.done $0x0  }
.Ltmp35:
0x2ee: {  	s0 =	rddreg [dreg:$0x1b];
	[sflag:s28] =	ssyncadd.s32 $0xFFFF9000;
	(pc) =	sbr.rel @p1 .LBB2_56-.Ltmp35, $4  }
0x2ef: {  	[tilespmem:s20], [sflag:$0x2] =	stream.strided.gather [hbm4b:s0+s17], $0x7000, s18, s17, $0x38;
	[tilespmem:$0x1F100] =	vst v63  }
0x2f0: {  	_ =	swait.ge [sflag:s24], $0x7000  }
0x2f1: {  	[sflag:s24] =	ssyncset.done $0x0  }
0x2f2: {  	[sflag:s24] =	ssyncadd.s32 $0xFFFF9000  }
0x2f3: {  	v40 =	vmov s3;
	s0 =	simm.s32 $0xC000;
	s1 =	simm.s32 $0x0;
	s31 =	smov.u32 s2  }
.LBB2_53:
0x2f4: {  	v41 =	vld [tilespmem:s0+$0x0];
	_ =	sdelay $0x2  }
0x2f5: {  	v42 =	vor.u32 s1, v38  }
0x2f6: {  	vm0 =	vlt.s32 v42, v40  }
0x2f7: {  	v41 =	vnsel vm0, $0x0, v41;
	_ =	sdelay $0x4  }
0x2f8: {  	v63 =	vld.idx.msk [tilespmem:v41+s5+$0x0], $0xffff;
	_ =	sdelay $0x2  }
0x2f9: {  	v43 =	vld.idx.msk [tilespmem:v41+s21+$0x0], $0xffff;
	_ =	sdelay $0x1  }
0x2fa: {  	vm1 =	vlt.s32 v63, v35  }
0x2fb: {  	vm2 =	vge.s32 v63, v34;
	vm0 =	vmand vm1, vm0  }
0x2fc: {  	vm0 =	vmand vm0, vm2  }
0x2fd: {  	v42 =	vsub.s32 v63, v34;
	v43 =	vnsel vm0, $0x0, v43  }
0x2fe: {  	v42 =	vnsel vm0, $0x0, v42;
	v44 =	vshrl.u32 v43, $0x3  }
0x2ff: {  	v45 =	vshll.u32 v42, $0x3;
	v44 =	vmul.u32 $0x3800, v44  }
0x300: {  	v43 =	vshll.u32 v43, $0x7;
	v45 =	vand.u32 $0xFFFFFC00, v45  }
0x301: {  	v43 =	vand.u32 $0x380, v43;
	v44 =	vadd.s32 v45, v44  }
0x302: {  	v42 =	vand.u32 $0x7F, v42;
	v43 =	vor.u32 v43, v44  }
0x303: {  	v42 =	vor.u32 v42, v43;
	_ =	sdelay $0x3  }
0x304: {  	v41 =	vld.idx.msk [tilespmem:v41+s22+$0x0], $0xffff  }
0x305: {  	v43 =	vld.idx.msk [tilespmem:v42+s19+$0x0], vm0;
	_ =	sdelay $0x4  }
0x306: {  	v41 =	vsub.f32 v41, v43  }
0x307: {  	p2 =	sne.s32 s31, $0x1  }
.Ltmp36:
0x308: {  	v41 =	vmul.f32 v41, v39;
	(pc) =	sbr.rel @p2 .LBB2_53-.Ltmp36, $3  }
0x309: {  	_ = 	snop  }
0x30a: {  	v41 =	vadd.f32 v41, v43;
	_ =	sdelay $0x1  }
0x30b: {  	s0 =	sadd.s32 $0x10, s0;
	s1 =	sadd.s32 $0x10, s1;
	s31 =	sadd.s32 $0xFFFFFFFF, s31;
	[tilespmem:v42+s19+$0x0] =	vst.idx.msk vm0, v41  }
0x30c: {  	[hbm4b:s13+s17] =	stream.strided.scatter [tilespmem:s19], [sflag:$0x3], $0x7000, s18, s17, $0x38;
	[tilespmem:$0x1F100] =	vst v63  }
0x30d: {  	_ =	swait.ge [sflag:s26], $0x7000  }
0x30e: {  	s0 =	simm.s32 $0xC000;
	[sflag:s26] =	ssyncset.done $0x0  }
0x30f: {  	s1 =	simm.s32 $0x0;
	s31 =	smov.u32 s2;
	[sflag:s26] =	ssyncadd.s32 $0xFFFF9000  }
.LBB2_55:
0x310: {  	v41 =	vld [tilespmem:s0+$0x0];
	_ =	sdelay $0x2  }
0x311: {  	v42 =	vor.u32 s1, v38  }
0x312: {  	vm0 =	vlt.s32 v42, v40  }
0x313: {  	v41 =	vnsel vm0, $0x0, v41;
	_ =	sdelay $0x4  }
0x314: {  	v63 =	vld.idx.msk [tilespmem:v41+s5+$0x0], $0xffff;
	_ =	sdelay $0x2  }
0x315: {  	v43 =	vld.idx.msk [tilespmem:v41+s21+$0x0], $0xffff;
	_ =	sdelay $0x1  }
0x316: {  	vm1 =	vlt.s32 v63, v37  }
0x317: {  	vm2 =	vge.s32 v63, v36;
	vm0 =	vmand vm1, vm0  }
0x318: {  	vm0 =	vmand vm0, vm2  }
0x319: {  	v42 =	vsub.s32 v63, v36;
	v43 =	vnsel vm0, $0x0, v43  }
0x31a: {  	v42 =	vnsel vm0, $0x0, v42;
	v44 =	vshrl.u32 v43, $0x3  }
0x31b: {  	v45 =	vshll.u32 v42, $0x3;
	v44 =	vmul.u32 $0x3800, v44  }
0x31c: {  	v43 =	vshll.u32 v43, $0x7;
	v45 =	vand.u32 $0xFFFFFC00, v45  }
0x31d: {  	v43 =	vand.u32 $0x380, v43;
	v44 =	vadd.s32 v45, v44  }
0x31e: {  	v42 =	vand.u32 $0x7F, v42;
	v43 =	vor.u32 v43, v44  }
0x31f: {  	v42 =	vor.u32 v42, v43;
	_ =	sdelay $0x3  }
0x320: {  	v41 =	vld.idx.msk [tilespmem:v41+s22+$0x0], $0xffff  }
0x321: {  	v43 =	vld.idx.msk [tilespmem:v42+s20+$0x0], vm0;
	_ =	sdelay $0x4  }
0x322: {  	v41 =	vsub.f32 v41, v43  }
0x323: {  	p2 =	seq.s32 s31, $0x1  }
.Ltmp37:
0x324: {  	v41 =	vmul.f32 v41, v39;
	(pc) =	sbr.rel @!p2 .LBB2_55-.Ltmp37, $3  }
0x325: {  	_ = 	snop  }
0x326: {  	v41 =	vadd.f32 v41, v43;
	_ =	sdelay $0x1  }
0x327: {  	s0 =	sadd.s32 $0x10, s0;
	s1 =	sadd.s32 $0x10, s1;
	s31 =	sadd.s32 $0xFFFFFFFF, s31;
	[tilespmem:v42+s20+$0x0] =	vst.idx.msk vm0, v41  }
.Ltmp38:
0x328: {  	_ = 	snop;
	(pc) =	sbr.rel .LBB2_57-.Ltmp38, $1  }
0x329: {  	_ =	sdelay $0x3  }
.LBB2_56:
0x32a: {  	[hbm4b:s13+s17] =	stream.strided.scatter [tilespmem:s19], [sflag:$0x3], $0x7000, s18, s17, $0x38;
	[tilespmem:$0x1F100] =	vst v63  }
0x32b: {  	_ =	swait.ge [sflag:s26], $0x7000  }
0x32c: {  	[sflag:s26] =	ssyncset.done $0x0  }
0x32d: {  	[sflag:s26] =	ssyncadd.s32 $0xFFFF9000  }
.LBB2_57:
.Ltmp39:
0x32e: {  	(pc) =	sbr.rel @p0 .LBB2_62-.Ltmp39, $2  }
0x32f: {  	_ =	sdelay $0x2  }
0x330: {  	[hbm4b:s14+s17] =	stream.strided.scatter [tilespmem:s20], [sflag:$0x4], $0x7000, s18, s17, $0x38;
	[tilespmem:$0x1F100] =	vst v63  }
.Ltmp40:
0x331: {  	s0 =	rddreg [dreg:$0x7];
	(pc) =	sbr.rel @p1 .LBB2_61-.Ltmp40, $4  }
0x332: {  	[tilespmem:s29], [sflag:$0x5] =	stream.linear.gather [hbm4b:s0+s5], $0x1000, $0x38;
	[tilespmem:$0x1F100] =	vst v63  }
0x333: {  	_ =	swait.ge [sflag:s23], $0x1000  }
0x334: {  	[sflag:s23] =	ssyncset.done $0x0  }
0x335: {  	[sflag:s23] =	ssyncadd.s32 $0xFFFFF000  }
0x336: {  	v40 =	vmov s3;
	s0 =	simm.s32 $0xC000;
	s1 =	simm.s32 $0x0  }
.LBB2_60:
0x337: {  	v41 =	vld [tilespmem:s0+$0x0];
	_ =	sdelay $0x2  }
0x338: {  	v42 =	vor.u32 s1, v38  }
0x339: {  	vm0 =	vlt.s32 v42, v40  }
0x33a: {  	v41 =	vnsel vm0, $0x0, v41;
	_ =	sdelay $0x4  }
0x33b: {  	v63 =	vld.idx.msk [tilespmem:v41+s5+$0x0], $0xffff;
	_ =	sdelay $0x2  }
0x33c: {  	v43 =	vld.idx.msk [tilespmem:v41+s21+$0x0], $0xffff;
	_ =	sdelay $0x1  }
0x33d: {  	v42 =	vadd.s32 $0xFFF0BEC0, v63  }
0x33e: {  	vm1 =	vlt.u32 v42, $0x100  }
0x33f: {  	vm0 =	vmand vm0, vm1  }
0x340: {  	v42 =	vnsel vm0, $0x0, v42;
	v43 =	vnsel vm0, $0x0, v43  }
0x341: {  	v44 =	vshll.u32 v43, $0x8;
	v45 =	vshll.u32 v42, $0x3  }
0x342: {  	v43 =	vshll.u32 v43, $0x7;
	v44 =	vand.u32 $0xFFFFF800, v44;
	v45 =	vand.u32 $0xFFFFFC00, v45  }
0x343: {  	v43 =	vand.u32 $0x380, v43;
	v44 =	vadd.s32 v45, v44  }
0x344: {  	v42 =	vand.u32 $0x7F, v42;
	v43 =	vor.u32 v43, v44  }
0x345: {  	v42 =	vor.u32 v42, v43;
	_ =	sdelay $0x3  }
0x346: {  	v41 =	vld.idx.msk [tilespmem:v41+s22+$0x0], $0xffff  }
0x347: {  	v43 =	vld.idx.msk [tilespmem:v42+s29+$0x0], vm0;
	_ =	sdelay $0x4  }
0x348: {  	v41 =	vsub.f32 v41, v43  }
0x349: {  	p1 =	sne.s32 s2, $0x1  }
.Ltmp41:
0x34a: {  	v41 =	vmul.f32 v41, v39;
	(pc) =	sbr.rel @p1 .LBB2_60-.Ltmp41, $3  }
0x34b: {  	_ = 	snop  }
0x34c: {  	v41 =	vadd.f32 v41, v43;
	_ =	sdelay $0x1  }
0x34d: {  	s0 =	sadd.s32 $0x10, s0;
	s1 =	sadd.s32 $0x10, s1;
	s2 =	sadd.s32 $0xFFFFFFFF, s2;
	[tilespmem:v42+s29+$0x0] =	vst.idx.msk vm0, v41  }
.Ltmp42:
0x34e: {  	_ = 	snop;
	(pc) =	sbr.rel .LBB2_61-.Ltmp42, $1  }
0x34f: {  	_ =	sdelay $0x3  }
.LBB2_63:
0x350: {  	_ =	sfence.sel $0x180000  }
0x351: {  	[bflag:$0x0] =	sbarrier.arrive $0xFFFF  }
0x352: {  	_ =	strace $0x90000047  }
0x353: {  	s0 =	stileid.u32;
	[bflag:$0x2] =	sbarrier.arrive $0xFFFF  }
0x354: {  	p0 =	sne.s32 s0, $0x0;
	s0 =	rddreg [dreg:$0x6]  }
0x355: {  	s0 =	sadd.s32 @!p0 $0x100000, s0  }
0x356: {  	[sflag:s0] =	ssyncadd.tile.s32 @!p0 $0x1;
	_ =	shalt  }
.Lfunc_end2:
_tile_overlayer_lowered:
.L_overlay_start_2:
0x357: {  	(tag) =	ssettag $0x2  }
0x358: {  	s0 =	rddreg [dreg:$0x0];
	s2 =	stileid.u32  }
0x359: {  	s1 =	rddreg [dreg:$0x1];
	p0 =	sne.s32 s2, $0x0  }
0x35a: {  	s3 =	rddreg [dreg:$0x2];
	[bflag:$0x3] =	sbarrier.arrive $0xFFFF;
	s2 =	simm.s32 @!p0 $0x1C06  }
0x35b: {  	[timem:s3], [sflag:s2] =	dma.local @!p0 [hbm:s0], s1  }
0x35c: {  	s0 =	simm.s32 @!p0 $0x6  }
0x35d: {  	_ =	swait.ge @!p0 [sflag:s0], s1  }
0x35e: {  	s1 =	ssub.s32 @!p0 $0x0, s1;
	[sflag:s0] =	ssyncset.done @!p0 $0x0  }
0x35f: {  	[sflag:s0] =	ssyncadd.s32 @!p0 s1  }
0x360: {  	[bflag:$0x3] =	sbarrier.arrive $0xFFFF  }
0x361: {  	_ =	shalt  }

</sc_bundles>
